<compile_context>
chip_gen: v7x
topology: tpu7x:2x2x1
jax: 0.10.2.dev20260603
libtpu: 0.0.44.dev20260713+nightly
codegen_flags: <defaults>
</compile_context>

<pallas_src>
import functools

import jax
import jax.numpy as jnp
from jax import lax
from jax.experimental import pallas as pl
from jax.experimental.pallas import tpu as pltpu
from jax.experimental.pallas import tpu_sc as plsc

_B = 64
_L = 16
_W = 64
_NPG = _L * _W
_N = _B * _NPG

_NC = 2
_NS = 16
_NWORK = _NC * _NS
_GPW = _B // _NWORK
_LANE = 16
_CHUNKS = _W // _LANE


_GATHER_DNUMS = lax.GatherDimensionNumbers(
    offset_dims=(), collapsed_slice_dims=(0,), start_index_map=(0,))


def _perm16(v, idx):
    return lax.gather(v, idx[:, None], _GATHER_DNUMS, slice_sizes=(1,),
                      mode=lax.GatherScatterMode.PROMISE_IN_BOUNDS)


def _allsum16(v):
    lane = lax.iota(jnp.int32, _LANE)
    for sh in (8, 4, 2, 1):
        v = v + _perm16(v, lane ^ sh)
    return v


_mesh = plsc.VectorSubcoreMesh(core_axis_name="c", subcore_axis_name="s")


@functools.partial(
    pl.kernel,
    mesh=_mesh,
    out_type=jax.ShapeDtypeStruct((_N,), jnp.float32),
    scratch_types=[
        pltpu.VMEM((_GPW * _NPG,), jnp.float32),
        pltpu.VMEM((_GPW * _NPG,), jnp.float32),
        pltpu.VMEM((32,), jnp.float32),
        pltpu.SemaphoreType.DMA,
        pltpu.SemaphoreType.DMA,
        pltpu.SemaphoreType.DMA,
    ],
)
def _dagprop_sc(x_hbm, wr_hbm, wl_hbm, bl_hbm, out_hbm, xv, ov, pv, sem_x,
                sem_p, sem_o):
    wid = lax.axis_index("s") * _NC + lax.axis_index("c")
    base = wid * (_GPW * _NPG)
    cp_x = pltpu.async_copy(x_hbm.at[pl.ds(base, _GPW * _NPG)], xv, sem_x)
    cp_p = [
        pltpu.async_copy(wr_hbm, pv.at[pl.ds(0, 1)], sem_p),
        pltpu.async_copy(wl_hbm, pv.at[pl.ds(8, 1)], sem_p),
        pltpu.async_copy(bl_hbm, pv.at[pl.ds(16, 1)], sem_p),
    ]
    cp_x.wait()
    ln2 = 0.6931471805599453
    acc = [None] * _GPW
    for c in range(_CHUNKS):
        for g in range(_GPW):
            o = g * _NPG + c * _LANE
            v = xv[pl.ds(o, _LANE)]
            d = jnp.exp((v + v) - ln2) + 0.5
            t = 1.0 - 1.0 / d
            ov[pl.ds(o, _LANE)] = t
            acc[g] = t if acc[g] is None else acc[g] + t
    for cp in cp_p:
        cp.wait()
    lane = lax.iota(jnp.int32, _LANE)
    zero = lane & 0
    pa = pv[pl.ds(0, _LANE)]
    pb = pv[pl.ds(16, _LANE)]
    wr = _perm16(pa, zero)
    wl = _perm16(pa, zero | 8)
    bl = _perm16(pb, zero)
    c1 = wr + wr
    wlc = wl * (2.0 / _W)
    blc = (bl + bl) - ln2
    half = _L // 2
    out_cps = []
    for l in range(1, _L):
        lin = [wlc * _allsum16(acc[g]) + blc for g in range(_GPW)]
        acc = [None] * _GPW
        for c in range(_CHUNKS):
            for g in range(_GPW):
                o = g * _NPG + l * _W + c * _LANE
                d = jnp.exp(c1 * xv[pl.ds(o, _LANE)] + lin[g]) + 0.5
                t = 1.0 - 1.0 / d
                ov[pl.ds(o, _LANE)] = t
                acc[g] = t if acc[g] is None else acc[g] + t
        if l == half - 1:
            for g in range(_GPW):
                o = g * _NPG
                out_cps.append(pltpu.async_copy(
                    ov.at[pl.ds(o, half * _W)],
                    out_hbm.at[pl.ds(base + o, half * _W)], sem_o))
    for g in range(_GPW):
        o = g * _NPG + half * _W
        out_cps.append(pltpu.async_copy(
            ov.at[pl.ds(o, half * _W)],
            out_hbm.at[pl.ds(base + o, half * _W)], sem_o))
    for cp in out_cps:
        cp.wait()


@jax.jit
def kernel(x, edge_index, batch, W_l, b_l, W_r):
    del edge_index, batch
    out = _dagprop_sc(x.reshape(-1), W_r.reshape(1), W_l.reshape(1),
                      b_l.reshape(1))
    return out.reshape(x.shape)

# --- scband reference (transcript-rebuilt; emitter-appended) ---
"""Pipeline reference for scband-dagprop-63720134803888 (READ-ONLY COPY).

The authoritative reference and input builder live on the scoring server;
editing this copy changes nothing except your own understanding.
"""

import jax, jax.numpy as jnp
import numpy as np

_B = 64      # graphs in batch
_L = 16      # DAG levels per graph
_W = 64      # nodes per level
_NPG = _L * _W          # 1024 nodes per graph
_N = _B * _NPG          # 65536 total nodes
_EPG = (_L - 1) * _W * _W  # 61440 edges per graph
_E = _B * _EPG          # 3932160 total edges


def _build_dag():
    src0, dst0 = [], []
    for l in range(1, _L):
        s = np.arange((l - 1) * _W, l * _W)
        d = np.arange(l * _W, (l + 1) * _W)
        ss, dd = np.meshgrid(s, d, indexing='ij')
        src0.append(ss.reshape(-1))
        dst0.append(dd.reshape(-1))
    src0 = np.concatenate(src0)
    dst0 = np.concatenate(dst0)
    offs = (np.arange(_B) * _NPG)[:, None]
    src = (src0[None, :] + offs).reshape(-1)
    dst = (dst0[None, :] + offs).reshape(-1)
    return np.stack([src, dst]).astype(np.int64)


def setup_inputs(seed: int = 0):
    key = jax.random.key(seed)
    k1, k2, k3, k4 = jax.random.split(key, 4)
    x = jax.random.normal(k1, (_N, 1), dtype=jnp.float32)
    edge_index = jnp.asarray(_build_dag())
    batch = jnp.repeat(jnp.arange(_B, dtype=jnp.int64), _NPG)
    W_l = jax.random.normal(k2, (1, 1), dtype=jnp.float32)
    b_l = jax.random.normal(k3, (1,), dtype=jnp.float32)
    W_r = jax.random.normal(k4, (1, 1), dtype=jnp.float32)
    return {"x": x, "edge_index": edge_index, "batch": batch,
            "W_l": W_l, "b_l": b_l, "W_r": W_r}


def _scatter_sum(src, index, size):
    return jnp.zeros((size,), dtype=src.dtype).at[index].add(src)


def _static_schedule():
    ei = _build_dag()
    indeg = np.zeros((_N,), dtype=np.int64)
    np.add.at(indeg, ei[1], 1)
    leaves = np.nonzero(indeg == 0)[0]
    visited = np.zeros((_N,), dtype=np.int32)
    visited[leaves] = 1
    max_num_nodes = _NPG
    adj = ei[:, :_EPG]
    prev = leaves[leaves < max_num_nodes]
    steps = []
    while visited.sum() != _N:
        m = (adj[0][:, None] == prev[None, :]).any(-1)
        fathers = np.unique(adj[1][m])
        m = (adj[1][:, None] == fathers[None, :]).any(-1)
        idx = adj[1][m]
        sz = int(idx.max()) + 1
        m1 = np.zeros((sz,), dtype=np.int64)
        np.add.at(m1, idx, visited[adj[0][m]])
        m1 = m1[fathers]
        m2 = np.zeros((sz,), dtype=np.int64)
        np.add.at(m2, idx, 1)
        m2 = m2[fathers]
        ref_next = fathers[m1 == m2]
        m = (adj[1][:, None] == ref_next[None, :]).any(-1)
        sel_cols = np.nonzero(m)[0]
        sz2 = int(adj[1][m].max()) + (_B - 1) * max_num_nodes + 1
        steps.append((sel_cols, ref_next, sz2))
        next_visits = np.concatenate([ref_next + i * max_num_nodes for i in range(_B)])
        visited[next_visits] = 1
        prev = ref_next
    return leaves, steps


def reference(x, edge_index, batch, W_l, b_l, W_r):
    N = x.shape[0]
    num_nodes = _scatter_sum(jnp.ones((N,), jnp.int32), batch, _B)
    batch_size = num_nodes.shape[0]
    max_num_nodes = jnp.max(num_nodes)
    num_edges_ref = edge_index.shape[1] // batch_size
    out = jnp.zeros_like(x)
    leaves, steps = _static_schedule()
    out = out.at[leaves].set(jnp.tanh(x[leaves]))
    # root_weight branch: zero leaf rows, find nonzero rows, apply lin_r (no bias)
    x_zl = x.at[leaves].set(0.0)
    out = jnp.where(x_zl != 0.0, x @ W_r.T, out)
    adj_ref = edge_index[:, :num_edges_ref]
    for sel_cols, ref_next_np, sz2 in steps:
        adj_sel = adj_ref[:, sel_cols]
        adj_mat = jnp.concatenate([adj_sel + i * max_num_nodes for i in range(batch_size)], axis=1)
        ref_next = jnp.asarray(ref_next_np)
        next_visits = jnp.concatenate([ref_next + i * max_num_nodes for i in range(batch_size)])
        children = out[adj_mat[0]].reshape(-1)
        s = jnp.zeros((sz2,), out.dtype).at[adj_mat[1]].add(children)
        c = jnp.zeros((sz2,), jnp.float32).at[adj_mat[1]].add(1.0)
        agg = s / jnp.clip(c, 1.0, None)  # scatter-mean (count clamped to 1)
        upd = agg[next_visits][:, None] @ W_l.T + b_l
        out = out.at[next_visits].add(upd)
        out = out.at[next_visits].set(jnp.tanh(out[next_visits]))
    return out

if __name__ == "__main__":
    import jax
    _d = setup_inputs()
    print(jax.jit(kernel)(*tuple(_d.values())))

</pallas_src>

<mosaic_0001>
#map = affine_map<(d0, d1) -> (0)>
module attributes {stable_mosaic.version = 14 : i64} {
  func.func @_dagprop_sc(%arg0: i32, %arg1: i32, %arg2: memref<65536xf32, #tpu.memory_space<hbm>>, %arg3: memref<1xf32, #tpu.memory_space<hbm>>, %arg4: memref<1xf32, #tpu.memory_space<hbm>>, %arg5: memref<1xf32, #tpu.memory_space<hbm>>, %arg6: memref<65536xf32, #tpu.memory_space<hbm>>, %arg7: memref<2048xf32, #tpu.memory_space<vmem>>, %arg8: memref<2048xf32, #tpu.memory_space<vmem>>, %arg9: memref<32xf32, #tpu.memory_space<vmem>>, %arg10: memref<!tpu.dma_semaphore, #tpu.memory_space<semaphore_mem>>, %arg11: memref<!tpu.dma_semaphore, #tpu.memory_space<semaphore_mem>>, %arg12: memref<!tpu.dma_semaphore, #tpu.memory_space<semaphore_mem>>) attributes {dimension_semantics = [#tpu.dimension_semantics<core_parallel>, #tpu.dimension_semantics<subcore_parallel>], iteration_bounds = array<i64: 2, 16>, scalar_prefetch = 0 : i64, scratch_operands = 6 : i64, tpu.core_type = #tpu.core_type<sc_vector_subcore>, window_params = [{transform_indices = #map}, {transform_indices = #map}, {transform_indices = #map}, {transform_indices = #map}, {transform_indices = #map}]} {
    %mul3A = arith.constant 2 : i32
    %mul3A_0 = arith.muli %arg1, %mul3A : i32
    %add3A = arith.addi %mul3A_0, %arg0 : i32
    %mul3A_1 = arith.constant 2048 : i32
    %mul3A_2 = arith.muli %add3A, %mul3A_1 : i32
    %dma_start3A = tpu.memref_slice %arg2[%mul3A_2] : memref<65536xf32, #tpu.memory_space<hbm>> -> memref<2048xf32, #tpu.memory_space<hbm>>
    %dma_start3A_3 = tpu.memref_slice %arg2[%mul3A_2] : memref<65536xf32, #tpu.memory_space<hbm>> -> memref<2048xf32, #tpu.memory_space<hbm>>
    tpu.enqueue_dma source(%dma_start3A_3 : memref<2048xf32, #tpu.memory_space<hbm>>) target(%arg7 : memref<2048xf32, #tpu.memory_space<vmem>>) target_semaphore(%arg10 : memref<!tpu.dma_semaphore, #tpu.memory_space<semaphore_mem>>)
    %dma_start3A_4 = arith.constant 0 : i32
    %dma_start3A_5 = tpu.memref_slice %arg9[%dma_start3A_4] : memref<32xf32, #tpu.memory_space<vmem>> -> memref<1xf32, #tpu.memory_space<vmem>>
    %dma_start3A_6 = arith.constant 0 : i32
    %dma_start3A_7 = tpu.memref_slice %arg9[%dma_start3A_6] : memref<32xf32, #tpu.memory_space<vmem>> -> memref<1xf32, #tpu.memory_space<vmem>>
    tpu.enqueue_dma source(%arg3 : memref<1xf32, #tpu.memory_space<hbm>>) target(%dma_start3A_7 : memref<1xf32, #tpu.memory_space<vmem>>) target_semaphore(%arg11 : memref<!tpu.dma_semaphore, #tpu.memory_space<semaphore_mem>>)
    %dma_start3A_8 = arith.constant 8 : i32
    %dma_start3A_9 = tpu.memref_slice %arg9[%dma_start3A_8] : memref<32xf32, #tpu.memory_space<vmem>> -> memref<1xf32, #tpu.memory_space<vmem>>
    %dma_start3A_10 = arith.constant 8 : i32
    %dma_start3A_11 = tpu.memref_slice %arg9[%dma_start3A_10] : memref<32xf32, #tpu.memory_space<vmem>> -> memref<1xf32, #tpu.memory_space<vmem>>
    tpu.enqueue_dma source(%arg4 : memref<1xf32, #tpu.memory_space<hbm>>) target(%dma_start3A_11 : memref<1xf32, #tpu.memory_space<vmem>>) target_semaphore(%arg11 : memref<!tpu.dma_semaphore, #tpu.memory_space<semaphore_mem>>)
    %dma_start3A_12 = arith.constant 16 : i32
    %dma_start3A_13 = tpu.memref_slice %arg9[%dma_start3A_12] : memref<32xf32, #tpu.memory_space<vmem>> -> memref<1xf32, #tpu.memory_space<vmem>>
    %dma_start3A_14 = arith.constant 16 : i32
    %dma_start3A_15 = tpu.memref_slice %arg9[%dma_start3A_14] : memref<32xf32, #tpu.memory_space<vmem>> -> memref<1xf32, #tpu.memory_space<vmem>>
    tpu.enqueue_dma source(%arg5 : memref<1xf32, #tpu.memory_space<hbm>>) target(%dma_start3A_15 : memref<1xf32, #tpu.memory_space<vmem>>) target_semaphore(%arg11 : memref<!tpu.dma_semaphore, #tpu.memory_space<semaphore_mem>>)
    %dma_wait3A = tpu.memref_slice %arg2[%mul3A_2] : memref<65536xf32, #tpu.memory_space<hbm>> -> memref<2048xf32, #tpu.memory_space<hbm>>
    %dma_wait3A_16 = tpu.memref_slice %arg2[%mul3A_2] : memref<65536xf32, #tpu.memory_space<hbm>> -> memref<2048xf32, #tpu.memory_space<hbm>>
    tpu.wait_dma2 semaphore(%arg10 : memref<!tpu.dma_semaphore, #tpu.memory_space<semaphore_mem>>) src(%dma_wait3A_16 : memref<2048xf32, #tpu.memory_space<hbm>>) dst(%arg7 : memref<2048xf32, #tpu.memory_space<vmem>>)
    %get3A = arith.constant 0 : index
    %get3A_17 = tpu.vector_load %arg7[%get3A] {strides = array<i32>} : memref<2048xf32, #tpu.memory_space<vmem>>, vector<16xf32>,
    %get3A_18 = vector.shape_cast %get3A_17 : vector<16xf32> to vector<16xf32>
    %add3A_19 = arith.addf %get3A_18, %get3A_18 : vector<16xf32>
    %sub3A = arith.constant 0.693147182 : f32
    %sub3A_20 = vector.broadcast %sub3A : f32 to vector<16xf32>
    %sub3A_21 = arith.subf %add3A_19, %sub3A_20 : vector<16xf32>
    %exp3A = math.exp %sub3A_21 : vector<16xf32>
    %add3A_22 = arith.constant 5.000000e-01 : f32
    %add3A_23 = vector.broadcast %add3A_22 : f32 to vector<16xf32>
    %add3A_24 = arith.addf %exp3A, %add3A_23 : vector<16xf32>
    %div3A = arith.constant 1.000000e+00 : f32
    %div3A_25 = vector.broadcast %div3A : f32 to vector<16xf32>
    %div3A_26 = arith.divf %div3A_25, %add3A_24 : vector<16xf32>
    %sub3A_27 = arith.constant 1.000000e+00 : f32
    %sub3A_28 = vector.broadcast %sub3A_27 : f32 to vector<16xf32>
    %sub3A_29 = arith.subf %sub3A_28, %div3A_26 : vector<16xf32>
    %swap3A = arith.constant 0 : index
    %swap3A_30 = tpu.vector_load %arg8[%swap3A] {strides = array<i32>} : memref<2048xf32, #tpu.memory_space<vmem>>, vector<16xf32>,
    %swap3A_31 = vector.shape_cast %swap3A_30 : vector<16xf32> to vector<16xf32>
    %swap3A_32 = vector.shape_cast %sub3A_29 : vector<16xf32> to vector<16xf32>
    tpu.vector_store %arg8[%swap3A], %swap3A_32 {strides = array<i32>} : memref<2048xf32, #tpu.memory_space<vmem>>, vector<16xf32>,
    %get3A_33 = arith.constant 1024 : index
    %get3A_34 = tpu.vector_load %arg7[%get3A_33] {strides = array<i32>} : memref<2048xf32, #tpu.memory_space<vmem>>, vector<16xf32>,
    %get3A_35 = vector.shape_cast %get3A_34 : vector<16xf32> to vector<16xf32>
    %add3A_36 = arith.addf %get3A_35, %get3A_35 : vector<16xf32>
    %sub3A_37 = arith.constant 0.693147182 : f32
    %sub3A_38 = vector.broadcast %sub3A_37 : f32 to vector<16xf32>
    %sub3A_39 = arith.subf %add3A_36, %sub3A_38 : vector<16xf32>
    %exp3A_40 = math.exp %sub3A_39 : vector<16xf32>
    %add3A_41 = arith.constant 5.000000e-01 : f32
    %add3A_42 = vector.broadcast %add3A_41 : f32 to vector<16xf32>
    %add3A_43 = arith.addf %exp3A_40, %add3A_42 : vector<16xf32>
    %div3A_44 = arith.constant 1.000000e+00 : f32
    %div3A_45 = vector.broadcast %div3A_44 : f32 to vector<16xf32>
    %div3A_46 = arith.divf %div3A_45, %add3A_43 : vector<16xf32>
    %sub3A_47 = arith.constant 1.000000e+00 : f32
    %sub3A_48 = vector.broadcast %sub3A_47 : f32 to vector<16xf32>
    %sub3A_49 = arith.subf %sub3A_48, %div3A_46 : vector<16xf32>
    %swap3A_50 = arith.constant 1024 : index
    %swap3A_51 = tpu.vector_load %arg8[%swap3A_50] {strides = array<i32>} : memref<2048xf32, #tpu.memory_space<vmem>>, vector<16xf32>,
    %swap3A_52 = vector.shape_cast %swap3A_51 : vector<16xf32> to vector<16xf32>
    %swap3A_53 = vector.shape_cast %sub3A_49 : vector<16xf32> to vector<16xf32>
    tpu.vector_store %arg8[%swap3A_50], %swap3A_53 {strides = array<i32>} : memref<2048xf32, #tpu.memory_space<vmem>>, vector<16xf32>,
    %get3A_54 = arith.constant 16 : index
    %get3A_55 = tpu.vector_load %arg7[%get3A_54] {strides = array<i32>} : memref<2048xf32, #tpu.memory_space<vmem>>, vector<16xf32>,
    %get3A_56 = vector.shape_cast %get3A_55 : vector<16xf32> to vector<16xf32>
    %add3A_57 = arith.addf %get3A_56, %get3A_56 : vector<16xf32>
    %sub3A_58 = arith.constant 0.693147182 : f32
    %sub3A_59 = vector.broadcast %sub3A_58 : f32 to vector<16xf32>
    %sub3A_60 = arith.subf %add3A_57, %sub3A_59 : vector<16xf32>
    %exp3A_61 = math.exp %sub3A_60 : vector<16xf32>
    %add3A_62 = arith.constant 5.000000e-01 : f32
    %add3A_63 = vector.broadcast %add3A_62 : f32 to vector<16xf32>
    %add3A_64 = arith.addf %exp3A_61, %add3A_63 : vector<16xf32>
    %div3A_65 = arith.constant 1.000000e+00 : f32
    %div3A_66 = vector.broadcast %div3A_65 : f32 to vector<16xf32>
    %div3A_67 = arith.divf %div3A_66, %add3A_64 : vector<16xf32>
    %sub3A_68 = arith.constant 1.000000e+00 : f32
    %sub3A_69 = vector.broadcast %sub3A_68 : f32 to vector<16xf32>
    %sub3A_70 = arith.subf %sub3A_69, %div3A_67 : vector<16xf32>
    %swap3A_71 = arith.constant 16 : index
    %swap3A_72 = tpu.vector_load %arg8[%swap3A_71] {strides = array<i32>} : memref<2048xf32, #tpu.memory_space<vmem>>, vector<16xf32>,
    %swap3A_73 = vector.shape_cast %swap3A_72 : vector<16xf32> to vector<16xf32>
    %swap3A_74 = vector.shape_cast %sub3A_70 : vector<16xf32> to vector<16xf32>
    tpu.vector_store %arg8[%swap3A_71], %swap3A_74 {strides = array<i32>} : memref<2048xf32, #tpu.memory_space<vmem>>, vector<16xf32>,
    %add3A_75 = arith.addf %sub3A_29, %sub3A_70 : vector<16xf32>
    %get3A_76 = arith.constant 1040 : index
    %get3A_77 = tpu.vector_load %arg7[%get3A_76] {strides = array<i32>} : memref<2048xf32, #tpu.memory_space<vmem>>, vector<16xf32>,
    %get3A_78 = vector.shape_cast %get3A_77 : vector<16xf32> to vector<16xf32>
    %add3A_79 = arith.addf %get3A_78, %get3A_78 : vector<16xf32>
    %sub3A_80 = arith.constant 0.693147182 : f32
    %sub3A_81 = vector.broadcast %sub3A_80 : f32 to vector<16xf32>
    %sub3A_82 = arith.subf %add3A_79, %sub3A_81 : vector<16xf32>
    %exp3A_83 = math.exp %sub3A_82 : vector<16xf32>
    %add3A_84 = arith.constant 5.000000e-01 : f32
    %add3A_85 = vector.broadcast %add3A_84 : f32 to vector<16xf32>
    %add3A_86 = arith.addf %exp3A_83, %add3A_85 : vector<16xf32>
    %div3A_87 = arith.constant 1.000000e+00 : f32
    %div3A_88 = vector.broadcast %div3A_87 : f32 to vector<16xf32>
    %div3A_89 = arith.divf %div3A_88, %add3A_86 : vector<16xf32>
    %sub3A_90 = arith.constant 1.000000e+00 : f32
    %sub3A_91 = vector.broadcast %sub3A_90 : f32 to vector<16xf32>
    %sub3A_92 = arith.subf %sub3A_91, %div3A_89 : vector<16xf32>
    %swap3A_93 = arith.constant 1040 : index
    %swap3A_94 = tpu.vector_load %arg8[%swap3A_93] {strides = array<i32>} : memref<2048xf32, #tpu.memory_space<vmem>>, vector<16xf32>,
    %swap3A_95 = vector.shape_cast %swap3A_94 : vector<16xf32> to vector<16xf32>
    %swap3A_96 = vector.shape_cast %sub3A_92 : vector<16xf32> to vector<16xf32>
    tpu.vector_store %arg8[%swap3A_93], %swap3A_96 {strides = array<i32>} : memref<2048xf32, #tpu.memory_space<vmem>>, vector<16xf32>,
    %add3A_97 = arith.addf %sub3A_49, %sub3A_92 : vector<16xf32>
    %get3A_98 = arith.constant 32 : index
    %get3A_99 = tpu.vector_load %arg7[%get3A_98] {strides = array<i32>} : memref<2048xf32, #tpu.memory_space<vmem>>, vector<16xf32>,
    %get3A_100 = vector.shape_cast %get3A_99 : vector<16xf32> to vector<16xf32>
    %add3A_101 = arith.addf %get3A_100, %get3A_100 : vector<16xf32>
    %sub3A_102 = arith.constant 0.693147182 : f32
    %sub3A_103 = vector.broadcast %sub3A_102 : f32 to vector<16xf32>
    %sub3A_104 = arith.subf %add3A_101, %sub3A_103 : vector<16xf32>
    %exp3A_105 = math.exp %sub3A_104 : vector<16xf32>
    %add3A_106 = arith.constant 5.000000e-01 : f32
    %add3A_107 = vector.broadcast %add3A_106 : f32 to vector<16xf32>
    %add3A_108 = arith.addf %exp3A_105, %add3A_107 : vector<16xf32>
    %div3A_109 = arith.constant 1.000000e+00 : f32
    %div3A_110 = vector.broadcast %div3A_109 : f32 to vector<16xf32>
    %div3A_111 = arith.divf %div3A_110, %add3A_108 : vector<16xf32>
    %sub3A_112 = arith.constant 1.000000e+00 : f32
    %sub3A_113 = vector.broadcast %sub3A_112 : f32 to vector<16xf32>
    %sub3A_114 = arith.subf %sub3A_113, %div3A_111 : vector<16xf32>
    %swap3A_115 = arith.constant 32 : index
    %swap3A_116 = tpu.vector_load %arg8[%swap3A_115] {strides = array<i32>} : memref<2048xf32, #tpu.memory_space<vmem>>, vector<16xf32>,
    %swap3A_117 = vector.shape_cast %swap3A_116 : vector<16xf32> to vector<16xf32>
    %swap3A_118 = vector.shape_cast %sub3A_114 : vector<16xf32> to vector<16xf32>
    tpu.vector_store %arg8[%swap3A_115], %swap3A_118 {strides = array<i32>} : memref<2048xf32, #tpu.memory_space<vmem>>, vector<16xf32>,
    %add3A_119 = arith.addf %add3A_75, %sub3A_114 : vector<16xf32>
    %get3A_120 = arith.constant 1056 : index
    %get3A_121 = tpu.vector_load %arg7[%get3A_120] {strides = array<i32>} : memref<2048xf32, #tpu.memory_space<vmem>>, vector<16xf32>,
    %get3A_122 = vector.shape_cast %get3A_121 : vector<16xf32> to vector<16xf32>
    %add3A_123 = arith.addf %get3A_122, %get3A_122 : vector<16xf32>
    %sub3A_124 = arith.constant 0.693147182 : f32
    %sub3A_125 = vector.broadcast %sub3A_124 : f32 to vector<16xf32>
    %sub3A_126 = arith.subf %add3A_123, %sub3A_125 : vector<16xf32>
    %exp3A_127 = math.exp %sub3A_126 : vector<16xf32>
    %add3A_128 = arith.constant 5.000000e-01 : f32
    %add3A_129 = vector.broadcast %add3A_128 : f32 to vector<16xf32>
    %add3A_130 = arith.addf %exp3A_127, %add3A_129 : vector<16xf32>
    %div3A_131 = arith.constant 1.000000e+00 : f32
    %div3A_132 = vector.broadcast %div3A_131 : f32 to vector<16xf32>
    %div3A_133 = arith.divf %div3A_132, %add3A_130 : vector<16xf32>
    %sub3A_134 = arith.constant 1.000000e+00 : f32
    %sub3A_135 = vector.broadcast %sub3A_134 : f32 to vector<16xf32>
    %sub3A_136 = arith.subf %sub3A_135, %div3A_133 : vector<16xf32>
    %swap3A_137 = arith.constant 1056 : index
    %swap3A_138 = tpu.vector_load %arg8[%swap3A_137] {strides = array<i32>} : memref<2048xf32, #tpu.memory_space<vmem>>, vector<16xf32>,
    %swap3A_139 = vector.shape_cast %swap3A_138 : vector<16xf32> to vector<16xf32>
    %swap3A_140 = vector.shape_cast %sub3A_136 : vector<16xf32> to vector<16xf32>
    tpu.vector_store %arg8[%swap3A_137], %swap3A_140 {strides = array<i32>} : memref<2048xf32, #tpu.memory_space<vmem>>, vector<16xf32>,
    %add3A_141 = arith.addf %add3A_97, %sub3A_136 : vector<16xf32>
    %get3A_142 = arith.constant 48 : index
    %get3A_143 = tpu.vector_load %arg7[%get3A_142] {strides = array<i32>} : memref<2048xf32, #tpu.memory_space<vmem>>, vector<16xf32>,
    %get3A_144 = vector.shape_cast %get3A_143 : vector<16xf32> to vector<16xf32>
    %add3A_145 = arith.addf %get3A_144, %get3A_144 : vector<16xf32>
    %sub3A_146 = arith.constant 0.693147182 : f32
    %sub3A_147 = vector.broadcast %sub3A_146 : f32 to vector<16xf32>
    %sub3A_148 = arith.subf %add3A_145, %sub3A_147 : vector<16xf32>
    %exp3A_149 = math.exp %sub3A_148 : vector<16xf32>
    %add3A_150 = arith.constant 5.000000e-01 : f32
    %add3A_151 = vector.broadcast %add3A_150 : f32 to vector<16xf32>
    %add3A_152 = arith.addf %exp3A_149, %add3A_151 : vector<16xf32>
    %div3A_153 = arith.constant 1.000000e+00 : f32
    %div3A_154 = vector.broadcast %div3A_153 : f32 to vector<16xf32>
    %div3A_155 = arith.divf %div3A_154, %add3A_152 : vector<16xf32>
    %sub3A_156 = arith.constant 1.000000e+00 : f32
    %sub3A_157 = vector.broadcast %sub3A_156 : f32 to vector<16xf32>
    %sub3A_158 = arith.subf %sub3A_157, %div3A_155 : vector<16xf32>
    %swap3A_159 = arith.constant 48 : index
    %swap3A_160 = tpu.vector_load %arg8[%swap3A_159] {strides = array<i32>} : memref<2048xf32, #tpu.memory_space<vmem>>, vector<16xf32>,
    %swap3A_161 = vector.shape_cast %swap3A_160 : vector<16xf32> to vector<16xf32>
    %swap3A_162 = vector.shape_cast %sub3A_158 : vector<16xf32> to vector<16xf32>
    tpu.vector_store %arg8[%swap3A_159], %swap3A_162 {strides = array<i32>} : memref<2048xf32, #tpu.memory_space<vmem>>, vector<16xf32>,
    %add3A_163 = arith.addf %add3A_119, %sub3A_158 : vector<16xf32>
    %get3A_164 = arith.constant 1072 : index
    %get3A_165 = tpu.vector_load %arg7[%get3A_164] {strides = array<i32>} : memref<2048xf32, #tpu.memory_space<vmem>>, vector<16xf32>,
    %get3A_166 = vector.shape_cast %get3A_165 : vector<16xf32> to vector<16xf32>
    %add3A_167 = arith.addf %get3A_166, %get3A_166 : vector<16xf32>
    %sub3A_168 = arith.constant 0.693147182 : f32
    %sub3A_169 = vector.broadcast %sub3A_168 : f32 to vector<16xf32>
    %sub3A_170 = arith.subf %add3A_167, %sub3A_169 : vector<16xf32>
    %exp3A_171 = math.exp %sub3A_170 : vector<16xf32>
    %add3A_172 = arith.constant 5.000000e-01 : f32
    %add3A_173 = vector.broadcast %add3A_172 : f32 to vector<16xf32>
    %add3A_174 = arith.addf %exp3A_171, %add3A_173 : vector<16xf32>
    %div3A_175 = arith.constant 1.000000e+00 : f32
    %div3A_176 = vector.broadcast %div3A_175 : f32 to vector<16xf32>
    %div3A_177 = arith.divf %div3A_176, %add3A_174 : vector<16xf32>
    %sub3A_178 = arith.constant 1.000000e+00 : f32
    %sub3A_179 = vector.broadcast %sub3A_178 : f32 to vector<16xf32>
    %sub3A_180 = arith.subf %sub3A_179, %div3A_177 : vector<16xf32>
    %swap3A_181 = arith.constant 1072 : index
    %swap3A_182 = tpu.vector_load %arg8[%swap3A_181] {strides = array<i32>} : memref<2048xf32, #tpu.memory_space<vmem>>, vector<16xf32>,
    %swap3A_183 = vector.shape_cast %swap3A_182 : vector<16xf32> to vector<16xf32>
    %swap3A_184 = vector.shape_cast %sub3A_180 : vector<16xf32> to vector<16xf32>
    tpu.vector_store %arg8[%swap3A_181], %swap3A_184 {strides = array<i32>} : memref<2048xf32, #tpu.memory_space<vmem>>, vector<16xf32>,
    %add3A_185 = arith.addf %add3A_141, %sub3A_180 : vector<16xf32>
    %dma_wait3A_186 = arith.constant 0 : i32
    %dma_wait3A_187 = tpu.memref_slice %arg9[%dma_wait3A_186] : memref<32xf32, #tpu.memory_space<vmem>> -> memref<1xf32, #tpu.memory_space<vmem>>
    %dma_wait3A_188 = arith.constant 0 : i32
    %dma_wait3A_189 = tpu.memref_slice %arg9[%dma_wait3A_188] : memref<32xf32, #tpu.memory_space<vmem>> -> memref<1xf32, #tpu.memory_space<vmem>>
    tpu.wait_dma2 semaphore(%arg11 : memref<!tpu.dma_semaphore, #tpu.memory_space<semaphore_mem>>) src(%arg3 : memref<1xf32, #tpu.memory_space<hbm>>) dst(%dma_wait3A_189 : memref<1xf32, #tpu.memory_space<vmem>>)
    %dma_wait3A_190 = arith.constant 8 : i32
    %dma_wait3A_191 = tpu.memref_slice %arg9[%dma_wait3A_190] : memref<32xf32, #tpu.memory_space<vmem>> -> memref<1xf32, #tpu.memory_space<vmem>>
    %dma_wait3A_192 = arith.constant 8 : i32
    %dma_wait3A_193 = tpu.memref_slice %arg9[%dma_wait3A_192] : memref<32xf32, #tpu.memory_space<vmem>> -> memref<1xf32, #tpu.memory_space<vmem>>
    tpu.wait_dma2 semaphore(%arg11 : memref<!tpu.dma_semaphore, #tpu.memory_space<semaphore_mem>>) src(%arg4 : memref<1xf32, #tpu.memory_space<hbm>>) dst(%dma_wait3A_193 : memref<1xf32, #tpu.memory_space<vmem>>)
    %dma_wait3A_194 = arith.constant 16 : i32
    %dma_wait3A_195 = tpu.memref_slice %arg9[%dma_wait3A_194] : memref<32xf32, #tpu.memory_space<vmem>> -> memref<1xf32, #tpu.memory_space<vmem>>
    %dma_wait3A_196 = arith.constant 16 : i32
    %dma_wait3A_197 = tpu.memref_slice %arg9[%dma_wait3A_196] : memref<32xf32, #tpu.memory_space<vmem>> -> memref<1xf32, #tpu.memory_space<vmem>>
    tpu.wait_dma2 semaphore(%arg11 : memref<!tpu.dma_semaphore, #tpu.memory_space<semaphore_mem>>) src(%arg5 : memref<1xf32, #tpu.memory_space<hbm>>) dst(%dma_wait3A_197 : memref<1xf32, #tpu.memory_space<vmem>>)
    %iota3A = tpu.iota {dimensions = array<i32: 0>} : vector<16xi32>
    %and3A = arith.constant 0 : i32
    %and3A_198 = vector.broadcast %and3A : i32 to vector<16xi32>
    %and3A_199 = arith.andi %iota3A, %and3A_198 : vector<16xi32>
    %get3A_200 = arith.constant 0 : index
    %get3A_201 = tpu.vector_load %arg9[%get3A_200] {strides = array<i32>} : memref<32xf32, #tpu.memory_space<vmem>>, vector<16xf32>,
    %get3A_202 = vector.shape_cast %get3A_201 : vector<16xf32> to vector<16xf32>
    %get3A_203 = arith.constant 16 : index
    %get3A_204 = tpu.vector_load %arg9[%get3A_203] {strides = array<i32>} : memref<32xf32, #tpu.memory_space<vmem>>, vector<16xf32>,
    %get3A_205 = vector.shape_cast %get3A_204 : vector<16xf32> to vector<16xf32>
    %broadcast_in_dim3A = vector.shape_cast %and3A_199 : vector<16xi32> to vector<16x1xi32>
    %gather3A = vector.shape_cast %broadcast_in_dim3A : vector<16x1xi32> to vector<16xi32>
    %gather3A_206 = tpu.dynamic_gather %get3A_202[%gather3A] in [0] : vector<16xf32>, vector<16xi32> -> vector<16xf32>
    %or3A = arith.constant 8 : i32
    %or3A_207 = vector.broadcast %or3A : i32 to vector<16xi32>
    %or3A_208 = arith.ori %and3A_199, %or3A_207 : vector<16xi32>
    %broadcast_in_dim3A_209 = vector.shape_cast %or3A_208 : vector<16xi32> to vector<16x1xi32>
    %gather3A_210 = vector.shape_cast %broadcast_in_dim3A_209 : vector<16x1xi32> to vector<16xi32>
    %gather3A_211 = tpu.dynamic_gather %get3A_202[%gather3A_210] in [0] : vector<16xf32>, vector<16xi32> -> vector<16xf32>
    %broadcast_in_dim3A_212 = vector.shape_cast %and3A_199 : vector<16xi32> to vector<16x1xi32>
    %gather3A_213 = vector.shape_cast %broadcast_in_dim3A_212 : vector<16x1xi32> to vector<16xi32>
    %gather3A_214 = tpu.dynamic_gather %get3A_205[%gather3A_213] in [0] : vector<16xf32>, vector<16xi32> -> vector<16xf32>
    %add3A_215 = arith.addf %gather3A_206, %gather3A_206 : vector<16xf32>
    %mul3A_216 = arith.constant 3.125000e-02 : f32
    %mul3A_217 = vector.broadcast %mul3A_216 : f32 to vector<16xf32>
    %mul3A_218 = arith.mulf %gather3A_211, %mul3A_217 : vector<16xf32>
    %add3A_219 = arith.addf %gather3A_214, %gather3A_214 : vector<16xf32>
    %sub3A_220 = arith.constant 0.693147182 : f32
    %sub3A_221 = vector.broadcast %sub3A_220 : f32 to vector<16xf32>
    %sub3A_222 = arith.subf %add3A_219, %sub3A_221 : vector<16xf32>
    %iota3A_223 = tpu.iota {dimensions = array<i32: 0>} : vector<16xi32>
    %xor3A = arith.constant 8 : i32
    %xor3A_224 = vector.broadcast %xor3A : i32 to vector<16xi32>
    %xor3A_225 = arith.xori %iota3A_223, %xor3A_224 : vector<16xi32>
    %broadcast_in_dim3A_226 = vector.shape_cast %xor3A_225 : vector<16xi32> to vector<16x1xi32>
    %gather3A_227 = vector.shape_cast %broadcast_in_dim3A_226 : vector<16x1xi32> to vector<16xi32>
    %gather3A_228 = tpu.dynamic_gather %add3A_163[%gather3A_227] in [0] : vector<16xf32>, vector<16xi32> -> vector<16xf32>
    %add3A_229 = arith.addf %add3A_163, %gather3A_228 : vector<16xf32>
    %xor3A_230 = arith.constant 4 : i32
    %xor3A_231 = vector.broadcast %xor3A_230 : i32 to vector<16xi32>
    %xor3A_232 = arith.xori %iota3A_223, %xor3A_231 : vector<16xi32>
    %broadcast_in_dim3A_233 = vector.shape_cast %xor3A_232 : vector<16xi32> to vector<16x1xi32>
    %gather3A_234 = vector.shape_cast %broadcast_in_dim3A_233 : vector<16x1xi32> to vector<16xi32>
    %gather3A_235 = tpu.dynamic_gather %add3A_229[%gather3A_234] in [0] : vector<16xf32>, vector<16xi32> -> vector<16xf32>
    %add3A_236 = arith.addf %add3A_229, %gather3A_235 : vector<16xf32>
    %xor3A_237 = arith.constant 2 : i32
    %xor3A_238 = vector.broadcast %xor3A_237 : i32 to vector<16xi32>
    %xor3A_239 = arith.xori %iota3A_223, %xor3A_238 : vector<16xi32>
    %broadcast_in_dim3A_240 = vector.shape_cast %xor3A_239 : vector<16xi32> to vector<16x1xi32>
    %gather3A_241 = vector.shape_cast %broadcast_in_dim3A_240 : vector<16x1xi32> to vector<16xi32>
    %gather3A_242 = tpu.dynamic_gather %add3A_236[%gather3A_241] in [0] : vector<16xf32>, vector<16xi32> -> vector<16xf32>
    %add3A_243 = arith.addf %add3A_236, %gather3A_242 : vector<16xf32>
    %xor3A_244 = arith.constant 1 : i32
    %xor3A_245 = vector.broadcast %xor3A_244 : i32 to vector<16xi32>
    %xor3A_246 = arith.xori %iota3A_223, %xor3A_245 : vector<16xi32>
    %broadcast_in_dim3A_247 = vector.shape_cast %xor3A_246 : vector<16xi32> to vector<16x1xi32>
    %gather3A_248 = vector.shape_cast %broadcast_in_dim3A_247 : vector<16x1xi32> to vector<16xi32>
    %gather3A_249 = tpu.dynamic_gather %add3A_243[%gather3A_248] in [0] : vector<16xf32>, vector<16xi32> -> vector<16xf32>
    %add3A_250 = arith.addf %add3A_243, %gather3A_249 : vector<16xf32>
    %mul3A_251 = arith.mulf %mul3A_218, %add3A_250 : vector<16xf32>
    %add3A_252 = arith.addf %mul3A_251, %sub3A_222 : vector<16xf32>
    %iota3A_253 = tpu.iota {dimensions = array<i32: 0>} : vector<16xi32>
    %xor3A_254 = arith.constant 8 : i32
    %xor3A_255 = vector.broadcast %xor3A_254 : i32 to vector<16xi32>
    %xor3A_256 = arith.xori %iota3A_253, %xor3A_255 : vector<16xi32>
    %broadcast_in_dim3A_257 = vector.shape_cast %xor3A_256 : vector<16xi32> to vector<16x1xi32>
    %gather3A_258 = vector.shape_cast %broadcast_in_dim3A_257 : vector<16x1xi32> to vector<16xi32>
    %gather3A_259 = tpu.dynamic_gather %add3A_185[%gather3A_258] in [0] : vector<16xf32>, vector<16xi32> -> vector<16xf32>
    %add3A_260 = arith.addf %add3A_185, %gather3A_259 : vector<16xf32>
    %xor3A_261 = arith.constant 4 : i32
    %xor3A_262 = vector.broadcast %xor3A_261 : i32 to vector<16xi32>
    %xor3A_263 = arith.xori %iota3A_253, %xor3A_262 : vector<16xi32>
    %broadcast_in_dim3A_264 = vector.shape_cast %xor3A_263 : vector<16xi32> to vector<16x1xi32>
    %gather3A_265 = vector.shape_cast %broadcast_in_dim3A_264 : vector<16x1xi32> to vector<16xi32>
    %gather3A_266 = tpu.dynamic_gather %add3A_260[%gather3A_265] in [0] : vector<16xf32>, vector<16xi32> -> vector<16xf32>
    %add3A_267 = arith.addf %add3A_260, %gather3A_266 : vector<16xf32>
    %xor3A_268 = arith.constant 2 : i32
    %xor3A_269 = vector.broadcast %xor3A_268 : i32 to vector<16xi32>
    %xor3A_270 = arith.xori %iota3A_253, %xor3A_269 : vector<16xi32>
    %broadcast_in_dim3A_271 = vector.shape_cast %xor3A_270 : vector<16xi32> to vector<16x1xi32>
    %gather3A_272 = vector.shape_cast %broadcast_in_dim3A_271 : vector<16x1xi32> to vector<16xi32>
    %gather3A_273 = tpu.dynamic_gather %add3A_267[%gather3A_272] in [0] : vector<16xf32>, vector<16xi32> -> vector<16xf32>
    %add3A_274 = arith.addf %add3A_267, %gather3A_273 : vector<16xf32>
    %xor3A_275 = arith.constant 1 : i32
    %xor3A_276 = vector.broadcast %xor3A_275 : i32 to vector<16xi32>
    %xor3A_277 = arith.xori %iota3A_253, %xor3A_276 : vector<16xi32>
    %broadcast_in_dim3A_278 = vector.shape_cast %xor3A_277 : vector<16xi32> to vector<16x1xi32>
    %gather3A_279 = vector.shape_cast %broadcast_in_dim3A_278 : vector<16x1xi32> to vector<16xi32>
    %gather3A_280 = tpu.dynamic_gather %add3A_274[%gather3A_279] in [0] : vector<16xf32>, vector<16xi32> -> vector<16xf32>
    %add3A_281 = arith.addf %add3A_274, %gather3A_280 : vector<16xf32>
    %mul3A_282 = arith.mulf %mul3A_218, %add3A_281 : vector<16xf32>
    %add3A_283 = arith.addf %mul3A_282, %sub3A_222 : vector<16xf32>
    %get3A_284 = arith.constant 64 : index
    %get3A_285 = tpu.vector_load %arg7[%get3A_284] {strides = array<i32>} : memref<2048xf32, #tpu.memory_space<vmem>>, vector<16xf32>,
    %get3A_286 = vector.shape_cast %get3A_285 : vector<16xf32> to vector<16xf32>
    %mul3A_287 = arith.mulf %add3A_215, %get3A_286 : vector<16xf32>
    %add3A_288 = arith.addf %mul3A_287, %add3A_252 : vector<16xf32>
    %exp3A_289 = math.exp %add3A_288 : vector<16xf32>
    %add3A_290 = arith.constant 5.000000e-01 : f32
    %add3A_291 = vector.broadcast %add3A_290 : f32 to vector<16xf32>
    %add3A_292 = arith.addf %exp3A_289, %add3A_291 : vector<16xf32>
    %div3A_293 = arith.constant 1.000000e+00 : f32
    %div3A_294 = vector.broadcast %div3A_293 : f32 to vector<16xf32>
    %div3A_295 = arith.divf %div3A_294, %add3A_292 : vector<16xf32>
    %sub3A_296 = arith.constant 1.000000e+00 : f32
    %sub3A_297 = vector.broadcast %sub3A_296 : f32 to vector<16xf32>
    %sub3A_298 = arith.subf %sub3A_297, %div3A_295 : vector<16xf32>
    %swap3A_299 = arith.constant 64 : index
    %swap3A_300 = tpu.vector_load %arg8[%swap3A_299] {strides = array<i32>} : memref<2048xf32, #tpu.memory_space<vmem>>, vector<16xf32>,
    %swap3A_301 = vector.shape_cast %swap3A_300 : vector<16xf32> to vector<16xf32>
    %swap3A_302 = vector.shape_cast %sub3A_298 : vector<16xf32> to vector<16xf32>
    tpu.vector_store %arg8[%swap3A_299], %swap3A_302 {strides = array<i32>} : memref<2048xf32, #tpu.memory_space<vmem>>, vector<16xf32>,
    %get3A_303 = arith.constant 1088 : index
    %get3A_304 = tpu.vector_load %arg7[%get3A_303] {strides = array<i32>} : memref<2048xf32, #tpu.memory_space<vmem>>, vector<16xf32>,
    %get3A_305 = vector.shape_cast %get3A_304 : vector<16xf32> to vector<16xf32>
    %mul3A_306 = arith.mulf %add3A_215, %get3A_305 : vector<16xf32>
    %add3A_307 = arith.addf %mul3A_306, %add3A_283 : vector<16xf32>
    %exp3A_308 = math.exp %add3A_307 : vector<16xf32>
    %add3A_309 = arith.constant 5.000000e-01 : f32
    %add3A_310 = vector.broadcast %add3A_309 : f32 to vector<16xf32>
    %add3A_311 = arith.addf %exp3A_308, %add3A_310 : vector<16xf32>
    %div3A_312 = arith.constant 1.000000e+00 : f32
    %div3A_313 = vector.broadcast %div3A_312 : f32 to vector<16xf32>
    %div3A_314 = arith.divf %div3A_313, %add3A_311 : vector<16xf32>
    %sub3A_315 = arith.constant 1.000000e+00 : f32
    %sub3A_316 = vector.broadcast %sub3A_315 : f32 to vector<16xf32>
    %sub3A_317 = arith.subf %sub3A_316, %div3A_314 : vector<16xf32>
    %swap3A_318 = arith.constant 1088 : index
    %swap3A_319 = tpu.vector_load %arg8[%swap3A_318] {strides = array<i32>} : memref<2048xf32, #tpu.memory_space<vmem>>, vector<16xf32>,
    %swap3A_320 = vector.shape_cast %swap3A_319 : vector<16xf32> to vector<16xf32>
    %swap3A_321 = vector.shape_cast %sub3A_317 : vector<16xf32> to vector<16xf32>
    tpu.vector_store %arg8[%swap3A_318], %swap3A_321 {strides = array<i32>} : memref<2048xf32, #tpu.memory_space<vmem>>, vector<16xf32>,
    %get3A_322 = arith.constant 80 : index
    %get3A_323 = tpu.vector_load %arg7[%get3A_322] {strides = array<i32>} : memref<2048xf32, #tpu.memory_space<vmem>>, vector<16xf32>,
    %get3A_324 = vector.shape_cast %get3A_323 : vector<16xf32> to vector<16xf32>
    %mul3A_325 = arith.mulf %add3A_215, %get3A_324 : vector<16xf32>
    %add3A_326 = arith.addf %mul3A_325, %add3A_252 : vector<16xf32>
    %exp3A_327 = math.exp %add3A_326 : vector<16xf32>
    %add3A_328 = arith.constant 5.000000e-01 : f32
    %add3A_329 = vector.broadcast %add3A_328 : f32 to vector<16xf32>
    %add3A_330 = arith.addf %exp3A_327, %add3A_329 : vector<16xf32>
    %div3A_331 = arith.constant 1.000000e+00 : f32
    %div3A_332 = vector.broadcast %div3A_331 : f32 to vector<16xf32>
    %div3A_333 = arith.divf %div3A_332, %add3A_330 : vector<16xf32>
    %sub3A_334 = arith.constant 1.000000e+00 : f32
    %sub3A_335 = vector.broadcast %sub3A_334 : f32 to vector<16xf32>
    %sub3A_336 = arith.subf %sub3A_335, %div3A_333 : vector<16xf32>
    %swap3A_337 = arith.constant 80 : index
    %swap3A_338 = tpu.vector_load %arg8[%swap3A_337] {strides = array<i32>} : memref<2048xf32, #tpu.memory_space<vmem>>, vector<16xf32>,
    %swap3A_339 = vector.shape_cast %swap3A_338 : vector<16xf32> to vector<16xf32>
    %swap3A_340 = vector.shape_cast %sub3A_336 : vector<16xf32> to vector<16xf32>
    tpu.vector_store %arg8[%swap3A_337], %swap3A_340 {strides = array<i32>} : memref<2048xf32, #tpu.memory_space<vmem>>, vector<16xf32>,
    %add3A_341 = arith.addf %sub3A_298, %sub3A_336 : vector<16xf32>
    %get3A_342 = arith.constant 1104 : index
    %get3A_343 = tpu.vector_load %arg7[%get3A_342] {strides = array<i32>} : memref<2048xf32, #tpu.memory_space<vmem>>, vector<16xf32>,
    %get3A_344 = vector.shape_cast %get3A_343 : vector<16xf32> to vector<16xf32>
    %mul3A_345 = arith.mulf %add3A_215, %get3A_344 : vector<16xf32>
    %add3A_346 = arith.addf %mul3A_345, %add3A_283 : vector<16xf32>
    %exp3A_347 = math.exp %add3A_346 : vector<16xf32>
    %add3A_348 = arith.constant 5.000000e-01 : f32
    %add3A_349 = vector.broadcast %add3A_348 : f32 to vector<16xf32>
    %add3A_350 = arith.addf %exp3A_347, %add3A_349 : vector<16xf32>
    %div3A_351 = arith.constant 1.000000e+00 : f32
    %div3A_352 = vector.broadcast %div3A_351 : f32 to vector<16xf32>
    %div3A_353 = arith.divf %div3A_352, %add3A_350 : vector<16xf32>
    %sub3A_354 = arith.constant 1.000000e+00 : f32
    %sub3A_355 = vector.broadcast %sub3A_354 : f32 to vector<16xf32>
    %sub3A_356 = arith.subf %sub3A_355, %div3A_353 : vector<16xf32>
    %swap3A_357 = arith.constant 1104 : index
    %swap3A_358 = tpu.vector_load %arg8[%swap3A_357] {strides = array<i32>} : memref<2048xf32, #tpu.memory_space<vmem>>, vector<16xf32>,
    %swap3A_359 = vector.shape_cast %swap3A_358 : vector<16xf32> to vector<16xf32>
    %swap3A_360 = vector.shape_cast %sub3A_356 : vector<16xf32> to vector<16xf32>
    tpu.vector_store %arg8[%swap3A_357], %swap3A_360 {strides = array<i32>} : memref<2048xf32, #tpu.memory_space<vmem>>, vector<16xf32>,
    %add3A_361 = arith.addf %sub3A_317, %sub3A_356 : vector<16xf32>
    %get3A_362 = arith.constant 96 : index
    %get3A_363 = tpu.vector_load %arg7[%get3A_362] {strides = array<i32>} : memref<2048xf32, #tpu.memory_space<vmem>>, vector<16xf32>,
    %get3A_364 = vector.shape_cast %get3A_363 : vector<16xf32> to vector<16xf32>
    %mul3A_365 = arith.mulf %add3A_215, %get3A_364 : vector<16xf32>
    %add3A_366 = arith.addf %mul3A_365, %add3A_252 : vector<16xf32>
    %exp3A_367 = math.exp %add3A_366 : vector<16xf32>
    %add3A_368 = arith.constant 5.000000e-01 : f32
    %add3A_369 = vector.broadcast %add3A_368 : f32 to vector<16xf32>
    %add3A_370 = arith.addf %exp3A_367, %add3A_369 : vector<16xf32>
    %div3A_371 = arith.constant 1.000000e+00 : f32
    %div3A_372 = vector.broadcast %div3A_371 : f32 to vector<16xf32>
    %div3A_373 = arith.divf %div3A_372, %add3A_370 : vector<16xf32>
    %sub3A_374 = arith.constant 1.000000e+00 : f32
    %sub3A_375 = vector.broadcast %sub3A_374 : f32 to vector<16xf32>
    %sub3A_376 = arith.subf %sub3A_375, %div3A_373 : vector<16xf32>
    %swap3A_377 = arith.constant 96 : index
    %swap3A_378 = tpu.vector_load %arg8[%swap3A_377] {strides = array<i32>} : memref<2048xf32, #tpu.memory_space<vmem>>, vector<16xf32>,
    %swap3A_379 = vector.shape_cast %swap3A_378 : vector<16xf32> to vector<16xf32>
    %swap3A_380 = vector.shape_cast %sub3A_376 : vector<16xf32> to vector<16xf32>
    tpu.vector_store %arg8[%swap3A_377], %swap3A_380 {strides = array<i32>} : memref<2048xf32, #tpu.memory_space<vmem>>, vector<16xf32>,
    %add3A_381 = arith.addf %add3A_341, %sub3A_376 : vector<16xf32>
    %get3A_382 = arith.constant 1120 : index
    %get3A_383 = tpu.vector_load %arg7[%get3A_382] {strides = array<i32>} : memref<2048xf32, #tpu.memory_space<vmem>>, vector<16xf32>,
    %get3A_384 = vector.shape_cast %get3A_383 : vector<16xf32> to vector<16xf32>
    %mul3A_385 = arith.mulf %add3A_215, %get3A_384 : vector<16xf32>
    %add3A_386 = arith.addf %mul3A_385, %add3A_283 : vector<16xf32>
    %exp3A_387 = math.exp %add3A_386 : vector<16xf32>
    %add3A_388 = arith.constant 5.000000e-01 : f32
    %add3A_389 = vector.broadcast %add3A_388 : f32 to vector<16xf32>
    %add3A_390 = arith.addf %exp3A_387, %add3A_389 : vector<16xf32>
    %div3A_391 = arith.constant 1.000000e+00 : f32
    %div3A_392 = vector.broadcast %div3A_391 : f32 to vector<16xf32>
    %div3A_393 = arith.divf %div3A_392, %add3A_390 : vector<16xf32>
    %sub3A_394 = arith.constant 1.000000e+00 : f32
    %sub3A_395 = vector.broadcast %sub3A_394 : f32 to vector<16xf32>
    %sub3A_396 = arith.subf %sub3A_395, %div3A_393 : vector<16xf32>
    %swap3A_397 = arith.constant 1120 : index
    %swap3A_398 = tpu.vector_load %arg8[%swap3A_397] {strides = array<i32>} : memref<2048xf32, #tpu.memory_space<vmem>>, vector<16xf32>,
    %swap3A_399 = vector.shape_cast %swap3A_398 : vector<16xf32> to vector<16xf32>
    %swap3A_400 = vector.shape_cast %sub3A_396 : vector<16xf32> to vector<16xf32>
    tpu.vector_store %arg8[%swap3A_397], %swap3A_400 {strides = array<i32>} : memref<2048xf32, #tpu.memory_space<vmem>>, vector<16xf32>,
    %add3A_401 = arith.addf %add3A_361, %sub3A_396 : vector<16xf32>
    %get3A_402 = arith.constant 112 : index
    %get3A_403 = tpu.vector_load %arg7[%get3A_402] {strides = array<i32>} : memref<2048xf32, #tpu.memory_space<vmem>>, vector<16xf32>,
    %get3A_404 = vector.shape_cast %get3A_403 : vector<16xf32> to vector<16xf32>
    %mul3A_405 = arith.mulf %add3A_215, %get3A_404 : vector<16xf32>
    %add3A_406 = arith.addf %mul3A_405, %add3A_252 : vector<16xf32>
    %exp3A_407 = math.exp %add3A_406 : vector<16xf32>
    %add3A_408 = arith.constant 5.000000e-01 : f32
    %add3A_409 = vector.broadcast %add3A_408 : f32 to vector<16xf32>
    %add3A_410 = arith.addf %exp3A_407, %add3A_409 : vector<16xf32>
    %div3A_411 = arith.constant 1.000000e+00 : f32
    %div3A_412 = vector.broadcast %div3A_411 : f32 to vector<16xf32>
    %div3A_413 = arith.divf %div3A_412, %add3A_410 : vector<16xf32>
    %sub3A_414 = arith.constant 1.000000e+00 : f32
    %sub3A_415 = vector.broadcast %sub3A_414 : f32 to vector<16xf32>
    %sub3A_416 = arith.subf %sub3A_415, %div3A_413 : vector<16xf32>
    %swap3A_417 = arith.constant 112 : index
    %swap3A_418 = tpu.vector_load %arg8[%swap3A_417] {strides = array<i32>} : memref<2048xf32, #tpu.memory_space<vmem>>, vector<16xf32>,
    %swap3A_419 = vector.shape_cast %swap3A_418 : vector<16xf32> to vector<16xf32>
    %swap3A_420 = vector.shape_cast %sub3A_416 : vector<16xf32> to vector<16xf32>
    tpu.vector_store %arg8[%swap3A_417], %swap3A_420 {strides = array<i32>} : memref<2048xf32, #tpu.memory_space<vmem>>, vector<16xf32>,
    %add3A_421 = arith.addf %add3A_381, %sub3A_416 : vector<16xf32>
    %get3A_422 = arith.constant 1136 : index
    %get3A_423 = tpu.vector_load %arg7[%get3A_422] {strides = array<i32>} : memref<2048xf32, #tpu.memory_space<vmem>>, vector<16xf32>,
    %get3A_424 = vector.shape_cast %get3A_423 : vector<16xf32> to vector<16xf32>
    %mul3A_425 = arith.mulf %add3A_215, %get3A_424 : vector<16xf32>
    %add3A_426 = arith.addf %mul3A_425, %add3A_283 : vector<16xf32>
    %exp3A_427 = math.exp %add3A_426 : vector<16xf32>
    %add3A_428 = arith.constant 5.000000e-01 : f32
    %add3A_429 = vector.broadcast %add3A_428 : f32 to vector<16xf32>
    %add3A_430 = arith.addf %exp3A_427, %add3A_429 : vector<16xf32>
    %div3A_431 = arith.constant 1.000000e+00 : f32
    %div3A_432 = vector.broadcast %div3A_431 : f32 to vector<16xf32>
    %div3A_433 = arith.divf %div3A_432, %add3A_430 : vector<16xf32>
    %sub3A_434 = arith.constant 1.000000e+00 : f32
    %sub3A_435 = vector.broadcast %sub3A_434 : f32 to vector<16xf32>
    %sub3A_436 = arith.subf %sub3A_435, %div3A_433 : vector<16xf32>
    %swap3A_437 = arith.constant 1136 : index
    %swap3A_438 = tpu.vector_load %arg8[%swap3A_437] {strides = array<i32>} : memref<2048xf32, #tpu.memory_space<vmem>>, vector<16xf32>,
    %swap3A_439 = vector.shape_cast %swap3A_438 : vector<16xf32> to vector<16xf32>
    %swap3A_440 = vector.shape_cast %sub3A_436 : vector<16xf32> to vector<16xf32>
    tpu.vector_store %arg8[%swap3A_437], %swap3A_440 {strides = array<i32>} : memref<2048xf32, #tpu.memory_space<vmem>>, vector<16xf32>,
    %add3A_441 = arith.addf %add3A_401, %sub3A_436 : vector<16xf32>
    %iota3A_442 = tpu.iota {dimensions = array<i32: 0>} : vector<16xi32>
    %xor3A_443 = arith.constant 8 : i32
    %xor3A_444 = vector.broadcast %xor3A_443 : i32 to vector<16xi32>
    %xor3A_445 = arith.xori %iota3A_442, %xor3A_444 : vector<16xi32>
    %broadcast_in_dim3A_446 = vector.shape_cast %xor3A_445 : vector<16xi32> to vector<16x1xi32>
    %gather3A_447 = vector.shape_cast %broadcast_in_dim3A_446 : vector<16x1xi32> to vector<16xi32>
    %gather3A_448 = tpu.dynamic_gather %add3A_421[%gather3A_447] in [0] : vector<16xf32>, vector<16xi32> -> vector<16xf32>
    %add3A_449 = arith.addf %add3A_421, %gather3A_448 : vector<16xf32>
    %xor3A_450 = arith.constant 4 : i32
    %xor3A_451 = vector.broadcast %xor3A_450 : i32 to vector<16xi32>
    %xor3A_452 = arith.xori %iota3A_442, %xor3A_451 : vector<16xi32>
    %broadcast_in_dim3A_453 = vector.shape_cast %xor3A_452 : vector<16xi32> to vector<16x1xi32>
    %gather3A_454 = vector.shape_cast %broadcast_in_dim3A_453 : vector<16x1xi32> to vector<16xi32>
    %gather3A_455 = tpu.dynamic_gather %add3A_449[%gather3A_454] in [0] : vector<16xf32>, vector<16xi32> -> vector<16xf32>
    %add3A_456 = arith.addf %add3A_449, %gather3A_455 : vector<16xf32>
    %xor3A_457 = arith.constant 2 : i32
    %xor3A_458 = vector.broadcast %xor3A_457 : i32 to vector<16xi32>
    %xor3A_459 = arith.xori %iota3A_442, %xor3A_458 : vector<16xi32>
    %broadcast_in_dim3A_460 = vector.shape_cast %xor3A_459 : vector<16xi32> to vector<16x1xi32>
    %gather3A_461 = vector.shape_cast %broadcast_in_dim3A_460 : vector<16x1xi32> to vector<16xi32>
    %gather3A_462 = tpu.dynamic_gather %add3A_456[%gather3A_461] in [0] : vector<16xf32>, vector<16xi32> -> vector<16xf32>
    %add3A_463 = arith.addf %add3A_456, %gather3A_462 : vector<16xf32>
    %xor3A_464 = arith.constant 1 : i32
    %xor3A_465 = vector.broadcast %xor3A_464 : i32 to vector<16xi32>
    %xor3A_466 = arith.xori %iota3A_442, %xor3A_465 : vector<16xi32>
    %broadcast_in_dim3A_467 = vector.shape_cast %xor3A_466 : vector<16xi32> to vector<16x1xi32>
    %gather3A_468 = vector.shape_cast %broadcast_in_dim3A_467 : vector<16x1xi32> to vector<16xi32>
    %gather3A_469 = tpu.dynamic_gather %add3A_463[%gather3A_468] in [0] : vector<16xf32>, vector<16xi32> -> vector<16xf32>
    %add3A_470 = arith.addf %add3A_463, %gather3A_469 : vector<16xf32>
    %mul3A_471 = arith.mulf %mul3A_218, %add3A_470 : vector<16xf32>
    %add3A_472 = arith.addf %mul3A_471, %sub3A_222 : vector<16xf32>
    %iota3A_473 = tpu.iota {dimensions = array<i32: 0>} : vector<16xi32>
    %xor3A_474 = arith.constant 8 : i32
    %xor3A_475 = vector.broadcast %xor3A_474 : i32 to vector<16xi32>
    %xor3A_476 = arith.xori %iota3A_473, %xor3A_475 : vector<16xi32>
    %broadcast_in_dim3A_477 = vector.shape_cast %xor3A_476 : vector<16xi32> to vector<16x1xi32>
    %gather3A_478 = vector.shape_cast %broadcast_in_dim3A_477 : vector<16x1xi32> to vector<16xi32>
    %gather3A_479 = tpu.dynamic_gather %add3A_441[%gather3A_478] in [0] : vector<16xf32>, vector<16xi32> -> vector<16xf32>
    %add3A_480 = arith.addf %add3A_441, %gather3A_479 : vector<16xf32>
    %xor3A_481 = arith.constant 4 : i32
    %xor3A_482 = vector.broadcast %xor3A_481 : i32 to vector<16xi32>
    %xor3A_483 = arith.xori %iota3A_473, %xor3A_482 : vector<16xi32>
    %broadcast_in_dim3A_484 = vector.shape_cast %xor3A_483 : vector<16xi32> to vector<16x1xi32>
    %gather3A_485 = vector.shape_cast %broadcast_in_dim3A_484 : vector<16x1xi32> to vector<16xi32>
    %gather3A_486 = tpu.dynamic_gather %add3A_480[%gather3A_485] in [0] : vector<16xf32>, vector<16xi32> -> vector<16xf32>
    %add3A_487 = arith.addf %add3A_480, %gather3A_486 : vector<16xf32>
    %xor3A_488 = arith.constant 2 : i32
    %xor3A_489 = vector.broadcast %xor3A_488 : i32 to vector<16xi32>
    %xor3A_490 = arith.xori %iota3A_473, %xor3A_489 : vector<16xi32>
    %broadcast_in_dim3A_491 = vector.shape_cast %xor3A_490 : vector<16xi32> to vector<16x1xi32>
    %gather3A_492 = vector.shape_cast %broadcast_in_dim3A_491 : vector<16x1xi32> to vector<16xi32>
    %gather3A_493 = tpu.dynamic_gather %add3A_487[%gather3A_492] in [0] : vector<16xf32>, vector<16xi32> -> vector<16xf32>
    %add3A_494 = arith.addf %add3A_487, %gather3A_493 : vector<16xf32>
    %xor3A_495 = arith.constant 1 : i32
    %xor3A_496 = vector.broadcast %xor3A_495 : i32 to vector<16xi32>
    %xor3A_497 = arith.xori %iota3A_473, %xor3A_496 : vector<16xi32>
    %broadcast_in_dim3A_498 = vector.shape_cast %xor3A_497 : vector<16xi32> to vector<16x1xi32>
    %gather3A_499 = vector.shape_cast %broadcast_in_dim3A_498 : vector<16x1xi32> to vector<16xi32>
    %gather3A_500 = tpu.dynamic_gather %add3A_494[%gather3A_499] in [0] : vector<16xf32>, vector<16xi32> -> vector<16xf32>
    %add3A_501 = arith.addf %add3A_494, %gather3A_500 : vector<16xf32>
    %mul3A_502 = arith.mulf %mul3A_218, %add3A_501 : vector<16xf32>
    %add3A_503 = arith.addf %mul3A_502, %sub3A_222 : vector<16xf32>
    %get3A_504 = arith.constant 128 : index
    %get3A_505 = tpu.vector_load %arg7[%get3A_504] {strides = array<i32>} : memref<2048xf32, #tpu.memory_space<vmem>>, vector<16xf32>,
    %get3A_506 = vector.shape_cast %get3A_505 : vector<16xf32> to vector<16xf32>
    %mul3A_507 = arith.mulf %add3A_215, %get3A_506 : vector<16xf32>
    %add3A_508 = arith.addf %mul3A_507, %add3A_472 : vector<16xf32>
    %exp3A_509 = math.exp %add3A_508 : vector<16xf32>
    %add3A_510 = arith.constant 5.000000e-01 : f32
    %add3A_511 = vector.broadcast %add3A_510 : f32 to vector<16xf32>
    %add3A_512 = arith.addf %exp3A_509, %add3A_511 : vector<16xf32>
    %div3A_513 = arith.constant 1.000000e+00 : f32
    %div3A_514 = vector.broadcast %div3A_513 : f32 to vector<16xf32>
    %div3A_515 = arith.divf %div3A_514, %add3A_512 : vector<16xf32>
    %sub3A_516 = arith.constant 1.000000e+00 : f32
    %sub3A_517 = vector.broadcast %sub3A_516 : f32 to vector<16xf32>
    %sub3A_518 = arith.subf %sub3A_517, %div3A_515 : vector<16xf32>
    %swap3A_519 = arith.constant 128 : index
    %swap3A_520 = tpu.vector_load %arg8[%swap3A_519] {strides = array<i32>} : memref<2048xf32, #tpu.memory_space<vmem>>, vector<16xf32>,
    %swap3A_521 = vector.shape_cast %swap3A_520 : vector<16xf32> to vector<16xf32>
    %swap3A_522 = vector.shape_cast %sub3A_518 : vector<16xf32> to vector<16xf32>
    tpu.vector_store %arg8[%swap3A_519], %swap3A_522 {strides = array<i32>} : memref<2048xf32, #tpu.memory_space<vmem>>, vector<16xf32>,
    %get3A_523 = arith.constant 1152 : index
    %get3A_524 = tpu.vector_load %arg7[%get3A_523] {strides = array<i32>} : memref<2048xf32, #tpu.memory_space<vmem>>, vector<16xf32>,
    %get3A_525 = vector.shape_cast %get3A_524 : vector<16xf32> to vector<16xf32>
    %mul3A_526 = arith.mulf %add3A_215, %get3A_525 : vector<16xf32>
    %add3A_527 = arith.addf %mul3A_526, %add3A_503 : vector<16xf32>
    %exp3A_528 = math.exp %add3A_527 : vector<16xf32>
    %add3A_529 = arith.constant 5.000000e-01 : f32
    %add3A_530 = vector.broadcast %add3A_529 : f32 to vector<16xf32>
    %add3A_531 = arith.addf %exp3A_528, %add3A_530 : vector<16xf32>
    %div3A_532 = arith.constant 1.000000e+00 : f32
    %div3A_533 = vector.broadcast %div3A_532 : f32 to vector<16xf32>
    %div3A_534 = arith.divf %div3A_533, %add3A_531 : vector<16xf32>
    %sub3A_535 = arith.constant 1.000000e+00 : f32
    %sub3A_536 = vector.broadcast %sub3A_535 : f32 to vector<16xf32>
    %sub3A_537 = arith.subf %sub3A_536, %div3A_534 : vector<16xf32>
    %swap3A_538 = arith.constant 1152 : index
    %swap3A_539 = tpu.vector_load %arg8[%swap3A_538] {strides = array<i32>} : memref<2048xf32, #tpu.memory_space<vmem>>, vector<16xf32>,
    %swap3A_540 = vector.shape_cast %swap3A_539 : vector<16xf32> to vector<16xf32>
    %swap3A_541 = vector.shape_cast %sub3A_537 : vector<16xf32> to vector<16xf32>
    tpu.vector_store %arg8[%swap3A_538], %swap3A_541 {strides = array<i32>} : memref<2048xf32, #tpu.memory_space<vmem>>, vector<16xf32>,
    %get3A_542 = arith.constant 144 : index
    %get3A_543 = tpu.vector_load %arg7[%get3A_542] {strides = array<i32>} : memref<2048xf32, #tpu.memory_space<vmem>>, vector<16xf32>,
    %get3A_544 = vector.shape_cast %get3A_543 : vector<16xf32> to vector<16xf32>
    %mul3A_545 = arith.mulf %add3A_215, %get3A_544 : vector<16xf32>
    %add3A_546 = arith.addf %mul3A_545, %add3A_472 : vector<16xf32>
    %exp3A_547 = math.exp %add3A_546 : vector<16xf32>
    %add3A_548 = arith.constant 5.000000e-01 : f32
    %add3A_549 = vector.broadcast %add3A_548 : f32 to vector<16xf32>
    %add3A_550 = arith.addf %exp3A_547, %add3A_549 : vector<16xf32>
    %div3A_551 = arith.constant 1.000000e+00 : f32
    %div3A_552 = vector.broadcast %div3A_551 : f32 to vector<16xf32>
    %div3A_553 = arith.divf %div3A_552, %add3A_550 : vector<16xf32>
    %sub3A_554 = arith.constant 1.000000e+00 : f32
    %sub3A_555 = vector.broadcast %sub3A_554 : f32 to vector<16xf32>
    %sub3A_556 = arith.subf %sub3A_555, %div3A_553 : vector<16xf32>
    %swap3A_557 = arith.constant 144 : index
    %swap3A_558 = tpu.vector_load %arg8[%swap3A_557] {strides = array<i32>} : memref<2048xf32, #tpu.memory_space<vmem>>, vector<16xf32>,
    %swap3A_559 = vector.shape_cast %swap3A_558 : vector<16xf32> to vector<16xf32>
    %swap3A_560 = vector.shape_cast %sub3A_556 : vector<16xf32> to vector<16xf32>
    tpu.vector_store %arg8[%swap3A_557], %swap3A_560 {strides = array<i32>} : memref<2048xf32, #tpu.memory_space<vmem>>, vector<16xf32>,
    %add3A_561 = arith.addf %sub3A_518, %sub3A_556 : vector<16xf32>
    %get3A_562 = arith.constant 1168 : index
    %get3A_563 = tpu.vector_load %arg7[%get3A_562] {strides = array<i32>} : memref<2048xf32, #tpu.memory_space<vmem>>, vector<16xf32>,
    %get3A_564 = vector.shape_cast %get3A_563 : vector<16xf32> to vector<16xf32>
    %mul3A_565 = arith.mulf %add3A_215, %get3A_564 : vector<16xf32>
    %add3A_566 = arith.addf %mul3A_565, %add3A_503 : vector<16xf32>
    %exp3A_567 = math.exp %add3A_566 : vector<16xf32>
    %add3A_568 = arith.constant 5.000000e-01 : f32
    %add3A_569 = vector.broadcast %add3A_568 : f32 to vector<16xf32>
    %add3A_570 = arith.addf %exp3A_567, %add3A_569 : vector<16xf32>
    %div3A_571 = arith.constant 1.000000e+00 : f32
    %div3A_572 = vector.broadcast %div3A_571 : f32 to vector<16xf32>
    %div3A_573 = arith.divf %div3A_572, %add3A_570 : vector<16xf32>
    %sub3A_574 = arith.constant 1.000000e+00 : f32
    %sub3A_575 = vector.broadcast %sub3A_574 : f32 to vector<16xf32>
    %sub3A_576 = arith.subf %sub3A_575, %div3A_573 : vector<16xf32>
    %swap3A_577 = arith.constant 1168 : index
    %swap3A_578 = tpu.vector_load %arg8[%swap3A_577] {strides = array<i32>} : memref<2048xf32, #tpu.memory_space<vmem>>, vector<16xf32>,
    %swap3A_579 = vector.shape_cast %swap3A_578 : vector<16xf32> to vector<16xf32>
    %swap3A_580 = vector.shape_cast %sub3A_576 : vector<16xf32> to vector<16xf32>
    tpu.vector_store %arg8[%swap3A_577], %swap3A_580 {strides = array<i32>} : memref<2048xf32, #tpu.memory_space<vmem>>, vector<16xf32>,
    %add3A_581 = arith.addf %sub3A_537, %sub3A_576 : vector<16xf32>
    %get3A_582 = arith.constant 160 : index
    %get3A_583 = tpu.vector_load %arg7[%get3A_582] {strides = array<i32>} : memref<2048xf32, #tpu.memory_space<vmem>>, vector<16xf32>,
    %get3A_584 = vector.shape_cast %get3A_583 : vector<16xf32> to vector<16xf32>
    %mul3A_585 = arith.mulf %add3A_215, %get3A_584 : vector<16xf32>
    %add3A_586 = arith.addf %mul3A_585, %add3A_472 : vector<16xf32>
    %exp3A_587 = math.exp %add3A_586 : vector<16xf32>
    %add3A_588 = arith.constant 5.000000e-01 : f32
    %add3A_589 = vector.broadcast %add3A_588 : f32 to vector<16xf32>
    %add3A_590 = arith.addf %exp3A_587, %add3A_589 : vector<16xf32>
    %div3A_591 = arith.constant 1.000000e+00 : f32
    %div3A_592 = vector.broadcast %div3A_591 : f32 to vector<16xf32>
    %div3A_593 = arith.divf %div3A_592, %add3A_590 : vector<16xf32>
    %sub3A_594 = arith.constant 1.000000e+00 : f32
    %sub3A_595 = vector.broadcast %sub3A_594 : f32 to vector<16xf32>
    %sub3A_596 = arith.subf %sub3A_595, %div3A_593 : vector<16xf32>
    %swap3A_597 = arith.constant 160 : index
    %swap3A_598 = tpu.vector_load %arg8[%swap3A_597] {strides = array<i32>} : memref<2048xf32, #tpu.memory_space<vmem>>, vector<16xf32>,
    %swap3A_599 = vector.shape_cast %swap3A_598 : vector<16xf32> to vector<16xf32>
    %swap3A_600 = vector.shape_cast %sub3A_596 : vector<16xf32> to vector<16xf32>
    tpu.vector_store %arg8[%swap3A_597], %swap3A_600 {strides = array<i32>} : memref<2048xf32, #tpu.memory_space<vmem>>, vector<16xf32>,
    %add3A_601 = arith.addf %add3A_561, %sub3A_596 : vector<16xf32>
    %get3A_602 = arith.constant 1184 : index
    %get3A_603 = tpu.vector_load %arg7[%get3A_602] {strides = array<i32>} : memref<2048xf32, #tpu.memory_space<vmem>>, vector<16xf32>,
    %get3A_604 = vector.shape_cast %get3A_603 : vector<16xf32> to vector<16xf32>
    %mul3A_605 = arith.mulf %add3A_215, %get3A_604 : vector<16xf32>
    %add3A_606 = arith.addf %mul3A_605, %add3A_503 : vector<16xf32>
    %exp3A_607 = math.exp %add3A_606 : vector<16xf32>
    %add3A_608 = arith.constant 5.000000e-01 : f32
    %add3A_609 = vector.broadcast %add3A_608 : f32 to vector<16xf32>
    %add3A_610 = arith.addf %exp3A_607, %add3A_609 : vector<16xf32>
    %div3A_611 = arith.constant 1.000000e+00 : f32
    %div3A_612 = vector.broadcast %div3A_611 : f32 to vector<16xf32>
    %div3A_613 = arith.divf %div3A_612, %add3A_610 : vector<16xf32>
    %sub3A_614 = arith.constant 1.000000e+00 : f32
    %sub3A_615 = vector.broadcast %sub3A_614 : f32 to vector<16xf32>
    %sub3A_616 = arith.subf %sub3A_615, %div3A_613 : vector<16xf32>
    %swap3A_617 = arith.constant 1184 : index
    %swap3A_618 = tpu.vector_load %arg8[%swap3A_617] {strides = array<i32>} : memref<2048xf32, #tpu.memory_space<vmem>>, vector<16xf32>,
    %swap3A_619 = vector.shape_cast %swap3A_618 : vector<16xf32> to vector<16xf32>
    %swap3A_620 = vector.shape_cast %sub3A_616 : vector<16xf32> to vector<16xf32>
    tpu.vector_store %arg8[%swap3A_617], %swap3A_620 {strides = array<i32>} : memref<2048xf32, #tpu.memory_space<vmem>>, vector<16xf32>,
    %add3A_621 = arith.addf %add3A_581, %sub3A_616 : vector<16xf32>
    %get3A_622 = arith.constant 176 : index
    %get3A_623 = tpu.vector_load %arg7[%get3A_622] {strides = array<i32>} : memref<2048xf32, #tpu.memory_space<vmem>>, vector<16xf32>,
    %get3A_624 = vector.shape_cast %get3A_623 : vector<16xf32> to vector<16xf32>
    %mul3A_625 = arith.mulf %add3A_215, %get3A_624 : vector<16xf32>
    %add3A_626 = arith.addf %mul3A_625, %add3A_472 : vector<16xf32>
    %exp3A_627 = math.exp %add3A_626 : vector<16xf32>
    %add3A_628 = arith.constant 5.000000e-01 : f32
    %add3A_629 = vector.broadcast %add3A_628 : f32 to vector<16xf32>
    %add3A_630 = arith.addf %exp3A_627, %add3A_629 : vector<16xf32>
    %div3A_631 = arith.constant 1.000000e+00 : f32
    %div3A_632 = vector.broadcast %div3A_631 : f32 to vector<16xf32>
    %div3A_633 = arith.divf %div3A_632, %add3A_630 : vector<16xf32>
    %sub3A_634 = arith.constant 1.000000e+00 : f32
    %sub3A_635 = vector.broadcast %sub3A_634 : f32 to vector<16xf32>
    %sub3A_636 = arith.subf %sub3A_635, %div3A_633 : vector<16xf32>
    %swap3A_637 = arith.constant 176 : index
    %swap3A_638 = tpu.vector_load %arg8[%swap3A_637] {strides = array<i32>} : memref<2048xf32, #tpu.memory_space<vmem>>, vector<16xf32>,
    %swap3A_639 = vector.shape_cast %swap3A_638 : vector<16xf32> to vector<16xf32>
    %swap3A_640 = vector.shape_cast %sub3A_636 : vector<16xf32> to vector<16xf32>
    tpu.vector_store %arg8[%swap3A_637], %swap3A_640 {strides = array<i32>} : memref<2048xf32, #tpu.memory_space<vmem>>, vector<16xf32>,
    %add3A_641 = arith.addf %add3A_601, %sub3A_636 : vector<16xf32>
    %get3A_642 = arith.constant 1200 : index
    %get3A_643 = tpu.vector_load %arg7[%get3A_642] {strides = array<i32>} : memref<2048xf32, #tpu.memory_space<vmem>>, vector<16xf32>,
    %get3A_644 = vector.shape_cast %get3A_643 : vector<16xf32> to vector<16xf32>
    %mul3A_645 = arith.mulf %add3A_215, %get3A_644 : vector<16xf32>
    %add3A_646 = arith.addf %mul3A_645, %add3A_503 : vector<16xf32>
    %exp3A_647 = math.exp %add3A_646 : vector<16xf32>
    %add3A_648 = arith.constant 5.000000e-01 : f32
    %add3A_649 = vector.broadcast %add3A_648 : f32 to vector<16xf32>
    %add3A_650 = arith.addf %exp3A_647, %add3A_649 : vector<16xf32>
    %div3A_651 = arith.constant 1.000000e+00 : f32
    %div3A_652 = vector.broadcast %div3A_651 : f32 to vector<16xf32>
    %div3A_653 = arith.divf %div3A_652, %add3A_650 : vector<16xf32>
    %sub3A_654 = arith.constant 1.000000e+00 : f32
    %sub3A_655 = vector.broadcast %sub3A_654 : f32 to vector<16xf32>
    %sub3A_656 = arith.subf %sub3A_655, %div3A_653 : vector<16xf32>
    %swap3A_657 = arith.constant 1200 : index
    %swap3A_658 = tpu.vector_load %arg8[%swap3A_657] {strides = array<i32>} : memref<2048xf32, #tpu.memory_space<vmem>>, vector<16xf32>,
    %swap3A_659 = vector.shape_cast %swap3A_658 : vector<16xf32> to vector<16xf32>
    %swap3A_660 = vector.shape_cast %sub3A_656 : vector<16xf32> to vector<16xf32>
    tpu.vector_store %arg8[%swap3A_657], %swap3A_660 {strides = array<i32>} : memref<2048xf32, #tpu.memory_space<vmem>>, vector<16xf32>,
    %add3A_661 = arith.addf %add3A_621, %sub3A_656 : vector<16xf32>
    %iota3A_662 = tpu.iota {dimensions = array<i32: 0>} : vector<16xi32>
    %xor3A_663 = arith.constant 8 : i32
    %xor3A_664 = vector.broadcast %xor3A_663 : i32 to vector<16xi32>
    %xor3A_665 = arith.xori %iota3A_662, %xor3A_664 : vector<16xi32>
    %broadcast_in_dim3A_666 = vector.shape_cast %xor3A_665 : vector<16xi32> to vector<16x1xi32>
    %gather3A_667 = vector.shape_cast %broadcast_in_dim3A_666 : vector<16x1xi32> to vector<16xi32>
    %gather3A_668 = tpu.dynamic_gather %add3A_641[%gather3A_667] in [0] : vector<16xf32>, vector<16xi32> -> vector<16xf32>
    %add3A_669 = arith.addf %add3A_641, %gather3A_668 : vector<16xf32>
    %xor3A_670 = arith.constant 4 : i32
    %xor3A_671 = vector.broadcast %xor3A_670 : i32 to vector<16xi32>
    %xor3A_672 = arith.xori %iota3A_662, %xor3A_671 : vector<16xi32>
    %broadcast_in_dim3A_673 = vector.shape_cast %xor3A_672 : vector<16xi32> to vector<16x1xi32>
    %gather3A_674 = vector.shape_cast %broadcast_in_dim3A_673 : vector<16x1xi32> to vector<16xi32>
    %gather3A_675 = tpu.dynamic_gather %add3A_669[%gather3A_674] in [0] : vector<16xf32>, vector<16xi32> -> vector<16xf32>
    %add3A_676 = arith.addf %add3A_669, %gather3A_675 : vector<16xf32>
    %xor3A_677 = arith.constant 2 : i32
    %xor3A_678 = vector.broadcast %xor3A_677 : i32 to vector<16xi32>
    %xor3A_679 = arith.xori %iota3A_662, %xor3A_678 : vector<16xi32>
    %broadcast_in_dim3A_680 = vector.shape_cast %xor3A_679 : vector<16xi32> to vector<16x1xi32>
    %gather3A_681 = vector.shape_cast %broadcast_in_dim3A_680 : vector<16x1xi32> to vector<16xi32>
    %gather3A_682 = tpu.dynamic_gather %add3A_676[%gather3A_681] in [0] : vector<16xf32>, vector<16xi32> -> vector<16xf32>
    %add3A_683 = arith.addf %add3A_676, %gather3A_682 : vector<16xf32>
    %xor3A_684 = arith.constant 1 : i32
    %xor3A_685 = vector.broadcast %xor3A_684 : i32 to vector<16xi32>
    %xor3A_686 = arith.xori %iota3A_662, %xor3A_685 : vector<16xi32>
    %broadcast_in_dim3A_687 = vector.shape_cast %xor3A_686 : vector<16xi32> to vector<16x1xi32>
    %gather3A_688 = vector.shape_cast %broadcast_in_dim3A_687 : vector<16x1xi32> to vector<16xi32>
    %gather3A_689 = tpu.dynamic_gather %add3A_683[%gather3A_688] in [0] : vector<16xf32>, vector<16xi32> -> vector<16xf32>
    %add3A_690 = arith.addf %add3A_683, %gather3A_689 : vector<16xf32>
    %mul3A_691 = arith.mulf %mul3A_218, %add3A_690 : vector<16xf32>
    %add3A_692 = arith.addf %mul3A_691, %sub3A_222 : vector<16xf32>
    %iota3A_693 = tpu.iota {dimensions = array<i32: 0>} : vector<16xi32>
    %xor3A_694 = arith.constant 8 : i32
    %xor3A_695 = vector.broadcast %xor3A_694 : i32 to vector<16xi32>
    %xor3A_696 = arith.xori %iota3A_693, %xor3A_695 : vector<16xi32>
    %broadcast_in_dim3A_697 = vector.shape_cast %xor3A_696 : vector<16xi32> to vector<16x1xi32>
    %gather3A_698 = vector.shape_cast %broadcast_in_dim3A_697 : vector<16x1xi32> to vector<16xi32>
    %gather3A_699 = tpu.dynamic_gather %add3A_661[%gather3A_698] in [0] : vector<16xf32>, vector<16xi32> -> vector<16xf32>
    %add3A_700 = arith.addf %add3A_661, %gather3A_699 : vector<16xf32>
    %xor3A_701 = arith.constant 4 : i32
    %xor3A_702 = vector.broadcast %xor3A_701 : i32 to vector<16xi32>
    %xor3A_703 = arith.xori %iota3A_693, %xor3A_702 : vector<16xi32>
    %broadcast_in_dim3A_704 = vector.shape_cast %xor3A_703 : vector<16xi32> to vector<16x1xi32>
    %gather3A_705 = vector.shape_cast %broadcast_in_dim3A_704 : vector<16x1xi32> to vector<16xi32>
    %gather3A_706 = tpu.dynamic_gather %add3A_700[%gather3A_705] in [0] : vector<16xf32>, vector<16xi32> -> vector<16xf32>
    %add3A_707 = arith.addf %add3A_700, %gather3A_706 : vector<16xf32>
    %xor3A_708 = arith.constant 2 : i32
    %xor3A_709 = vector.broadcast %xor3A_708 : i32 to vector<16xi32>
    %xor3A_710 = arith.xori %iota3A_693, %xor3A_709 : vector<16xi32>
    %broadcast_in_dim3A_711 = vector.shape_cast %xor3A_710 : vector<16xi32> to vector<16x1xi32>
    %gather3A_712 = vector.shape_cast %broadcast_in_dim3A_711 : vector<16x1xi32> to vector<16xi32>
    %gather3A_713 = tpu.dynamic_gather %add3A_707[%gather3A_712] in [0] : vector<16xf32>, vector<16xi32> -> vector<16xf32>
    %add3A_714 = arith.addf %add3A_707, %gather3A_713 : vector<16xf32>
    %xor3A_715 = arith.constant 1 : i32
    %xor3A_716 = vector.broadcast %xor3A_715 : i32 to vector<16xi32>
    %xor3A_717 = arith.xori %iota3A_693, %xor3A_716 : vector<16xi32>
    %broadcast_in_dim3A_718 = vector.shape_cast %xor3A_717 : vector<16xi32> to vector<16x1xi32>
    %gather3A_719 = vector.shape_cast %broadcast_in_dim3A_718 : vector<16x1xi32> to vector<16xi32>
    %gather3A_720 = tpu.dynamic_gather %add3A_714[%gather3A_719] in [0] : vector<16xf32>, vector<16xi32> -> vector<16xf32>
    %add3A_721 = arith.addf %add3A_714, %gather3A_720 : vector<16xf32>
    %mul3A_722 = arith.mulf %mul3A_218, %add3A_721 : vector<16xf32>
    %add3A_723 = arith.addf %mul3A_722, %sub3A_222 : vector<16xf32>
    %get3A_724 = arith.constant 192 : index
    %get3A_725 = tpu.vector_load %arg7[%get3A_724] {strides = array<i32>} : memref<2048xf32, #tpu.memory_space<vmem>>, vector<16xf32>,
    %get3A_726 = vector.shape_cast %get3A_725 : vector<16xf32> to vector<16xf32>
    %mul3A_727 = arith.mulf %add3A_215, %get3A_726 : vector<16xf32>
    %add3A_728 = arith.addf %mul3A_727, %add3A_692 : vector<16xf32>
    %exp3A_729 = math.exp %add3A_728 : vector<16xf32>
    %add3A_730 = arith.constant 5.000000e-01 : f32
    %add3A_731 = vector.broadcast %add3A_730 : f32 to vector<16xf32>
    %add3A_732 = arith.addf %exp3A_729, %add3A_731 : vector<16xf32>
    %div3A_733 = arith.constant 1.000000e+00 : f32
    %div3A_734 = vector.broadcast %div3A_733 : f32 to vector<16xf32>
    %div3A_735 = arith.divf %div3A_734, %add3A_732 : vector<16xf32>
    %sub3A_736 = arith.constant 1.000000e+00 : f32
    %sub3A_737 = vector.broadcast %sub3A_736 : f32 to vector<16xf32>
    %sub3A_738 = arith.subf %sub3A_737, %div3A_735 : vector<16xf32>
    %swap3A_739 = arith.constant 192 : index
    %swap3A_740 = tpu.vector_load %arg8[%swap3A_739] {strides = array<i32>} : memref<2048xf32, #tpu.memory_space<vmem>>, vector<16xf32>,
    %swap3A_741 = vector.shape_cast %swap3A_740 : vector<16xf32> to vector<16xf32>
    %swap3A_742 = vector.shape_cast %sub3A_738 : vector<16xf32> to vector<16xf32>
    tpu.vector_store %arg8[%swap3A_739], %swap3A_742 {strides = array<i32>} : memref<2048xf32, #tpu.memory_space<vmem>>, vector<16xf32>,
    %get3A_743 = arith.constant 1216 : index
    %get3A_744 = tpu.vector_load %arg7[%get3A_743] {strides = array<i32>} : memref<2048xf32, #tpu.memory_space<vmem>>, vector<16xf32>,
    %get3A_745 = vector.shape_cast %get3A_744 : vector<16xf32> to vector<16xf32>
    %mul3A_746 = arith.mulf %add3A_215, %get3A_745 : vector<16xf32>
    %add3A_747 = arith.addf %mul3A_746, %add3A_723 : vector<16xf32>
    %exp3A_748 = math.exp %add3A_747 : vector<16xf32>
    %add3A_749 = arith.constant 5.000000e-01 : f32
    %add3A_750 = vector.broadcast %add3A_749 : f32 to vector<16xf32>
    %add3A_751 = arith.addf %exp3A_748, %add3A_750 : vector<16xf32>
    %div3A_752 = arith.constant 1.000000e+00 : f32
    %div3A_753 = vector.broadcast %div3A_752 : f32 to vector<16xf32>
    %div3A_754 = arith.divf %div3A_753, %add3A_751 : vector<16xf32>
    %sub3A_755 = arith.constant 1.000000e+00 : f32
    %sub3A_756 = vector.broadcast %sub3A_755 : f32 to vector<16xf32>
    %sub3A_757 = arith.subf %sub3A_756, %div3A_754 : vector<16xf32>
    %swap3A_758 = arith.constant 1216 : index
    %swap3A_759 = tpu.vector_load %arg8[%swap3A_758] {strides = array<i32>} : memref<2048xf32, #tpu.memory_space<vmem>>, vector<16xf32>,
    %swap3A_760 = vector.shape_cast %swap3A_759 : vector<16xf32> to vector<16xf32>
    %swap3A_761 = vector.shape_cast %sub3A_757 : vector<16xf32> to vector<16xf32>
    tpu.vector_store %arg8[%swap3A_758], %swap3A_761 {strides = array<i32>} : memref<2048xf32, #tpu.memory_space<vmem>>, vector<16xf32>,
    %get3A_762 = arith.constant 208 : index
    %get3A_763 = tpu.vector_load %arg7[%get3A_762] {strides = array<i32>} : memref<2048xf32, #tpu.memory_space<vmem>>, vector<16xf32>,
    %get3A_764 = vector.shape_cast %get3A_763 : vector<16xf32> to vector<16xf32>
    %mul3A_765 = arith.mulf %add3A_215, %get3A_764 : vector<16xf32>
    %add3A_766 = arith.addf %mul3A_765, %add3A_692 : vector<16xf32>
    %exp3A_767 = math.exp %add3A_766 : vector<16xf32>
    %add3A_768 = arith.constant 5.000000e-01 : f32
    %add3A_769 = vector.broadcast %add3A_768 : f32 to vector<16xf32>
    %add3A_770 = arith.addf %exp3A_767, %add3A_769 : vector<16xf32>
    %div3A_771 = arith.constant 1.000000e+00 : f32
    %div3A_772 = vector.broadcast %div3A_771 : f32 to vector<16xf32>
    %div3A_773 = arith.divf %div3A_772, %add3A_770 : vector<16xf32>
    %sub3A_774 = arith.constant 1.000000e+00 : f32
    %sub3A_775 = vector.broadcast %sub3A_774 : f32 to vector<16xf32>
    %sub3A_776 = arith.subf %sub3A_775, %div3A_773 : vector<16xf32>
    %swap3A_777 = arith.constant 208 : index
    %swap3A_778 = tpu.vector_load %arg8[%swap3A_777] {strides = array<i32>} : memref<2048xf32, #tpu.memory_space<vmem>>, vector<16xf32>,
    %swap3A_779 = vector.shape_cast %swap3A_778 : vector<16xf32> to vector<16xf32>
    %swap3A_780 = vector.shape_cast %sub3A_776 : vector<16xf32> to vector<16xf32>
    tpu.vector_store %arg8[%swap3A_777], %swap3A_780 {strides = array<i32>} : memref<2048xf32, #tpu.memory_space<vmem>>, vector<16xf32>,
    %add3A_781 = arith.addf %sub3A_738, %sub3A_776 : vector<16xf32>
    %get3A_782 = arith.constant 1232 : index
    %get3A_783 = tpu.vector_load %arg7[%get3A_782] {strides = array<i32>} : memref<2048xf32, #tpu.memory_space<vmem>>, vector<16xf32>,
    %get3A_784 = vector.shape_cast %get3A_783 : vector<16xf32> to vector<16xf32>
    %mul3A_785 = arith.mulf %add3A_215, %get3A_784 : vector<16xf32>
    %add3A_786 = arith.addf %mul3A_785, %add3A_723 : vector<16xf32>
    %exp3A_787 = math.exp %add3A_786 : vector<16xf32>
    %add3A_788 = arith.constant 5.000000e-01 : f32
    %add3A_789 = vector.broadcast %add3A_788 : f32 to vector<16xf32>
    %add3A_790 = arith.addf %exp3A_787, %add3A_789 : vector<16xf32>
    %div3A_791 = arith.constant 1.000000e+00 : f32
    %div3A_792 = vector.broadcast %div3A_791 : f32 to vector<16xf32>
    %div3A_793 = arith.divf %div3A_792, %add3A_790 : vector<16xf32>
    %sub3A_794 = arith.constant 1.000000e+00 : f32
    %sub3A_795 = vector.broadcast %sub3A_794 : f32 to vector<16xf32>
    %sub3A_796 = arith.subf %sub3A_795, %div3A_793 : vector<16xf32>
    %swap3A_797 = arith.constant 1232 : index
    %swap3A_798 = tpu.vector_load %arg8[%swap3A_797] {strides = array<i32>} : memref<2048xf32, #tpu.memory_space<vmem>>, vector<16xf32>,
    %swap3A_799 = vector.shape_cast %swap3A_798 : vector<16xf32> to vector<16xf32>
    %swap3A_800 = vector.shape_cast %sub3A_796 : vector<16xf32> to vector<16xf32>
    tpu.vector_store %arg8[%swap3A_797], %swap3A_800 {strides = array<i32>} : memref<2048xf32, #tpu.memory_space<vmem>>, vector<16xf32>,
    %add3A_801 = arith.addf %sub3A_757, %sub3A_796 : vector<16xf32>
    %get3A_802 = arith.constant 224 : index
    %get3A_803 = tpu.vector_load %arg7[%get3A_802] {strides = array<i32>} : memref<2048xf32, #tpu.memory_space<vmem>>, vector<16xf32>,
    %get3A_804 = vector.shape_cast %get3A_803 : vector<16xf32> to vector<16xf32>
    %mul3A_805 = arith.mulf %add3A_215, %get3A_804 : vector<16xf32>
    %add3A_806 = arith.addf %mul3A_805, %add3A_692 : vector<16xf32>
    %exp3A_807 = math.exp %add3A_806 : vector<16xf32>
    %add3A_808 = arith.constant 5.000000e-01 : f32
    %add3A_809 = vector.broadcast %add3A_808 : f32 to vector<16xf32>
    %add3A_810 = arith.addf %exp3A_807, %add3A_809 : vector<16xf32>
    %div3A_811 = arith.constant 1.000000e+00 : f32
    %div3A_812 = vector.broadcast %div3A_811 : f32 to vector<16xf32>
    %div3A_813 = arith.divf %div3A_812, %add3A_810 : vector<16xf32>
    %sub3A_814 = arith.constant 1.000000e+00 : f32
    %sub3A_815 = vector.broadcast %sub3A_814 : f32 to vector<16xf32>
    %sub3A_816 = arith.subf %sub3A_815, %div3A_813 : vector<16xf32>
    %swap3A_817 = arith.constant 224 : index
    %swap3A_818 = tpu.vector_load %arg8[%swap3A_817] {strides = array<i32>} : memref<2048xf32, #tpu.memory_space<vmem>>, vector<16xf32>,
    %swap3A_819 = vector.shape_cast %swap3A_818 : vector<16xf32> to vector<16xf32>
    %swap3A_820 = vector.shape_cast %sub3A_816 : vector<16xf32> to vector<16xf32>
    tpu.vector_store %arg8[%swap3A_817], %swap3A_820 {strides = array<i32>} : memref<2048xf32, #tpu.memory_space<vmem>>, vector<16xf32>,
    %add3A_821 = arith.addf %add3A_781, %sub3A_816 : vector<16xf32>
    %get3A_822 = arith.constant 1248 : index
    %get3A_823 = tpu.vector_load %arg7[%get3A_822] {strides = array<i32>} : memref<2048xf32, #tpu.memory_space<vmem>>, vector<16xf32>,
    %get3A_824 = vector.shape_cast %get3A_823 : vector<16xf32> to vector<16xf32>
    %mul3A_825 = arith.mulf %add3A_215, %get3A_824 : vector<16xf32>
    %add3A_826 = arith.addf %mul3A_825, %add3A_723 : vector<16xf32>
    %exp3A_827 = math.exp %add3A_826 : vector<16xf32>
    %add3A_828 = arith.constant 5.000000e-01 : f32
    %add3A_829 = vector.broadcast %add3A_828 : f32 to vector<16xf32>
    %add3A_830 = arith.addf %exp3A_827, %add3A_829 : vector<16xf32>
    %div3A_831 = arith.constant 1.000000e+00 : f32
    %div3A_832 = vector.broadcast %div3A_831 : f32 to vector<16xf32>
    %div3A_833 = arith.divf %div3A_832, %add3A_830 : vector<16xf32>
    %sub3A_834 = arith.constant 1.000000e+00 : f32
    %sub3A_835 = vector.broadcast %sub3A_834 : f32 to vector<16xf32>
    %sub3A_836 = arith.subf %sub3A_835, %div3A_833 : vector<16xf32>
    %swap3A_837 = arith.constant 1248 : index
    %swap3A_838 = tpu.vector_load %arg8[%swap3A_837] {strides = array<i32>} : memref<2048xf32, #tpu.memory_space<vmem>>, vector<16xf32>,
    %swap3A_839 = vector.shape_cast %swap3A_838 : vector<16xf32> to vector<16xf32>
    %swap3A_840 = vector.shape_cast %sub3A_836 : vector<16xf32> to vector<16xf32>
    tpu.vector_store %arg8[%swap3A_837], %swap3A_840 {strides = array<i32>} : memref<2048xf32, #tpu.memory_space<vmem>>, vector<16xf32>,
    %add3A_841 = arith.addf %add3A_801, %sub3A_836 : vector<16xf32>
    %get3A_842 = arith.constant 240 : index
    %get3A_843 = tpu.vector_load %arg7[%get3A_842] {strides = array<i32>} : memref<2048xf32, #tpu.memory_space<vmem>>, vector<16xf32>,
    %get3A_844 = vector.shape_cast %get3A_843 : vector<16xf32> to vector<16xf32>
    %mul3A_845 = arith.mulf %add3A_215, %get3A_844 : vector<16xf32>
    %add3A_846 = arith.addf %mul3A_845, %add3A_692 : vector<16xf32>
    %exp3A_847 = math.exp %add3A_846 : vector<16xf32>
    %add3A_848 = arith.constant 5.000000e-01 : f32
    %add3A_849 = vector.broadcast %add3A_848 : f32 to vector<16xf32>
    %add3A_850 = arith.addf %exp3A_847, %add3A_849 : vector<16xf32>
    %div3A_851 = arith.constant 1.000000e+00 : f32
    %div3A_852 = vector.broadcast %div3A_851 : f32 to vector<16xf32>
    %div3A_853 = arith.divf %div3A_852, %add3A_850 : vector<16xf32>
    %sub3A_854 = arith.constant 1.000000e+00 : f32
    %sub3A_855 = vector.broadcast %sub3A_854 : f32 to vector<16xf32>
    %sub3A_856 = arith.subf %sub3A_855, %div3A_853 : vector<16xf32>
    %swap3A_857 = arith.constant 240 : index
    %swap3A_858 = tpu.vector_load %arg8[%swap3A_857] {strides = array<i32>} : memref<2048xf32, #tpu.memory_space<vmem>>, vector<16xf32>,
    %swap3A_859 = vector.shape_cast %swap3A_858 : vector<16xf32> to vector<16xf32>
    %swap3A_860 = vector.shape_cast %sub3A_856 : vector<16xf32> to vector<16xf32>
    tpu.vector_store %arg8[%swap3A_857], %swap3A_860 {strides = array<i32>} : memref<2048xf32, #tpu.memory_space<vmem>>, vector<16xf32>,
    %add3A_861 = arith.addf %add3A_821, %sub3A_856 : vector<16xf32>
    %get3A_862 = arith.constant 1264 : index
    %get3A_863 = tpu.vector_load %arg7[%get3A_862] {strides = array<i32>} : memref<2048xf32, #tpu.memory_space<vmem>>, vector<16xf32>,
    %get3A_864 = vector.shape_cast %get3A_863 : vector<16xf32> to vector<16xf32>
    %mul3A_865 = arith.mulf %add3A_215, %get3A_864 : vector<16xf32>
    %add3A_866 = arith.addf %mul3A_865, %add3A_723 : vector<16xf32>
    %exp3A_867 = math.exp %add3A_866 : vector<16xf32>
    %add3A_868 = arith.constant 5.000000e-01 : f32
    %add3A_869 = vector.broadcast %add3A_868 : f32 to vector<16xf32>
    %add3A_870 = arith.addf %exp3A_867, %add3A_869 : vector<16xf32>
    %div3A_871 = arith.constant 1.000000e+00 : f32
    %div3A_872 = vector.broadcast %div3A_871 : f32 to vector<16xf32>
    %div3A_873 = arith.divf %div3A_872, %add3A_870 : vector<16xf32>
    %sub3A_874 = arith.constant 1.000000e+00 : f32
    %sub3A_875 = vector.broadcast %sub3A_874 : f32 to vector<16xf32>
    %sub3A_876 = arith.subf %sub3A_875, %div3A_873 : vector<16xf32>
    %swap3A_877 = arith.constant 1264 : index
    %swap3A_878 = tpu.vector_load %arg8[%swap3A_877] {strides = array<i32>} : memref<2048xf32, #tpu.memory_space<vmem>>, vector<16xf32>,
    %swap3A_879 = vector.shape_cast %swap3A_878 : vector<16xf32> to vector<16xf32>
    %swap3A_880 = vector.shape_cast %sub3A_876 : vector<16xf32> to vector<16xf32>
    tpu.vector_store %arg8[%swap3A_877], %swap3A_880 {strides = array<i32>} : memref<2048xf32, #tpu.memory_space<vmem>>, vector<16xf32>,
    %add3A_881 = arith.addf %add3A_841, %sub3A_876 : vector<16xf32>
    %iota3A_882 = tpu.iota {dimensions = array<i32: 0>} : vector<16xi32>
    %xor3A_883 = arith.constant 8 : i32
    %xor3A_884 = vector.broadcast %xor3A_883 : i32 to vector<16xi32>
    %xor3A_885 = arith.xori %iota3A_882, %xor3A_884 : vector<16xi32>
    %broadcast_in_dim3A_886 = vector.shape_cast %xor3A_885 : vector<16xi32> to vector<16x1xi32>
    %gather3A_887 = vector.shape_cast %broadcast_in_dim3A_886 : vector<16x1xi32> to vector<16xi32>
    %gather3A_888 = tpu.dynamic_gather %add3A_861[%gather3A_887] in [0] : vector<16xf32>, vector<16xi32> -> vector<16xf32>
    %add3A_889 = arith.addf %add3A_861, %gather3A_888 : vector<16xf32>
    %xor3A_890 = arith.constant 4 : i32
    %xor3A_891 = vector.broadcast %xor3A_890 : i32 to vector<16xi32>
    %xor3A_892 = arith.xori %iota3A_882, %xor3A_891 : vector<16xi32>
    %broadcast_in_dim3A_893 = vector.shape_cast %xor3A_892 : vector<16xi32> to vector<16x1xi32>
    %gather3A_894 = vector.shape_cast %broadcast_in_dim3A_893 : vector<16x1xi32> to vector<16xi32>
    %gather3A_895 = tpu.dynamic_gather %add3A_889[%gather3A_894] in [0] : vector<16xf32>, vector<16xi32> -> vector<16xf32>
    %add3A_896 = arith.addf %add3A_889, %gather3A_895 : vector<16xf32>
    %xor3A_897 = arith.constant 2 : i32
    %xor3A_898 = vector.broadcast %xor3A_897 : i32 to vector<16xi32>
    %xor3A_899 = arith.xori %iota3A_882, %xor3A_898 : vector<16xi32>
    %broadcast_in_dim3A_900 = vector.shape_cast %xor3A_899 : vector<16xi32> to vector<16x1xi32>
    %gather3A_901 = vector.shape_cast %broadcast_in_dim3A_900 : vector<16x1xi32> to vector<16xi32>
    %gather3A_902 = tpu.dynamic_gather %add3A_896[%gather3A_901] in [0] : vector<16xf32>, vector<16xi32> -> vector<16xf32>
    %add3A_903 = arith.addf %add3A_896, %gather3A_902 : vector<16xf32>
    %xor3A_904 = arith.constant 1 : i32
    %xor3A_905 = vector.broadcast %xor3A_904 : i32 to vector<16xi32>
    %xor3A_906 = arith.xori %iota3A_882, %xor3A_905 : vector<16xi32>
    %broadcast_in_dim3A_907 = vector.shape_cast %xor3A_906 : vector<16xi32> to vector<16x1xi32>
    %gather3A_908 = vector.shape_cast %broadcast_in_dim3A_907 : vector<16x1xi32> to vector<16xi32>
    %gather3A_909 = tpu.dynamic_gather %add3A_903[%gather3A_908] in [0] : vector<16xf32>, vector<16xi32> -> vector<16xf32>
    %add3A_910 = arith.addf %add3A_903, %gather3A_909 : vector<16xf32>
    %mul3A_911 = arith.mulf %mul3A_218, %add3A_910 : vector<16xf32>
    %add3A_912 = arith.addf %mul3A_911, %sub3A_222 : vector<16xf32>
    %iota3A_913 = tpu.iota {dimensions = array<i32: 0>} : vector<16xi32>
    %xor3A_914 = arith.constant 8 : i32
    %xor3A_915 = vector.broadcast %xor3A_914 : i32 to vector<16xi32>
    %xor3A_916 = arith.xori %iota3A_913, %xor3A_915 : vector<16xi32>
    %broadcast_in_dim3A_917 = vector.shape_cast %xor3A_916 : vector<16xi32> to vector<16x1xi32>
    %gather3A_918 = vector.shape_cast %broadcast_in_dim3A_917 : vector<16x1xi32> to vector<16xi32>
    %gather3A_919 = tpu.dynamic_gather %add3A_881[%gather3A_918] in [0] : vector<16xf32>, vector<16xi32> -> vector<16xf32>
    %add3A_920 = arith.addf %add3A_881, %gather3A_919 : vector<16xf32>
    %xor3A_921 = arith.constant 4 : i32
    %xor3A_922 = vector.broadcast %xor3A_921 : i32 to vector<16xi32>
    %xor3A_923 = arith.xori %iota3A_913, %xor3A_922 : vector<16xi32>
    %broadcast_in_dim3A_924 = vector.shape_cast %xor3A_923 : vector<16xi32> to vector<16x1xi32>
    %gather3A_925 = vector.shape_cast %broadcast_in_dim3A_924 : vector<16x1xi32> to vector<16xi32>
    %gather3A_926 = tpu.dynamic_gather %add3A_920[%gather3A_925] in [0] : vector<16xf32>, vector<16xi32> -> vector<16xf32>
    %add3A_927 = arith.addf %add3A_920, %gather3A_926 : vector<16xf32>
    %xor3A_928 = arith.constant 2 : i32
    %xor3A_929 = vector.broadcast %xor3A_928 : i32 to vector<16xi32>
    %xor3A_930 = arith.xori %iota3A_913, %xor3A_929 : vector<16xi32>
    %broadcast_in_dim3A_931 = vector.shape_cast %xor3A_930 : vector<16xi32> to vector<16x1xi32>
    %gather3A_932 = vector.shape_cast %broadcast_in_dim3A_931 : vector<16x1xi32> to vector<16xi32>
    %gather3A_933 = tpu.dynamic_gather %add3A_927[%gather3A_932] in [0] : vector<16xf32>, vector<16xi32> -> vector<16xf32>
    %add3A_934 = arith.addf %add3A_927, %gather3A_933 : vector<16xf32>
    %xor3A_935 = arith.constant 1 : i32
    %xor3A_936 = vector.broadcast %xor3A_935 : i32 to vector<16xi32>
    %xor3A_937 = arith.xori %iota3A_913, %xor3A_936 : vector<16xi32>
    %broadcast_in_dim3A_938 = vector.shape_cast %xor3A_937 : vector<16xi32> to vector<16x1xi32>
    %gather3A_939 = vector.shape_cast %broadcast_in_dim3A_938 : vector<16x1xi32> to vector<16xi32>
    %gather3A_940 = tpu.dynamic_gather %add3A_934[%gather3A_939] in [0] : vector<16xf32>, vector<16xi32> -> vector<16xf32>
    %add3A_941 = arith.addf %add3A_934, %gather3A_940 : vector<16xf32>
    %mul3A_942 = arith.mulf %mul3A_218, %add3A_941 : vector<16xf32>
    %add3A_943 = arith.addf %mul3A_942, %sub3A_222 : vector<16xf32>
    %get3A_944 = arith.constant 256 : index
    %get3A_945 = tpu.vector_load %arg7[%get3A_944] {strides = array<i32>} : memref<2048xf32, #tpu.memory_space<vmem>>, vector<16xf32>,
    %get3A_946 = vector.shape_cast %get3A_945 : vector<16xf32> to vector<16xf32>
    %mul3A_947 = arith.mulf %add3A_215, %get3A_946 : vector<16xf32>
    %add3A_948 = arith.addf %mul3A_947, %add3A_912 : vector<16xf32>
    %exp3A_949 = math.exp %add3A_948 : vector<16xf32>
    %add3A_950 = arith.constant 5.000000e-01 : f32
    %add3A_951 = vector.broadcast %add3A_950 : f32 to vector<16xf32>
    %add3A_952 = arith.addf %exp3A_949, %add3A_951 : vector<16xf32>
    %div3A_953 = arith.constant 1.000000e+00 : f32
    %div3A_954 = vector.broadcast %div3A_953 : f32 to vector<16xf32>
    %div3A_955 = arith.divf %div3A_954, %add3A_952 : vector<16xf32>
    %sub3A_956 = arith.constant 1.000000e+00 : f32
    %sub3A_957 = vector.broadcast %sub3A_956 : f32 to vector<16xf32>
    %sub3A_958 = arith.subf %sub3A_957, %div3A_955 : vector<16xf32>
    %swap3A_959 = arith.constant 256 : index
    %swap3A_960 = tpu.vector_load %arg8[%swap3A_959] {strides = array<i32>} : memref<2048xf32, #tpu.memory_space<vmem>>, vector<16xf32>,
    %swap3A_961 = vector.shape_cast %swap3A_960 : vector<16xf32> to vector<16xf32>
    %swap3A_962 = vector.shape_cast %sub3A_958 : vector<16xf32> to vector<16xf32>
    tpu.vector_store %arg8[%swap3A_959], %swap3A_962 {strides = array<i32>} : memref<2048xf32, #tpu.memory_space<vmem>>, vector<16xf32>,
    %get3A_963 = arith.constant 1280 : index
    %get3A_964 = tpu.vector_load %arg7[%get3A_963] {strides = array<i32>} : memref<2048xf32, #tpu.memory_space<vmem>>, vector<16xf32>,
    %get3A_965 = vector.shape_cast %get3A_964 : vector<16xf32> to vector<16xf32>
    %mul3A_966 = arith.mulf %add3A_215, %get3A_965 : vector<16xf32>
    %add3A_967 = arith.addf %mul3A_966, %add3A_943 : vector<16xf32>
    %exp3A_968 = math.exp %add3A_967 : vector<16xf32>
    %add3A_969 = arith.constant 5.000000e-01 : f32
    %add3A_970 = vector.broadcast %add3A_969 : f32 to vector<16xf32>
    %add3A_971 = arith.addf %exp3A_968, %add3A_970 : vector<16xf32>
    %div3A_972 = arith.constant 1.000000e+00 : f32
    %div3A_973 = vector.broadcast %div3A_972 : f32 to vector<16xf32>
    %div3A_974 = arith.divf %div3A_973, %add3A_971 : vector<16xf32>
    %sub3A_975 = arith.constant 1.000000e+00 : f32
    %sub3A_976 = vector.broadcast %sub3A_975 : f32 to vector<16xf32>
    %sub3A_977 = arith.subf %sub3A_976, %div3A_974 : vector<16xf32>
    %swap3A_978 = arith.constant 1280 : index
    %swap3A_979 = tpu.vector_load %arg8[%swap3A_978] {strides = array<i32>} : memref<2048xf32, #tpu.memory_space<vmem>>, vector<16xf32>,
    %swap3A_980 = vector.shape_cast %swap3A_979 : vector<16xf32> to vector<16xf32>
    %swap3A_981 = vector.shape_cast %sub3A_977 : vector<16xf32> to vector<16xf32>
    tpu.vector_store %arg8[%swap3A_978], %swap3A_981 {strides = array<i32>} : memref<2048xf32, #tpu.memory_space<vmem>>, vector<16xf32>,
    %get3A_982 = arith.constant 272 : index
    %get3A_983 = tpu.vector_load %arg7[%get3A_982] {strides = array<i32>} : memref<2048xf32, #tpu.memory_space<vmem>>, vector<16xf32>,
    %get3A_984 = vector.shape_cast %get3A_983 : vector<16xf32> to vector<16xf32>
    %mul3A_985 = arith.mulf %add3A_215, %get3A_984 : vector<16xf32>
    %add3A_986 = arith.addf %mul3A_985, %add3A_912 : vector<16xf32>
    %exp3A_987 = math.exp %add3A_986 : vector<16xf32>
    %add3A_988 = arith.constant 5.000000e-01 : f32
    %add3A_989 = vector.broadcast %add3A_988 : f32 to vector<16xf32>
    %add3A_990 = arith.addf %exp3A_987, %add3A_989 : vector<16xf32>
    %div3A_991 = arith.constant 1.000000e+00 : f32
    %div3A_992 = vector.broadcast %div3A_991 : f32 to vector<16xf32>
    %div3A_993 = arith.divf %div3A_992, %add3A_990 : vector<16xf32>
    %sub3A_994 = arith.constant 1.000000e+00 : f32
    %sub3A_995 = vector.broadcast %sub3A_994 : f32 to vector<16xf32>
    %sub3A_996 = arith.subf %sub3A_995, %div3A_993 : vector<16xf32>
    %swap3A_997 = arith.constant 272 : index
    %swap3A_998 = tpu.vector_load %arg8[%swap3A_997] {strides = array<i32>} : memref<2048xf32, #tpu.memory_space<vmem>>, vector<16xf32>,
    %swap3A_999 = vector.shape_cast %swap3A_998 : vector<16xf32> to vector<16xf32>
    %swap3A_1000 = vector.shape_cast %sub3A_996 : vector<16xf32> to vector<16xf32>
    tpu.vector_store %arg8[%swap3A_997], %swap3A_1000 {strides = array<i32>} : memref<2048xf32, #tpu.memory_space<vmem>>, vector<16xf32>,
    %add3A_1001 = arith.addf %sub3A_958, %sub3A_996 : vector<16xf32>
    %get3A_1002 = arith.constant 1296 : index
    %get3A_1003 = tpu.vector_load %arg7[%get3A_1002] {strides = array<i32>} : memref<2048xf32, #tpu.memory_space<vmem>>, vector<16xf32>,
    %get3A_1004 = vector.shape_cast %get3A_1003 : vector<16xf32> to vector<16xf32>
    %mul3A_1005 = arith.mulf %add3A_215, %get3A_1004 : vector<16xf32>
    %add3A_1006 = arith.addf %mul3A_1005, %add3A_943 : vector<16xf32>
    %exp3A_1007 = math.exp %add3A_1006 : vector<16xf32>
    %add3A_1008 = arith.constant 5.000000e-01 : f32
    %add3A_1009 = vector.broadcast %add3A_1008 : f32 to vector<16xf32>
    %add3A_1010 = arith.addf %exp3A_1007, %add3A_1009 : vector<16xf32>
    %div3A_1011 = arith.constant 1.000000e+00 : f32
    %div3A_1012 = vector.broadcast %div3A_1011 : f32 to vector<16xf32>
    %div3A_1013 = arith.divf %div3A_1012, %add3A_1010 : vector<16xf32>
    %sub3A_1014 = arith.constant 1.000000e+00 : f32
    %sub3A_1015 = vector.broadcast %sub3A_1014 : f32 to vector<16xf32>
    %sub3A_1016 = arith.subf %sub3A_1015, %div3A_1013 : vector<16xf32>
    %swap3A_1017 = arith.constant 1296 : index
    %swap3A_1018 = tpu.vector_load %arg8[%swap3A_1017] {strides = array<i32>} : memref<2048xf32, #tpu.memory_space<vmem>>, vector<16xf32>,
    %swap3A_1019 = vector.shape_cast %swap3A_1018 : vector<16xf32> to vector<16xf32>
    %swap3A_1020 = vector.shape_cast %sub3A_1016 : vector<16xf32> to vector<16xf32>
    tpu.vector_store %arg8[%swap3A_1017], %swap3A_1020 {strides = array<i32>} : memref<2048xf32, #tpu.memory_space<vmem>>, vector<16xf32>,
    %add3A_1021 = arith.addf %sub3A_977, %sub3A_1016 : vector<16xf32>
    %get3A_1022 = arith.constant 288 : index
    %get3A_1023 = tpu.vector_load %arg7[%get3A_1022] {strides = array<i32>} : memref<2048xf32, #tpu.memory_space<vmem>>, vector<16xf32>,
    %get3A_1024 = vector.shape_cast %get3A_1023 : vector<16xf32> to vector<16xf32>
    %mul3A_1025 = arith.mulf %add3A_215, %get3A_1024 : vector<16xf32>
    %add3A_1026 = arith.addf %mul3A_1025, %add3A_912 : vector<16xf32>
    %exp3A_1027 = math.exp %add3A_1026 : vector<16xf32>
    %add3A_1028 = arith.constant 5.000000e-01 : f32
    %add3A_1029 = vector.broadcast %add3A_1028 : f32 to vector<16xf32>
    %add3A_1030 = arith.addf %exp3A_1027, %add3A_1029 : vector<16xf32>
    %div3A_1031 = arith.constant 1.000000e+00 : f32
    %div3A_1032 = vector.broadcast %div3A_1031 : f32 to vector<16xf32>
    %div3A_1033 = arith.divf %div3A_1032, %add3A_1030 : vector<16xf32>
    %sub3A_1034 = arith.constant 1.000000e+00 : f32
    %sub3A_1035 = vector.broadcast %sub3A_1034 : f32 to vector<16xf32>
    %sub3A_1036 = arith.subf %sub3A_1035, %div3A_1033 : vector<16xf32>
    %swap3A_1037 = arith.constant 288 : index
    %swap3A_1038 = tpu.vector_load %arg8[%swap3A_1037] {strides = array<i32>} : memref<2048xf32, #tpu.memory_space<vmem>>, vector<16xf32>,
    %swap3A_1039 = vector.shape_cast %swap3A_1038 : vector<16xf32> to vector<16xf32>
    %swap3A_1040 = vector.shape_cast %sub3A_1036 : vector<16xf32> to vector<16xf32>
    tpu.vector_store %arg8[%swap3A_1037], %swap3A_1040 {strides = array<i32>} : memref<2048xf32, #tpu.memory_space<vmem>>, vector<16xf32>,
    %add3A_1041 = arith.addf %add3A_1001, %sub3A_1036 : vector<16xf32>
    %get3A_1042 = arith.constant 1312 : index
    %get3A_1043 = tpu.vector_load %arg7[%get3A_1042] {strides = array<i32>} : memref<2048xf32, #tpu.memory_space<vmem>>, vector<16xf32>,
    %get3A_1044 = vector.shape_cast %get3A_1043 : vector<16xf32> to vector<16xf32>
    %mul3A_1045 = arith.mulf %add3A_215, %get3A_1044 : vector<16xf32>
    %add3A_1046 = arith.addf %mul3A_1045, %add3A_943 : vector<16xf32>
    %exp3A_1047 = math.exp %add3A_1046 : vector<16xf32>
    %add3A_1048 = arith.constant 5.000000e-01 : f32
    %add3A_1049 = vector.broadcast %add3A_1048 : f32 to vector<16xf32>
    %add3A_1050 = arith.addf %exp3A_1047, %add3A_1049 : vector<16xf32>
    %div3A_1051 = arith.constant 1.000000e+00 : f32
    %div3A_1052 = vector.broadcast %div3A_1051 : f32 to vector<16xf32>
    %div3A_1053 = arith.divf %div3A_1052, %add3A_1050 : vector<16xf32>
    %sub3A_1054 = arith.constant 1.000000e+00 : f32
    %sub3A_1055 = vector.broadcast %sub3A_1054 : f32 to vector<16xf32>
    %sub3A_1056 = arith.subf %sub3A_1055, %div3A_1053 : vector<16xf32>
    %swap3A_1057 = arith.constant 1312 : index
    %swap3A_1058 = tpu.vector_load %arg8[%swap3A_1057] {strides = array<i32>} : memref<2048xf32, #tpu.memory_space<vmem>>, vector<16xf32>,
    %swap3A_1059 = vector.shape_cast %swap3A_1058 : vector<16xf32> to vector<16xf32>
    %swap3A_1060 = vector.shape_cast %sub3A_1056 : vector<16xf32> to vector<16xf32>
    tpu.vector_store %arg8[%swap3A_1057], %swap3A_1060 {strides = array<i32>} : memref<2048xf32, #tpu.memory_space<vmem>>, vector<16xf32>,
    %add3A_1061 = arith.addf %add3A_1021, %sub3A_1056 : vector<16xf32>
    %get3A_1062 = arith.constant 304 : index
    %get3A_1063 = tpu.vector_load %arg7[%get3A_1062] {strides = array<i32>} : memref<2048xf32, #tpu.memory_space<vmem>>, vector<16xf32>,
    %get3A_1064 = vector.shape_cast %get3A_1063 : vector<16xf32> to vector<16xf32>
    %mul3A_1065 = arith.mulf %add3A_215, %get3A_1064 : vector<16xf32>
    %add3A_1066 = arith.addf %mul3A_1065, %add3A_912 : vector<16xf32>
    %exp3A_1067 = math.exp %add3A_1066 : vector<16xf32>
    %add3A_1068 = arith.constant 5.000000e-01 : f32
    %add3A_1069 = vector.broadcast %add3A_1068 : f32 to vector<16xf32>
    %add3A_1070 = arith.addf %exp3A_1067, %add3A_1069 : vector<16xf32>
    %div3A_1071 = arith.constant 1.000000e+00 : f32
    %div3A_1072 = vector.broadcast %div3A_1071 : f32 to vector<16xf32>
    %div3A_1073 = arith.divf %div3A_1072, %add3A_1070 : vector<16xf32>
    %sub3A_1074 = arith.constant 1.000000e+00 : f32
    %sub3A_1075 = vector.broadcast %sub3A_1074 : f32 to vector<16xf32>
    %sub3A_1076 = arith.subf %sub3A_1075, %div3A_1073 : vector<16xf32>
    %swap3A_1077 = arith.constant 304 : index
    %swap3A_1078 = tpu.vector_load %arg8[%swap3A_1077] {strides = array<i32>} : memref<2048xf32, #tpu.memory_space<vmem>>, vector<16xf32>,
    %swap3A_1079 = vector.shape_cast %swap3A_1078 : vector<16xf32> to vector<16xf32>
    %swap3A_1080 = vector.shape_cast %sub3A_1076 : vector<16xf32> to vector<16xf32>
    tpu.vector_store %arg8[%swap3A_1077], %swap3A_1080 {strides = array<i32>} : memref<2048xf32, #tpu.memory_space<vmem>>, vector<16xf32>,
    %add3A_1081 = arith.addf %add3A_1041, %sub3A_1076 : vector<16xf32>
    %get3A_1082 = arith.constant 1328 : index
    %get3A_1083 = tpu.vector_load %arg7[%get3A_1082] {strides = array<i32>} : memref<2048xf32, #tpu.memory_space<vmem>>, vector<16xf32>,
    %get3A_1084 = vector.shape_cast %get3A_1083 : vector<16xf32> to vector<16xf32>
    %mul3A_1085 = arith.mulf %add3A_215, %get3A_1084 : vector<16xf32>
    %add3A_1086 = arith.addf %mul3A_1085, %add3A_943 : vector<16xf32>
    %exp3A_1087 = math.exp %add3A_1086 : vector<16xf32>
    %add3A_1088 = arith.constant 5.000000e-01 : f32
    %add3A_1089 = vector.broadcast %add3A_1088 : f32 to vector<16xf32>
    %add3A_1090 = arith.addf %exp3A_1087, %add3A_1089 : vector<16xf32>
    %div3A_1091 = arith.constant 1.000000e+00 : f32
    %div3A_1092 = vector.broadcast %div3A_1091 : f32 to vector<16xf32>
    %div3A_1093 = arith.divf %div3A_1092, %add3A_1090 : vector<16xf32>
    %sub3A_1094 = arith.constant 1.000000e+00 : f32
    %sub3A_1095 = vector.broadcast %sub3A_1094 : f32 to vector<16xf32>
    %sub3A_1096 = arith.subf %sub3A_1095, %div3A_1093 : vector<16xf32>
    %swap3A_1097 = arith.constant 1328 : index
    %swap3A_1098 = tpu.vector_load %arg8[%swap3A_1097] {strides = array<i32>} : memref<2048xf32, #tpu.memory_space<vmem>>, vector<16xf32>,
    %swap3A_1099 = vector.shape_cast %swap3A_1098 : vector<16xf32> to vector<16xf32>
    %swap3A_1100 = vector.shape_cast %sub3A_1096 : vector<16xf32> to vector<16xf32>
    tpu.vector_store %arg8[%swap3A_1097], %swap3A_1100 {strides = array<i32>} : memref<2048xf32, #tpu.memory_space<vmem>>, vector<16xf32>,
    %add3A_1101 = arith.addf %add3A_1061, %sub3A_1096 : vector<16xf32>
    %iota3A_1102 = tpu.iota {dimensions = array<i32: 0>} : vector<16xi32>
    %xor3A_1103 = arith.constant 8 : i32
    %xor3A_1104 = vector.broadcast %xor3A_1103 : i32 to vector<16xi32>
    %xor3A_1105 = arith.xori %iota3A_1102, %xor3A_1104 : vector<16xi32>
    %broadcast_in_dim3A_1106 = vector.shape_cast %xor3A_1105 : vector<16xi32> to vector<16x1xi32>
    %gather3A_1107 = vector.shape_cast %broadcast_in_dim3A_1106 : vector<16x1xi32> to vector<16xi32>
    %gather3A_1108 = tpu.dynamic_gather %add3A_1081[%gather3A_1107] in [0] : vector<16xf32>, vector<16xi32> -> vector<16xf32>
    %add3A_1109 = arith.addf %add3A_1081, %gather3A_1108 : vector<16xf32>
    %xor3A_1110 = arith.constant 4 : i32
    %xor3A_1111 = vector.broadcast %xor3A_1110 : i32 to vector<16xi32>
    %xor3A_1112 = arith.xori %iota3A_1102, %xor3A_1111 : vector<16xi32>
    %broadcast_in_dim3A_1113 = vector.shape_cast %xor3A_1112 : vector<16xi32> to vector<16x1xi32>
    %gather3A_1114 = vector.shape_cast %broadcast_in_dim3A_1113 : vector<16x1xi32> to vector<16xi32>
    %gather3A_1115 = tpu.dynamic_gather %add3A_1109[%gather3A_1114] in [0] : vector<16xf32>, vector<16xi32> -> vector<16xf32>
    %add3A_1116 = arith.addf %add3A_1109, %gather3A_1115 : vector<16xf32>
    %xor3A_1117 = arith.constant 2 : i32
    %xor3A_1118 = vector.broadcast %xor3A_1117 : i32 to vector<16xi32>
    %xor3A_1119 = arith.xori %iota3A_1102, %xor3A_1118 : vector<16xi32>
    %broadcast_in_dim3A_1120 = vector.shape_cast %xor3A_1119 : vector<16xi32> to vector<16x1xi32>
    %gather3A_1121 = vector.shape_cast %broadcast_in_dim3A_1120 : vector<16x1xi32> to vector<16xi32>
    %gather3A_1122 = tpu.dynamic_gather %add3A_1116[%gather3A_1121] in [0] : vector<16xf32>, vector<16xi32> -> vector<16xf32>
    %add3A_1123 = arith.addf %add3A_1116, %gather3A_1122 : vector<16xf32>
    %xor3A_1124 = arith.constant 1 : i32
    %xor3A_1125 = vector.broadcast %xor3A_1124 : i32 to vector<16xi32>
    %xor3A_1126 = arith.xori %iota3A_1102, %xor3A_1125 : vector<16xi32>
    %broadcast_in_dim3A_1127 = vector.shape_cast %xor3A_1126 : vector<16xi32> to vector<16x1xi32>
    %gather3A_1128 = vector.shape_cast %broadcast_in_dim3A_1127 : vector<16x1xi32> to vector<16xi32>
    %gather3A_1129 = tpu.dynamic_gather %add3A_1123[%gather3A_1128] in [0] : vector<16xf32>, vector<16xi32> -> vector<16xf32>
    %add3A_1130 = arith.addf %add3A_1123, %gather3A_1129 : vector<16xf32>
    %mul3A_1131 = arith.mulf %mul3A_218, %add3A_1130 : vector<16xf32>
    %add3A_1132 = arith.addf %mul3A_1131, %sub3A_222 : vector<16xf32>
    %iota3A_1133 = tpu.iota {dimensions = array<i32: 0>} : vector<16xi32>
    %xor3A_1134 = arith.constant 8 : i32
    %xor3A_1135 = vector.broadcast %xor3A_1134 : i32 to vector<16xi32>
    %xor3A_1136 = arith.xori %iota3A_1133, %xor3A_1135 : vector<16xi32>
    %broadcast_in_dim3A_1137 = vector.shape_cast %xor3A_1136 : vector<16xi32> to vector<16x1xi32>
    %gather3A_1138 = vector.shape_cast %broadcast_in_dim3A_1137 : vector<16x1xi32> to vector<16xi32>
    %gather3A_1139 = tpu.dynamic_gather %add3A_1101[%gather3A_1138] in [0] : vector<16xf32>, vector<16xi32> -> vector<16xf32>
    %add3A_1140 = arith.addf %add3A_1101, %gather3A_1139 : vector<16xf32>
    %xor3A_1141 = arith.constant 4 : i32
    %xor3A_1142 = vector.broadcast %xor3A_1141 : i32 to vector<16xi32>
    %xor3A_1143 = arith.xori %iota3A_1133, %xor3A_1142 : vector<16xi32>
    %broadcast_in_dim3A_1144 = vector.shape_cast %xor3A_1143 : vector<16xi32> to vector<16x1xi32>
    %gather3A_1145 = vector.shape_cast %broadcast_in_dim3A_1144 : vector<16x1xi32> to vector<16xi32>
    %gather3A_1146 = tpu.dynamic_gather %add3A_1140[%gather3A_1145] in [0] : vector<16xf32>, vector<16xi32> -> vector<16xf32>
    %add3A_1147 = arith.addf %add3A_1140, %gather3A_1146 : vector<16xf32>
    %xor3A_1148 = arith.constant 2 : i32
    %xor3A_1149 = vector.broadcast %xor3A_1148 : i32 to vector<16xi32>
    %xor3A_1150 = arith.xori %iota3A_1133, %xor3A_1149 : vector<16xi32>
    %broadcast_in_dim3A_1151 = vector.shape_cast %xor3A_1150 : vector<16xi32> to vector<16x1xi32>
    %gather3A_1152 = vector.shape_cast %broadcast_in_dim3A_1151 : vector<16x1xi32> to vector<16xi32>
    %gather3A_1153 = tpu.dynamic_gather %add3A_1147[%gather3A_1152] in [0] : vector<16xf32>, vector<16xi32> -> vector<16xf32>
    %add3A_1154 = arith.addf %add3A_1147, %gather3A_1153 : vector<16xf32>
    %xor3A_1155 = arith.constant 1 : i32
    %xor3A_1156 = vector.broadcast %xor3A_1155 : i32 to vector<16xi32>
    %xor3A_1157 = arith.xori %iota3A_1133, %xor3A_1156 : vector<16xi32>
    %broadcast_in_dim3A_1158 = vector.shape_cast %xor3A_1157 : vector<16xi32> to vector<16x1xi32>
    %gather3A_1159 = vector.shape_cast %broadcast_in_dim3A_1158 : vector<16x1xi32> to vector<16xi32>
    %gather3A_1160 = tpu.dynamic_gather %add3A_1154[%gather3A_1159] in [0] : vector<16xf32>, vector<16xi32> -> vector<16xf32>
    %add3A_1161 = arith.addf %add3A_1154, %gather3A_1160 : vector<16xf32>
    %mul3A_1162 = arith.mulf %mul3A_218, %add3A_1161 : vector<16xf32>
    %add3A_1163 = arith.addf %mul3A_1162, %sub3A_222 : vector<16xf32>
    %get3A_1164 = arith.constant 320 : index
    %get3A_1165 = tpu.vector_load %arg7[%get3A_1164] {strides = array<i32>} : memref<2048xf32, #tpu.memory_space<vmem>>, vector<16xf32>,
    %get3A_1166 = vector.shape_cast %get3A_1165 : vector<16xf32> to vector<16xf32>
    %mul3A_1167 = arith.mulf %add3A_215, %get3A_1166 : vector<16xf32>
    %add3A_1168 = arith.addf %mul3A_1167, %add3A_1132 : vector<16xf32>
    %exp3A_1169 = math.exp %add3A_1168 : vector<16xf32>
    %add3A_1170 = arith.constant 5.000000e-01 : f32
    %add3A_1171 = vector.broadcast %add3A_1170 : f32 to vector<16xf32>
    %add3A_1172 = arith.addf %exp3A_1169, %add3A_1171 : vector<16xf32>
    %div3A_1173 = arith.constant 1.000000e+00 : f32
    %div3A_1174 = vector.broadcast %div3A_1173 : f32 to vector<16xf32>
    %div3A_1175 = arith.divf %div3A_1174, %add3A_1172 : vector<16xf32>
    %sub3A_1176 = arith.constant 1.000000e+00 : f32
    %sub3A_1177 = vector.broadcast %sub3A_1176 : f32 to vector<16xf32>
    %sub3A_1178 = arith.subf %sub3A_1177, %div3A_1175 : vector<16xf32>
    %swap3A_1179 = arith.constant 320 : index
    %swap3A_1180 = tpu.vector_load %arg8[%swap3A_1179] {strides = array<i32>} : memref<2048xf32, #tpu.memory_space<vmem>>, vector<16xf32>,
    %swap3A_1181 = vector.shape_cast %swap3A_1180 : vector<16xf32> to vector<16xf32>
    %swap3A_1182 = vector.shape_cast %sub3A_1178 : vector<16xf32> to vector<16xf32>
    tpu.vector_store %arg8[%swap3A_1179], %swap3A_1182 {strides = array<i32>} : memref<2048xf32, #tpu.memory_space<vmem>>, vector<16xf32>,
    %get3A_1183 = arith.constant 1344 : index
    %get3A_1184 = tpu.vector_load %arg7[%get3A_1183] {strides = array<i32>} : memref<2048xf32, #tpu.memory_space<vmem>>, vector<16xf32>,
    %get3A_1185 = vector.shape_cast %get3A_1184 : vector<16xf32> to vector<16xf32>
    %mul3A_1186 = arith.mulf %add3A_215, %get3A_1185 : vector<16xf32>
    %add3A_1187 = arith.addf %mul3A_1186, %add3A_1163 : vector<16xf32>
    %exp3A_1188 = math.exp %add3A_1187 : vector<16xf32>
    %add3A_1189 = arith.constant 5.000000e-01 : f32
    %add3A_1190 = vector.broadcast %add3A_1189 : f32 to vector<16xf32>
    %add3A_1191 = arith.addf %exp3A_1188, %add3A_1190 : vector<16xf32>
    %div3A_1192 = arith.constant 1.000000e+00 : f32
    %div3A_1193 = vector.broadcast %div3A_1192 : f32 to vector<16xf32>
    %div3A_1194 = arith.divf %div3A_1193, %add3A_1191 : vector<16xf32>
    %sub3A_1195 = arith.constant 1.000000e+00 : f32
    %sub3A_1196 = vector.broadcast %sub3A_1195 : f32 to vector<16xf32>
    %sub3A_1197 = arith.subf %sub3A_1196, %div3A_1194 : vector<16xf32>
    %swap3A_1198 = arith.constant 1344 : index
    %swap3A_1199 = tpu.vector_load %arg8[%swap3A_1198] {strides = array<i32>} : memref<2048xf32, #tpu.memory_space<vmem>>, vector<16xf32>,
    %swap3A_1200 = vector.shape_cast %swap3A_1199 : vector<16xf32> to vector<16xf32>
    %swap3A_1201 = vector.shape_cast %sub3A_1197 : vector<16xf32> to vector<16xf32>
    tpu.vector_store %arg8[%swap3A_1198], %swap3A_1201 {strides = array<i32>} : memref<2048xf32, #tpu.memory_space<vmem>>, vector<16xf32>,
    %get3A_1202 = arith.constant 336 : index
    %get3A_1203 = tpu.vector_load %arg7[%get3A_1202] {strides = array<i32>} : memref<2048xf32, #tpu.memory_space<vmem>>, vector<16xf32>,
    %get3A_1204 = vector.shape_cast %get3A_1203 : vector<16xf32> to vector<16xf32>
    %mul3A_1205 = arith.mulf %add3A_215, %get3A_1204 : vector<16xf32>
    %add3A_1206 = arith.addf %mul3A_1205, %add3A_1132 : vector<16xf32>
    %exp3A_1207 = math.exp %add3A_1206 : vector<16xf32>
    %add3A_1208 = arith.constant 5.000000e-01 : f32
    %add3A_1209 = vector.broadcast %add3A_1208 : f32 to vector<16xf32>
    %add3A_1210 = arith.addf %exp3A_1207, %add3A_1209 : vector<16xf32>
    %div3A_1211 = arith.constant 1.000000e+00 : f32
    %div3A_1212 = vector.broadcast %div3A_1211 : f32 to vector<16xf32>
    %div3A_1213 = arith.divf %div3A_1212, %add3A_1210 : vector<16xf32>
    %sub3A_1214 = arith.constant 1.000000e+00 : f32
    %sub3A_1215 = vector.broadcast %sub3A_1214 : f32 to vector<16xf32>
    %sub3A_1216 = arith.subf %sub3A_1215, %div3A_1213 : vector<16xf32>
    %swap3A_1217 = arith.constant 336 : index
    %swap3A_1218 = tpu.vector_load %arg8[%swap3A_1217] {strides = array<i32>} : memref<2048xf32, #tpu.memory_space<vmem>>, vector<16xf32>,
    %swap3A_1219 = vector.shape_cast %swap3A_1218 : vector<16xf32> to vector<16xf32>
    %swap3A_1220 = vector.shape_cast %sub3A_1216 : vector<16xf32> to vector<16xf32>
    tpu.vector_store %arg8[%swap3A_1217], %swap3A_1220 {strides = array<i32>} : memref<2048xf32, #tpu.memory_space<vmem>>, vector<16xf32>,
    %add3A_1221 = arith.addf %sub3A_1178, %sub3A_1216 : vector<16xf32>
    %get3A_1222 = arith.constant 1360 : index
    %get3A_1223 = tpu.vector_load %arg7[%get3A_1222] {strides = array<i32>} : memref<2048xf32, #tpu.memory_space<vmem>>, vector<16xf32>,
    %get3A_1224 = vector.shape_cast %get3A_1223 : vector<16xf32> to vector<16xf32>
    %mul3A_1225 = arith.mulf %add3A_215, %get3A_1224 : vector<16xf32>
    %add3A_1226 = arith.addf %mul3A_1225, %add3A_1163 : vector<16xf32>
    %exp3A_1227 = math.exp %add3A_1226 : vector<16xf32>
    %add3A_1228 = arith.constant 5.000000e-01 : f32
    %add3A_1229 = vector.broadcast %add3A_1228 : f32 to vector<16xf32>
    %add3A_1230 = arith.addf %exp3A_1227, %add3A_1229 : vector<16xf32>
    %div3A_1231 = arith.constant 1.000000e+00 : f32
    %div3A_1232 = vector.broadcast %div3A_1231 : f32 to vector<16xf32>
    %div3A_1233 = arith.divf %div3A_1232, %add3A_1230 : vector<16xf32>
    %sub3A_1234 = arith.constant 1.000000e+00 : f32
    %sub3A_1235 = vector.broadcast %sub3A_1234 : f32 to vector<16xf32>
    %sub3A_1236 = arith.subf %sub3A_1235, %div3A_1233 : vector<16xf32>
    %swap3A_1237 = arith.constant 1360 : index
    %swap3A_1238 = tpu.vector_load %arg8[%swap3A_1237] {strides = array<i32>} : memref<2048xf32, #tpu.memory_space<vmem>>, vector<16xf32>,
    %swap3A_1239 = vector.shape_cast %swap3A_1238 : vector<16xf32> to vector<16xf32>
    %swap3A_1240 = vector.shape_cast %sub3A_1236 : vector<16xf32> to vector<16xf32>
    tpu.vector_store %arg8[%swap3A_1237], %swap3A_1240 {strides = array<i32>} : memref<2048xf32, #tpu.memory_space<vmem>>, vector<16xf32>,
    %add3A_1241 = arith.addf %sub3A_1197, %sub3A_1236 : vector<16xf32>
    %get3A_1242 = arith.constant 352 : index
    %get3A_1243 = tpu.vector_load %arg7[%get3A_1242] {strides = array<i32>} : memref<2048xf32, #tpu.memory_space<vmem>>, vector<16xf32>,
    %get3A_1244 = vector.shape_cast %get3A_1243 : vector<16xf32> to vector<16xf32>
    %mul3A_1245 = arith.mulf %add3A_215, %get3A_1244 : vector<16xf32>
    %add3A_1246 = arith.addf %mul3A_1245, %add3A_1132 : vector<16xf32>
    %exp3A_1247 = math.exp %add3A_1246 : vector<16xf32>
    %add3A_1248 = arith.constant 5.000000e-01 : f32
    %add3A_1249 = vector.broadcast %add3A_1248 : f32 to vector<16xf32>
    %add3A_1250 = arith.addf %exp3A_1247, %add3A_1249 : vector<16xf32>
    %div3A_1251 = arith.constant 1.000000e+00 : f32
    %div3A_1252 = vector.broadcast %div3A_1251 : f32 to vector<16xf32>
    %div3A_1253 = arith.divf %div3A_1252, %add3A_1250 : vector<16xf32>
    %sub3A_1254 = arith.constant 1.000000e+00 : f32
    %sub3A_1255 = vector.broadcast %sub3A_1254 : f32 to vector<16xf32>
    %sub3A_1256 = arith.subf %sub3A_1255, %div3A_1253 : vector<16xf32>
    %swap3A_1257 = arith.constant 352 : index
    %swap3A_1258 = tpu.vector_load %arg8[%swap3A_1257] {strides = array<i32>} : memref<2048xf32, #tpu.memory_space<vmem>>, vector<16xf32>,
    %swap3A_1259 = vector.shape_cast %swap3A_1258 : vector<16xf32> to vector<16xf32>
    %swap3A_1260 = vector.shape_cast %sub3A_1256 : vector<16xf32> to vector<16xf32>
    tpu.vector_store %arg8[%swap3A_1257], %swap3A_1260 {strides = array<i32>} : memref<2048xf32, #tpu.memory_space<vmem>>, vector<16xf32>,
    %add3A_1261 = arith.addf %add3A_1221, %sub3A_1256 : vector<16xf32>
    %get3A_1262 = arith.constant 1376 : index
    %get3A_1263 = tpu.vector_load %arg7[%get3A_1262] {strides = array<i32>} : memref<2048xf32, #tpu.memory_space<vmem>>, vector<16xf32>,
    %get3A_1264 = vector.shape_cast %get3A_1263 : vector<16xf32> to vector<16xf32>
    %mul3A_1265 = arith.mulf %add3A_215, %get3A_1264 : vector<16xf32>
    %add3A_1266 = arith.addf %mul3A_1265, %add3A_1163 : vector<16xf32>
    %exp3A_1267 = math.exp %add3A_1266 : vector<16xf32>
    %add3A_1268 = arith.constant 5.000000e-01 : f32
    %add3A_1269 = vector.broadcast %add3A_1268 : f32 to vector<16xf32>
    %add3A_1270 = arith.addf %exp3A_1267, %add3A_1269 : vector<16xf32>
    %div3A_1271 = arith.constant 1.000000e+00 : f32
    %div3A_1272 = vector.broadcast %div3A_1271 : f32 to vector<16xf32>
    %div3A_1273 = arith.divf %div3A_1272, %add3A_1270 : vector<16xf32>
    %sub3A_1274 = arith.constant 1.000000e+00 : f32
    %sub3A_1275 = vector.broadcast %sub3A_1274 : f32 to vector<16xf32>
    %sub3A_1276 = arith.subf %sub3A_1275, %div3A_1273 : vector<16xf32>
    %swap3A_1277 = arith.constant 1376 : index
    %swap3A_1278 = tpu.vector_load %arg8[%swap3A_1277] {strides = array<i32>} : memref<2048xf32, #tpu.memory_space<vmem>>, vector<16xf32>,
    %swap3A_1279 = vector.shape_cast %swap3A_1278 : vector<16xf32> to vector<16xf32>
    %swap3A_1280 = vector.shape_cast %sub3A_1276 : vector<16xf32> to vector<16xf32>
    tpu.vector_store %arg8[%swap3A_1277], %swap3A_1280 {strides = array<i32>} : memref<2048xf32, #tpu.memory_space<vmem>>, vector<16xf32>,
    %add3A_1281 = arith.addf %add3A_1241, %sub3A_1276 : vector<16xf32>
    %get3A_1282 = arith.constant 368 : index
    %get3A_1283 = tpu.vector_load %arg7[%get3A_1282] {strides = array<i32>} : memref<2048xf32, #tpu.memory_space<vmem>>, vector<16xf32>,
    %get3A_1284 = vector.shape_cast %get3A_1283 : vector<16xf32> to vector<16xf32>
    %mul3A_1285 = arith.mulf %add3A_215, %get3A_1284 : vector<16xf32>
    %add3A_1286 = arith.addf %mul3A_1285, %add3A_1132 : vector<16xf32>
    %exp3A_1287 = math.exp %add3A_1286 : vector<16xf32>
    %add3A_1288 = arith.constant 5.000000e-01 : f32
    %add3A_1289 = vector.broadcast %add3A_1288 : f32 to vector<16xf32>
    %add3A_1290 = arith.addf %exp3A_1287, %add3A_1289 : vector<16xf32>
    %div3A_1291 = arith.constant 1.000000e+00 : f32
    %div3A_1292 = vector.broadcast %div3A_1291 : f32 to vector<16xf32>
    %div3A_1293 = arith.divf %div3A_1292, %add3A_1290 : vector<16xf32>
    %sub3A_1294 = arith.constant 1.000000e+00 : f32
    %sub3A_1295 = vector.broadcast %sub3A_1294 : f32 to vector<16xf32>
    %sub3A_1296 = arith.subf %sub3A_1295, %div3A_1293 : vector<16xf32>
    %swap3A_1297 = arith.constant 368 : index
    %swap3A_1298 = tpu.vector_load %arg8[%swap3A_1297] {strides = array<i32>} : memref<2048xf32, #tpu.memory_space<vmem>>, vector<16xf32>,
    %swap3A_1299 = vector.shape_cast %swap3A_1298 : vector<16xf32> to vector<16xf32>
    %swap3A_1300 = vector.shape_cast %sub3A_1296 : vector<16xf32> to vector<16xf32>
    tpu.vector_store %arg8[%swap3A_1297], %swap3A_1300 {strides = array<i32>} : memref<2048xf32, #tpu.memory_space<vmem>>, vector<16xf32>,
    %add3A_1301 = arith.addf %add3A_1261, %sub3A_1296 : vector<16xf32>
    %get3A_1302 = arith.constant 1392 : index
    %get3A_1303 = tpu.vector_load %arg7[%get3A_1302] {strides = array<i32>} : memref<2048xf32, #tpu.memory_space<vmem>>, vector<16xf32>,
    %get3A_1304 = vector.shape_cast %get3A_1303 : vector<16xf32> to vector<16xf32>
    %mul3A_1305 = arith.mulf %add3A_215, %get3A_1304 : vector<16xf32>
    %add3A_1306 = arith.addf %mul3A_1305, %add3A_1163 : vector<16xf32>
    %exp3A_1307 = math.exp %add3A_1306 : vector<16xf32>
    %add3A_1308 = arith.constant 5.000000e-01 : f32
    %add3A_1309 = vector.broadcast %add3A_1308 : f32 to vector<16xf32>
    %add3A_1310 = arith.addf %exp3A_1307, %add3A_1309 : vector<16xf32>
    %div3A_1311 = arith.constant 1.000000e+00 : f32
    %div3A_1312 = vector.broadcast %div3A_1311 : f32 to vector<16xf32>
    %div3A_1313 = arith.divf %div3A_1312, %add3A_1310 : vector<16xf32>
    %sub3A_1314 = arith.constant 1.000000e+00 : f32
    %sub3A_1315 = vector.broadcast %sub3A_1314 : f32 to vector<16xf32>
    %sub3A_1316 = arith.subf %sub3A_1315, %div3A_1313 : vector<16xf32>
    %swap3A_1317 = arith.constant 1392 : index
    %swap3A_1318 = tpu.vector_load %arg8[%swap3A_1317] {strides = array<i32>} : memref<2048xf32, #tpu.memory_space<vmem>>, vector<16xf32>,
    %swap3A_1319 = vector.shape_cast %swap3A_1318 : vector<16xf32> to vector<16xf32>
    %swap3A_1320 = vector.shape_cast %sub3A_1316 : vector<16xf32> to vector<16xf32>
    tpu.vector_store %arg8[%swap3A_1317], %swap3A_1320 {strides = array<i32>} : memref<2048xf32, #tpu.memory_space<vmem>>, vector<16xf32>,
    %add3A_1321 = arith.addf %add3A_1281, %sub3A_1316 : vector<16xf32>
    %iota3A_1322 = tpu.iota {dimensions = array<i32: 0>} : vector<16xi32>
    %xor3A_1323 = arith.constant 8 : i32
    %xor3A_1324 = vector.broadcast %xor3A_1323 : i32 to vector<16xi32>
    %xor3A_1325 = arith.xori %iota3A_1322, %xor3A_1324 : vector<16xi32>
    %broadcast_in_dim3A_1326 = vector.shape_cast %xor3A_1325 : vector<16xi32> to vector<16x1xi32>
    %gather3A_1327 = vector.shape_cast %broadcast_in_dim3A_1326 : vector<16x1xi32> to vector<16xi32>
    %gather3A_1328 = tpu.dynamic_gather %add3A_1301[%gather3A_1327] in [0] : vector<16xf32>, vector<16xi32> -> vector<16xf32>
    %add3A_1329 = arith.addf %add3A_1301, %gather3A_1328 : vector<16xf32>
    %xor3A_1330 = arith.constant 4 : i32
    %xor3A_1331 = vector.broadcast %xor3A_1330 : i32 to vector<16xi32>
    %xor3A_1332 = arith.xori %iota3A_1322, %xor3A_1331 : vector<16xi32>
    %broadcast_in_dim3A_1333 = vector.shape_cast %xor3A_1332 : vector<16xi32> to vector<16x1xi32>
    %gather3A_1334 = vector.shape_cast %broadcast_in_dim3A_1333 : vector<16x1xi32> to vector<16xi32>
    %gather3A_1335 = tpu.dynamic_gather %add3A_1329[%gather3A_1334] in [0] : vector<16xf32>, vector<16xi32> -> vector<16xf32>
    %add3A_1336 = arith.addf %add3A_1329, %gather3A_1335 : vector<16xf32>
    %xor3A_1337 = arith.constant 2 : i32
    %xor3A_1338 = vector.broadcast %xor3A_1337 : i32 to vector<16xi32>
    %xor3A_1339 = arith.xori %iota3A_1322, %xor3A_1338 : vector<16xi32>
    %broadcast_in_dim3A_1340 = vector.shape_cast %xor3A_1339 : vector<16xi32> to vector<16x1xi32>
    %gather3A_1341 = vector.shape_cast %broadcast_in_dim3A_1340 : vector<16x1xi32> to vector<16xi32>
    %gather3A_1342 = tpu.dynamic_gather %add3A_1336[%gather3A_1341] in [0] : vector<16xf32>, vector<16xi32> -> vector<16xf32>
    %add3A_1343 = arith.addf %add3A_1336, %gather3A_1342 : vector<16xf32>
    %xor3A_1344 = arith.constant 1 : i32
    %xor3A_1345 = vector.broadcast %xor3A_1344 : i32 to vector<16xi32>
    %xor3A_1346 = arith.xori %iota3A_1322, %xor3A_1345 : vector<16xi32>
    %broadcast_in_dim3A_1347 = vector.shape_cast %xor3A_1346 : vector<16xi32> to vector<16x1xi32>
    %gather3A_1348 = vector.shape_cast %broadcast_in_dim3A_1347 : vector<16x1xi32> to vector<16xi32>
    %gather3A_1349 = tpu.dynamic_gather %add3A_1343[%gather3A_1348] in [0] : vector<16xf32>, vector<16xi32> -> vector<16xf32>
    %add3A_1350 = arith.addf %add3A_1343, %gather3A_1349 : vector<16xf32>
    %mul3A_1351 = arith.mulf %mul3A_218, %add3A_1350 : vector<16xf32>
    %add3A_1352 = arith.addf %mul3A_1351, %sub3A_222 : vector<16xf32>
    %iota3A_1353 = tpu.iota {dimensions = array<i32: 0>} : vector<16xi32>
    %xor3A_1354 = arith.constant 8 : i32
    %xor3A_1355 = vector.broadcast %xor3A_1354 : i32 to vector<16xi32>
    %xor3A_1356 = arith.xori %iota3A_1353, %xor3A_1355 : vector<16xi32>
    %broadcast_in_dim3A_1357 = vector.shape_cast %xor3A_1356 : vector<16xi32> to vector<16x1xi32>
    %gather3A_1358 = vector.shape_cast %broadcast_in_dim3A_1357 : vector<16x1xi32> to vector<16xi32>
    %gather3A_1359 = tpu.dynamic_gather %add3A_1321[%gather3A_1358] in [0] : vector<16xf32>, vector<16xi32> -> vector<16xf32>
    %add3A_1360 = arith.addf %add3A_1321, %gather3A_1359 : vector<16xf32>
    %xor3A_1361 = arith.constant 4 : i32
    %xor3A_1362 = vector.broadcast %xor3A_1361 : i32 to vector<16xi32>
    %xor3A_1363 = arith.xori %iota3A_1353, %xor3A_1362 : vector<16xi32>
    %broadcast_in_dim3A_1364 = vector.shape_cast %xor3A_1363 : vector<16xi32> to vector<16x1xi32>
    %gather3A_1365 = vector.shape_cast %broadcast_in_dim3A_1364 : vector<16x1xi32> to vector<16xi32>
    %gather3A_1366 = tpu.dynamic_gather %add3A_1360[%gather3A_1365] in [0] : vector<16xf32>, vector<16xi32> -> vector<16xf32>
    %add3A_1367 = arith.addf %add3A_1360, %gather3A_1366 : vector<16xf32>
    %xor3A_1368 = arith.constant 2 : i32
    %xor3A_1369 = vector.broadcast %xor3A_1368 : i32 to vector<16xi32>
    %xor3A_1370 = arith.xori %iota3A_1353, %xor3A_1369 : vector<16xi32>
    %broadcast_in_dim3A_1371 = vector.shape_cast %xor3A_1370 : vector<16xi32> to vector<16x1xi32>
    %gather3A_1372 = vector.shape_cast %broadcast_in_dim3A_1371 : vector<16x1xi32> to vector<16xi32>
    %gather3A_1373 = tpu.dynamic_gather %add3A_1367[%gather3A_1372] in [0] : vector<16xf32>, vector<16xi32> -> vector<16xf32>
    %add3A_1374 = arith.addf %add3A_1367, %gather3A_1373 : vector<16xf32>
    %xor3A_1375 = arith.constant 1 : i32
    %xor3A_1376 = vector.broadcast %xor3A_1375 : i32 to vector<16xi32>
    %xor3A_1377 = arith.xori %iota3A_1353, %xor3A_1376 : vector<16xi32>
    %broadcast_in_dim3A_1378 = vector.shape_cast %xor3A_1377 : vector<16xi32> to vector<16x1xi32>
    %gather3A_1379 = vector.shape_cast %broadcast_in_dim3A_1378 : vector<16x1xi32> to vector<16xi32>
    %gather3A_1380 = tpu.dynamic_gather %add3A_1374[%gather3A_1379] in [0] : vector<16xf32>, vector<16xi32> -> vector<16xf32>
    %add3A_1381 = arith.addf %add3A_1374, %gather3A_1380 : vector<16xf32>
    %mul3A_1382 = arith.mulf %mul3A_218, %add3A_1381 : vector<16xf32>
    %add3A_1383 = arith.addf %mul3A_1382, %sub3A_222 : vector<16xf32>
    %get3A_1384 = arith.constant 384 : index
    %get3A_1385 = tpu.vector_load %arg7[%get3A_1384] {strides = array<i32>} : memref<2048xf32, #tpu.memory_space<vmem>>, vector<16xf32>,
    %get3A_1386 = vector.shape_cast %get3A_1385 : vector<16xf32> to vector<16xf32>
    %mul3A_1387 = arith.mulf %add3A_215, %get3A_1386 : vector<16xf32>
    %add3A_1388 = arith.addf %mul3A_1387, %add3A_1352 : vector<16xf32>
    %exp3A_1389 = math.exp %add3A_1388 : vector<16xf32>
    %add3A_1390 = arith.constant 5.000000e-01 : f32
    %add3A_1391 = vector.broadcast %add3A_1390 : f32 to vector<16xf32>
    %add3A_1392 = arith.addf %exp3A_1389, %add3A_1391 : vector<16xf32>
    %div3A_1393 = arith.constant 1.000000e+00 : f32
    %div3A_1394 = vector.broadcast %div3A_1393 : f32 to vector<16xf32>
    %div3A_1395 = arith.divf %div3A_1394, %add3A_1392 : vector<16xf32>
    %sub3A_1396 = arith.constant 1.000000e+00 : f32
    %sub3A_1397 = vector.broadcast %sub3A_1396 : f32 to vector<16xf32>
    %sub3A_1398 = arith.subf %sub3A_1397, %div3A_1395 : vector<16xf32>
    %swap3A_1399 = arith.constant 384 : index
    %swap3A_1400 = tpu.vector_load %arg8[%swap3A_1399] {strides = array<i32>} : memref<2048xf32, #tpu.memory_space<vmem>>, vector<16xf32>,
    %swap3A_1401 = vector.shape_cast %swap3A_1400 : vector<16xf32> to vector<16xf32>
    %swap3A_1402 = vector.shape_cast %sub3A_1398 : vector<16xf32> to vector<16xf32>
    tpu.vector_store %arg8[%swap3A_1399], %swap3A_1402 {strides = array<i32>} : memref<2048xf32, #tpu.memory_space<vmem>>, vector<16xf32>,
    %get3A_1403 = arith.constant 1408 : index
    %get3A_1404 = tpu.vector_load %arg7[%get3A_1403] {strides = array<i32>} : memref<2048xf32, #tpu.memory_space<vmem>>, vector<16xf32>,
    %get3A_1405 = vector.shape_cast %get3A_1404 : vector<16xf32> to vector<16xf32>
    %mul3A_1406 = arith.mulf %add3A_215, %get3A_1405 : vector<16xf32>
    %add3A_1407 = arith.addf %mul3A_1406, %add3A_1383 : vector<16xf32>
    %exp3A_1408 = math.exp %add3A_1407 : vector<16xf32>
    %add3A_1409 = arith.constant 5.000000e-01 : f32
    %add3A_1410 = vector.broadcast %add3A_1409 : f32 to vector<16xf32>
    %add3A_1411 = arith.addf %exp3A_1408, %add3A_1410 : vector<16xf32>
    %div3A_1412 = arith.constant 1.000000e+00 : f32
    %div3A_1413 = vector.broadcast %div3A_1412 : f32 to vector<16xf32>
    %div3A_1414 = arith.divf %div3A_1413, %add3A_1411 : vector<16xf32>
    %sub3A_1415 = arith.constant 1.000000e+00 : f32
    %sub3A_1416 = vector.broadcast %sub3A_1415 : f32 to vector<16xf32>
    %sub3A_1417 = arith.subf %sub3A_1416, %div3A_1414 : vector<16xf32>
    %swap3A_1418 = arith.constant 1408 : index
    %swap3A_1419 = tpu.vector_load %arg8[%swap3A_1418] {strides = array<i32>} : memref<2048xf32, #tpu.memory_space<vmem>>, vector<16xf32>,
    %swap3A_1420 = vector.shape_cast %swap3A_1419 : vector<16xf32> to vector<16xf32>
    %swap3A_1421 = vector.shape_cast %sub3A_1417 : vector<16xf32> to vector<16xf32>
    tpu.vector_store %arg8[%swap3A_1418], %swap3A_1421 {strides = array<i32>} : memref<2048xf32, #tpu.memory_space<vmem>>, vector<16xf32>,
    %get3A_1422 = arith.constant 400 : index
    %get3A_1423 = tpu.vector_load %arg7[%get3A_1422] {strides = array<i32>} : memref<2048xf32, #tpu.memory_space<vmem>>, vector<16xf32>,
    %get3A_1424 = vector.shape_cast %get3A_1423 : vector<16xf32> to vector<16xf32>
    %mul3A_1425 = arith.mulf %add3A_215, %get3A_1424 : vector<16xf32>
    %add3A_1426 = arith.addf %mul3A_1425, %add3A_1352 : vector<16xf32>
    %exp3A_1427 = math.exp %add3A_1426 : vector<16xf32>
    %add3A_1428 = arith.constant 5.000000e-01 : f32
    %add3A_1429 = vector.broadcast %add3A_1428 : f32 to vector<16xf32>
    %add3A_1430 = arith.addf %exp3A_1427, %add3A_1429 : vector<16xf32>
    %div3A_1431 = arith.constant 1.000000e+00 : f32
    %div3A_1432 = vector.broadcast %div3A_1431 : f32 to vector<16xf32>
    %div3A_1433 = arith.divf %div3A_1432, %add3A_1430 : vector<16xf32>
    %sub3A_1434 = arith.constant 1.000000e+00 : f32
    %sub3A_1435 = vector.broadcast %sub3A_1434 : f32 to vector<16xf32>
    %sub3A_1436 = arith.subf %sub3A_1435, %div3A_1433 : vector<16xf32>
    %swap3A_1437 = arith.constant 400 : index
    %swap3A_1438 = tpu.vector_load %arg8[%swap3A_1437] {strides = array<i32>} : memref<2048xf32, #tpu.memory_space<vmem>>, vector<16xf32>,
    %swap3A_1439 = vector.shape_cast %swap3A_1438 : vector<16xf32> to vector<16xf32>
    %swap3A_1440 = vector.shape_cast %sub3A_1436 : vector<16xf32> to vector<16xf32>
    tpu.vector_store %arg8[%swap3A_1437], %swap3A_1440 {strides = array<i32>} : memref<2048xf32, #tpu.memory_space<vmem>>, vector<16xf32>,
    %add3A_1441 = arith.addf %sub3A_1398, %sub3A_1436 : vector<16xf32>
    %get3A_1442 = arith.constant 1424 : index
    %get3A_1443 = tpu.vector_load %arg7[%get3A_1442] {strides = array<i32>} : memref<2048xf32, #tpu.memory_space<vmem>>, vector<16xf32>,
    %get3A_1444 = vector.shape_cast %get3A_1443 : vector<16xf32> to vector<16xf32>
    %mul3A_1445 = arith.mulf %add3A_215, %get3A_1444 : vector<16xf32>
    %add3A_1446 = arith.addf %mul3A_1445, %add3A_1383 : vector<16xf32>
    %exp3A_1447 = math.exp %add3A_1446 : vector<16xf32>
    %add3A_1448 = arith.constant 5.000000e-01 : f32
    %add3A_1449 = vector.broadcast %add3A_1448 : f32 to vector<16xf32>
    %add3A_1450 = arith.addf %exp3A_1447, %add3A_1449 : vector<16xf32>
    %div3A_1451 = arith.constant 1.000000e+00 : f32
    %div3A_1452 = vector.broadcast %div3A_1451 : f32 to vector<16xf32>
    %div3A_1453 = arith.divf %div3A_1452, %add3A_1450 : vector<16xf32>
    %sub3A_1454 = arith.constant 1.000000e+00 : f32
    %sub3A_1455 = vector.broadcast %sub3A_1454 : f32 to vector<16xf32>
    %sub3A_1456 = arith.subf %sub3A_1455, %div3A_1453 : vector<16xf32>
    %swap3A_1457 = arith.constant 1424 : index
    %swap3A_1458 = tpu.vector_load %arg8[%swap3A_1457] {strides = array<i32>} : memref<2048xf32, #tpu.memory_space<vmem>>, vector<16xf32>,
    %swap3A_1459 = vector.shape_cast %swap3A_1458 : vector<16xf32> to vector<16xf32>
    %swap3A_1460 = vector.shape_cast %sub3A_1456 : vector<16xf32> to vector<16xf32>
    tpu.vector_store %arg8[%swap3A_1457], %swap3A_1460 {strides = array<i32>} : memref<2048xf32, #tpu.memory_space<vmem>>, vector<16xf32>,
    %add3A_1461 = arith.addf %sub3A_1417, %sub3A_1456 : vector<16xf32>
    %get3A_1462 = arith.constant 416 : index
    %get3A_1463 = tpu.vector_load %arg7[%get3A_1462] {strides = array<i32>} : memref<2048xf32, #tpu.memory_space<vmem>>, vector<16xf32>,
    %get3A_1464 = vector.shape_cast %get3A_1463 : vector<16xf32> to vector<16xf32>
    %mul3A_1465 = arith.mulf %add3A_215, %get3A_1464 : vector<16xf32>
    %add3A_1466 = arith.addf %mul3A_1465, %add3A_1352 : vector<16xf32>
    %exp3A_1467 = math.exp %add3A_1466 : vector<16xf32>
    %add3A_1468 = arith.constant 5.000000e-01 : f32
    %add3A_1469 = vector.broadcast %add3A_1468 : f32 to vector<16xf32>
    %add3A_1470 = arith.addf %exp3A_1467, %add3A_1469 : vector<16xf32>
    %div3A_1471 = arith.constant 1.000000e+00 : f32
    %div3A_1472 = vector.broadcast %div3A_1471 : f32 to vector<16xf32>
    %div3A_1473 = arith.divf %div3A_1472, %add3A_1470 : vector<16xf32>
    %sub3A_1474 = arith.constant 1.000000e+00 : f32
    %sub3A_1475 = vector.broadcast %sub3A_1474 : f32 to vector<16xf32>
    %sub3A_1476 = arith.subf %sub3A_1475, %div3A_1473 : vector<16xf32>
    %swap3A_1477 = arith.constant 416 : index
    %swap3A_1478 = tpu.vector_load %arg8[%swap3A_1477] {strides = array<i32>} : memref<2048xf32, #tpu.memory_space<vmem>>, vector<16xf32>,
    %swap3A_1479 = vector.shape_cast %swap3A_1478 : vector<16xf32> to vector<16xf32>
    %swap3A_1480 = vector.shape_cast %sub3A_1476 : vector<16xf32> to vector<16xf32>
    tpu.vector_store %arg8[%swap3A_1477], %swap3A_1480 {strides = array<i32>} : memref<2048xf32, #tpu.memory_space<vmem>>, vector<16xf32>,
    %add3A_1481 = arith.addf %add3A_1441, %sub3A_1476 : vector<16xf32>
    %get3A_1482 = arith.constant 1440 : index
    %get3A_1483 = tpu.vector_load %arg7[%get3A_1482] {strides = array<i32>} : memref<2048xf32, #tpu.memory_space<vmem>>, vector<16xf32>,
    %get3A_1484 = vector.shape_cast %get3A_1483 : vector<16xf32> to vector<16xf32>
    %mul3A_1485 = arith.mulf %add3A_215, %get3A_1484 : vector<16xf32>
    %add3A_1486 = arith.addf %mul3A_1485, %add3A_1383 : vector<16xf32>
    %exp3A_1487 = math.exp %add3A_1486 : vector<16xf32>
    %add3A_1488 = arith.constant 5.000000e-01 : f32
    %add3A_1489 = vector.broadcast %add3A_1488 : f32 to vector<16xf32>
    %add3A_1490 = arith.addf %exp3A_1487, %add3A_1489 : vector<16xf32>
    %div3A_1491 = arith.constant 1.000000e+00 : f32
    %div3A_1492 = vector.broadcast %div3A_1491 : f32 to vector<16xf32>
    %div3A_1493 = arith.divf %div3A_1492, %add3A_1490 : vector<16xf32>
    %sub3A_1494 = arith.constant 1.000000e+00 : f32
    %sub3A_1495 = vector.broadcast %sub3A_1494 : f32 to vector<16xf32>
    %sub3A_1496 = arith.subf %sub3A_1495, %div3A_1493 : vector<16xf32>
    %swap3A_1497 = arith.constant 1440 : index
    %swap3A_1498 = tpu.vector_load %arg8[%swap3A_1497] {strides = array<i32>} : memref<2048xf32, #tpu.memory_space<vmem>>, vector<16xf32>,
    %swap3A_1499 = vector.shape_cast %swap3A_1498 : vector<16xf32> to vector<16xf32>
    %swap3A_1500 = vector.shape_cast %sub3A_1496 : vector<16xf32> to vector<16xf32>
    tpu.vector_store %arg8[%swap3A_1497], %swap3A_1500 {strides = array<i32>} : memref<2048xf32, #tpu.memory_space<vmem>>, vector<16xf32>,
    %add3A_1501 = arith.addf %add3A_1461, %sub3A_1496 : vector<16xf32>
    %get3A_1502 = arith.constant 432 : index
    %get3A_1503 = tpu.vector_load %arg7[%get3A_1502] {strides = array<i32>} : memref<2048xf32, #tpu.memory_space<vmem>>, vector<16xf32>,
    %get3A_1504 = vector.shape_cast %get3A_1503 : vector<16xf32> to vector<16xf32>
    %mul3A_1505 = arith.mulf %add3A_215, %get3A_1504 : vector<16xf32>
    %add3A_1506 = arith.addf %mul3A_1505, %add3A_1352 : vector<16xf32>
    %exp3A_1507 = math.exp %add3A_1506 : vector<16xf32>
    %add3A_1508 = arith.constant 5.000000e-01 : f32
    %add3A_1509 = vector.broadcast %add3A_1508 : f32 to vector<16xf32>
    %add3A_1510 = arith.addf %exp3A_1507, %add3A_1509 : vector<16xf32>
    %div3A_1511 = arith.constant 1.000000e+00 : f32
    %div3A_1512 = vector.broadcast %div3A_1511 : f32 to vector<16xf32>
    %div3A_1513 = arith.divf %div3A_1512, %add3A_1510 : vector<16xf32>
    %sub3A_1514 = arith.constant 1.000000e+00 : f32
    %sub3A_1515 = vector.broadcast %sub3A_1514 : f32 to vector<16xf32>
    %sub3A_1516 = arith.subf %sub3A_1515, %div3A_1513 : vector<16xf32>
    %swap3A_1517 = arith.constant 432 : index
    %swap3A_1518 = tpu.vector_load %arg8[%swap3A_1517] {strides = array<i32>} : memref<2048xf32, #tpu.memory_space<vmem>>, vector<16xf32>,
    %swap3A_1519 = vector.shape_cast %swap3A_1518 : vector<16xf32> to vector<16xf32>
    %swap3A_1520 = vector.shape_cast %sub3A_1516 : vector<16xf32> to vector<16xf32>
    tpu.vector_store %arg8[%swap3A_1517], %swap3A_1520 {strides = array<i32>} : memref<2048xf32, #tpu.memory_space<vmem>>, vector<16xf32>,
    %add3A_1521 = arith.addf %add3A_1481, %sub3A_1516 : vector<16xf32>
    %get3A_1522 = arith.constant 1456 : index
    %get3A_1523 = tpu.vector_load %arg7[%get3A_1522] {strides = array<i32>} : memref<2048xf32, #tpu.memory_space<vmem>>, vector<16xf32>,
    %get3A_1524 = vector.shape_cast %get3A_1523 : vector<16xf32> to vector<16xf32>
    %mul3A_1525 = arith.mulf %add3A_215, %get3A_1524 : vector<16xf32>
    %add3A_1526 = arith.addf %mul3A_1525, %add3A_1383 : vector<16xf32>
    %exp3A_1527 = math.exp %add3A_1526 : vector<16xf32>
    %add3A_1528 = arith.constant 5.000000e-01 : f32
    %add3A_1529 = vector.broadcast %add3A_1528 : f32 to vector<16xf32>
    %add3A_1530 = arith.addf %exp3A_1527, %add3A_1529 : vector<16xf32>
    %div3A_1531 = arith.constant 1.000000e+00 : f32
    %div3A_1532 = vector.broadcast %div3A_1531 : f32 to vector<16xf32>
    %div3A_1533 = arith.divf %div3A_1532, %add3A_1530 : vector<16xf32>
    %sub3A_1534 = arith.constant 1.000000e+00 : f32
    %sub3A_1535 = vector.broadcast %sub3A_1534 : f32 to vector<16xf32>
    %sub3A_1536 = arith.subf %sub3A_1535, %div3A_1533 : vector<16xf32>
    %swap3A_1537 = arith.constant 1456 : index
    %swap3A_1538 = tpu.vector_load %arg8[%swap3A_1537] {strides = array<i32>} : memref<2048xf32, #tpu.memory_space<vmem>>, vector<16xf32>,
    %swap3A_1539 = vector.shape_cast %swap3A_1538 : vector<16xf32> to vector<16xf32>
    %swap3A_1540 = vector.shape_cast %sub3A_1536 : vector<16xf32> to vector<16xf32>
    tpu.vector_store %arg8[%swap3A_1537], %swap3A_1540 {strides = array<i32>} : memref<2048xf32, #tpu.memory_space<vmem>>, vector<16xf32>,
    %add3A_1541 = arith.addf %add3A_1501, %sub3A_1536 : vector<16xf32>
    %iota3A_1542 = tpu.iota {dimensions = array<i32: 0>} : vector<16xi32>
    %xor3A_1543 = arith.constant 8 : i32
    %xor3A_1544 = vector.broadcast %xor3A_1543 : i32 to vector<16xi32>
    %xor3A_1545 = arith.xori %iota3A_1542, %xor3A_1544 : vector<16xi32>
    %broadcast_in_dim3A_1546 = vector.shape_cast %xor3A_1545 : vector<16xi32> to vector<16x1xi32>
    %gather3A_1547 = vector.shape_cast %broadcast_in_dim3A_1546 : vector<16x1xi32> to vector<16xi32>
    %gather3A_1548 = tpu.dynamic_gather %add3A_1521[%gather3A_1547] in [0] : vector<16xf32>, vector<16xi32> -> vector<16xf32>
    %add3A_1549 = arith.addf %add3A_1521, %gather3A_1548 : vector<16xf32>
    %xor3A_1550 = arith.constant 4 : i32
    %xor3A_1551 = vector.broadcast %xor3A_1550 : i32 to vector<16xi32>
    %xor3A_1552 = arith.xori %iota3A_1542, %xor3A_1551 : vector<16xi32>
    %broadcast_in_dim3A_1553 = vector.shape_cast %xor3A_1552 : vector<16xi32> to vector<16x1xi32>
    %gather3A_1554 = vector.shape_cast %broadcast_in_dim3A_1553 : vector<16x1xi32> to vector<16xi32>
    %gather3A_1555 = tpu.dynamic_gather %add3A_1549[%gather3A_1554] in [0] : vector<16xf32>, vector<16xi32> -> vector<16xf32>
    %add3A_1556 = arith.addf %add3A_1549, %gather3A_1555 : vector<16xf32>
    %xor3A_1557 = arith.constant 2 : i32
    %xor3A_1558 = vector.broadcast %xor3A_1557 : i32 to vector<16xi32>
    %xor3A_1559 = arith.xori %iota3A_1542, %xor3A_1558 : vector<16xi32>
    %broadcast_in_dim3A_1560 = vector.shape_cast %xor3A_1559 : vector<16xi32> to vector<16x1xi32>
    %gather3A_1561 = vector.shape_cast %broadcast_in_dim3A_1560 : vector<16x1xi32> to vector<16xi32>
    %gather3A_1562 = tpu.dynamic_gather %add3A_1556[%gather3A_1561] in [0] : vector<16xf32>, vector<16xi32> -> vector<16xf32>
    %add3A_1563 = arith.addf %add3A_1556, %gather3A_1562 : vector<16xf32>
    %xor3A_1564 = arith.constant 1 : i32
    %xor3A_1565 = vector.broadcast %xor3A_1564 : i32 to vector<16xi32>
    %xor3A_1566 = arith.xori %iota3A_1542, %xor3A_1565 : vector<16xi32>
    %broadcast_in_dim3A_1567 = vector.shape_cast %xor3A_1566 : vector<16xi32> to vector<16x1xi32>
    %gather3A_1568 = vector.shape_cast %broadcast_in_dim3A_1567 : vector<16x1xi32> to vector<16xi32>
    %gather3A_1569 = tpu.dynamic_gather %add3A_1563[%gather3A_1568] in [0] : vector<16xf32>, vector<16xi32> -> vector<16xf32>
    %add3A_1570 = arith.addf %add3A_1563, %gather3A_1569 : vector<16xf32>
    %mul3A_1571 = arith.mulf %mul3A_218, %add3A_1570 : vector<16xf32>
    %add3A_1572 = arith.addf %mul3A_1571, %sub3A_222 : vector<16xf32>
    %iota3A_1573 = tpu.iota {dimensions = array<i32: 0>} : vector<16xi32>
    %xor3A_1574 = arith.constant 8 : i32
    %xor3A_1575 = vector.broadcast %xor3A_1574 : i32 to vector<16xi32>
    %xor3A_1576 = arith.xori %iota3A_1573, %xor3A_1575 : vector<16xi32>
    %broadcast_in_dim3A_1577 = vector.shape_cast %xor3A_1576 : vector<16xi32> to vector<16x1xi32>
    %gather3A_1578 = vector.shape_cast %broadcast_in_dim3A_1577 : vector<16x1xi32> to vector<16xi32>
    %gather3A_1579 = tpu.dynamic_gather %add3A_1541[%gather3A_1578] in [0] : vector<16xf32>, vector<16xi32> -> vector<16xf32>
    %add3A_1580 = arith.addf %add3A_1541, %gather3A_1579 : vector<16xf32>
    %xor3A_1581 = arith.constant 4 : i32
    %xor3A_1582 = vector.broadcast %xor3A_1581 : i32 to vector<16xi32>
    %xor3A_1583 = arith.xori %iota3A_1573, %xor3A_1582 : vector<16xi32>
    %broadcast_in_dim3A_1584 = vector.shape_cast %xor3A_1583 : vector<16xi32> to vector<16x1xi32>
    %gather3A_1585 = vector.shape_cast %broadcast_in_dim3A_1584 : vector<16x1xi32> to vector<16xi32>
    %gather3A_1586 = tpu.dynamic_gather %add3A_1580[%gather3A_1585] in [0] : vector<16xf32>, vector<16xi32> -> vector<16xf32>
    %add3A_1587 = arith.addf %add3A_1580, %gather3A_1586 : vector<16xf32>
    %xor3A_1588 = arith.constant 2 : i32
    %xor3A_1589 = vector.broadcast %xor3A_1588 : i32 to vector<16xi32>
    %xor3A_1590 = arith.xori %iota3A_1573, %xor3A_1589 : vector<16xi32>
    %broadcast_in_dim3A_1591 = vector.shape_cast %xor3A_1590 : vector<16xi32> to vector<16x1xi32>
    %gather3A_1592 = vector.shape_cast %broadcast_in_dim3A_1591 : vector<16x1xi32> to vector<16xi32>
    %gather3A_1593 = tpu.dynamic_gather %add3A_1587[%gather3A_1592] in [0] : vector<16xf32>, vector<16xi32> -> vector<16xf32>
    %add3A_1594 = arith.addf %add3A_1587, %gather3A_1593 : vector<16xf32>
    %xor3A_1595 = arith.constant 1 : i32
    %xor3A_1596 = vector.broadcast %xor3A_1595 : i32 to vector<16xi32>
    %xor3A_1597 = arith.xori %iota3A_1573, %xor3A_1596 : vector<16xi32>
    %broadcast_in_dim3A_1598 = vector.shape_cast %xor3A_1597 : vector<16xi32> to vector<16x1xi32>
    %gather3A_1599 = vector.shape_cast %broadcast_in_dim3A_1598 : vector<16x1xi32> to vector<16xi32>
    %gather3A_1600 = tpu.dynamic_gather %add3A_1594[%gather3A_1599] in [0] : vector<16xf32>, vector<16xi32> -> vector<16xf32>
    %add3A_1601 = arith.addf %add3A_1594, %gather3A_1600 : vector<16xf32>
    %mul3A_1602 = arith.mulf %mul3A_218, %add3A_1601 : vector<16xf32>
    %add3A_1603 = arith.addf %mul3A_1602, %sub3A_222 : vector<16xf32>
    %get3A_1604 = arith.constant 448 : index
    %get3A_1605 = tpu.vector_load %arg7[%get3A_1604] {strides = array<i32>} : memref<2048xf32, #tpu.memory_space<vmem>>, vector<16xf32>,
    %get3A_1606 = vector.shape_cast %get3A_1605 : vector<16xf32> to vector<16xf32>
    %mul3A_1607 = arith.mulf %add3A_215, %get3A_1606 : vector<16xf32>
    %add3A_1608 = arith.addf %mul3A_1607, %add3A_1572 : vector<16xf32>
    %exp3A_1609 = math.exp %add3A_1608 : vector<16xf32>
    %add3A_1610 = arith.constant 5.000000e-01 : f32
    %add3A_1611 = vector.broadcast %add3A_1610 : f32 to vector<16xf32>
    %add3A_1612 = arith.addf %exp3A_1609, %add3A_1611 : vector<16xf32>
    %div3A_1613 = arith.constant 1.000000e+00 : f32
    %div3A_1614 = vector.broadcast %div3A_1613 : f32 to vector<16xf32>
    %div3A_1615 = arith.divf %div3A_1614, %add3A_1612 : vector<16xf32>
    %sub3A_1616 = arith.constant 1.000000e+00 : f32
    %sub3A_1617 = vector.broadcast %sub3A_1616 : f32 to vector<16xf32>
    %sub3A_1618 = arith.subf %sub3A_1617, %div3A_1615 : vector<16xf32>
    %swap3A_1619 = arith.constant 448 : index
    %swap3A_1620 = tpu.vector_load %arg8[%swap3A_1619] {strides = array<i32>} : memref<2048xf32, #tpu.memory_space<vmem>>, vector<16xf32>,
    %swap3A_1621 = vector.shape_cast %swap3A_1620 : vector<16xf32> to vector<16xf32>
    %swap3A_1622 = vector.shape_cast %sub3A_1618 : vector<16xf32> to vector<16xf32>
    tpu.vector_store %arg8[%swap3A_1619], %swap3A_1622 {strides = array<i32>} : memref<2048xf32, #tpu.memory_space<vmem>>, vector<16xf32>,
    %get3A_1623 = arith.constant 1472 : index
    %get3A_1624 = tpu.vector_load %arg7[%get3A_1623] {strides = array<i32>} : memref<2048xf32, #tpu.memory_space<vmem>>, vector<16xf32>,
    %get3A_1625 = vector.shape_cast %get3A_1624 : vector<16xf32> to vector<16xf32>
    %mul3A_1626 = arith.mulf %add3A_215, %get3A_1625 : vector<16xf32>
    %add3A_1627 = arith.addf %mul3A_1626, %add3A_1603 : vector<16xf32>
    %exp3A_1628 = math.exp %add3A_1627 : vector<16xf32>
    %add3A_1629 = arith.constant 5.000000e-01 : f32
    %add3A_1630 = vector.broadcast %add3A_1629 : f32 to vector<16xf32>
    %add3A_1631 = arith.addf %exp3A_1628, %add3A_1630 : vector<16xf32>
    %div3A_1632 = arith.constant 1.000000e+00 : f32
    %div3A_1633 = vector.broadcast %div3A_1632 : f32 to vector<16xf32>
    %div3A_1634 = arith.divf %div3A_1633, %add3A_1631 : vector<16xf32>
    %sub3A_1635 = arith.constant 1.000000e+00 : f32
    %sub3A_1636 = vector.broadcast %sub3A_1635 : f32 to vector<16xf32>
    %sub3A_1637 = arith.subf %sub3A_1636, %div3A_1634 : vector<16xf32>
    %swap3A_1638 = arith.constant 1472 : index
    %swap3A_1639 = tpu.vector_load %arg8[%swap3A_1638] {strides = array<i32>} : memref<2048xf32, #tpu.memory_space<vmem>>, vector<16xf32>,
    %swap3A_1640 = vector.shape_cast %swap3A_1639 : vector<16xf32> to vector<16xf32>
    %swap3A_1641 = vector.shape_cast %sub3A_1637 : vector<16xf32> to vector<16xf32>
    tpu.vector_store %arg8[%swap3A_1638], %swap3A_1641 {strides = array<i32>} : memref<2048xf32, #tpu.memory_space<vmem>>, vector<16xf32>,
    %get3A_1642 = arith.constant 464 : index
    %get3A_1643 = tpu.vector_load %arg7[%get3A_1642] {strides = array<i32>} : memref<2048xf32, #tpu.memory_space<vmem>>, vector<16xf32>,
    %get3A_1644 = vector.shape_cast %get3A_1643 : vector<16xf32> to vector<16xf32>
    %mul3A_1645 = arith.mulf %add3A_215, %get3A_1644 : vector<16xf32>
    %add3A_1646 = arith.addf %mul3A_1645, %add3A_1572 : vector<16xf32>
    %exp3A_1647 = math.exp %add3A_1646 : vector<16xf32>
    %add3A_1648 = arith.constant 5.000000e-01 : f32
    %add3A_1649 = vector.broadcast %add3A_1648 : f32 to vector<16xf32>
    %add3A_1650 = arith.addf %exp3A_1647, %add3A_1649 : vector<16xf32>
    %div3A_1651 = arith.constant 1.000000e+00 : f32
    %div3A_1652 = vector.broadcast %div3A_1651 : f32 to vector<16xf32>
    %div3A_1653 = arith.divf %div3A_1652, %add3A_1650 : vector<16xf32>
    %sub3A_1654 = arith.constant 1.000000e+00 : f32
    %sub3A_1655 = vector.broadcast %sub3A_1654 : f32 to vector<16xf32>
    %sub3A_1656 = arith.subf %sub3A_1655, %div3A_1653 : vector<16xf32>
    %swap3A_1657 = arith.constant 464 : index
    %swap3A_1658 = tpu.vector_load %arg8[%swap3A_1657] {strides = array<i32>} : memref<2048xf32, #tpu.memory_space<vmem>>, vector<16xf32>,
    %swap3A_1659 = vector.shape_cast %swap3A_1658 : vector<16xf32> to vector<16xf32>
    %swap3A_1660 = vector.shape_cast %sub3A_1656 : vector<16xf32> to vector<16xf32>
    tpu.vector_store %arg8[%swap3A_1657], %swap3A_1660 {strides = array<i32>} : memref<2048xf32, #tpu.memory_space<vmem>>, vector<16xf32>,
    %add3A_1661 = arith.addf %sub3A_1618, %sub3A_1656 : vector<16xf32>
    %get3A_1662 = arith.constant 1488 : index
    %get3A_1663 = tpu.vector_load %arg7[%get3A_1662] {strides = array<i32>} : memref<2048xf32, #tpu.memory_space<vmem>>, vector<16xf32>,
    %get3A_1664 = vector.shape_cast %get3A_1663 : vector<16xf32> to vector<16xf32>
    %mul3A_1665 = arith.mulf %add3A_215, %get3A_1664 : vector<16xf32>
    %add3A_1666 = arith.addf %mul3A_1665, %add3A_1603 : vector<16xf32>
    %exp3A_1667 = math.exp %add3A_1666 : vector<16xf32>
    %add3A_1668 = arith.constant 5.000000e-01 : f32
    %add3A_1669 = vector.broadcast %add3A_1668 : f32 to vector<16xf32>
    %add3A_1670 = arith.addf %exp3A_1667, %add3A_1669 : vector<16xf32>
    %div3A_1671 = arith.constant 1.000000e+00 : f32
    %div3A_1672 = vector.broadcast %div3A_1671 : f32 to vector<16xf32>
    %div3A_1673 = arith.divf %div3A_1672, %add3A_1670 : vector<16xf32>
    %sub3A_1674 = arith.constant 1.000000e+00 : f32
    %sub3A_1675 = vector.broadcast %sub3A_1674 : f32 to vector<16xf32>
    %sub3A_1676 = arith.subf %sub3A_1675, %div3A_1673 : vector<16xf32>
    %swap3A_1677 = arith.constant 1488 : index
    %swap3A_1678 = tpu.vector_load %arg8[%swap3A_1677] {strides = array<i32>} : memref<2048xf32, #tpu.memory_space<vmem>>, vector<16xf32>,
    %swap3A_1679 = vector.shape_cast %swap3A_1678 : vector<16xf32> to vector<16xf32>
    %swap3A_1680 = vector.shape_cast %sub3A_1676 : vector<16xf32> to vector<16xf32>
    tpu.vector_store %arg8[%swap3A_1677], %swap3A_1680 {strides = array<i32>} : memref<2048xf32, #tpu.memory_space<vmem>>, vector<16xf32>,
    %add3A_1681 = arith.addf %sub3A_1637, %sub3A_1676 : vector<16xf32>
    %get3A_1682 = arith.constant 480 : index
    %get3A_1683 = tpu.vector_load %arg7[%get3A_1682] {strides = array<i32>} : memref<2048xf32, #tpu.memory_space<vmem>>, vector<16xf32>,
    %get3A_1684 = vector.shape_cast %get3A_1683 : vector<16xf32> to vector<16xf32>
    %mul3A_1685 = arith.mulf %add3A_215, %get3A_1684 : vector<16xf32>
    %add3A_1686 = arith.addf %mul3A_1685, %add3A_1572 : vector<16xf32>
    %exp3A_1687 = math.exp %add3A_1686 : vector<16xf32>
    %add3A_1688 = arith.constant 5.000000e-01 : f32
    %add3A_1689 = vector.broadcast %add3A_1688 : f32 to vector<16xf32>
    %add3A_1690 = arith.addf %exp3A_1687, %add3A_1689 : vector<16xf32>
    %div3A_1691 = arith.constant 1.000000e+00 : f32
    %div3A_1692 = vector.broadcast %div3A_1691 : f32 to vector<16xf32>
    %div3A_1693 = arith.divf %div3A_1692, %add3A_1690 : vector<16xf32>
    %sub3A_1694 = arith.constant 1.000000e+00 : f32
    %sub3A_1695 = vector.broadcast %sub3A_1694 : f32 to vector<16xf32>
    %sub3A_1696 = arith.subf %sub3A_1695, %div3A_1693 : vector<16xf32>
    %swap3A_1697 = arith.constant 480 : index
    %swap3A_1698 = tpu.vector_load %arg8[%swap3A_1697] {strides = array<i32>} : memref<2048xf32, #tpu.memory_space<vmem>>, vector<16xf32>,
    %swap3A_1699 = vector.shape_cast %swap3A_1698 : vector<16xf32> to vector<16xf32>
    %swap3A_1700 = vector.shape_cast %sub3A_1696 : vector<16xf32> to vector<16xf32>
    tpu.vector_store %arg8[%swap3A_1697], %swap3A_1700 {strides = array<i32>} : memref<2048xf32, #tpu.memory_space<vmem>>, vector<16xf32>,
    %add3A_1701 = arith.addf %add3A_1661, %sub3A_1696 : vector<16xf32>
    %get3A_1702 = arith.constant 1504 : index
    %get3A_1703 = tpu.vector_load %arg7[%get3A_1702] {strides = array<i32>} : memref<2048xf32, #tpu.memory_space<vmem>>, vector<16xf32>,
    %get3A_1704 = vector.shape_cast %get3A_1703 : vector<16xf32> to vector<16xf32>
    %mul3A_1705 = arith.mulf %add3A_215, %get3A_1704 : vector<16xf32>
    %add3A_1706 = arith.addf %mul3A_1705, %add3A_1603 : vector<16xf32>
    %exp3A_1707 = math.exp %add3A_1706 : vector<16xf32>
    %add3A_1708 = arith.constant 5.000000e-01 : f32
    %add3A_1709 = vector.broadcast %add3A_1708 : f32 to vector<16xf32>
    %add3A_1710 = arith.addf %exp3A_1707, %add3A_1709 : vector<16xf32>
    %div3A_1711 = arith.constant 1.000000e+00 : f32
    %div3A_1712 = vector.broadcast %div3A_1711 : f32 to vector<16xf32>
    %div3A_1713 = arith.divf %div3A_1712, %add3A_1710 : vector<16xf32>
    %sub3A_1714 = arith.constant 1.000000e+00 : f32
    %sub3A_1715 = vector.broadcast %sub3A_1714 : f32 to vector<16xf32>
    %sub3A_1716 = arith.subf %sub3A_1715, %div3A_1713 : vector<16xf32>
    %swap3A_1717 = arith.constant 1504 : index
    %swap3A_1718 = tpu.vector_load %arg8[%swap3A_1717] {strides = array<i32>} : memref<2048xf32, #tpu.memory_space<vmem>>, vector<16xf32>,
    %swap3A_1719 = vector.shape_cast %swap3A_1718 : vector<16xf32> to vector<16xf32>
    %swap3A_1720 = vector.shape_cast %sub3A_1716 : vector<16xf32> to vector<16xf32>
    tpu.vector_store %arg8[%swap3A_1717], %swap3A_1720 {strides = array<i32>} : memref<2048xf32, #tpu.memory_space<vmem>>, vector<16xf32>,
    %add3A_1721 = arith.addf %add3A_1681, %sub3A_1716 : vector<16xf32>
    %get3A_1722 = arith.constant 496 : index
    %get3A_1723 = tpu.vector_load %arg7[%get3A_1722] {strides = array<i32>} : memref<2048xf32, #tpu.memory_space<vmem>>, vector<16xf32>,
    %get3A_1724 = vector.shape_cast %get3A_1723 : vector<16xf32> to vector<16xf32>
    %mul3A_1725 = arith.mulf %add3A_215, %get3A_1724 : vector<16xf32>
    %add3A_1726 = arith.addf %mul3A_1725, %add3A_1572 : vector<16xf32>
    %exp3A_1727 = math.exp %add3A_1726 : vector<16xf32>
    %add3A_1728 = arith.constant 5.000000e-01 : f32
    %add3A_1729 = vector.broadcast %add3A_1728 : f32 to vector<16xf32>
    %add3A_1730 = arith.addf %exp3A_1727, %add3A_1729 : vector<16xf32>
    %div3A_1731 = arith.constant 1.000000e+00 : f32
    %div3A_1732 = vector.broadcast %div3A_1731 : f32 to vector<16xf32>
    %div3A_1733 = arith.divf %div3A_1732, %add3A_1730 : vector<16xf32>
    %sub3A_1734 = arith.constant 1.000000e+00 : f32
    %sub3A_1735 = vector.broadcast %sub3A_1734 : f32 to vector<16xf32>
    %sub3A_1736 = arith.subf %sub3A_1735, %div3A_1733 : vector<16xf32>
    %swap3A_1737 = arith.constant 496 : index
    %swap3A_1738 = tpu.vector_load %arg8[%swap3A_1737] {strides = array<i32>} : memref<2048xf32, #tpu.memory_space<vmem>>, vector<16xf32>,
    %swap3A_1739 = vector.shape_cast %swap3A_1738 : vector<16xf32> to vector<16xf32>
    %swap3A_1740 = vector.shape_cast %sub3A_1736 : vector<16xf32> to vector<16xf32>
    tpu.vector_store %arg8[%swap3A_1737], %swap3A_1740 {strides = array<i32>} : memref<2048xf32, #tpu.memory_space<vmem>>, vector<16xf32>,
    %add3A_1741 = arith.addf %add3A_1701, %sub3A_1736 : vector<16xf32>
    %get3A_1742 = arith.constant 1520 : index
    %get3A_1743 = tpu.vector_load %arg7[%get3A_1742] {strides = array<i32>} : memref<2048xf32, #tpu.memory_space<vmem>>, vector<16xf32>,
    %get3A_1744 = vector.shape_cast %get3A_1743 : vector<16xf32> to vector<16xf32>
    %mul3A_1745 = arith.mulf %add3A_215, %get3A_1744 : vector<16xf32>
    %add3A_1746 = arith.addf %mul3A_1745, %add3A_1603 : vector<16xf32>
    %exp3A_1747 = math.exp %add3A_1746 : vector<16xf32>
    %add3A_1748 = arith.constant 5.000000e-01 : f32
    %add3A_1749 = vector.broadcast %add3A_1748 : f32 to vector<16xf32>
    %add3A_1750 = arith.addf %exp3A_1747, %add3A_1749 : vector<16xf32>
    %div3A_1751 = arith.constant 1.000000e+00 : f32
    %div3A_1752 = vector.broadcast %div3A_1751 : f32 to vector<16xf32>
    %div3A_1753 = arith.divf %div3A_1752, %add3A_1750 : vector<16xf32>
    %sub3A_1754 = arith.constant 1.000000e+00 : f32
    %sub3A_1755 = vector.broadcast %sub3A_1754 : f32 to vector<16xf32>
    %sub3A_1756 = arith.subf %sub3A_1755, %div3A_1753 : vector<16xf32>
    %swap3A_1757 = arith.constant 1520 : index
    %swap3A_1758 = tpu.vector_load %arg8[%swap3A_1757] {strides = array<i32>} : memref<2048xf32, #tpu.memory_space<vmem>>, vector<16xf32>,
    %swap3A_1759 = vector.shape_cast %swap3A_1758 : vector<16xf32> to vector<16xf32>
    %swap3A_1760 = vector.shape_cast %sub3A_1756 : vector<16xf32> to vector<16xf32>
    tpu.vector_store %arg8[%swap3A_1757], %swap3A_1760 {strides = array<i32>} : memref<2048xf32, #tpu.memory_space<vmem>>, vector<16xf32>,
    %add3A_1761 = arith.addf %add3A_1721, %sub3A_1756 : vector<16xf32>
    %add3A_1762 = arith.constant 0 : i32
    %add3A_1763 = arith.addi %mul3A_2, %add3A_1762 : i32
    %dma_start3A_1764 = arith.constant 0 : i32
    %dma_start3A_1765 = tpu.memref_slice %arg8[%dma_start3A_1764] : memref<2048xf32, #tpu.memory_space<vmem>> -> memref<512xf32, #tpu.memory_space<vmem>>
    %dma_start3A_1766 = tpu.memref_slice %arg6[%add3A_1763] : memref<65536xf32, #tpu.memory_space<hbm>> -> memref<512xf32, #tpu.memory_space<hbm>>
    %dma_start3A_1767 = tpu.memref_slice %arg6[%add3A_1763] : memref<65536xf32, #tpu.memory_space<hbm>> -> memref<512xf32, #tpu.memory_space<hbm>>
    %dma_start3A_1768 = arith.constant 0 : i32
    %dma_start3A_1769 = tpu.memref_slice %arg8[%dma_start3A_1768] : memref<2048xf32, #tpu.memory_space<vmem>> -> memref<512xf32, #tpu.memory_space<vmem>>
    tpu.enqueue_dma source(%dma_start3A_1769 : memref<512xf32, #tpu.memory_space<vmem>>) target(%dma_start3A_1767 : memref<512xf32, #tpu.memory_space<hbm>>) target_semaphore(%arg12 : memref<!tpu.dma_semaphore, #tpu.memory_space<semaphore_mem>>)
    %add3A_1770 = arith.constant 1024 : i32
    %add3A_1771 = arith.addi %mul3A_2, %add3A_1770 : i32
    %dma_start3A_1772 = arith.constant 1024 : i32
    %dma_start3A_1773 = tpu.memref_slice %arg8[%dma_start3A_1772] : memref<2048xf32, #tpu.memory_space<vmem>> -> memref<512xf32, #tpu.memory_space<vmem>>
    %dma_start3A_1774 = tpu.memref_slice %arg6[%add3A_1771] : memref<65536xf32, #tpu.memory_space<hbm>> -> memref<512xf32, #tpu.memory_space<hbm>>
    %dma_start3A_1775 = tpu.memref_slice %arg6[%add3A_1771] : memref<65536xf32, #tpu.memory_space<hbm>> -> memref<512xf32, #tpu.memory_space<hbm>>
    %dma_start3A_1776 = arith.constant 1024 : i32
    %dma_start3A_1777 = tpu.memref_slice %arg8[%dma_start3A_1776] : memref<2048xf32, #tpu.memory_space<vmem>> -> memref<512xf32, #tpu.memory_space<vmem>>
    tpu.enqueue_dma source(%dma_start3A_1777 : memref<512xf32, #tpu.memory_space<vmem>>) target(%dma_start3A_1775 : memref<512xf32, #tpu.memory_space<hbm>>) target_semaphore(%arg12 : memref<!tpu.dma_semaphore, #tpu.memory_space<semaphore_mem>>)
    %iota3A_1778 = tpu.iota {dimensions = array<i32: 0>} : vector<16xi32>
    %xor3A_1779 = arith.constant 8 : i32
    %xor3A_1780 = vector.broadcast %xor3A_1779 : i32 to vector<16xi32>
    %xor3A_1781 = arith.xori %iota3A_1778, %xor3A_1780 : vector<16xi32>
    %broadcast_in_dim3A_1782 = vector.shape_cast %xor3A_1781 : vector<16xi32> to vector<16x1xi32>
    %gather3A_1783 = vector.shape_cast %broadcast_in_dim3A_1782 : vector<16x1xi32> to vector<16xi32>
    %gather3A_1784 = tpu.dynamic_gather %add3A_1741[%gather3A_1783] in [0] : vector<16xf32>, vector<16xi32> -> vector<16xf32>
    %add3A_1785 = arith.addf %add3A_1741, %gather3A_1784 : vector<16xf32>
    %xor3A_1786 = arith.constant 4 : i32
    %xor3A_1787 = vector.broadcast %xor3A_1786 : i32 to vector<16xi32>
    %xor3A_1788 = arith.xori %iota3A_1778, %xor3A_1787 : vector<16xi32>
    %broadcast_in_dim3A_1789 = vector.shape_cast %xor3A_1788 : vector<16xi32> to vector<16x1xi32>
    %gather3A_1790 = vector.shape_cast %broadcast_in_dim3A_1789 : vector<16x1xi32> to vector<16xi32>
    %gather3A_1791 = tpu.dynamic_gather %add3A_1785[%gather3A_1790] in [0] : vector<16xf32>, vector<16xi32> -> vector<16xf32>
    %add3A_1792 = arith.addf %add3A_1785, %gather3A_1791 : vector<16xf32>
    %xor3A_1793 = arith.constant 2 : i32
    %xor3A_1794 = vector.broadcast %xor3A_1793 : i32 to vector<16xi32>
    %xor3A_1795 = arith.xori %iota3A_1778, %xor3A_1794 : vector<16xi32>
    %broadcast_in_dim3A_1796 = vector.shape_cast %xor3A_1795 : vector<16xi32> to vector<16x1xi32>
    %gather3A_1797 = vector.shape_cast %broadcast_in_dim3A_1796 : vector<16x1xi32> to vector<16xi32>
    %gather3A_1798 = tpu.dynamic_gather %add3A_1792[%gather3A_1797] in [0] : vector<16xf32>, vector<16xi32> -> vector<16xf32>
    %add3A_1799 = arith.addf %add3A_1792, %gather3A_1798 : vector<16xf32>
    %xor3A_1800 = arith.constant 1 : i32
    %xor3A_1801 = vector.broadcast %xor3A_1800 : i32 to vector<16xi32>
    %xor3A_1802 = arith.xori %iota3A_1778, %xor3A_1801 : vector<16xi32>
    %broadcast_in_dim3A_1803 = vector.shape_cast %xor3A_1802 : vector<16xi32> to vector<16x1xi32>
    %gather3A_1804 = vector.shape_cast %broadcast_in_dim3A_1803 : vector<16x1xi32> to vector<16xi32>
    %gather3A_1805 = tpu.dynamic_gather %add3A_1799[%gather3A_1804] in [0] : vector<16xf32>, vector<16xi32> -> vector<16xf32>
    %add3A_1806 = arith.addf %add3A_1799, %gather3A_1805 : vector<16xf32>
    %mul3A_1807 = arith.mulf %mul3A_218, %add3A_1806 : vector<16xf32>
    %add3A_1808 = arith.addf %mul3A_1807, %sub3A_222 : vector<16xf32>
    %iota3A_1809 = tpu.iota {dimensions = array<i32: 0>} : vector<16xi32>
    %xor3A_1810 = arith.constant 8 : i32
    %xor3A_1811 = vector.broadcast %xor3A_1810 : i32 to vector<16xi32>
    %xor3A_1812 = arith.xori %iota3A_1809, %xor3A_1811 : vector<16xi32>
    %broadcast_in_dim3A_1813 = vector.shape_cast %xor3A_1812 : vector<16xi32> to vector<16x1xi32>
    %gather3A_1814 = vector.shape_cast %broadcast_in_dim3A_1813 : vector<16x1xi32> to vector<16xi32>
    %gather3A_1815 = tpu.dynamic_gather %add3A_1761[%gather3A_1814] in [0] : vector<16xf32>, vector<16xi32> -> vector<16xf32>
    %add3A_1816 = arith.addf %add3A_1761, %gather3A_1815 : vector<16xf32>
    %xor3A_1817 = arith.constant 4 : i32
    %xor3A_1818 = vector.broadcast %xor3A_1817 : i32 to vector<16xi32>
    %xor3A_1819 = arith.xori %iota3A_1809, %xor3A_1818 : vector<16xi32>
    %broadcast_in_dim3A_1820 = vector.shape_cast %xor3A_1819 : vector<16xi32> to vector<16x1xi32>
    %gather3A_1821 = vector.shape_cast %broadcast_in_dim3A_1820 : vector<16x1xi32> to vector<16xi32>
    %gather3A_1822 = tpu.dynamic_gather %add3A_1816[%gather3A_1821] in [0] : vector<16xf32>, vector<16xi32> -> vector<16xf32>
    %add3A_1823 = arith.addf %add3A_1816, %gather3A_1822 : vector<16xf32>
    %xor3A_1824 = arith.constant 2 : i32
    %xor3A_1825 = vector.broadcast %xor3A_1824 : i32 to vector<16xi32>
    %xor3A_1826 = arith.xori %iota3A_1809, %xor3A_1825 : vector<16xi32>
    %broadcast_in_dim3A_1827 = vector.shape_cast %xor3A_1826 : vector<16xi32> to vector<16x1xi32>
    %gather3A_1828 = vector.shape_cast %broadcast_in_dim3A_1827 : vector<16x1xi32> to vector<16xi32>
    %gather3A_1829 = tpu.dynamic_gather %add3A_1823[%gather3A_1828] in [0] : vector<16xf32>, vector<16xi32> -> vector<16xf32>
    %add3A_1830 = arith.addf %add3A_1823, %gather3A_1829 : vector<16xf32>
    %xor3A_1831 = arith.constant 1 : i32
    %xor3A_1832 = vector.broadcast %xor3A_1831 : i32 to vector<16xi32>
    %xor3A_1833 = arith.xori %iota3A_1809, %xor3A_1832 : vector<16xi32>
    %broadcast_in_dim3A_1834 = vector.shape_cast %xor3A_1833 : vector<16xi32> to vector<16x1xi32>
    %gather3A_1835 = vector.shape_cast %broadcast_in_dim3A_1834 : vector<16x1xi32> to vector<16xi32>
    %gather3A_1836 = tpu.dynamic_gather %add3A_1830[%gather3A_1835] in [0] : vector<16xf32>, vector<16xi32> -> vector<16xf32>
    %add3A_1837 = arith.addf %add3A_1830, %gather3A_1836 : vector<16xf32>
    %mul3A_1838 = arith.mulf %mul3A_218, %add3A_1837 : vector<16xf32>
    %add3A_1839 = arith.addf %mul3A_1838, %sub3A_222 : vector<16xf32>
    %get3A_1840 = arith.constant 512 : index
    %get3A_1841 = tpu.vector_load %arg7[%get3A_1840] {strides = array<i32>} : memref<2048xf32, #tpu.memory_space<vmem>>, vector<16xf32>,
    %get3A_1842 = vector.shape_cast %get3A_1841 : vector<16xf32> to vector<16xf32>
    %mul3A_1843 = arith.mulf %add3A_215, %get3A_1842 : vector<16xf32>
    %add3A_1844 = arith.addf %mul3A_1843, %add3A_1808 : vector<16xf32>
    %exp3A_1845 = math.exp %add3A_1844 : vector<16xf32>
    %add3A_1846 = arith.constant 5.000000e-01 : f32
    %add3A_1847 = vector.broadcast %add3A_1846 : f32 to vector<16xf32>
    %add3A_1848 = arith.addf %exp3A_1845, %add3A_1847 : vector<16xf32>
    %div3A_1849 = arith.constant 1.000000e+00 : f32
    %div3A_1850 = vector.broadcast %div3A_1849 : f32 to vector<16xf32>
    %div3A_1851 = arith.divf %div3A_1850, %add3A_1848 : vector<16xf32>
    %sub3A_1852 = arith.constant 1.000000e+00 : f32
    %sub3A_1853 = vector.broadcast %sub3A_1852 : f32 to vector<16xf32>
    %sub3A_1854 = arith.subf %sub3A_1853, %div3A_1851 : vector<16xf32>
    %swap3A_1855 = arith.constant 512 : index
    %swap3A_1856 = tpu.vector_load %arg8[%swap3A_1855] {strides = array<i32>} : memref<2048xf32, #tpu.memory_space<vmem>>, vector<16xf32>,
    %swap3A_1857 = vector.shape_cast %swap3A_1856 : vector<16xf32> to vector<16xf32>
    %swap3A_1858 = vector.shape_cast %sub3A_1854 : vector<16xf32> to vector<16xf32>
    tpu.vector_store %arg8[%swap3A_1855], %swap3A_1858 {strides = array<i32>} : memref<2048xf32, #tpu.memory_space<vmem>>, vector<16xf32>,
    %get3A_1859 = arith.constant 1536 : index
    %get3A_1860 = tpu.vector_load %arg7[%get3A_1859] {strides = array<i32>} : memref<2048xf32, #tpu.memory_space<vmem>>, vector<16xf32>,
    %get3A_1861 = vector.shape_cast %get3A_1860 : vector<16xf32> to vector<16xf32>
    %mul3A_1862 = arith.mulf %add3A_215, %get3A_1861 : vector<16xf32>
    %add3A_1863 = arith.addf %mul3A_1862, %add3A_1839 : vector<16xf32>
    %exp3A_1864 = math.exp %add3A_1863 : vector<16xf32>
    %add3A_1865 = arith.constant 5.000000e-01 : f32
    %add3A_1866 = vector.broadcast %add3A_1865 : f32 to vector<16xf32>
    %add3A_1867 = arith.addf %exp3A_1864, %add3A_1866 : vector<16xf32>
    %div3A_1868 = arith.constant 1.000000e+00 : f32
    %div3A_1869 = vector.broadcast %div3A_1868 : f32 to vector<16xf32>
    %div3A_1870 = arith.divf %div3A_1869, %add3A_1867 : vector<16xf32>
    %sub3A_1871 = arith.constant 1.000000e+00 : f32
    %sub3A_1872 = vector.broadcast %sub3A_1871 : f32 to vector<16xf32>
    %sub3A_1873 = arith.subf %sub3A_1872, %div3A_1870 : vector<16xf32>
    %swap3A_1874 = arith.constant 1536 : index
    %swap3A_1875 = tpu.vector_load %arg8[%swap3A_1874] {strides = array<i32>} : memref<2048xf32, #tpu.memory_space<vmem>>, vector<16xf32>,
    %swap3A_1876 = vector.shape_cast %swap3A_1875 : vector<16xf32> to vector<16xf32>
    %swap3A_1877 = vector.shape_cast %sub3A_1873 : vector<16xf32> to vector<16xf32>
    tpu.vector_store %arg8[%swap3A_1874], %swap3A_1877 {strides = array<i32>} : memref<2048xf32, #tpu.memory_space<vmem>>, vector<16xf32>,
    %get3A_1878 = arith.constant 528 : index
    %get3A_1879 = tpu.vector_load %arg7[%get3A_1878] {strides = array<i32>} : memref<2048xf32, #tpu.memory_space<vmem>>, vector<16xf32>,
    %get3A_1880 = vector.shape_cast %get3A_1879 : vector<16xf32> to vector<16xf32>
    %mul3A_1881 = arith.mulf %add3A_215, %get3A_1880 : vector<16xf32>
    %add3A_1882 = arith.addf %mul3A_1881, %add3A_1808 : vector<16xf32>
    %exp3A_1883 = math.exp %add3A_1882 : vector<16xf32>
    %add3A_1884 = arith.constant 5.000000e-01 : f32
    %add3A_1885 = vector.broadcast %add3A_1884 : f32 to vector<16xf32>
    %add3A_1886 = arith.addf %exp3A_1883, %add3A_1885 : vector<16xf32>
    %div3A_1887 = arith.constant 1.000000e+00 : f32
    %div3A_1888 = vector.broadcast %div3A_1887 : f32 to vector<16xf32>
    %div3A_1889 = arith.divf %div3A_1888, %add3A_1886 : vector<16xf32>
    %sub3A_1890 = arith.constant 1.000000e+00 : f32
    %sub3A_1891 = vector.broadcast %sub3A_1890 : f32 to vector<16xf32>
    %sub3A_1892 = arith.subf %sub3A_1891, %div3A_1889 : vector<16xf32>
    %swap3A_1893 = arith.constant 528 : index
    %swap3A_1894 = tpu.vector_load %arg8[%swap3A_1893] {strides = array<i32>} : memref<2048xf32, #tpu.memory_space<vmem>>, vector<16xf32>,
    %swap3A_1895 = vector.shape_cast %swap3A_1894 : vector<16xf32> to vector<16xf32>
    %swap3A_1896 = vector.shape_cast %sub3A_1892 : vector<16xf32> to vector<16xf32>
    tpu.vector_store %arg8[%swap3A_1893], %swap3A_1896 {strides = array<i32>} : memref<2048xf32, #tpu.memory_space<vmem>>, vector<16xf32>,
    %add3A_1897 = arith.addf %sub3A_1854, %sub3A_1892 : vector<16xf32>
    %get3A_1898 = arith.constant 1552 : index
    %get3A_1899 = tpu.vector_load %arg7[%get3A_1898] {strides = array<i32>} : memref<2048xf32, #tpu.memory_space<vmem>>, vector<16xf32>,
    %get3A_1900 = vector.shape_cast %get3A_1899 : vector<16xf32> to vector<16xf32>
    %mul3A_1901 = arith.mulf %add3A_215, %get3A_1900 : vector<16xf32>
    %add3A_1902 = arith.addf %mul3A_1901, %add3A_1839 : vector<16xf32>
    %exp3A_1903 = math.exp %add3A_1902 : vector<16xf32>
    %add3A_1904 = arith.constant 5.000000e-01 : f32
    %add3A_1905 = vector.broadcast %add3A_1904 : f32 to vector<16xf32>
    %add3A_1906 = arith.addf %exp3A_1903, %add3A_1905 : vector<16xf32>
    %div3A_1907 = arith.constant 1.000000e+00 : f32
    %div3A_1908 = vector.broadcast %div3A_1907 : f32 to vector<16xf32>
    %div3A_1909 = arith.divf %div3A_1908, %add3A_1906 : vector<16xf32>
    %sub3A_1910 = arith.constant 1.000000e+00 : f32
    %sub3A_1911 = vector.broadcast %sub3A_1910 : f32 to vector<16xf32>
    %sub3A_1912 = arith.subf %sub3A_1911, %div3A_1909 : vector<16xf32>
    %swap3A_1913 = arith.constant 1552 : index
    %swap3A_1914 = tpu.vector_load %arg8[%swap3A_1913] {strides = array<i32>} : memref<2048xf32, #tpu.memory_space<vmem>>, vector<16xf32>,
    %swap3A_1915 = vector.shape_cast %swap3A_1914 : vector<16xf32> to vector<16xf32>
    %swap3A_1916 = vector.shape_cast %sub3A_1912 : vector<16xf32> to vector<16xf32>
    tpu.vector_store %arg8[%swap3A_1913], %swap3A_1916 {strides = array<i32>} : memref<2048xf32, #tpu.memory_space<vmem>>, vector<16xf32>,
    %add3A_1917 = arith.addf %sub3A_1873, %sub3A_1912 : vector<16xf32>
    %get3A_1918 = arith.constant 544 : index
    %get3A_1919 = tpu.vector_load %arg7[%get3A_1918] {strides = array<i32>} : memref<2048xf32, #tpu.memory_space<vmem>>, vector<16xf32>,
    %get3A_1920 = vector.shape_cast %get3A_1919 : vector<16xf32> to vector<16xf32>
    %mul3A_1921 = arith.mulf %add3A_215, %get3A_1920 : vector<16xf32>
    %add3A_1922 = arith.addf %mul3A_1921, %add3A_1808 : vector<16xf32>
    %exp3A_1923 = math.exp %add3A_1922 : vector<16xf32>
    %add3A_1924 = arith.constant 5.000000e-01 : f32
    %add3A_1925 = vector.broadcast %add3A_1924 : f32 to vector<16xf32>
    %add3A_1926 = arith.addf %exp3A_1923, %add3A_1925 : vector<16xf32>
    %div3A_1927 = arith.constant 1.000000e+00 : f32
    %div3A_1928 = vector.broadcast %div3A_1927 : f32 to vector<16xf32>
    %div3A_1929 = arith.divf %div3A_1928, %add3A_1926 : vector<16xf32>
    %sub3A_1930 = arith.constant 1.000000e+00 : f32
    %sub3A_1931 = vector.broadcast %sub3A_1930 : f32 to vector<16xf32>
    %sub3A_1932 = arith.subf %sub3A_1931, %div3A_1929 : vector<16xf32>
    %swap3A_1933 = arith.constant 544 : index
    %swap3A_1934 = tpu.vector_load %arg8[%swap3A_1933] {strides = array<i32>} : memref<2048xf32, #tpu.memory_space<vmem>>, vector<16xf32>,
    %swap3A_1935 = vector.shape_cast %swap3A_1934 : vector<16xf32> to vector<16xf32>
    %swap3A_1936 = vector.shape_cast %sub3A_1932 : vector<16xf32> to vector<16xf32>
    tpu.vector_store %arg8[%swap3A_1933], %swap3A_1936 {strides = array<i32>} : memref<2048xf32, #tpu.memory_space<vmem>>, vector<16xf32>,
    %add3A_1937 = arith.addf %add3A_1897, %sub3A_1932 : vector<16xf32>
    %get3A_1938 = arith.constant 1568 : index
    %get3A_1939 = tpu.vector_load %arg7[%get3A_1938] {strides = array<i32>} : memref<2048xf32, #tpu.memory_space<vmem>>, vector<16xf32>,
    %get3A_1940 = vector.shape_cast %get3A_1939 : vector<16xf32> to vector<16xf32>
    %mul3A_1941 = arith.mulf %add3A_215, %get3A_1940 : vector<16xf32>
    %add3A_1942 = arith.addf %mul3A_1941, %add3A_1839 : vector<16xf32>
    %exp3A_1943 = math.exp %add3A_1942 : vector<16xf32>
    %add3A_1944 = arith.constant 5.000000e-01 : f32
    %add3A_1945 = vector.broadcast %add3A_1944 : f32 to vector<16xf32>
    %add3A_1946 = arith.addf %exp3A_1943, %add3A_1945 : vector<16xf32>
    %div3A_1947 = arith.constant 1.000000e+00 : f32
    %div3A_1948 = vector.broadcast %div3A_1947 : f32 to vector<16xf32>
    %div3A_1949 = arith.divf %div3A_1948, %add3A_1946 : vector<16xf32>
    %sub3A_1950 = arith.constant 1.000000e+00 : f32
    %sub3A_1951 = vector.broadcast %sub3A_1950 : f32 to vector<16xf32>
    %sub3A_1952 = arith.subf %sub3A_1951, %div3A_1949 : vector<16xf32>
    %swap3A_1953 = arith.constant 1568 : index
    %swap3A_1954 = tpu.vector_load %arg8[%swap3A_1953] {strides = array<i32>} : memref<2048xf32, #tpu.memory_space<vmem>>, vector<16xf32>,
    %swap3A_1955 = vector.shape_cast %swap3A_1954 : vector<16xf32> to vector<16xf32>
    %swap3A_1956 = vector.shape_cast %sub3A_1952 : vector<16xf32> to vector<16xf32>
    tpu.vector_store %arg8[%swap3A_1953], %swap3A_1956 {strides = array<i32>} : memref<2048xf32, #tpu.memory_space<vmem>>, vector<16xf32>,
    %add3A_1957 = arith.addf %add3A_1917, %sub3A_1952 : vector<16xf32>
    %get3A_1958 = arith.constant 560 : index
    %get3A_1959 = tpu.vector_load %arg7[%get3A_1958] {strides = array<i32>} : memref<2048xf32, #tpu.memory_space<vmem>>, vector<16xf32>,
    %get3A_1960 = vector.shape_cast %get3A_1959 : vector<16xf32> to vector<16xf32>
    %mul3A_1961 = arith.mulf %add3A_215, %get3A_1960 : vector<16xf32>
    %add3A_1962 = arith.addf %mul3A_1961, %add3A_1808 : vector<16xf32>
    %exp3A_1963 = math.exp %add3A_1962 : vector<16xf32>
    %add3A_1964 = arith.constant 5.000000e-01 : f32
    %add3A_1965 = vector.broadcast %add3A_1964 : f32 to vector<16xf32>
    %add3A_1966 = arith.addf %exp3A_1963, %add3A_1965 : vector<16xf32>
    %div3A_1967 = arith.constant 1.000000e+00 : f32
    %div3A_1968 = vector.broadcast %div3A_1967 : f32 to vector<16xf32>
    %div3A_1969 = arith.divf %div3A_1968, %add3A_1966 : vector<16xf32>
    %sub3A_1970 = arith.constant 1.000000e+00 : f32
    %sub3A_1971 = vector.broadcast %sub3A_1970 : f32 to vector<16xf32>
    %sub3A_1972 = arith.subf %sub3A_1971, %div3A_1969 : vector<16xf32>
    %swap3A_1973 = arith.constant 560 : index
    %swap3A_1974 = tpu.vector_load %arg8[%swap3A_1973] {strides = array<i32>} : memref<2048xf32, #tpu.memory_space<vmem>>, vector<16xf32>,
    %swap3A_1975 = vector.shape_cast %swap3A_1974 : vector<16xf32> to vector<16xf32>
    %swap3A_1976 = vector.shape_cast %sub3A_1972 : vector<16xf32> to vector<16xf32>
    tpu.vector_store %arg8[%swap3A_1973], %swap3A_1976 {strides = array<i32>} : memref<2048xf32, #tpu.memory_space<vmem>>, vector<16xf32>,
    %add3A_1977 = arith.addf %add3A_1937, %sub3A_1972 : vector<16xf32>
    %get3A_1978 = arith.constant 1584 : index
    %get3A_1979 = tpu.vector_load %arg7[%get3A_1978] {strides = array<i32>} : memref<2048xf32, #tpu.memory_space<vmem>>, vector<16xf32>,
    %get3A_1980 = vector.shape_cast %get3A_1979 : vector<16xf32> to vector<16xf32>
    %mul3A_1981 = arith.mulf %add3A_215, %get3A_1980 : vector<16xf32>
    %add3A_1982 = arith.addf %mul3A_1981, %add3A_1839 : vector<16xf32>
    %exp3A_1983 = math.exp %add3A_1982 : vector<16xf32>
    %add3A_1984 = arith.constant 5.000000e-01 : f32
    %add3A_1985 = vector.broadcast %add3A_1984 : f32 to vector<16xf32>
    %add3A_1986 = arith.addf %exp3A_1983, %add3A_1985 : vector<16xf32>
    %div3A_1987 = arith.constant 1.000000e+00 : f32
    %div3A_1988 = vector.broadcast %div3A_1987 : f32 to vector<16xf32>
    %div3A_1989 = arith.divf %div3A_1988, %add3A_1986 : vector<16xf32>
    %sub3A_1990 = arith.constant 1.000000e+00 : f32
    %sub3A_1991 = vector.broadcast %sub3A_1990 : f32 to vector<16xf32>
    %sub3A_1992 = arith.subf %sub3A_1991, %div3A_1989 : vector<16xf32>
    %swap3A_1993 = arith.constant 1584 : index
    %swap3A_1994 = tpu.vector_load %arg8[%swap3A_1993] {strides = array<i32>} : memref<2048xf32, #tpu.memory_space<vmem>>, vector<16xf32>,
    %swap3A_1995 = vector.shape_cast %swap3A_1994 : vector<16xf32> to vector<16xf32>
    %swap3A_1996 = vector.shape_cast %sub3A_1992 : vector<16xf32> to vector<16xf32>
    tpu.vector_store %arg8[%swap3A_1993], %swap3A_1996 {strides = array<i32>} : memref<2048xf32, #tpu.memory_space<vmem>>, vector<16xf32>,
    %add3A_1997 = arith.addf %add3A_1957, %sub3A_1992 : vector<16xf32>
    %iota3A_1998 = tpu.iota {dimensions = array<i32: 0>} : vector<16xi32>
    %xor3A_1999 = arith.constant 8 : i32
    %xor3A_2000 = vector.broadcast %xor3A_1999 : i32 to vector<16xi32>
    %xor3A_2001 = arith.xori %iota3A_1998, %xor3A_2000 : vector<16xi32>
    %broadcast_in_dim3A_2002 = vector.shape_cast %xor3A_2001 : vector<16xi32> to vector<16x1xi32>
    %gather3A_2003 = vector.shape_cast %broadcast_in_dim3A_2002 : vector<16x1xi32> to vector<16xi32>
    %gather3A_2004 = tpu.dynamic_gather %add3A_1977[%gather3A_2003] in [0] : vector<16xf32>, vector<16xi32> -> vector<16xf32>
    %add3A_2005 = arith.addf %add3A_1977, %gather3A_2004 : vector<16xf32>
    %xor3A_2006 = arith.constant 4 : i32
    %xor3A_2007 = vector.broadcast %xor3A_2006 : i32 to vector<16xi32>
    %xor3A_2008 = arith.xori %iota3A_1998, %xor3A_2007 : vector<16xi32>
    %broadcast_in_dim3A_2009 = vector.shape_cast %xor3A_2008 : vector<16xi32> to vector<16x1xi32>
    %gather3A_2010 = vector.shape_cast %broadcast_in_dim3A_2009 : vector<16x1xi32> to vector<16xi32>
    %gather3A_2011 = tpu.dynamic_gather %add3A_2005[%gather3A_2010] in [0] : vector<16xf32>, vector<16xi32> -> vector<16xf32>
    %add3A_2012 = arith.addf %add3A_2005, %gather3A_2011 : vector<16xf32>
    %xor3A_2013 = arith.constant 2 : i32
    %xor3A_2014 = vector.broadcast %xor3A_2013 : i32 to vector<16xi32>
    %xor3A_2015 = arith.xori %iota3A_1998, %xor3A_2014 : vector<16xi32>
    %broadcast_in_dim3A_2016 = vector.shape_cast %xor3A_2015 : vector<16xi32> to vector<16x1xi32>
    %gather3A_2017 = vector.shape_cast %broadcast_in_dim3A_2016 : vector<16x1xi32> to vector<16xi32>
    %gather3A_2018 = tpu.dynamic_gather %add3A_2012[%gather3A_2017] in [0] : vector<16xf32>, vector<16xi32> -> vector<16xf32>
    %add3A_2019 = arith.addf %add3A_2012, %gather3A_2018 : vector<16xf32>
    %xor3A_2020 = arith.constant 1 : i32
    %xor3A_2021 = vector.broadcast %xor3A_2020 : i32 to vector<16xi32>
    %xor3A_2022 = arith.xori %iota3A_1998, %xor3A_2021 : vector<16xi32>
    %broadcast_in_dim3A_2023 = vector.shape_cast %xor3A_2022 : vector<16xi32> to vector<16x1xi32>
    %gather3A_2024 = vector.shape_cast %broadcast_in_dim3A_2023 : vector<16x1xi32> to vector<16xi32>
    %gather3A_2025 = tpu.dynamic_gather %add3A_2019[%gather3A_2024] in [0] : vector<16xf32>, vector<16xi32> -> vector<16xf32>
    %add3A_2026 = arith.addf %add3A_2019, %gather3A_2025 : vector<16xf32>
    %mul3A_2027 = arith.mulf %mul3A_218, %add3A_2026 : vector<16xf32>
    %add3A_2028 = arith.addf %mul3A_2027, %sub3A_222 : vector<16xf32>
    %iota3A_2029 = tpu.iota {dimensions = array<i32: 0>} : vector<16xi32>
    %xor3A_2030 = arith.constant 8 : i32
    %xor3A_2031 = vector.broadcast %xor3A_2030 : i32 to vector<16xi32>
    %xor3A_2032 = arith.xori %iota3A_2029, %xor3A_2031 : vector<16xi32>
    %broadcast_in_dim3A_2033 = vector.shape_cast %xor3A_2032 : vector<16xi32> to vector<16x1xi32>
    %gather3A_2034 = vector.shape_cast %broadcast_in_dim3A_2033 : vector<16x1xi32> to vector<16xi32>
    %gather3A_2035 = tpu.dynamic_gather %add3A_1997[%gather3A_2034] in [0] : vector<16xf32>, vector<16xi32> -> vector<16xf32>
    %add3A_2036 = arith.addf %add3A_1997, %gather3A_2035 : vector<16xf32>
    %xor3A_2037 = arith.constant 4 : i32
    %xor3A_2038 = vector.broadcast %xor3A_2037 : i32 to vector<16xi32>
    %xor3A_2039 = arith.xori %iota3A_2029, %xor3A_2038 : vector<16xi32>
    %broadcast_in_dim3A_2040 = vector.shape_cast %xor3A_2039 : vector<16xi32> to vector<16x1xi32>
    %gather3A_2041 = vector.shape_cast %broadcast_in_dim3A_2040 : vector<16x1xi32> to vector<16xi32>
    %gather3A_2042 = tpu.dynamic_gather %add3A_2036[%gather3A_2041] in [0] : vector<16xf32>, vector<16xi32> -> vector<16xf32>
    %add3A_2043 = arith.addf %add3A_2036, %gather3A_2042 : vector<16xf32>
    %xor3A_2044 = arith.constant 2 : i32
    %xor3A_2045 = vector.broadcast %xor3A_2044 : i32 to vector<16xi32>
    %xor3A_2046 = arith.xori %iota3A_2029, %xor3A_2045 : vector<16xi32>
    %broadcast_in_dim3A_2047 = vector.shape_cast %xor3A_2046 : vector<16xi32> to vector<16x1xi32>
    %gather3A_2048 = vector.shape_cast %broadcast_in_dim3A_2047 : vector<16x1xi32> to vector<16xi32>
    %gather3A_2049 = tpu.dynamic_gather %add3A_2043[%gather3A_2048] in [0] : vector<16xf32>, vector<16xi32> -> vector<16xf32>
    %add3A_2050 = arith.addf %add3A_2043, %gather3A_2049 : vector<16xf32>
    %xor3A_2051 = arith.constant 1 : i32
    %xor3A_2052 = vector.broadcast %xor3A_2051 : i32 to vector<16xi32>
    %xor3A_2053 = arith.xori %iota3A_2029, %xor3A_2052 : vector<16xi32>
    %broadcast_in_dim3A_2054 = vector.shape_cast %xor3A_2053 : vector<16xi32> to vector<16x1xi32>
    %gather3A_2055 = vector.shape_cast %broadcast_in_dim3A_2054 : vector<16x1xi32> to vector<16xi32>
    %gather3A_2056 = tpu.dynamic_gather %add3A_2050[%gather3A_2055] in [0] : vector<16xf32>, vector<16xi32> -> vector<16xf32>
    %add3A_2057 = arith.addf %add3A_2050, %gather3A_2056 : vector<16xf32>
    %mul3A_2058 = arith.mulf %mul3A_218, %add3A_2057 : vector<16xf32>
    %add3A_2059 = arith.addf %mul3A_2058, %sub3A_222 : vector<16xf32>
    %get3A_2060 = arith.constant 576 : index
    %get3A_2061 = tpu.vector_load %arg7[%get3A_2060] {strides = array<i32>} : memref<2048xf32, #tpu.memory_space<vmem>>, vector<16xf32>,
    %get3A_2062 = vector.shape_cast %get3A_2061 : vector<16xf32> to vector<16xf32>
    %mul3A_2063 = arith.mulf %add3A_215, %get3A_2062 : vector<16xf32>
    %add3A_2064 = arith.addf %mul3A_2063, %add3A_2028 : vector<16xf32>
    %exp3A_2065 = math.exp %add3A_2064 : vector<16xf32>
    %add3A_2066 = arith.constant 5.000000e-01 : f32
    %add3A_2067 = vector.broadcast %add3A_2066 : f32 to vector<16xf32>
    %add3A_2068 = arith.addf %exp3A_2065, %add3A_2067 : vector<16xf32>
    %div3A_2069 = arith.constant 1.000000e+00 : f32
    %div3A_2070 = vector.broadcast %div3A_2069 : f32 to vector<16xf32>
    %div3A_2071 = arith.divf %div3A_2070, %add3A_2068 : vector<16xf32>
    %sub3A_2072 = arith.constant 1.000000e+00 : f32
    %sub3A_2073 = vector.broadcast %sub3A_2072 : f32 to vector<16xf32>
    %sub3A_2074 = arith.subf %sub3A_2073, %div3A_2071 : vector<16xf32>
    %swap3A_2075 = arith.constant 576 : index
    %swap3A_2076 = tpu.vector_load %arg8[%swap3A_2075] {strides = array<i32>} : memref<2048xf32, #tpu.memory_space<vmem>>, vector<16xf32>,
    %swap3A_2077 = vector.shape_cast %swap3A_2076 : vector<16xf32> to vector<16xf32>
    %swap3A_2078 = vector.shape_cast %sub3A_2074 : vector<16xf32> to vector<16xf32>
    tpu.vector_store %arg8[%swap3A_2075], %swap3A_2078 {strides = array<i32>} : memref<2048xf32, #tpu.memory_space<vmem>>, vector<16xf32>,
    %get3A_2079 = arith.constant 1600 : index
    %get3A_2080 = tpu.vector_load %arg7[%get3A_2079] {strides = array<i32>} : memref<2048xf32, #tpu.memory_space<vmem>>, vector<16xf32>,
    %get3A_2081 = vector.shape_cast %get3A_2080 : vector<16xf32> to vector<16xf32>
    %mul3A_2082 = arith.mulf %add3A_215, %get3A_2081 : vector<16xf32>
    %add3A_2083 = arith.addf %mul3A_2082, %add3A_2059 : vector<16xf32>
    %exp3A_2084 = math.exp %add3A_2083 : vector<16xf32>
    %add3A_2085 = arith.constant 5.000000e-01 : f32
    %add3A_2086 = vector.broadcast %add3A_2085 : f32 to vector<16xf32>
    %add3A_2087 = arith.addf %exp3A_2084, %add3A_2086 : vector<16xf32>
    %div3A_2088 = arith.constant 1.000000e+00 : f32
    %div3A_2089 = vector.broadcast %div3A_2088 : f32 to vector<16xf32>
    %div3A_2090 = arith.divf %div3A_2089, %add3A_2087 : vector<16xf32>
    %sub3A_2091 = arith.constant 1.000000e+00 : f32
    %sub3A_2092 = vector.broadcast %sub3A_2091 : f32 to vector<16xf32>
    %sub3A_2093 = arith.subf %sub3A_2092, %div3A_2090 : vector<16xf32>
    %swap3A_2094 = arith.constant 1600 : index
    %swap3A_2095 = tpu.vector_load %arg8[%swap3A_2094] {strides = array<i32>} : memref<2048xf32, #tpu.memory_space<vmem>>, vector<16xf32>,
    %swap3A_2096 = vector.shape_cast %swap3A_2095 : vector<16xf32> to vector<16xf32>
    %swap3A_2097 = vector.shape_cast %sub3A_2093 : vector<16xf32> to vector<16xf32>
    tpu.vector_store %arg8[%swap3A_2094], %swap3A_2097 {strides = array<i32>} : memref<2048xf32, #tpu.memory_space<vmem>>, vector<16xf32>,
    %get3A_2098 = arith.constant 592 : index
    %get3A_2099 = tpu.vector_load %arg7[%get3A_2098] {strides = array<i32>} : memref<2048xf32, #tpu.memory_space<vmem>>, vector<16xf32>,
    %get3A_2100 = vector.shape_cast %get3A_2099 : vector<16xf32> to vector<16xf32>
    %mul3A_2101 = arith.mulf %add3A_215, %get3A_2100 : vector<16xf32>
    %add3A_2102 = arith.addf %mul3A_2101, %add3A_2028 : vector<16xf32>
    %exp3A_2103 = math.exp %add3A_2102 : vector<16xf32>
    %add3A_2104 = arith.constant 5.000000e-01 : f32
    %add3A_2105 = vector.broadcast %add3A_2104 : f32 to vector<16xf32>
    %add3A_2106 = arith.addf %exp3A_2103, %add3A_2105 : vector<16xf32>
    %div3A_2107 = arith.constant 1.000000e+00 : f32
    %div3A_2108 = vector.broadcast %div3A_2107 : f32 to vector<16xf32>
    %div3A_2109 = arith.divf %div3A_2108, %add3A_2106 : vector<16xf32>
    %sub3A_2110 = arith.constant 1.000000e+00 : f32
    %sub3A_2111 = vector.broadcast %sub3A_2110 : f32 to vector<16xf32>
    %sub3A_2112 = arith.subf %sub3A_2111, %div3A_2109 : vector<16xf32>
    %swap3A_2113 = arith.constant 592 : index
    %swap3A_2114 = tpu.vector_load %arg8[%swap3A_2113] {strides = array<i32>} : memref<2048xf32, #tpu.memory_space<vmem>>, vector<16xf32>,
    %swap3A_2115 = vector.shape_cast %swap3A_2114 : vector<16xf32> to vector<16xf32>
    %swap3A_2116 = vector.shape_cast %sub3A_2112 : vector<16xf32> to vector<16xf32>
    tpu.vector_store %arg8[%swap3A_2113], %swap3A_2116 {strides = array<i32>} : memref<2048xf32, #tpu.memory_space<vmem>>, vector<16xf32>,
    %add3A_2117 = arith.addf %sub3A_2074, %sub3A_2112 : vector<16xf32>
    %get3A_2118 = arith.constant 1616 : index
    %get3A_2119 = tpu.vector_load %arg7[%get3A_2118] {strides = array<i32>} : memref<2048xf32, #tpu.memory_space<vmem>>, vector<16xf32>,
    %get3A_2120 = vector.shape_cast %get3A_2119 : vector<16xf32> to vector<16xf32>
    %mul3A_2121 = arith.mulf %add3A_215, %get3A_2120 : vector<16xf32>
    %add3A_2122 = arith.addf %mul3A_2121, %add3A_2059 : vector<16xf32>
    %exp3A_2123 = math.exp %add3A_2122 : vector<16xf32>
    %add3A_2124 = arith.constant 5.000000e-01 : f32
    %add3A_2125 = vector.broadcast %add3A_2124 : f32 to vector<16xf32>
    %add3A_2126 = arith.addf %exp3A_2123, %add3A_2125 : vector<16xf32>
    %div3A_2127 = arith.constant 1.000000e+00 : f32
    %div3A_2128 = vector.broadcast %div3A_2127 : f32 to vector<16xf32>
    %div3A_2129 = arith.divf %div3A_2128, %add3A_2126 : vector<16xf32>
    %sub3A_2130 = arith.constant 1.000000e+00 : f32
    %sub3A_2131 = vector.broadcast %sub3A_2130 : f32 to vector<16xf32>
    %sub3A_2132 = arith.subf %sub3A_2131, %div3A_2129 : vector<16xf32>
    %swap3A_2133 = arith.constant 1616 : index
    %swap3A_2134 = tpu.vector_load %arg8[%swap3A_2133] {strides = array<i32>} : memref<2048xf32, #tpu.memory_space<vmem>>, vector<16xf32>,
    %swap3A_2135 = vector.shape_cast %swap3A_2134 : vector<16xf32> to vector<16xf32>
    %swap3A_2136 = vector.shape_cast %sub3A_2132 : vector<16xf32> to vector<16xf32>
    tpu.vector_store %arg8[%swap3A_2133], %swap3A_2136 {strides = array<i32>} : memref<2048xf32, #tpu.memory_space<vmem>>, vector<16xf32>,
    %add3A_2137 = arith.addf %sub3A_2093, %sub3A_2132 : vector<16xf32>
    %get3A_2138 = arith.constant 608 : index
    %get3A_2139 = tpu.vector_load %arg7[%get3A_2138] {strides = array<i32>} : memref<2048xf32, #tpu.memory_space<vmem>>, vector<16xf32>,
    %get3A_2140 = vector.shape_cast %get3A_2139 : vector<16xf32> to vector<16xf32>
    %mul3A_2141 = arith.mulf %add3A_215, %get3A_2140 : vector<16xf32>
    %add3A_2142 = arith.addf %mul3A_2141, %add3A_2028 : vector<16xf32>
    %exp3A_2143 = math.exp %add3A_2142 : vector<16xf32>
    %add3A_2144 = arith.constant 5.000000e-01 : f32
    %add3A_2145 = vector.broadcast %add3A_2144 : f32 to vector<16xf32>
    %add3A_2146 = arith.addf %exp3A_2143, %add3A_2145 : vector<16xf32>
    %div3A_2147 = arith.constant 1.000000e+00 : f32
    %div3A_2148 = vector.broadcast %div3A_2147 : f32 to vector<16xf32>
    %div3A_2149 = arith.divf %div3A_2148, %add3A_2146 : vector<16xf32>
    %sub3A_2150 = arith.constant 1.000000e+00 : f32
    %sub3A_2151 = vector.broadcast %sub3A_2150 : f32 to vector<16xf32>
    %sub3A_2152 = arith.subf %sub3A_2151, %div3A_2149 : vector<16xf32>
    %swap3A_2153 = arith.constant 608 : index
    %swap3A_2154 = tpu.vector_load %arg8[%swap3A_2153] {strides = array<i32>} : memref<2048xf32, #tpu.memory_space<vmem>>, vector<16xf32>,
    %swap3A_2155 = vector.shape_cast %swap3A_2154 : vector<16xf32> to vector<16xf32>
    %swap3A_2156 = vector.shape_cast %sub3A_2152 : vector<16xf32> to vector<16xf32>
    tpu.vector_store %arg8[%swap3A_2153], %swap3A_2156 {strides = array<i32>} : memref<2048xf32, #tpu.memory_space<vmem>>, vector<16xf32>,
    %add3A_2157 = arith.addf %add3A_2117, %sub3A_2152 : vector<16xf32>
    %get3A_2158 = arith.constant 1632 : index
    %get3A_2159 = tpu.vector_load %arg7[%get3A_2158] {strides = array<i32>} : memref<2048xf32, #tpu.memory_space<vmem>>, vector<16xf32>,
    %get3A_2160 = vector.shape_cast %get3A_2159 : vector<16xf32> to vector<16xf32>
    %mul3A_2161 = arith.mulf %add3A_215, %get3A_2160 : vector<16xf32>
    %add3A_2162 = arith.addf %mul3A_2161, %add3A_2059 : vector<16xf32>
    %exp3A_2163 = math.exp %add3A_2162 : vector<16xf32>
    %add3A_2164 = arith.constant 5.000000e-01 : f32
    %add3A_2165 = vector.broadcast %add3A_2164 : f32 to vector<16xf32>
    %add3A_2166 = arith.addf %exp3A_2163, %add3A_2165 : vector<16xf32>
    %div3A_2167 = arith.constant 1.000000e+00 : f32
    %div3A_2168 = vector.broadcast %div3A_2167 : f32 to vector<16xf32>
    %div3A_2169 = arith.divf %div3A_2168, %add3A_2166 : vector<16xf32>
    %sub3A_2170 = arith.constant 1.000000e+00 : f32
    %sub3A_2171 = vector.broadcast %sub3A_2170 : f32 to vector<16xf32>
    %sub3A_2172 = arith.subf %sub3A_2171, %div3A_2169 : vector<16xf32>
    %swap3A_2173 = arith.constant 1632 : index
    %swap3A_2174 = tpu.vector_load %arg8[%swap3A_2173] {strides = array<i32>} : memref<2048xf32, #tpu.memory_space<vmem>>, vector<16xf32>,
    %swap3A_2175 = vector.shape_cast %swap3A_2174 : vector<16xf32> to vector<16xf32>
    %swap3A_2176 = vector.shape_cast %sub3A_2172 : vector<16xf32> to vector<16xf32>
    tpu.vector_store %arg8[%swap3A_2173], %swap3A_2176 {strides = array<i32>} : memref<2048xf32, #tpu.memory_space<vmem>>, vector<16xf32>,
    %add3A_2177 = arith.addf %add3A_2137, %sub3A_2172 : vector<16xf32>
    %get3A_2178 = arith.constant 624 : index
    %get3A_2179 = tpu.vector_load %arg7[%get3A_2178] {strides = array<i32>} : memref<2048xf32, #tpu.memory_space<vmem>>, vector<16xf32>,
    %get3A_2180 = vector.shape_cast %get3A_2179 : vector<16xf32> to vector<16xf32>
    %mul3A_2181 = arith.mulf %add3A_215, %get3A_2180 : vector<16xf32>
    %add3A_2182 = arith.addf %mul3A_2181, %add3A_2028 : vector<16xf32>
    %exp3A_2183 = math.exp %add3A_2182 : vector<16xf32>
    %add3A_2184 = arith.constant 5.000000e-01 : f32
    %add3A_2185 = vector.broadcast %add3A_2184 : f32 to vector<16xf32>
    %add3A_2186 = arith.addf %exp3A_2183, %add3A_2185 : vector<16xf32>
    %div3A_2187 = arith.constant 1.000000e+00 : f32
    %div3A_2188 = vector.broadcast %div3A_2187 : f32 to vector<16xf32>
    %div3A_2189 = arith.divf %div3A_2188, %add3A_2186 : vector<16xf32>
    %sub3A_2190 = arith.constant 1.000000e+00 : f32
    %sub3A_2191 = vector.broadcast %sub3A_2190 : f32 to vector<16xf32>
    %sub3A_2192 = arith.subf %sub3A_2191, %div3A_2189 : vector<16xf32>
    %swap3A_2193 = arith.constant 624 : index
    %swap3A_2194 = tpu.vector_load %arg8[%swap3A_2193] {strides = array<i32>} : memref<2048xf32, #tpu.memory_space<vmem>>, vector<16xf32>,
    %swap3A_2195 = vector.shape_cast %swap3A_2194 : vector<16xf32> to vector<16xf32>
    %swap3A_2196 = vector.shape_cast %sub3A_2192 : vector<16xf32> to vector<16xf32>
    tpu.vector_store %arg8[%swap3A_2193], %swap3A_2196 {strides = array<i32>} : memref<2048xf32, #tpu.memory_space<vmem>>, vector<16xf32>,
    %add3A_2197 = arith.addf %add3A_2157, %sub3A_2192 : vector<16xf32>
    %get3A_2198 = arith.constant 1648 : index
    %get3A_2199 = tpu.vector_load %arg7[%get3A_2198] {strides = array<i32>} : memref<2048xf32, #tpu.memory_space<vmem>>, vector<16xf32>,
    %get3A_2200 = vector.shape_cast %get3A_2199 : vector<16xf32> to vector<16xf32>
    %mul3A_2201 = arith.mulf %add3A_215, %get3A_2200 : vector<16xf32>
    %add3A_2202 = arith.addf %mul3A_2201, %add3A_2059 : vector<16xf32>
    %exp3A_2203 = math.exp %add3A_2202 : vector<16xf32>
    %add3A_2204 = arith.constant 5.000000e-01 : f32
    %add3A_2205 = vector.broadcast %add3A_2204 : f32 to vector<16xf32>
    %add3A_2206 = arith.addf %exp3A_2203, %add3A_2205 : vector<16xf32>
    %div3A_2207 = arith.constant 1.000000e+00 : f32
    %div3A_2208 = vector.broadcast %div3A_2207 : f32 to vector<16xf32>
    %div3A_2209 = arith.divf %div3A_2208, %add3A_2206 : vector<16xf32>
    %sub3A_2210 = arith.constant 1.000000e+00 : f32
    %sub3A_2211 = vector.broadcast %sub3A_2210 : f32 to vector<16xf32>
    %sub3A_2212 = arith.subf %sub3A_2211, %div3A_2209 : vector<16xf32>
    %swap3A_2213 = arith.constant 1648 : index
    %swap3A_2214 = tpu.vector_load %arg8[%swap3A_2213] {strides = array<i32>} : memref<2048xf32, #tpu.memory_space<vmem>>, vector<16xf32>,
    %swap3A_2215 = vector.shape_cast %swap3A_2214 : vector<16xf32> to vector<16xf32>
    %swap3A_2216 = vector.shape_cast %sub3A_2212 : vector<16xf32> to vector<16xf32>
    tpu.vector_store %arg8[%swap3A_2213], %swap3A_2216 {strides = array<i32>} : memref<2048xf32, #tpu.memory_space<vmem>>, vector<16xf32>,
    %add3A_2217 = arith.addf %add3A_2177, %sub3A_2212 : vector<16xf32>
    %iota3A_2218 = tpu.iota {dimensions = array<i32: 0>} : vector<16xi32>
    %xor3A_2219 = arith.constant 8 : i32
    %xor3A_2220 = vector.broadcast %xor3A_2219 : i32 to vector<16xi32>
    %xor3A_2221 = arith.xori %iota3A_2218, %xor3A_2220 : vector<16xi32>
    %broadcast_in_dim3A_2222 = vector.shape_cast %xor3A_2221 : vector<16xi32> to vector<16x1xi32>
    %gather3A_2223 = vector.shape_cast %broadcast_in_dim3A_2222 : vector<16x1xi32> to vector<16xi32>
    %gather3A_2224 = tpu.dynamic_gather %add3A_2197[%gather3A_2223] in [0] : vector<16xf32>, vector<16xi32> -> vector<16xf32>
    %add3A_2225 = arith.addf %add3A_2197, %gather3A_2224 : vector<16xf32>
    %xor3A_2226 = arith.constant 4 : i32
    %xor3A_2227 = vector.broadcast %xor3A_2226 : i32 to vector<16xi32>
    %xor3A_2228 = arith.xori %iota3A_2218, %xor3A_2227 : vector<16xi32>
    %broadcast_in_dim3A_2229 = vector.shape_cast %xor3A_2228 : vector<16xi32> to vector<16x1xi32>
    %gather3A_2230 = vector.shape_cast %broadcast_in_dim3A_2229 : vector<16x1xi32> to vector<16xi32>
    %gather3A_2231 = tpu.dynamic_gather %add3A_2225[%gather3A_2230] in [0] : vector<16xf32>, vector<16xi32> -> vector<16xf32>
    %add3A_2232 = arith.addf %add3A_2225, %gather3A_2231 : vector<16xf32>
    %xor3A_2233 = arith.constant 2 : i32
    %xor3A_2234 = vector.broadcast %xor3A_2233 : i32 to vector<16xi32>
    %xor3A_2235 = arith.xori %iota3A_2218, %xor3A_2234 : vector<16xi32>
    %broadcast_in_dim3A_2236 = vector.shape_cast %xor3A_2235 : vector<16xi32> to vector<16x1xi32>
    %gather3A_2237 = vector.shape_cast %broadcast_in_dim3A_2236 : vector<16x1xi32> to vector<16xi32>
    %gather3A_2238 = tpu.dynamic_gather %add3A_2232[%gather3A_2237] in [0] : vector<16xf32>, vector<16xi32> -> vector<16xf32>
    %add3A_2239 = arith.addf %add3A_2232, %gather3A_2238 : vector<16xf32>
    %xor3A_2240 = arith.constant 1 : i32
    %xor3A_2241 = vector.broadcast %xor3A_2240 : i32 to vector<16xi32>
    %xor3A_2242 = arith.xori %iota3A_2218, %xor3A_2241 : vector<16xi32>
    %broadcast_in_dim3A_2243 = vector.shape_cast %xor3A_2242 : vector<16xi32> to vector<16x1xi32>
    %gather3A_2244 = vector.shape_cast %broadcast_in_dim3A_2243 : vector<16x1xi32> to vector<16xi32>
    %gather3A_2245 = tpu.dynamic_gather %add3A_2239[%gather3A_2244] in [0] : vector<16xf32>, vector<16xi32> -> vector<16xf32>
    %add3A_2246 = arith.addf %add3A_2239, %gather3A_2245 : vector<16xf32>
    %mul3A_2247 = arith.mulf %mul3A_218, %add3A_2246 : vector<16xf32>
    %add3A_2248 = arith.addf %mul3A_2247, %sub3A_222 : vector<16xf32>
    %iota3A_2249 = tpu.iota {dimensions = array<i32: 0>} : vector<16xi32>
    %xor3A_2250 = arith.constant 8 : i32
    %xor3A_2251 = vector.broadcast %xor3A_2250 : i32 to vector<16xi32>
    %xor3A_2252 = arith.xori %iota3A_2249, %xor3A_2251 : vector<16xi32>
    %broadcast_in_dim3A_2253 = vector.shape_cast %xor3A_2252 : vector<16xi32> to vector<16x1xi32>
    %gather3A_2254 = vector.shape_cast %broadcast_in_dim3A_2253 : vector<16x1xi32> to vector<16xi32>
    %gather3A_2255 = tpu.dynamic_gather %add3A_2217[%gather3A_2254] in [0] : vector<16xf32>, vector<16xi32> -> vector<16xf32>
    %add3A_2256 = arith.addf %add3A_2217, %gather3A_2255 : vector<16xf32>
    %xor3A_2257 = arith.constant 4 : i32
    %xor3A_2258 = vector.broadcast %xor3A_2257 : i32 to vector<16xi32>
    %xor3A_2259 = arith.xori %iota3A_2249, %xor3A_2258 : vector<16xi32>
    %broadcast_in_dim3A_2260 = vector.shape_cast %xor3A_2259 : vector<16xi32> to vector<16x1xi32>
    %gather3A_2261 = vector.shape_cast %broadcast_in_dim3A_2260 : vector<16x1xi32> to vector<16xi32>
    %gather3A_2262 = tpu.dynamic_gather %add3A_2256[%gather3A_2261] in [0] : vector<16xf32>, vector<16xi32> -> vector<16xf32>
    %add3A_2263 = arith.addf %add3A_2256, %gather3A_2262 : vector<16xf32>
    %xor3A_2264 = arith.constant 2 : i32
    %xor3A_2265 = vector.broadcast %xor3A_2264 : i32 to vector<16xi32>
    %xor3A_2266 = arith.xori %iota3A_2249, %xor3A_2265 : vector<16xi32>
    %broadcast_in_dim3A_2267 = vector.shape_cast %xor3A_2266 : vector<16xi32> to vector<16x1xi32>
    %gather3A_2268 = vector.shape_cast %broadcast_in_dim3A_2267 : vector<16x1xi32> to vector<16xi32>
    %gather3A_2269 = tpu.dynamic_gather %add3A_2263[%gather3A_2268] in [0] : vector<16xf32>, vector<16xi32> -> vector<16xf32>
    %add3A_2270 = arith.addf %add3A_2263, %gather3A_2269 : vector<16xf32>
    %xor3A_2271 = arith.constant 1 : i32
    %xor3A_2272 = vector.broadcast %xor3A_2271 : i32 to vector<16xi32>
    %xor3A_2273 = arith.xori %iota3A_2249, %xor3A_2272 : vector<16xi32>
    %broadcast_in_dim3A_2274 = vector.shape_cast %xor3A_2273 : vector<16xi32> to vector<16x1xi32>
    %gather3A_2275 = vector.shape_cast %broadcast_in_dim3A_2274 : vector<16x1xi32> to vector<16xi32>
    %gather3A_2276 = tpu.dynamic_gather %add3A_2270[%gather3A_2275] in [0] : vector<16xf32>, vector<16xi32> -> vector<16xf32>
    %add3A_2277 = arith.addf %add3A_2270, %gather3A_2276 : vector<16xf32>
    %mul3A_2278 = arith.mulf %mul3A_218, %add3A_2277 : vector<16xf32>
    %add3A_2279 = arith.addf %mul3A_2278, %sub3A_222 : vector<16xf32>
    %get3A_2280 = arith.constant 640 : index
    %get3A_2281 = tpu.vector_load %arg7[%get3A_2280] {strides = array<i32>} : memref<2048xf32, #tpu.memory_space<vmem>>, vector<16xf32>,
    %get3A_2282 = vector.shape_cast %get3A_2281 : vector<16xf32> to vector<16xf32>
    %mul3A_2283 = arith.mulf %add3A_215, %get3A_2282 : vector<16xf32>
    %add3A_2284 = arith.addf %mul3A_2283, %add3A_2248 : vector<16xf32>
    %exp3A_2285 = math.exp %add3A_2284 : vector<16xf32>
    %add3A_2286 = arith.constant 5.000000e-01 : f32
    %add3A_2287 = vector.broadcast %add3A_2286 : f32 to vector<16xf32>
    %add3A_2288 = arith.addf %exp3A_2285, %add3A_2287 : vector<16xf32>
    %div3A_2289 = arith.constant 1.000000e+00 : f32
    %div3A_2290 = vector.broadcast %div3A_2289 : f32 to vector<16xf32>
    %div3A_2291 = arith.divf %div3A_2290, %add3A_2288 : vector<16xf32>
    %sub3A_2292 = arith.constant 1.000000e+00 : f32
    %sub3A_2293 = vector.broadcast %sub3A_2292 : f32 to vector<16xf32>
    %sub3A_2294 = arith.subf %sub3A_2293, %div3A_2291 : vector<16xf32>
    %swap3A_2295 = arith.constant 640 : index
    %swap3A_2296 = tpu.vector_load %arg8[%swap3A_2295] {strides = array<i32>} : memref<2048xf32, #tpu.memory_space<vmem>>, vector<16xf32>,
    %swap3A_2297 = vector.shape_cast %swap3A_2296 : vector<16xf32> to vector<16xf32>
    %swap3A_2298 = vector.shape_cast %sub3A_2294 : vector<16xf32> to vector<16xf32>
    tpu.vector_store %arg8[%swap3A_2295], %swap3A_2298 {strides = array<i32>} : memref<2048xf32, #tpu.memory_space<vmem>>, vector<16xf32>,
    %get3A_2299 = arith.constant 1664 : index
    %get3A_2300 = tpu.vector_load %arg7[%get3A_2299] {strides = array<i32>} : memref<2048xf32, #tpu.memory_space<vmem>>, vector<16xf32>,
    %get3A_2301 = vector.shape_cast %get3A_2300 : vector<16xf32> to vector<16xf32>
    %mul3A_2302 = arith.mulf %add3A_215, %get3A_2301 : vector<16xf32>
    %add3A_2303 = arith.addf %mul3A_2302, %add3A_2279 : vector<16xf32>
    %exp3A_2304 = math.exp %add3A_2303 : vector<16xf32>
    %add3A_2305 = arith.constant 5.000000e-01 : f32
    %add3A_2306 = vector.broadcast %add3A_2305 : f32 to vector<16xf32>
    %add3A_2307 = arith.addf %exp3A_2304, %add3A_2306 : vector<16xf32>
    %div3A_2308 = arith.constant 1.000000e+00 : f32
    %div3A_2309 = vector.broadcast %div3A_2308 : f32 to vector<16xf32>
    %div3A_2310 = arith.divf %div3A_2309, %add3A_2307 : vector<16xf32>
    %sub3A_2311 = arith.constant 1.000000e+00 : f32
    %sub3A_2312 = vector.broadcast %sub3A_2311 : f32 to vector<16xf32>
    %sub3A_2313 = arith.subf %sub3A_2312, %div3A_2310 : vector<16xf32>
    %swap3A_2314 = arith.constant 1664 : index
    %swap3A_2315 = tpu.vector_load %arg8[%swap3A_2314] {strides = array<i32>} : memref<2048xf32, #tpu.memory_space<vmem>>, vector<16xf32>,
    %swap3A_2316 = vector.shape_cast %swap3A_2315 : vector<16xf32> to vector<16xf32>
    %swap3A_2317 = vector.shape_cast %sub3A_2313 : vector<16xf32> to vector<16xf32>
    tpu.vector_store %arg8[%swap3A_2314], %swap3A_2317 {strides = array<i32>} : memref<2048xf32, #tpu.memory_space<vmem>>, vector<16xf32>,
    %get3A_2318 = arith.constant 656 : index
    %get3A_2319 = tpu.vector_load %arg7[%get3A_2318] {strides = array<i32>} : memref<2048xf32, #tpu.memory_space<vmem>>, vector<16xf32>,
    %get3A_2320 = vector.shape_cast %get3A_2319 : vector<16xf32> to vector<16xf32>
    %mul3A_2321 = arith.mulf %add3A_215, %get3A_2320 : vector<16xf32>
    %add3A_2322 = arith.addf %mul3A_2321, %add3A_2248 : vector<16xf32>
    %exp3A_2323 = math.exp %add3A_2322 : vector<16xf32>
    %add3A_2324 = arith.constant 5.000000e-01 : f32
    %add3A_2325 = vector.broadcast %add3A_2324 : f32 to vector<16xf32>
    %add3A_2326 = arith.addf %exp3A_2323, %add3A_2325 : vector<16xf32>
    %div3A_2327 = arith.constant 1.000000e+00 : f32
    %div3A_2328 = vector.broadcast %div3A_2327 : f32 to vector<16xf32>
    %div3A_2329 = arith.divf %div3A_2328, %add3A_2326 : vector<16xf32>
    %sub3A_2330 = arith.constant 1.000000e+00 : f32
    %sub3A_2331 = vector.broadcast %sub3A_2330 : f32 to vector<16xf32>
    %sub3A_2332 = arith.subf %sub3A_2331, %div3A_2329 : vector<16xf32>
    %swap3A_2333 = arith.constant 656 : index
    %swap3A_2334 = tpu.vector_load %arg8[%swap3A_2333] {strides = array<i32>} : memref<2048xf32, #tpu.memory_space<vmem>>, vector<16xf32>,
    %swap3A_2335 = vector.shape_cast %swap3A_2334 : vector<16xf32> to vector<16xf32>
    %swap3A_2336 = vector.shape_cast %sub3A_2332 : vector<16xf32> to vector<16xf32>
    tpu.vector_store %arg8[%swap3A_2333], %swap3A_2336 {strides = array<i32>} : memref<2048xf32, #tpu.memory_space<vmem>>, vector<16xf32>,
    %add3A_2337 = arith.addf %sub3A_2294, %sub3A_2332 : vector<16xf32>
    %get3A_2338 = arith.constant 1680 : index
    %get3A_2339 = tpu.vector_load %arg7[%get3A_2338] {strides = array<i32>} : memref<2048xf32, #tpu.memory_space<vmem>>, vector<16xf32>,
    %get3A_2340 = vector.shape_cast %get3A_2339 : vector<16xf32> to vector<16xf32>
    %mul3A_2341 = arith.mulf %add3A_215, %get3A_2340 : vector<16xf32>
    %add3A_2342 = arith.addf %mul3A_2341, %add3A_2279 : vector<16xf32>
    %exp3A_2343 = math.exp %add3A_2342 : vector<16xf32>
    %add3A_2344 = arith.constant 5.000000e-01 : f32
    %add3A_2345 = vector.broadcast %add3A_2344 : f32 to vector<16xf32>
    %add3A_2346 = arith.addf %exp3A_2343, %add3A_2345 : vector<16xf32>
    %div3A_2347 = arith.constant 1.000000e+00 : f32
    %div3A_2348 = vector.broadcast %div3A_2347 : f32 to vector<16xf32>
    %div3A_2349 = arith.divf %div3A_2348, %add3A_2346 : vector<16xf32>
    %sub3A_2350 = arith.constant 1.000000e+00 : f32
    %sub3A_2351 = vector.broadcast %sub3A_2350 : f32 to vector<16xf32>
    %sub3A_2352 = arith.subf %sub3A_2351, %div3A_2349 : vector<16xf32>
    %swap3A_2353 = arith.constant 1680 : index
    %swap3A_2354 = tpu.vector_load %arg8[%swap3A_2353] {strides = array<i32>} : memref<2048xf32, #tpu.memory_space<vmem>>, vector<16xf32>,
    %swap3A_2355 = vector.shape_cast %swap3A_2354 : vector<16xf32> to vector<16xf32>
    %swap3A_2356 = vector.shape_cast %sub3A_2352 : vector<16xf32> to vector<16xf32>
    tpu.vector_store %arg8[%swap3A_2353], %swap3A_2356 {strides = array<i32>} : memref<2048xf32, #tpu.memory_space<vmem>>, vector<16xf32>,
    %add3A_2357 = arith.addf %sub3A_2313, %sub3A_2352 : vector<16xf32>
    %get3A_2358 = arith.constant 672 : index
    %get3A_2359 = tpu.vector_load %arg7[%get3A_2358] {strides = array<i32>} : memref<2048xf32, #tpu.memory_space<vmem>>, vector<16xf32>,
    %get3A_2360 = vector.shape_cast %get3A_2359 : vector<16xf32> to vector<16xf32>
    %mul3A_2361 = arith.mulf %add3A_215, %get3A_2360 : vector<16xf32>
    %add3A_2362 = arith.addf %mul3A_2361, %add3A_2248 : vector<16xf32>
    %exp3A_2363 = math.exp %add3A_2362 : vector<16xf32>
    %add3A_2364 = arith.constant 5.000000e-01 : f32
    %add3A_2365 = vector.broadcast %add3A_2364 : f32 to vector<16xf32>
    %add3A_2366 = arith.addf %exp3A_2363, %add3A_2365 : vector<16xf32>
    %div3A_2367 = arith.constant 1.000000e+00 : f32
    %div3A_2368 = vector.broadcast %div3A_2367 : f32 to vector<16xf32>
    %div3A_2369 = arith.divf %div3A_2368, %add3A_2366 : vector<16xf32>
    %sub3A_2370 = arith.constant 1.000000e+00 : f32
    %sub3A_2371 = vector.broadcast %sub3A_2370 : f32 to vector<16xf32>
    %sub3A_2372 = arith.subf %sub3A_2371, %div3A_2369 : vector<16xf32>
    %swap3A_2373 = arith.constant 672 : index
    %swap3A_2374 = tpu.vector_load %arg8[%swap3A_2373] {strides = array<i32>} : memref<2048xf32, #tpu.memory_space<vmem>>, vector<16xf32>,
    %swap3A_2375 = vector.shape_cast %swap3A_2374 : vector<16xf32> to vector<16xf32>
    %swap3A_2376 = vector.shape_cast %sub3A_2372 : vector<16xf32> to vector<16xf32>
    tpu.vector_store %arg8[%swap3A_2373], %swap3A_2376 {strides = array<i32>} : memref<2048xf32, #tpu.memory_space<vmem>>, vector<16xf32>,
    %add3A_2377 = arith.addf %add3A_2337, %sub3A_2372 : vector<16xf32>
    %get3A_2378 = arith.constant 1696 : index
    %get3A_2379 = tpu.vector_load %arg7[%get3A_2378] {strides = array<i32>} : memref<2048xf32, #tpu.memory_space<vmem>>, vector<16xf32>,
    %get3A_2380 = vector.shape_cast %get3A_2379 : vector<16xf32> to vector<16xf32>
    %mul3A_2381 = arith.mulf %add3A_215, %get3A_2380 : vector<16xf32>
    %add3A_2382 = arith.addf %mul3A_2381, %add3A_2279 : vector<16xf32>
    %exp3A_2383 = math.exp %add3A_2382 : vector<16xf32>
    %add3A_2384 = arith.constant 5.000000e-01 : f32
    %add3A_2385 = vector.broadcast %add3A_2384 : f32 to vector<16xf32>
    %add3A_2386 = arith.addf %exp3A_2383, %add3A_2385 : vector<16xf32>
    %div3A_2387 = arith.constant 1.000000e+00 : f32
    %div3A_2388 = vector.broadcast %div3A_2387 : f32 to vector<16xf32>
    %div3A_2389 = arith.divf %div3A_2388, %add3A_2386 : vector<16xf32>
    %sub3A_2390 = arith.constant 1.000000e+00 : f32
    %sub3A_2391 = vector.broadcast %sub3A_2390 : f32 to vector<16xf32>
    %sub3A_2392 = arith.subf %sub3A_2391, %div3A_2389 : vector<16xf32>
    %swap3A_2393 = arith.constant 1696 : index
    %swap3A_2394 = tpu.vector_load %arg8[%swap3A_2393] {strides = array<i32>} : memref<2048xf32, #tpu.memory_space<vmem>>, vector<16xf32>,
    %swap3A_2395 = vector.shape_cast %swap3A_2394 : vector<16xf32> to vector<16xf32>
    %swap3A_2396 = vector.shape_cast %sub3A_2392 : vector<16xf32> to vector<16xf32>
    tpu.vector_store %arg8[%swap3A_2393], %swap3A_2396 {strides = array<i32>} : memref<2048xf32, #tpu.memory_space<vmem>>, vector<16xf32>,
    %add3A_2397 = arith.addf %add3A_2357, %sub3A_2392 : vector<16xf32>
    %get3A_2398 = arith.constant 688 : index
    %get3A_2399 = tpu.vector_load %arg7[%get3A_2398] {strides = array<i32>} : memref<2048xf32, #tpu.memory_space<vmem>>, vector<16xf32>,
    %get3A_2400 = vector.shape_cast %get3A_2399 : vector<16xf32> to vector<16xf32>
    %mul3A_2401 = arith.mulf %add3A_215, %get3A_2400 : vector<16xf32>
    %add3A_2402 = arith.addf %mul3A_2401, %add3A_2248 : vector<16xf32>
    %exp3A_2403 = math.exp %add3A_2402 : vector<16xf32>
    %add3A_2404 = arith.constant 5.000000e-01 : f32
    %add3A_2405 = vector.broadcast %add3A_2404 : f32 to vector<16xf32>
    %add3A_2406 = arith.addf %exp3A_2403, %add3A_2405 : vector<16xf32>
    %div3A_2407 = arith.constant 1.000000e+00 : f32
    %div3A_2408 = vector.broadcast %div3A_2407 : f32 to vector<16xf32>
    %div3A_2409 = arith.divf %div3A_2408, %add3A_2406 : vector<16xf32>
    %sub3A_2410 = arith.constant 1.000000e+00 : f32
    %sub3A_2411 = vector.broadcast %sub3A_2410 : f32 to vector<16xf32>
    %sub3A_2412 = arith.subf %sub3A_2411, %div3A_2409 : vector<16xf32>
    %swap3A_2413 = arith.constant 688 : index
    %swap3A_2414 = tpu.vector_load %arg8[%swap3A_2413] {strides = array<i32>} : memref<2048xf32, #tpu.memory_space<vmem>>, vector<16xf32>,
    %swap3A_2415 = vector.shape_cast %swap3A_2414 : vector<16xf32> to vector<16xf32>
    %swap3A_2416 = vector.shape_cast %sub3A_2412 : vector<16xf32> to vector<16xf32>
    tpu.vector_store %arg8[%swap3A_2413], %swap3A_2416 {strides = array<i32>} : memref<2048xf32, #tpu.memory_space<vmem>>, vector<16xf32>,
    %add3A_2417 = arith.addf %add3A_2377, %sub3A_2412 : vector<16xf32>
    %get3A_2418 = arith.constant 1712 : index
    %get3A_2419 = tpu.vector_load %arg7[%get3A_2418] {strides = array<i32>} : memref<2048xf32, #tpu.memory_space<vmem>>, vector<16xf32>,
    %get3A_2420 = vector.shape_cast %get3A_2419 : vector<16xf32> to vector<16xf32>
    %mul3A_2421 = arith.mulf %add3A_215, %get3A_2420 : vector<16xf32>
    %add3A_2422 = arith.addf %mul3A_2421, %add3A_2279 : vector<16xf32>
    %exp3A_2423 = math.exp %add3A_2422 : vector<16xf32>
    %add3A_2424 = arith.constant 5.000000e-01 : f32
    %add3A_2425 = vector.broadcast %add3A_2424 : f32 to vector<16xf32>
    %add3A_2426 = arith.addf %exp3A_2423, %add3A_2425 : vector<16xf32>
    %div3A_2427 = arith.constant 1.000000e+00 : f32
    %div3A_2428 = vector.broadcast %div3A_2427 : f32 to vector<16xf32>
    %div3A_2429 = arith.divf %div3A_2428, %add3A_2426 : vector<16xf32>
    %sub3A_2430 = arith.constant 1.000000e+00 : f32
    %sub3A_2431 = vector.broadcast %sub3A_2430 : f32 to vector<16xf32>
    %sub3A_2432 = arith.subf %sub3A_2431, %div3A_2429 : vector<16xf32>
    %swap3A_2433 = arith.constant 1712 : index
    %swap3A_2434 = tpu.vector_load %arg8[%swap3A_2433] {strides = array<i32>} : memref<2048xf32, #tpu.memory_space<vmem>>, vector<16xf32>,
    %swap3A_2435 = vector.shape_cast %swap3A_2434 : vector<16xf32> to vector<16xf32>
    %swap3A_2436 = vector.shape_cast %sub3A_2432 : vector<16xf32> to vector<16xf32>
    tpu.vector_store %arg8[%swap3A_2433], %swap3A_2436 {strides = array<i32>} : memref<2048xf32, #tpu.memory_space<vmem>>, vector<16xf32>,
    %add3A_2437 = arith.addf %add3A_2397, %sub3A_2432 : vector<16xf32>
    %iota3A_2438 = tpu.iota {dimensions = array<i32: 0>} : vector<16xi32>
    %xor3A_2439 = arith.constant 8 : i32
    %xor3A_2440 = vector.broadcast %xor3A_2439 : i32 to vector<16xi32>
    %xor3A_2441 = arith.xori %iota3A_2438, %xor3A_2440 : vector<16xi32>
    %broadcast_in_dim3A_2442 = vector.shape_cast %xor3A_2441 : vector<16xi32> to vector<16x1xi32>
    %gather3A_2443 = vector.shape_cast %broadcast_in_dim3A_2442 : vector<16x1xi32> to vector<16xi32>
    %gather3A_2444 = tpu.dynamic_gather %add3A_2417[%gather3A_2443] in [0] : vector<16xf32>, vector<16xi32> -> vector<16xf32>
    %add3A_2445 = arith.addf %add3A_2417, %gather3A_2444 : vector<16xf32>
    %xor3A_2446 = arith.constant 4 : i32
    %xor3A_2447 = vector.broadcast %xor3A_2446 : i32 to vector<16xi32>
    %xor3A_2448 = arith.xori %iota3A_2438, %xor3A_2447 : vector<16xi32>
    %broadcast_in_dim3A_2449 = vector.shape_cast %xor3A_2448 : vector<16xi32> to vector<16x1xi32>
    %gather3A_2450 = vector.shape_cast %broadcast_in_dim3A_2449 : vector<16x1xi32> to vector<16xi32>
    %gather3A_2451 = tpu.dynamic_gather %add3A_2445[%gather3A_2450] in [0] : vector<16xf32>, vector<16xi32> -> vector<16xf32>
    %add3A_2452 = arith.addf %add3A_2445, %gather3A_2451 : vector<16xf32>
    %xor3A_2453 = arith.constant 2 : i32
    %xor3A_2454 = vector.broadcast %xor3A_2453 : i32 to vector<16xi32>
    %xor3A_2455 = arith.xori %iota3A_2438, %xor3A_2454 : vector<16xi32>
    %broadcast_in_dim3A_2456 = vector.shape_cast %xor3A_2455 : vector<16xi32> to vector<16x1xi32>
    %gather3A_2457 = vector.shape_cast %broadcast_in_dim3A_2456 : vector<16x1xi32> to vector<16xi32>
    %gather3A_2458 = tpu.dynamic_gather %add3A_2452[%gather3A_2457] in [0] : vector<16xf32>, vector<16xi32> -> vector<16xf32>
    %add3A_2459 = arith.addf %add3A_2452, %gather3A_2458 : vector<16xf32>
    %xor3A_2460 = arith.constant 1 : i32
    %xor3A_2461 = vector.broadcast %xor3A_2460 : i32 to vector<16xi32>
    %xor3A_2462 = arith.xori %iota3A_2438, %xor3A_2461 : vector<16xi32>
    %broadcast_in_dim3A_2463 = vector.shape_cast %xor3A_2462 : vector<16xi32> to vector<16x1xi32>
    %gather3A_2464 = vector.shape_cast %broadcast_in_dim3A_2463 : vector<16x1xi32> to vector<16xi32>
    %gather3A_2465 = tpu.dynamic_gather %add3A_2459[%gather3A_2464] in [0] : vector<16xf32>, vector<16xi32> -> vector<16xf32>
    %add3A_2466 = arith.addf %add3A_2459, %gather3A_2465 : vector<16xf32>
    %mul3A_2467 = arith.mulf %mul3A_218, %add3A_2466 : vector<16xf32>
    %add3A_2468 = arith.addf %mul3A_2467, %sub3A_222 : vector<16xf32>
    %iota3A_2469 = tpu.iota {dimensions = array<i32: 0>} : vector<16xi32>
    %xor3A_2470 = arith.constant 8 : i32
    %xor3A_2471 = vector.broadcast %xor3A_2470 : i32 to vector<16xi32>
    %xor3A_2472 = arith.xori %iota3A_2469, %xor3A_2471 : vector<16xi32>
    %broadcast_in_dim3A_2473 = vector.shape_cast %xor3A_2472 : vector<16xi32> to vector<16x1xi32>
    %gather3A_2474 = vector.shape_cast %broadcast_in_dim3A_2473 : vector<16x1xi32> to vector<16xi32>
    %gather3A_2475 = tpu.dynamic_gather %add3A_2437[%gather3A_2474] in [0] : vector<16xf32>, vector<16xi32> -> vector<16xf32>
    %add3A_2476 = arith.addf %add3A_2437, %gather3A_2475 : vector<16xf32>
    %xor3A_2477 = arith.constant 4 : i32
    %xor3A_2478 = vector.broadcast %xor3A_2477 : i32 to vector<16xi32>
    %xor3A_2479 = arith.xori %iota3A_2469, %xor3A_2478 : vector<16xi32>
    %broadcast_in_dim3A_2480 = vector.shape_cast %xor3A_2479 : vector<16xi32> to vector<16x1xi32>
    %gather3A_2481 = vector.shape_cast %broadcast_in_dim3A_2480 : vector<16x1xi32> to vector<16xi32>
    %gather3A_2482 = tpu.dynamic_gather %add3A_2476[%gather3A_2481] in [0] : vector<16xf32>, vector<16xi32> -> vector<16xf32>
    %add3A_2483 = arith.addf %add3A_2476, %gather3A_2482 : vector<16xf32>
    %xor3A_2484 = arith.constant 2 : i32
    %xor3A_2485 = vector.broadcast %xor3A_2484 : i32 to vector<16xi32>
    %xor3A_2486 = arith.xori %iota3A_2469, %xor3A_2485 : vector<16xi32>
    %broadcast_in_dim3A_2487 = vector.shape_cast %xor3A_2486 : vector<16xi32> to vector<16x1xi32>
    %gather3A_2488 = vector.shape_cast %broadcast_in_dim3A_2487 : vector<16x1xi32> to vector<16xi32>
    %gather3A_2489 = tpu.dynamic_gather %add3A_2483[%gather3A_2488] in [0] : vector<16xf32>, vector<16xi32> -> vector<16xf32>
    %add3A_2490 = arith.addf %add3A_2483, %gather3A_2489 : vector<16xf32>
    %xor3A_2491 = arith.constant 1 : i32
    %xor3A_2492 = vector.broadcast %xor3A_2491 : i32 to vector<16xi32>
    %xor3A_2493 = arith.xori %iota3A_2469, %xor3A_2492 : vector<16xi32>
    %broadcast_in_dim3A_2494 = vector.shape_cast %xor3A_2493 : vector<16xi32> to vector<16x1xi32>
    %gather3A_2495 = vector.shape_cast %broadcast_in_dim3A_2494 : vector<16x1xi32> to vector<16xi32>
    %gather3A_2496 = tpu.dynamic_gather %add3A_2490[%gather3A_2495] in [0] : vector<16xf32>, vector<16xi32> -> vector<16xf32>
    %add3A_2497 = arith.addf %add3A_2490, %gather3A_2496 : vector<16xf32>
    %mul3A_2498 = arith.mulf %mul3A_218, %add3A_2497 : vector<16xf32>
    %add3A_2499 = arith.addf %mul3A_2498, %sub3A_222 : vector<16xf32>
    %get3A_2500 = arith.constant 704 : index
    %get3A_2501 = tpu.vector_load %arg7[%get3A_2500] {strides = array<i32>} : memref<2048xf32, #tpu.memory_space<vmem>>, vector<16xf32>,
    %get3A_2502 = vector.shape_cast %get3A_2501 : vector<16xf32> to vector<16xf32>
    %mul3A_2503 = arith.mulf %add3A_215, %get3A_2502 : vector<16xf32>
    %add3A_2504 = arith.addf %mul3A_2503, %add3A_2468 : vector<16xf32>
    %exp3A_2505 = math.exp %add3A_2504 : vector<16xf32>
    %add3A_2506 = arith.constant 5.000000e-01 : f32
    %add3A_2507 = vector.broadcast %add3A_2506 : f32 to vector<16xf32>
    %add3A_2508 = arith.addf %exp3A_2505, %add3A_2507 : vector<16xf32>
    %div3A_2509 = arith.constant 1.000000e+00 : f32
    %div3A_2510 = vector.broadcast %div3A_2509 : f32 to vector<16xf32>
    %div3A_2511 = arith.divf %div3A_2510, %add3A_2508 : vector<16xf32>
    %sub3A_2512 = arith.constant 1.000000e+00 : f32
    %sub3A_2513 = vector.broadcast %sub3A_2512 : f32 to vector<16xf32>
    %sub3A_2514 = arith.subf %sub3A_2513, %div3A_2511 : vector<16xf32>
    %swap3A_2515 = arith.constant 704 : index
    %swap3A_2516 = tpu.vector_load %arg8[%swap3A_2515] {strides = array<i32>} : memref<2048xf32, #tpu.memory_space<vmem>>, vector<16xf32>,
    %swap3A_2517 = vector.shape_cast %swap3A_2516 : vector<16xf32> to vector<16xf32>
    %swap3A_2518 = vector.shape_cast %sub3A_2514 : vector<16xf32> to vector<16xf32>
    tpu.vector_store %arg8[%swap3A_2515], %swap3A_2518 {strides = array<i32>} : memref<2048xf32, #tpu.memory_space<vmem>>, vector<16xf32>,
    %get3A_2519 = arith.constant 1728 : index
    %get3A_2520 = tpu.vector_load %arg7[%get3A_2519] {strides = array<i32>} : memref<2048xf32, #tpu.memory_space<vmem>>, vector<16xf32>,
    %get3A_2521 = vector.shape_cast %get3A_2520 : vector<16xf32> to vector<16xf32>
    %mul3A_2522 = arith.mulf %add3A_215, %get3A_2521 : vector<16xf32>
    %add3A_2523 = arith.addf %mul3A_2522, %add3A_2499 : vector<16xf32>
    %exp3A_2524 = math.exp %add3A_2523 : vector<16xf32>
    %add3A_2525 = arith.constant 5.000000e-01 : f32
    %add3A_2526 = vector.broadcast %add3A_2525 : f32 to vector<16xf32>
    %add3A_2527 = arith.addf %exp3A_2524, %add3A_2526 : vector<16xf32>
    %div3A_2528 = arith.constant 1.000000e+00 : f32
    %div3A_2529 = vector.broadcast %div3A_2528 : f32 to vector<16xf32>
    %div3A_2530 = arith.divf %div3A_2529, %add3A_2527 : vector<16xf32>
    %sub3A_2531 = arith.constant 1.000000e+00 : f32
    %sub3A_2532 = vector.broadcast %sub3A_2531 : f32 to vector<16xf32>
    %sub3A_2533 = arith.subf %sub3A_2532, %div3A_2530 : vector<16xf32>
    %swap3A_2534 = arith.constant 1728 : index
    %swap3A_2535 = tpu.vector_load %arg8[%swap3A_2534] {strides = array<i32>} : memref<2048xf32, #tpu.memory_space<vmem>>, vector<16xf32>,
    %swap3A_2536 = vector.shape_cast %swap3A_2535 : vector<16xf32> to vector<16xf32>
    %swap3A_2537 = vector.shape_cast %sub3A_2533 : vector<16xf32> to vector<16xf32>
    tpu.vector_store %arg8[%swap3A_2534], %swap3A_2537 {strides = array<i32>} : memref<2048xf32, #tpu.memory_space<vmem>>, vector<16xf32>,
    %get3A_2538 = arith.constant 720 : index
    %get3A_2539 = tpu.vector_load %arg7[%get3A_2538] {strides = array<i32>} : memref<2048xf32, #tpu.memory_space<vmem>>, vector<16xf32>,
    %get3A_2540 = vector.shape_cast %get3A_2539 : vector<16xf32> to vector<16xf32>
    %mul3A_2541 = arith.mulf %add3A_215, %get3A_2540 : vector<16xf32>
    %add3A_2542 = arith.addf %mul3A_2541, %add3A_2468 : vector<16xf32>
    %exp3A_2543 = math.exp %add3A_2542 : vector<16xf32>
    %add3A_2544 = arith.constant 5.000000e-01 : f32
    %add3A_2545 = vector.broadcast %add3A_2544 : f32 to vector<16xf32>
    %add3A_2546 = arith.addf %exp3A_2543, %add3A_2545 : vector<16xf32>
    %div3A_2547 = arith.constant 1.000000e+00 : f32
    %div3A_2548 = vector.broadcast %div3A_2547 : f32 to vector<16xf32>
    %div3A_2549 = arith.divf %div3A_2548, %add3A_2546 : vector<16xf32>
    %sub3A_2550 = arith.constant 1.000000e+00 : f32
    %sub3A_2551 = vector.broadcast %sub3A_2550 : f32 to vector<16xf32>
    %sub3A_2552 = arith.subf %sub3A_2551, %div3A_2549 : vector<16xf32>
    %swap3A_2553 = arith.constant 720 : index
    %swap3A_2554 = tpu.vector_load %arg8[%swap3A_2553] {strides = array<i32>} : memref<2048xf32, #tpu.memory_space<vmem>>, vector<16xf32>,
    %swap3A_2555 = vector.shape_cast %swap3A_2554 : vector<16xf32> to vector<16xf32>
    %swap3A_2556 = vector.shape_cast %sub3A_2552 : vector<16xf32> to vector<16xf32>
    tpu.vector_store %arg8[%swap3A_2553], %swap3A_2556 {strides = array<i32>} : memref<2048xf32, #tpu.memory_space<vmem>>, vector<16xf32>,
    %add3A_2557 = arith.addf %sub3A_2514, %sub3A_2552 : vector<16xf32>
    %get3A_2558 = arith.constant 1744 : index
    %get3A_2559 = tpu.vector_load %arg7[%get3A_2558] {strides = array<i32>} : memref<2048xf32, #tpu.memory_space<vmem>>, vector<16xf32>,
    %get3A_2560 = vector.shape_cast %get3A_2559 : vector<16xf32> to vector<16xf32>
    %mul3A_2561 = arith.mulf %add3A_215, %get3A_2560 : vector<16xf32>
    %add3A_2562 = arith.addf %mul3A_2561, %add3A_2499 : vector<16xf32>
    %exp3A_2563 = math.exp %add3A_2562 : vector<16xf32>
    %add3A_2564 = arith.constant 5.000000e-01 : f32
    %add3A_2565 = vector.broadcast %add3A_2564 : f32 to vector<16xf32>
    %add3A_2566 = arith.addf %exp3A_2563, %add3A_2565 : vector<16xf32>
    %div3A_2567 = arith.constant 1.000000e+00 : f32
    %div3A_2568 = vector.broadcast %div3A_2567 : f32 to vector<16xf32>
    %div3A_2569 = arith.divf %div3A_2568, %add3A_2566 : vector<16xf32>
    %sub3A_2570 = arith.constant 1.000000e+00 : f32
    %sub3A_2571 = vector.broadcast %sub3A_2570 : f32 to vector<16xf32>
    %sub3A_2572 = arith.subf %sub3A_2571, %div3A_2569 : vector<16xf32>
    %swap3A_2573 = arith.constant 1744 : index
    %swap3A_2574 = tpu.vector_load %arg8[%swap3A_2573] {strides = array<i32>} : memref<2048xf32, #tpu.memory_space<vmem>>, vector<16xf32>,
    %swap3A_2575 = vector.shape_cast %swap3A_2574 : vector<16xf32> to vector<16xf32>
    %swap3A_2576 = vector.shape_cast %sub3A_2572 : vector<16xf32> to vector<16xf32>
    tpu.vector_store %arg8[%swap3A_2573], %swap3A_2576 {strides = array<i32>} : memref<2048xf32, #tpu.memory_space<vmem>>, vector<16xf32>,
    %add3A_2577 = arith.addf %sub3A_2533, %sub3A_2572 : vector<16xf32>
    %get3A_2578 = arith.constant 736 : index
    %get3A_2579 = tpu.vector_load %arg7[%get3A_2578] {strides = array<i32>} : memref<2048xf32, #tpu.memory_space<vmem>>, vector<16xf32>,
    %get3A_2580 = vector.shape_cast %get3A_2579 : vector<16xf32> to vector<16xf32>
    %mul3A_2581 = arith.mulf %add3A_215, %get3A_2580 : vector<16xf32>
    %add3A_2582 = arith.addf %mul3A_2581, %add3A_2468 : vector<16xf32>
    %exp3A_2583 = math.exp %add3A_2582 : vector<16xf32>
    %add3A_2584 = arith.constant 5.000000e-01 : f32
    %add3A_2585 = vector.broadcast %add3A_2584 : f32 to vector<16xf32>
    %add3A_2586 = arith.addf %exp3A_2583, %add3A_2585 : vector<16xf32>
    %div3A_2587 = arith.constant 1.000000e+00 : f32
    %div3A_2588 = vector.broadcast %div3A_2587 : f32 to vector<16xf32>
    %div3A_2589 = arith.divf %div3A_2588, %add3A_2586 : vector<16xf32>
    %sub3A_2590 = arith.constant 1.000000e+00 : f32
    %sub3A_2591 = vector.broadcast %sub3A_2590 : f32 to vector<16xf32>
    %sub3A_2592 = arith.subf %sub3A_2591, %div3A_2589 : vector<16xf32>
    %swap3A_2593 = arith.constant 736 : index
    %swap3A_2594 = tpu.vector_load %arg8[%swap3A_2593] {strides = array<i32>} : memref<2048xf32, #tpu.memory_space<vmem>>, vector<16xf32>,
    %swap3A_2595 = vector.shape_cast %swap3A_2594 : vector<16xf32> to vector<16xf32>
    %swap3A_2596 = vector.shape_cast %sub3A_2592 : vector<16xf32> to vector<16xf32>
    tpu.vector_store %arg8[%swap3A_2593], %swap3A_2596 {strides = array<i32>} : memref<2048xf32, #tpu.memory_space<vmem>>, vector<16xf32>,
    %add3A_2597 = arith.addf %add3A_2557, %sub3A_2592 : vector<16xf32>
    %get3A_2598 = arith.constant 1760 : index
    %get3A_2599 = tpu.vector_load %arg7[%get3A_2598] {strides = array<i32>} : memref<2048xf32, #tpu.memory_space<vmem>>, vector<16xf32>,
    %get3A_2600 = vector.shape_cast %get3A_2599 : vector<16xf32> to vector<16xf32>
    %mul3A_2601 = arith.mulf %add3A_215, %get3A_2600 : vector<16xf32>
    %add3A_2602 = arith.addf %mul3A_2601, %add3A_2499 : vector<16xf32>
    %exp3A_2603 = math.exp %add3A_2602 : vector<16xf32>
    %add3A_2604 = arith.constant 5.000000e-01 : f32
    %add3A_2605 = vector.broadcast %add3A_2604 : f32 to vector<16xf32>
    %add3A_2606 = arith.addf %exp3A_2603, %add3A_2605 : vector<16xf32>
    %div3A_2607 = arith.constant 1.000000e+00 : f32
    %div3A_2608 = vector.broadcast %div3A_2607 : f32 to vector<16xf32>
    %div3A_2609 = arith.divf %div3A_2608, %add3A_2606 : vector<16xf32>
    %sub3A_2610 = arith.constant 1.000000e+00 : f32
    %sub3A_2611 = vector.broadcast %sub3A_2610 : f32 to vector<16xf32>
    %sub3A_2612 = arith.subf %sub3A_2611, %div3A_2609 : vector<16xf32>
    %swap3A_2613 = arith.constant 1760 : index
    %swap3A_2614 = tpu.vector_load %arg8[%swap3A_2613] {strides = array<i32>} : memref<2048xf32, #tpu.memory_space<vmem>>, vector<16xf32>,
    %swap3A_2615 = vector.shape_cast %swap3A_2614 : vector<16xf32> to vector<16xf32>
    %swap3A_2616 = vector.shape_cast %sub3A_2612 : vector<16xf32> to vector<16xf32>
    tpu.vector_store %arg8[%swap3A_2613], %swap3A_2616 {strides = array<i32>} : memref<2048xf32, #tpu.memory_space<vmem>>, vector<16xf32>,
    %add3A_2617 = arith.addf %add3A_2577, %sub3A_2612 : vector<16xf32>
    %get3A_2618 = arith.constant 752 : index
    %get3A_2619 = tpu.vector_load %arg7[%get3A_2618] {strides = array<i32>} : memref<2048xf32, #tpu.memory_space<vmem>>, vector<16xf32>,
    %get3A_2620 = vector.shape_cast %get3A_2619 : vector<16xf32> to vector<16xf32>
    %mul3A_2621 = arith.mulf %add3A_215, %get3A_2620 : vector<16xf32>
    %add3A_2622 = arith.addf %mul3A_2621, %add3A_2468 : vector<16xf32>
    %exp3A_2623 = math.exp %add3A_2622 : vector<16xf32>
    %add3A_2624 = arith.constant 5.000000e-01 : f32
    %add3A_2625 = vector.broadcast %add3A_2624 : f32 to vector<16xf32>
    %add3A_2626 = arith.addf %exp3A_2623, %add3A_2625 : vector<16xf32>
    %div3A_2627 = arith.constant 1.000000e+00 : f32
    %div3A_2628 = vector.broadcast %div3A_2627 : f32 to vector<16xf32>
    %div3A_2629 = arith.divf %div3A_2628, %add3A_2626 : vector<16xf32>
    %sub3A_2630 = arith.constant 1.000000e+00 : f32
    %sub3A_2631 = vector.broadcast %sub3A_2630 : f32 to vector<16xf32>
    %sub3A_2632 = arith.subf %sub3A_2631, %div3A_2629 : vector<16xf32>
    %swap3A_2633 = arith.constant 752 : index
    %swap3A_2634 = tpu.vector_load %arg8[%swap3A_2633] {strides = array<i32>} : memref<2048xf32, #tpu.memory_space<vmem>>, vector<16xf32>,
    %swap3A_2635 = vector.shape_cast %swap3A_2634 : vector<16xf32> to vector<16xf32>
    %swap3A_2636 = vector.shape_cast %sub3A_2632 : vector<16xf32> to vector<16xf32>
    tpu.vector_store %arg8[%swap3A_2633], %swap3A_2636 {strides = array<i32>} : memref<2048xf32, #tpu.memory_space<vmem>>, vector<16xf32>,
    %add3A_2637 = arith.addf %add3A_2597, %sub3A_2632 : vector<16xf32>
    %get3A_2638 = arith.constant 1776 : index
    %get3A_2639 = tpu.vector_load %arg7[%get3A_2638] {strides = array<i32>} : memref<2048xf32, #tpu.memory_space<vmem>>, vector<16xf32>,
    %get3A_2640 = vector.shape_cast %get3A_2639 : vector<16xf32> to vector<16xf32>
    %mul3A_2641 = arith.mulf %add3A_215, %get3A_2640 : vector<16xf32>
    %add3A_2642 = arith.addf %mul3A_2641, %add3A_2499 : vector<16xf32>
    %exp3A_2643 = math.exp %add3A_2642 : vector<16xf32>
    %add3A_2644 = arith.constant 5.000000e-01 : f32
    %add3A_2645 = vector.broadcast %add3A_2644 : f32 to vector<16xf32>
    %add3A_2646 = arith.addf %exp3A_2643, %add3A_2645 : vector<16xf32>
    %div3A_2647 = arith.constant 1.000000e+00 : f32
    %div3A_2648 = vector.broadcast %div3A_2647 : f32 to vector<16xf32>
    %div3A_2649 = arith.divf %div3A_2648, %add3A_2646 : vector<16xf32>
    %sub3A_2650 = arith.constant 1.000000e+00 : f32
    %sub3A_2651 = vector.broadcast %sub3A_2650 : f32 to vector<16xf32>
    %sub3A_2652 = arith.subf %sub3A_2651, %div3A_2649 : vector<16xf32>
    %swap3A_2653 = arith.constant 1776 : index
    %swap3A_2654 = tpu.vector_load %arg8[%swap3A_2653] {strides = array<i32>} : memref<2048xf32, #tpu.memory_space<vmem>>, vector<16xf32>,
    %swap3A_2655 = vector.shape_cast %swap3A_2654 : vector<16xf32> to vector<16xf32>
    %swap3A_2656 = vector.shape_cast %sub3A_2652 : vector<16xf32> to vector<16xf32>
    tpu.vector_store %arg8[%swap3A_2653], %swap3A_2656 {strides = array<i32>} : memref<2048xf32, #tpu.memory_space<vmem>>, vector<16xf32>,
    %add3A_2657 = arith.addf %add3A_2617, %sub3A_2652 : vector<16xf32>
    %iota3A_2658 = tpu.iota {dimensions = array<i32: 0>} : vector<16xi32>
    %xor3A_2659 = arith.constant 8 : i32
    %xor3A_2660 = vector.broadcast %xor3A_2659 : i32 to vector<16xi32>
    %xor3A_2661 = arith.xori %iota3A_2658, %xor3A_2660 : vector<16xi32>
    %broadcast_in_dim3A_2662 = vector.shape_cast %xor3A_2661 : vector<16xi32> to vector<16x1xi32>
    %gather3A_2663 = vector.shape_cast %broadcast_in_dim3A_2662 : vector<16x1xi32> to vector<16xi32>
    %gather3A_2664 = tpu.dynamic_gather %add3A_2637[%gather3A_2663] in [0] : vector<16xf32>, vector<16xi32> -> vector<16xf32>
    %add3A_2665 = arith.addf %add3A_2637, %gather3A_2664 : vector<16xf32>
    %xor3A_2666 = arith.constant 4 : i32
    %xor3A_2667 = vector.broadcast %xor3A_2666 : i32 to vector<16xi32>
    %xor3A_2668 = arith.xori %iota3A_2658, %xor3A_2667 : vector<16xi32>
    %broadcast_in_dim3A_2669 = vector.shape_cast %xor3A_2668 : vector<16xi32> to vector<16x1xi32>
    %gather3A_2670 = vector.shape_cast %broadcast_in_dim3A_2669 : vector<16x1xi32> to vector<16xi32>
    %gather3A_2671 = tpu.dynamic_gather %add3A_2665[%gather3A_2670] in [0] : vector<16xf32>, vector<16xi32> -> vector<16xf32>
    %add3A_2672 = arith.addf %add3A_2665, %gather3A_2671 : vector<16xf32>
    %xor3A_2673 = arith.constant 2 : i32
    %xor3A_2674 = vector.broadcast %xor3A_2673 : i32 to vector<16xi32>
    %xor3A_2675 = arith.xori %iota3A_2658, %xor3A_2674 : vector<16xi32>
    %broadcast_in_dim3A_2676 = vector.shape_cast %xor3A_2675 : vector<16xi32> to vector<16x1xi32>
    %gather3A_2677 = vector.shape_cast %broadcast_in_dim3A_2676 : vector<16x1xi32> to vector<16xi32>
    %gather3A_2678 = tpu.dynamic_gather %add3A_2672[%gather3A_2677] in [0] : vector<16xf32>, vector<16xi32> -> vector<16xf32>
    %add3A_2679 = arith.addf %add3A_2672, %gather3A_2678 : vector<16xf32>
    %xor3A_2680 = arith.constant 1 : i32
    %xor3A_2681 = vector.broadcast %xor3A_2680 : i32 to vector<16xi32>
    %xor3A_2682 = arith.xori %iota3A_2658, %xor3A_2681 : vector<16xi32>
    %broadcast_in_dim3A_2683 = vector.shape_cast %xor3A_2682 : vector<16xi32> to vector<16x1xi32>
    %gather3A_2684 = vector.shape_cast %broadcast_in_dim3A_2683 : vector<16x1xi32> to vector<16xi32>
    %gather3A_2685 = tpu.dynamic_gather %add3A_2679[%gather3A_2684] in [0] : vector<16xf32>, vector<16xi32> -> vector<16xf32>
    %add3A_2686 = arith.addf %add3A_2679, %gather3A_2685 : vector<16xf32>
    %mul3A_2687 = arith.mulf %mul3A_218, %add3A_2686 : vector<16xf32>
    %add3A_2688 = arith.addf %mul3A_2687, %sub3A_222 : vector<16xf32>
    %iota3A_2689 = tpu.iota {dimensions = array<i32: 0>} : vector<16xi32>
    %xor3A_2690 = arith.constant 8 : i32
    %xor3A_2691 = vector.broadcast %xor3A_2690 : i32 to vector<16xi32>
    %xor3A_2692 = arith.xori %iota3A_2689, %xor3A_2691 : vector<16xi32>
    %broadcast_in_dim3A_2693 = vector.shape_cast %xor3A_2692 : vector<16xi32> to vector<16x1xi32>
    %gather3A_2694 = vector.shape_cast %broadcast_in_dim3A_2693 : vector<16x1xi32> to vector<16xi32>
    %gather3A_2695 = tpu.dynamic_gather %add3A_2657[%gather3A_2694] in [0] : vector<16xf32>, vector<16xi32> -> vector<16xf32>
    %add3A_2696 = arith.addf %add3A_2657, %gather3A_2695 : vector<16xf32>
    %xor3A_2697 = arith.constant 4 : i32
    %xor3A_2698 = vector.broadcast %xor3A_2697 : i32 to vector<16xi32>
    %xor3A_2699 = arith.xori %iota3A_2689, %xor3A_2698 : vector<16xi32>
    %broadcast_in_dim3A_2700 = vector.shape_cast %xor3A_2699 : vector<16xi32> to vector<16x1xi32>
    %gather3A_2701 = vector.shape_cast %broadcast_in_dim3A_2700 : vector<16x1xi32> to vector<16xi32>
    %gather3A_2702 = tpu.dynamic_gather %add3A_2696[%gather3A_2701] in [0] : vector<16xf32>, vector<16xi32> -> vector<16xf32>
    %add3A_2703 = arith.addf %add3A_2696, %gather3A_2702 : vector<16xf32>
    %xor3A_2704 = arith.constant 2 : i32
    %xor3A_2705 = vector.broadcast %xor3A_2704 : i32 to vector<16xi32>
    %xor3A_2706 = arith.xori %iota3A_2689, %xor3A_2705 : vector<16xi32>
    %broadcast_in_dim3A_2707 = vector.shape_cast %xor3A_2706 : vector<16xi32> to vector<16x1xi32>
    %gather3A_2708 = vector.shape_cast %broadcast_in_dim3A_2707 : vector<16x1xi32> to vector<16xi32>
    %gather3A_2709 = tpu.dynamic_gather %add3A_2703[%gather3A_2708] in [0] : vector<16xf32>, vector<16xi32> -> vector<16xf32>
    %add3A_2710 = arith.addf %add3A_2703, %gather3A_2709 : vector<16xf32>
    %xor3A_2711 = arith.constant 1 : i32
    %xor3A_2712 = vector.broadcast %xor3A_2711 : i32 to vector<16xi32>
    %xor3A_2713 = arith.xori %iota3A_2689, %xor3A_2712 : vector<16xi32>
    %broadcast_in_dim3A_2714 = vector.shape_cast %xor3A_2713 : vector<16xi32> to vector<16x1xi32>
    %gather3A_2715 = vector.shape_cast %broadcast_in_dim3A_2714 : vector<16x1xi32> to vector<16xi32>
    %gather3A_2716 = tpu.dynamic_gather %add3A_2710[%gather3A_2715] in [0] : vector<16xf32>, vector<16xi32> -> vector<16xf32>
    %add3A_2717 = arith.addf %add3A_2710, %gather3A_2716 : vector<16xf32>
    %mul3A_2718 = arith.mulf %mul3A_218, %add3A_2717 : vector<16xf32>
    %add3A_2719 = arith.addf %mul3A_2718, %sub3A_222 : vector<16xf32>
    %get3A_2720 = arith.constant 768 : index
    %get3A_2721 = tpu.vector_load %arg7[%get3A_2720] {strides = array<i32>} : memref<2048xf32, #tpu.memory_space<vmem>>, vector<16xf32>,
    %get3A_2722 = vector.shape_cast %get3A_2721 : vector<16xf32> to vector<16xf32>
    %mul3A_2723 = arith.mulf %add3A_215, %get3A_2722 : vector<16xf32>
    %add3A_2724 = arith.addf %mul3A_2723, %add3A_2688 : vector<16xf32>
    %exp3A_2725 = math.exp %add3A_2724 : vector<16xf32>
    %add3A_2726 = arith.constant 5.000000e-01 : f32
    %add3A_2727 = vector.broadcast %add3A_2726 : f32 to vector<16xf32>
    %add3A_2728 = arith.addf %exp3A_2725, %add3A_2727 : vector<16xf32>
    %div3A_2729 = arith.constant 1.000000e+00 : f32
    %div3A_2730 = vector.broadcast %div3A_2729 : f32 to vector<16xf32>
    %div3A_2731 = arith.divf %div3A_2730, %add3A_2728 : vector<16xf32>
    %sub3A_2732 = arith.constant 1.000000e+00 : f32
    %sub3A_2733 = vector.broadcast %sub3A_2732 : f32 to vector<16xf32>
    %sub3A_2734 = arith.subf %sub3A_2733, %div3A_2731 : vector<16xf32>
    %swap3A_2735 = arith.constant 768 : index
    %swap3A_2736 = tpu.vector_load %arg8[%swap3A_2735] {strides = array<i32>} : memref<2048xf32, #tpu.memory_space<vmem>>, vector<16xf32>,
    %swap3A_2737 = vector.shape_cast %swap3A_2736 : vector<16xf32> to vector<16xf32>
    %swap3A_2738 = vector.shape_cast %sub3A_2734 : vector<16xf32> to vector<16xf32>
    tpu.vector_store %arg8[%swap3A_2735], %swap3A_2738 {strides = array<i32>} : memref<2048xf32, #tpu.memory_space<vmem>>, vector<16xf32>,
    %get3A_2739 = arith.constant 1792 : index
    %get3A_2740 = tpu.vector_load %arg7[%get3A_2739] {strides = array<i32>} : memref<2048xf32, #tpu.memory_space<vmem>>, vector<16xf32>,
    %get3A_2741 = vector.shape_cast %get3A_2740 : vector<16xf32> to vector<16xf32>
    %mul3A_2742 = arith.mulf %add3A_215, %get3A_2741 : vector<16xf32>
    %add3A_2743 = arith.addf %mul3A_2742, %add3A_2719 : vector<16xf32>
    %exp3A_2744 = math.exp %add3A_2743 : vector<16xf32>
    %add3A_2745 = arith.constant 5.000000e-01 : f32
    %add3A_2746 = vector.broadcast %add3A_2745 : f32 to vector<16xf32>
    %add3A_2747 = arith.addf %exp3A_2744, %add3A_2746 : vector<16xf32>
    %div3A_2748 = arith.constant 1.000000e+00 : f32
    %div3A_2749 = vector.broadcast %div3A_2748 : f32 to vector<16xf32>
    %div3A_2750 = arith.divf %div3A_2749, %add3A_2747 : vector<16xf32>
    %sub3A_2751 = arith.constant 1.000000e+00 : f32
    %sub3A_2752 = vector.broadcast %sub3A_2751 : f32 to vector<16xf32>
    %sub3A_2753 = arith.subf %sub3A_2752, %div3A_2750 : vector<16xf32>
    %swap3A_2754 = arith.constant 1792 : index
    %swap3A_2755 = tpu.vector_load %arg8[%swap3A_2754] {strides = array<i32>} : memref<2048xf32, #tpu.memory_space<vmem>>, vector<16xf32>,
    %swap3A_2756 = vector.shape_cast %swap3A_2755 : vector<16xf32> to vector<16xf32>
    %swap3A_2757 = vector.shape_cast %sub3A_2753 : vector<16xf32> to vector<16xf32>
    tpu.vector_store %arg8[%swap3A_2754], %swap3A_2757 {strides = array<i32>} : memref<2048xf32, #tpu.memory_space<vmem>>, vector<16xf32>,
    %get3A_2758 = arith.constant 784 : index
    %get3A_2759 = tpu.vector_load %arg7[%get3A_2758] {strides = array<i32>} : memref<2048xf32, #tpu.memory_space<vmem>>, vector<16xf32>,
    %get3A_2760 = vector.shape_cast %get3A_2759 : vector<16xf32> to vector<16xf32>
    %mul3A_2761 = arith.mulf %add3A_215, %get3A_2760 : vector<16xf32>
    %add3A_2762 = arith.addf %mul3A_2761, %add3A_2688 : vector<16xf32>
    %exp3A_2763 = math.exp %add3A_2762 : vector<16xf32>
    %add3A_2764 = arith.constant 5.000000e-01 : f32
    %add3A_2765 = vector.broadcast %add3A_2764 : f32 to vector<16xf32>
    %add3A_2766 = arith.addf %exp3A_2763, %add3A_2765 : vector<16xf32>
    %div3A_2767 = arith.constant 1.000000e+00 : f32
    %div3A_2768 = vector.broadcast %div3A_2767 : f32 to vector<16xf32>
    %div3A_2769 = arith.divf %div3A_2768, %add3A_2766 : vector<16xf32>
    %sub3A_2770 = arith.constant 1.000000e+00 : f32
    %sub3A_2771 = vector.broadcast %sub3A_2770 : f32 to vector<16xf32>
    %sub3A_2772 = arith.subf %sub3A_2771, %div3A_2769 : vector<16xf32>
    %swap3A_2773 = arith.constant 784 : index
    %swap3A_2774 = tpu.vector_load %arg8[%swap3A_2773] {strides = array<i32>} : memref<2048xf32, #tpu.memory_space<vmem>>, vector<16xf32>,
    %swap3A_2775 = vector.shape_cast %swap3A_2774 : vector<16xf32> to vector<16xf32>
    %swap3A_2776 = vector.shape_cast %sub3A_2772 : vector<16xf32> to vector<16xf32>
    tpu.vector_store %arg8[%swap3A_2773], %swap3A_2776 {strides = array<i32>} : memref<2048xf32, #tpu.memory_space<vmem>>, vector<16xf32>,
    %add3A_2777 = arith.addf %sub3A_2734, %sub3A_2772 : vector<16xf32>
    %get3A_2778 = arith.constant 1808 : index
    %get3A_2779 = tpu.vector_load %arg7[%get3A_2778] {strides = array<i32>} : memref<2048xf32, #tpu.memory_space<vmem>>, vector<16xf32>,
    %get3A_2780 = vector.shape_cast %get3A_2779 : vector<16xf32> to vector<16xf32>
    %mul3A_2781 = arith.mulf %add3A_215, %get3A_2780 : vector<16xf32>
    %add3A_2782 = arith.addf %mul3A_2781, %add3A_2719 : vector<16xf32>
    %exp3A_2783 = math.exp %add3A_2782 : vector<16xf32>
    %add3A_2784 = arith.constant 5.000000e-01 : f32
    %add3A_2785 = vector.broadcast %add3A_2784 : f32 to vector<16xf32>
    %add3A_2786 = arith.addf %exp3A_2783, %add3A_2785 : vector<16xf32>
    %div3A_2787 = arith.constant 1.000000e+00 : f32
    %div3A_2788 = vector.broadcast %div3A_2787 : f32 to vector<16xf32>
    %div3A_2789 = arith.divf %div3A_2788, %add3A_2786 : vector<16xf32>
    %sub3A_2790 = arith.constant 1.000000e+00 : f32
    %sub3A_2791 = vector.broadcast %sub3A_2790 : f32 to vector<16xf32>
    %sub3A_2792 = arith.subf %sub3A_2791, %div3A_2789 : vector<16xf32>
    %swap3A_2793 = arith.constant 1808 : index
    %swap3A_2794 = tpu.vector_load %arg8[%swap3A_2793] {strides = array<i32>} : memref<2048xf32, #tpu.memory_space<vmem>>, vector<16xf32>,
    %swap3A_2795 = vector.shape_cast %swap3A_2794 : vector<16xf32> to vector<16xf32>
    %swap3A_2796 = vector.shape_cast %sub3A_2792 : vector<16xf32> to vector<16xf32>
    tpu.vector_store %arg8[%swap3A_2793], %swap3A_2796 {strides = array<i32>} : memref<2048xf32, #tpu.memory_space<vmem>>, vector<16xf32>,
    %add3A_2797 = arith.addf %sub3A_2753, %sub3A_2792 : vector<16xf32>
    %get3A_2798 = arith.constant 800 : index
    %get3A_2799 = tpu.vector_load %arg7[%get3A_2798] {strides = array<i32>} : memref<2048xf32, #tpu.memory_space<vmem>>, vector<16xf32>,
    %get3A_2800 = vector.shape_cast %get3A_2799 : vector<16xf32> to vector<16xf32>
    %mul3A_2801 = arith.mulf %add3A_215, %get3A_2800 : vector<16xf32>
    %add3A_2802 = arith.addf %mul3A_2801, %add3A_2688 : vector<16xf32>
    %exp3A_2803 = math.exp %add3A_2802 : vector<16xf32>
    %add3A_2804 = arith.constant 5.000000e-01 : f32
    %add3A_2805 = vector.broadcast %add3A_2804 : f32 to vector<16xf32>
    %add3A_2806 = arith.addf %exp3A_2803, %add3A_2805 : vector<16xf32>
    %div3A_2807 = arith.constant 1.000000e+00 : f32
    %div3A_2808 = vector.broadcast %div3A_2807 : f32 to vector<16xf32>
    %div3A_2809 = arith.divf %div3A_2808, %add3A_2806 : vector<16xf32>
    %sub3A_2810 = arith.constant 1.000000e+00 : f32
    %sub3A_2811 = vector.broadcast %sub3A_2810 : f32 to vector<16xf32>
    %sub3A_2812 = arith.subf %sub3A_2811, %div3A_2809 : vector<16xf32>
    %swap3A_2813 = arith.constant 800 : index
    %swap3A_2814 = tpu.vector_load %arg8[%swap3A_2813] {strides = array<i32>} : memref<2048xf32, #tpu.memory_space<vmem>>, vector<16xf32>,
    %swap3A_2815 = vector.shape_cast %swap3A_2814 : vector<16xf32> to vector<16xf32>
    %swap3A_2816 = vector.shape_cast %sub3A_2812 : vector<16xf32> to vector<16xf32>
    tpu.vector_store %arg8[%swap3A_2813], %swap3A_2816 {strides = array<i32>} : memref<2048xf32, #tpu.memory_space<vmem>>, vector<16xf32>,
    %add3A_2817 = arith.addf %add3A_2777, %sub3A_2812 : vector<16xf32>
    %get3A_2818 = arith.constant 1824 : index
    %get3A_2819 = tpu.vector_load %arg7[%get3A_2818] {strides = array<i32>} : memref<2048xf32, #tpu.memory_space<vmem>>, vector<16xf32>,
    %get3A_2820 = vector.shape_cast %get3A_2819 : vector<16xf32> to vector<16xf32>
    %mul3A_2821 = arith.mulf %add3A_215, %get3A_2820 : vector<16xf32>
    %add3A_2822 = arith.addf %mul3A_2821, %add3A_2719 : vector<16xf32>
    %exp3A_2823 = math.exp %add3A_2822 : vector<16xf32>
    %add3A_2824 = arith.constant 5.000000e-01 : f32
    %add3A_2825 = vector.broadcast %add3A_2824 : f32 to vector<16xf32>
    %add3A_2826 = arith.addf %exp3A_2823, %add3A_2825 : vector<16xf32>
    %div3A_2827 = arith.constant 1.000000e+00 : f32
    %div3A_2828 = vector.broadcast %div3A_2827 : f32 to vector<16xf32>
    %div3A_2829 = arith.divf %div3A_2828, %add3A_2826 : vector<16xf32>
    %sub3A_2830 = arith.constant 1.000000e+00 : f32
    %sub3A_2831 = vector.broadcast %sub3A_2830 : f32 to vector<16xf32>
    %sub3A_2832 = arith.subf %sub3A_2831, %div3A_2829 : vector<16xf32>
    %swap3A_2833 = arith.constant 1824 : index
    %swap3A_2834 = tpu.vector_load %arg8[%swap3A_2833] {strides = array<i32>} : memref<2048xf32, #tpu.memory_space<vmem>>, vector<16xf32>,
    %swap3A_2835 = vector.shape_cast %swap3A_2834 : vector<16xf32> to vector<16xf32>
    %swap3A_2836 = vector.shape_cast %sub3A_2832 : vector<16xf32> to vector<16xf32>
    tpu.vector_store %arg8[%swap3A_2833], %swap3A_2836 {strides = array<i32>} : memref<2048xf32, #tpu.memory_space<vmem>>, vector<16xf32>,
    %add3A_2837 = arith.addf %add3A_2797, %sub3A_2832 : vector<16xf32>
    %get3A_2838 = arith.constant 816 : index
    %get3A_2839 = tpu.vector_load %arg7[%get3A_2838] {strides = array<i32>} : memref<2048xf32, #tpu.memory_space<vmem>>, vector<16xf32>,
    %get3A_2840 = vector.shape_cast %get3A_2839 : vector<16xf32> to vector<16xf32>
    %mul3A_2841 = arith.mulf %add3A_215, %get3A_2840 : vector<16xf32>
    %add3A_2842 = arith.addf %mul3A_2841, %add3A_2688 : vector<16xf32>
    %exp3A_2843 = math.exp %add3A_2842 : vector<16xf32>
    %add3A_2844 = arith.constant 5.000000e-01 : f32
    %add3A_2845 = vector.broadcast %add3A_2844 : f32 to vector<16xf32>
    %add3A_2846 = arith.addf %exp3A_2843, %add3A_2845 : vector<16xf32>
    %div3A_2847 = arith.constant 1.000000e+00 : f32
    %div3A_2848 = vector.broadcast %div3A_2847 : f32 to vector<16xf32>
    %div3A_2849 = arith.divf %div3A_2848, %add3A_2846 : vector<16xf32>
    %sub3A_2850 = arith.constant 1.000000e+00 : f32
    %sub3A_2851 = vector.broadcast %sub3A_2850 : f32 to vector<16xf32>
    %sub3A_2852 = arith.subf %sub3A_2851, %div3A_2849 : vector<16xf32>
    %swap3A_2853 = arith.constant 816 : index
    %swap3A_2854 = tpu.vector_load %arg8[%swap3A_2853] {strides = array<i32>} : memref<2048xf32, #tpu.memory_space<vmem>>, vector<16xf32>,
    %swap3A_2855 = vector.shape_cast %swap3A_2854 : vector<16xf32> to vector<16xf32>
    %swap3A_2856 = vector.shape_cast %sub3A_2852 : vector<16xf32> to vector<16xf32>
    tpu.vector_store %arg8[%swap3A_2853], %swap3A_2856 {strides = array<i32>} : memref<2048xf32, #tpu.memory_space<vmem>>, vector<16xf32>,
    %add3A_2857 = arith.addf %add3A_2817, %sub3A_2852 : vector<16xf32>
    %get3A_2858 = arith.constant 1840 : index
    %get3A_2859 = tpu.vector_load %arg7[%get3A_2858] {strides = array<i32>} : memref<2048xf32, #tpu.memory_space<vmem>>, vector<16xf32>,
    %get3A_2860 = vector.shape_cast %get3A_2859 : vector<16xf32> to vector<16xf32>
    %mul3A_2861 = arith.mulf %add3A_215, %get3A_2860 : vector<16xf32>
    %add3A_2862 = arith.addf %mul3A_2861, %add3A_2719 : vector<16xf32>
    %exp3A_2863 = math.exp %add3A_2862 : vector<16xf32>
    %add3A_2864 = arith.constant 5.000000e-01 : f32
    %add3A_2865 = vector.broadcast %add3A_2864 : f32 to vector<16xf32>
    %add3A_2866 = arith.addf %exp3A_2863, %add3A_2865 : vector<16xf32>
    %div3A_2867 = arith.constant 1.000000e+00 : f32
    %div3A_2868 = vector.broadcast %div3A_2867 : f32 to vector<16xf32>
    %div3A_2869 = arith.divf %div3A_2868, %add3A_2866 : vector<16xf32>
    %sub3A_2870 = arith.constant 1.000000e+00 : f32
    %sub3A_2871 = vector.broadcast %sub3A_2870 : f32 to vector<16xf32>
    %sub3A_2872 = arith.subf %sub3A_2871, %div3A_2869 : vector<16xf32>
    %swap3A_2873 = arith.constant 1840 : index
    %swap3A_2874 = tpu.vector_load %arg8[%swap3A_2873] {strides = array<i32>} : memref<2048xf32, #tpu.memory_space<vmem>>, vector<16xf32>,
    %swap3A_2875 = vector.shape_cast %swap3A_2874 : vector<16xf32> to vector<16xf32>
    %swap3A_2876 = vector.shape_cast %sub3A_2872 : vector<16xf32> to vector<16xf32>
    tpu.vector_store %arg8[%swap3A_2873], %swap3A_2876 {strides = array<i32>} : memref<2048xf32, #tpu.memory_space<vmem>>, vector<16xf32>,
    %add3A_2877 = arith.addf %add3A_2837, %sub3A_2872 : vector<16xf32>
    %iota3A_2878 = tpu.iota {dimensions = array<i32: 0>} : vector<16xi32>
    %xor3A_2879 = arith.constant 8 : i32
    %xor3A_2880 = vector.broadcast %xor3A_2879 : i32 to vector<16xi32>
    %xor3A_2881 = arith.xori %iota3A_2878, %xor3A_2880 : vector<16xi32>
    %broadcast_in_dim3A_2882 = vector.shape_cast %xor3A_2881 : vector<16xi32> to vector<16x1xi32>
    %gather3A_2883 = vector.shape_cast %broadcast_in_dim3A_2882 : vector<16x1xi32> to vector<16xi32>
    %gather3A_2884 = tpu.dynamic_gather %add3A_2857[%gather3A_2883] in [0] : vector<16xf32>, vector<16xi32> -> vector<16xf32>
    %add3A_2885 = arith.addf %add3A_2857, %gather3A_2884 : vector<16xf32>
    %xor3A_2886 = arith.constant 4 : i32
    %xor3A_2887 = vector.broadcast %xor3A_2886 : i32 to vector<16xi32>
    %xor3A_2888 = arith.xori %iota3A_2878, %xor3A_2887 : vector<16xi32>
    %broadcast_in_dim3A_2889 = vector.shape_cast %xor3A_2888 : vector<16xi32> to vector<16x1xi32>
    %gather3A_2890 = vector.shape_cast %broadcast_in_dim3A_2889 : vector<16x1xi32> to vector<16xi32>
    %gather3A_2891 = tpu.dynamic_gather %add3A_2885[%gather3A_2890] in [0] : vector<16xf32>, vector<16xi32> -> vector<16xf32>
    %add3A_2892 = arith.addf %add3A_2885, %gather3A_2891 : vector<16xf32>
    %xor3A_2893 = arith.constant 2 : i32
    %xor3A_2894 = vector.broadcast %xor3A_2893 : i32 to vector<16xi32>
    %xor3A_2895 = arith.xori %iota3A_2878, %xor3A_2894 : vector<16xi32>
    %broadcast_in_dim3A_2896 = vector.shape_cast %xor3A_2895 : vector<16xi32> to vector<16x1xi32>
    %gather3A_2897 = vector.shape_cast %broadcast_in_dim3A_2896 : vector<16x1xi32> to vector<16xi32>
    %gather3A_2898 = tpu.dynamic_gather %add3A_2892[%gather3A_2897] in [0] : vector<16xf32>, vector<16xi32> -> vector<16xf32>
    %add3A_2899 = arith.addf %add3A_2892, %gather3A_2898 : vector<16xf32>
    %xor3A_2900 = arith.constant 1 : i32
    %xor3A_2901 = vector.broadcast %xor3A_2900 : i32 to vector<16xi32>
    %xor3A_2902 = arith.xori %iota3A_2878, %xor3A_2901 : vector<16xi32>
    %broadcast_in_dim3A_2903 = vector.shape_cast %xor3A_2902 : vector<16xi32> to vector<16x1xi32>
    %gather3A_2904 = vector.shape_cast %broadcast_in_dim3A_2903 : vector<16x1xi32> to vector<16xi32>
    %gather3A_2905 = tpu.dynamic_gather %add3A_2899[%gather3A_2904] in [0] : vector<16xf32>, vector<16xi32> -> vector<16xf32>
    %add3A_2906 = arith.addf %add3A_2899, %gather3A_2905 : vector<16xf32>
    %mul3A_2907 = arith.mulf %mul3A_218, %add3A_2906 : vector<16xf32>
    %add3A_2908 = arith.addf %mul3A_2907, %sub3A_222 : vector<16xf32>
    %iota3A_2909 = tpu.iota {dimensions = array<i32: 0>} : vector<16xi32>
    %xor3A_2910 = arith.constant 8 : i32
    %xor3A_2911 = vector.broadcast %xor3A_2910 : i32 to vector<16xi32>
    %xor3A_2912 = arith.xori %iota3A_2909, %xor3A_2911 : vector<16xi32>
    %broadcast_in_dim3A_2913 = vector.shape_cast %xor3A_2912 : vector<16xi32> to vector<16x1xi32>
    %gather3A_2914 = vector.shape_cast %broadcast_in_dim3A_2913 : vector<16x1xi32> to vector<16xi32>
    %gather3A_2915 = tpu.dynamic_gather %add3A_2877[%gather3A_2914] in [0] : vector<16xf32>, vector<16xi32> -> vector<16xf32>
    %add3A_2916 = arith.addf %add3A_2877, %gather3A_2915 : vector<16xf32>
    %xor3A_2917 = arith.constant 4 : i32
    %xor3A_2918 = vector.broadcast %xor3A_2917 : i32 to vector<16xi32>
    %xor3A_2919 = arith.xori %iota3A_2909, %xor3A_2918 : vector<16xi32>
    %broadcast_in_dim3A_2920 = vector.shape_cast %xor3A_2919 : vector<16xi32> to vector<16x1xi32>
    %gather3A_2921 = vector.shape_cast %broadcast_in_dim3A_2920 : vector<16x1xi32> to vector<16xi32>
    %gather3A_2922 = tpu.dynamic_gather %add3A_2916[%gather3A_2921] in [0] : vector<16xf32>, vector<16xi32> -> vector<16xf32>
    %add3A_2923 = arith.addf %add3A_2916, %gather3A_2922 : vector<16xf32>
    %xor3A_2924 = arith.constant 2 : i32
    %xor3A_2925 = vector.broadcast %xor3A_2924 : i32 to vector<16xi32>
    %xor3A_2926 = arith.xori %iota3A_2909, %xor3A_2925 : vector<16xi32>
    %broadcast_in_dim3A_2927 = vector.shape_cast %xor3A_2926 : vector<16xi32> to vector<16x1xi32>
    %gather3A_2928 = vector.shape_cast %broadcast_in_dim3A_2927 : vector<16x1xi32> to vector<16xi32>
    %gather3A_2929 = tpu.dynamic_gather %add3A_2923[%gather3A_2928] in [0] : vector<16xf32>, vector<16xi32> -> vector<16xf32>
    %add3A_2930 = arith.addf %add3A_2923, %gather3A_2929 : vector<16xf32>
    %xor3A_2931 = arith.constant 1 : i32
    %xor3A_2932 = vector.broadcast %xor3A_2931 : i32 to vector<16xi32>
    %xor3A_2933 = arith.xori %iota3A_2909, %xor3A_2932 : vector<16xi32>
    %broadcast_in_dim3A_2934 = vector.shape_cast %xor3A_2933 : vector<16xi32> to vector<16x1xi32>
    %gather3A_2935 = vector.shape_cast %broadcast_in_dim3A_2934 : vector<16x1xi32> to vector<16xi32>
    %gather3A_2936 = tpu.dynamic_gather %add3A_2930[%gather3A_2935] in [0] : vector<16xf32>, vector<16xi32> -> vector<16xf32>
    %add3A_2937 = arith.addf %add3A_2930, %gather3A_2936 : vector<16xf32>
    %mul3A_2938 = arith.mulf %mul3A_218, %add3A_2937 : vector<16xf32>
    %add3A_2939 = arith.addf %mul3A_2938, %sub3A_222 : vector<16xf32>
    %get3A_2940 = arith.constant 832 : index
    %get3A_2941 = tpu.vector_load %arg7[%get3A_2940] {strides = array<i32>} : memref<2048xf32, #tpu.memory_space<vmem>>, vector<16xf32>,
    %get3A_2942 = vector.shape_cast %get3A_2941 : vector<16xf32> to vector<16xf32>
    %mul3A_2943 = arith.mulf %add3A_215, %get3A_2942 : vector<16xf32>
    %add3A_2944 = arith.addf %mul3A_2943, %add3A_2908 : vector<16xf32>
    %exp3A_2945 = math.exp %add3A_2944 : vector<16xf32>
    %add3A_2946 = arith.constant 5.000000e-01 : f32
    %add3A_2947 = vector.broadcast %add3A_2946 : f32 to vector<16xf32>
    %add3A_2948 = arith.addf %exp3A_2945, %add3A_2947 : vector<16xf32>
    %div3A_2949 = arith.constant 1.000000e+00 : f32
    %div3A_2950 = vector.broadcast %div3A_2949 : f32 to vector<16xf32>
    %div3A_2951 = arith.divf %div3A_2950, %add3A_2948 : vector<16xf32>
    %sub3A_2952 = arith.constant 1.000000e+00 : f32
    %sub3A_2953 = vector.broadcast %sub3A_2952 : f32 to vector<16xf32>
    %sub3A_2954 = arith.subf %sub3A_2953, %div3A_2951 : vector<16xf32>
    %swap3A_2955 = arith.constant 832 : index
    %swap3A_2956 = tpu.vector_load %arg8[%swap3A_2955] {strides = array<i32>} : memref<2048xf32, #tpu.memory_space<vmem>>, vector<16xf32>,
    %swap3A_2957 = vector.shape_cast %swap3A_2956 : vector<16xf32> to vector<16xf32>
    %swap3A_2958 = vector.shape_cast %sub3A_2954 : vector<16xf32> to vector<16xf32>
    tpu.vector_store %arg8[%swap3A_2955], %swap3A_2958 {strides = array<i32>} : memref<2048xf32, #tpu.memory_space<vmem>>, vector<16xf32>,
    %get3A_2959 = arith.constant 1856 : index
    %get3A_2960 = tpu.vector_load %arg7[%get3A_2959] {strides = array<i32>} : memref<2048xf32, #tpu.memory_space<vmem>>, vector<16xf32>,
    %get3A_2961 = vector.shape_cast %get3A_2960 : vector<16xf32> to vector<16xf32>
    %mul3A_2962 = arith.mulf %add3A_215, %get3A_2961 : vector<16xf32>
    %add3A_2963 = arith.addf %mul3A_2962, %add3A_2939 : vector<16xf32>
    %exp3A_2964 = math.exp %add3A_2963 : vector<16xf32>
    %add3A_2965 = arith.constant 5.000000e-01 : f32
    %add3A_2966 = vector.broadcast %add3A_2965 : f32 to vector<16xf32>
    %add3A_2967 = arith.addf %exp3A_2964, %add3A_2966 : vector<16xf32>
    %div3A_2968 = arith.constant 1.000000e+00 : f32
    %div3A_2969 = vector.broadcast %div3A_2968 : f32 to vector<16xf32>
    %div3A_2970 = arith.divf %div3A_2969, %add3A_2967 : vector<16xf32>
    %sub3A_2971 = arith.constant 1.000000e+00 : f32
    %sub3A_2972 = vector.broadcast %sub3A_2971 : f32 to vector<16xf32>
    %sub3A_2973 = arith.subf %sub3A_2972, %div3A_2970 : vector<16xf32>
    %swap3A_2974 = arith.constant 1856 : index
    %swap3A_2975 = tpu.vector_load %arg8[%swap3A_2974] {strides = array<i32>} : memref<2048xf32, #tpu.memory_space<vmem>>, vector<16xf32>,
    %swap3A_2976 = vector.shape_cast %swap3A_2975 : vector<16xf32> to vector<16xf32>
    %swap3A_2977 = vector.shape_cast %sub3A_2973 : vector<16xf32> to vector<16xf32>
    tpu.vector_store %arg8[%swap3A_2974], %swap3A_2977 {strides = array<i32>} : memref<2048xf32, #tpu.memory_space<vmem>>, vector<16xf32>,
    %get3A_2978 = arith.constant 848 : index
    %get3A_2979 = tpu.vector_load %arg7[%get3A_2978] {strides = array<i32>} : memref<2048xf32, #tpu.memory_space<vmem>>, vector<16xf32>,
    %get3A_2980 = vector.shape_cast %get3A_2979 : vector<16xf32> to vector<16xf32>
    %mul3A_2981 = arith.mulf %add3A_215, %get3A_2980 : vector<16xf32>
    %add3A_2982 = arith.addf %mul3A_2981, %add3A_2908 : vector<16xf32>
    %exp3A_2983 = math.exp %add3A_2982 : vector<16xf32>
    %add3A_2984 = arith.constant 5.000000e-01 : f32
    %add3A_2985 = vector.broadcast %add3A_2984 : f32 to vector<16xf32>
    %add3A_2986 = arith.addf %exp3A_2983, %add3A_2985 : vector<16xf32>
    %div3A_2987 = arith.constant 1.000000e+00 : f32
    %div3A_2988 = vector.broadcast %div3A_2987 : f32 to vector<16xf32>
    %div3A_2989 = arith.divf %div3A_2988, %add3A_2986 : vector<16xf32>
    %sub3A_2990 = arith.constant 1.000000e+00 : f32
    %sub3A_2991 = vector.broadcast %sub3A_2990 : f32 to vector<16xf32>
    %sub3A_2992 = arith.subf %sub3A_2991, %div3A_2989 : vector<16xf32>
    %swap3A_2993 = arith.constant 848 : index
    %swap3A_2994 = tpu.vector_load %arg8[%swap3A_2993] {strides = array<i32>} : memref<2048xf32, #tpu.memory_space<vmem>>, vector<16xf32>,
    %swap3A_2995 = vector.shape_cast %swap3A_2994 : vector<16xf32> to vector<16xf32>
    %swap3A_2996 = vector.shape_cast %sub3A_2992 : vector<16xf32> to vector<16xf32>
    tpu.vector_store %arg8[%swap3A_2993], %swap3A_2996 {strides = array<i32>} : memref<2048xf32, #tpu.memory_space<vmem>>, vector<16xf32>,
    %add3A_2997 = arith.addf %sub3A_2954, %sub3A_2992 : vector<16xf32>
    %get3A_2998 = arith.constant 1872 : index
    %get3A_2999 = tpu.vector_load %arg7[%get3A_2998] {strides = array<i32>} : memref<2048xf32, #tpu.memory_space<vmem>>, vector<16xf32>,
    %get3A_3000 = vector.shape_cast %get3A_2999 : vector<16xf32> to vector<16xf32>
    %mul3A_3001 = arith.mulf %add3A_215, %get3A_3000 : vector<16xf32>
    %add3A_3002 = arith.addf %mul3A_3001, %add3A_2939 : vector<16xf32>
    %exp3A_3003 = math.exp %add3A_3002 : vector<16xf32>
    %add3A_3004 = arith.constant 5.000000e-01 : f32
    %add3A_3005 = vector.broadcast %add3A_3004 : f32 to vector<16xf32>
    %add3A_3006 = arith.addf %exp3A_3003, %add3A_3005 : vector<16xf32>
    %div3A_3007 = arith.constant 1.000000e+00 : f32
    %div3A_3008 = vector.broadcast %div3A_3007 : f32 to vector<16xf32>
    %div3A_3009 = arith.divf %div3A_3008, %add3A_3006 : vector<16xf32>
    %sub3A_3010 = arith.constant 1.000000e+00 : f32
    %sub3A_3011 = vector.broadcast %sub3A_3010 : f32 to vector<16xf32>
    %sub3A_3012 = arith.subf %sub3A_3011, %div3A_3009 : vector<16xf32>
    %swap3A_3013 = arith.constant 1872 : index
    %swap3A_3014 = tpu.vector_load %arg8[%swap3A_3013] {strides = array<i32>} : memref<2048xf32, #tpu.memory_space<vmem>>, vector<16xf32>,
    %swap3A_3015 = vector.shape_cast %swap3A_3014 : vector<16xf32> to vector<16xf32>
    %swap3A_3016 = vector.shape_cast %sub3A_3012 : vector<16xf32> to vector<16xf32>
    tpu.vector_store %arg8[%swap3A_3013], %swap3A_3016 {strides = array<i32>} : memref<2048xf32, #tpu.memory_space<vmem>>, vector<16xf32>,
    %add3A_3017 = arith.addf %sub3A_2973, %sub3A_3012 : vector<16xf32>
    %get3A_3018 = arith.constant 864 : index
    %get3A_3019 = tpu.vector_load %arg7[%get3A_3018] {strides = array<i32>} : memref<2048xf32, #tpu.memory_space<vmem>>, vector<16xf32>,
    %get3A_3020 = vector.shape_cast %get3A_3019 : vector<16xf32> to vector<16xf32>
    %mul3A_3021 = arith.mulf %add3A_215, %get3A_3020 : vector<16xf32>
    %add3A_3022 = arith.addf %mul3A_3021, %add3A_2908 : vector<16xf32>
    %exp3A_3023 = math.exp %add3A_3022 : vector<16xf32>
    %add3A_3024 = arith.constant 5.000000e-01 : f32
    %add3A_3025 = vector.broadcast %add3A_3024 : f32 to vector<16xf32>
    %add3A_3026 = arith.addf %exp3A_3023, %add3A_3025 : vector<16xf32>
    %div3A_3027 = arith.constant 1.000000e+00 : f32
    %div3A_3028 = vector.broadcast %div3A_3027 : f32 to vector<16xf32>
    %div3A_3029 = arith.divf %div3A_3028, %add3A_3026 : vector<16xf32>
    %sub3A_3030 = arith.constant 1.000000e+00 : f32
    %sub3A_3031 = vector.broadcast %sub3A_3030 : f32 to vector<16xf32>
    %sub3A_3032 = arith.subf %sub3A_3031, %div3A_3029 : vector<16xf32>
    %swap3A_3033 = arith.constant 864 : index
    %swap3A_3034 = tpu.vector_load %arg8[%swap3A_3033] {strides = array<i32>} : memref<2048xf32, #tpu.memory_space<vmem>>, vector<16xf32>,
    %swap3A_3035 = vector.shape_cast %swap3A_3034 : vector<16xf32> to vector<16xf32>
    %swap3A_3036 = vector.shape_cast %sub3A_3032 : vector<16xf32> to vector<16xf32>
    tpu.vector_store %arg8[%swap3A_3033], %swap3A_3036 {strides = array<i32>} : memref<2048xf32, #tpu.memory_space<vmem>>, vector<16xf32>,
    %add3A_3037 = arith.addf %add3A_2997, %sub3A_3032 : vector<16xf32>
    %get3A_3038 = arith.constant 1888 : index
    %get3A_3039 = tpu.vector_load %arg7[%get3A_3038] {strides = array<i32>} : memref<2048xf32, #tpu.memory_space<vmem>>, vector<16xf32>,
    %get3A_3040 = vector.shape_cast %get3A_3039 : vector<16xf32> to vector<16xf32>
    %mul3A_3041 = arith.mulf %add3A_215, %get3A_3040 : vector<16xf32>
    %add3A_3042 = arith.addf %mul3A_3041, %add3A_2939 : vector<16xf32>
    %exp3A_3043 = math.exp %add3A_3042 : vector<16xf32>
    %add3A_3044 = arith.constant 5.000000e-01 : f32
    %add3A_3045 = vector.broadcast %add3A_3044 : f32 to vector<16xf32>
    %add3A_3046 = arith.addf %exp3A_3043, %add3A_3045 : vector<16xf32>
    %div3A_3047 = arith.constant 1.000000e+00 : f32
    %div3A_3048 = vector.broadcast %div3A_3047 : f32 to vector<16xf32>
    %div3A_3049 = arith.divf %div3A_3048, %add3A_3046 : vector<16xf32>
    %sub3A_3050 = arith.constant 1.000000e+00 : f32
    %sub3A_3051 = vector.broadcast %sub3A_3050 : f32 to vector<16xf32>
    %sub3A_3052 = arith.subf %sub3A_3051, %div3A_3049 : vector<16xf32>
    %swap3A_3053 = arith.constant 1888 : index
    %swap3A_3054 = tpu.vector_load %arg8[%swap3A_3053] {strides = array<i32>} : memref<2048xf32, #tpu.memory_space<vmem>>, vector<16xf32>,
    %swap3A_3055 = vector.shape_cast %swap3A_3054 : vector<16xf32> to vector<16xf32>
    %swap3A_3056 = vector.shape_cast %sub3A_3052 : vector<16xf32> to vector<16xf32>
    tpu.vector_store %arg8[%swap3A_3053], %swap3A_3056 {strides = array<i32>} : memref<2048xf32, #tpu.memory_space<vmem>>, vector<16xf32>,
    %add3A_3057 = arith.addf %add3A_3017, %sub3A_3052 : vector<16xf32>
    %get3A_3058 = arith.constant 880 : index
    %get3A_3059 = tpu.vector_load %arg7[%get3A_3058] {strides = array<i32>} : memref<2048xf32, #tpu.memory_space<vmem>>, vector<16xf32>,
    %get3A_3060 = vector.shape_cast %get3A_3059 : vector<16xf32> to vector<16xf32>
    %mul3A_3061 = arith.mulf %add3A_215, %get3A_3060 : vector<16xf32>
    %add3A_3062 = arith.addf %mul3A_3061, %add3A_2908 : vector<16xf32>
    %exp3A_3063 = math.exp %add3A_3062 : vector<16xf32>
    %add3A_3064 = arith.constant 5.000000e-01 : f32
    %add3A_3065 = vector.broadcast %add3A_3064 : f32 to vector<16xf32>
    %add3A_3066 = arith.addf %exp3A_3063, %add3A_3065 : vector<16xf32>
    %div3A_3067 = arith.constant 1.000000e+00 : f32
    %div3A_3068 = vector.broadcast %div3A_3067 : f32 to vector<16xf32>
    %div3A_3069 = arith.divf %div3A_3068, %add3A_3066 : vector<16xf32>
    %sub3A_3070 = arith.constant 1.000000e+00 : f32
    %sub3A_3071 = vector.broadcast %sub3A_3070 : f32 to vector<16xf32>
    %sub3A_3072 = arith.subf %sub3A_3071, %div3A_3069 : vector<16xf32>
    %swap3A_3073 = arith.constant 880 : index
    %swap3A_3074 = tpu.vector_load %arg8[%swap3A_3073] {strides = array<i32>} : memref<2048xf32, #tpu.memory_space<vmem>>, vector<16xf32>,
    %swap3A_3075 = vector.shape_cast %swap3A_3074 : vector<16xf32> to vector<16xf32>
    %swap3A_3076 = vector.shape_cast %sub3A_3072 : vector<16xf32> to vector<16xf32>
    tpu.vector_store %arg8[%swap3A_3073], %swap3A_3076 {strides = array<i32>} : memref<2048xf32, #tpu.memory_space<vmem>>, vector<16xf32>,
    %add3A_3077 = arith.addf %add3A_3037, %sub3A_3072 : vector<16xf32>
    %get3A_3078 = arith.constant 1904 : index
    %get3A_3079 = tpu.vector_load %arg7[%get3A_3078] {strides = array<i32>} : memref<2048xf32, #tpu.memory_space<vmem>>, vector<16xf32>,
    %get3A_3080 = vector.shape_cast %get3A_3079 : vector<16xf32> to vector<16xf32>
    %mul3A_3081 = arith.mulf %add3A_215, %get3A_3080 : vector<16xf32>
    %add3A_3082 = arith.addf %mul3A_3081, %add3A_2939 : vector<16xf32>
    %exp3A_3083 = math.exp %add3A_3082 : vector<16xf32>
    %add3A_3084 = arith.constant 5.000000e-01 : f32
    %add3A_3085 = vector.broadcast %add3A_3084 : f32 to vector<16xf32>
    %add3A_3086 = arith.addf %exp3A_3083, %add3A_3085 : vector<16xf32>
    %div3A_3087 = arith.constant 1.000000e+00 : f32
    %div3A_3088 = vector.broadcast %div3A_3087 : f32 to vector<16xf32>
    %div3A_3089 = arith.divf %div3A_3088, %add3A_3086 : vector<16xf32>
    %sub3A_3090 = arith.constant 1.000000e+00 : f32
    %sub3A_3091 = vector.broadcast %sub3A_3090 : f32 to vector<16xf32>
    %sub3A_3092 = arith.subf %sub3A_3091, %div3A_3089 : vector<16xf32>
    %swap3A_3093 = arith.constant 1904 : index
    %swap3A_3094 = tpu.vector_load %arg8[%swap3A_3093] {strides = array<i32>} : memref<2048xf32, #tpu.memory_space<vmem>>, vector<16xf32>,
    %swap3A_3095 = vector.shape_cast %swap3A_3094 : vector<16xf32> to vector<16xf32>
    %swap3A_3096 = vector.shape_cast %sub3A_3092 : vector<16xf32> to vector<16xf32>
    tpu.vector_store %arg8[%swap3A_3093], %swap3A_3096 {strides = array<i32>} : memref<2048xf32, #tpu.memory_space<vmem>>, vector<16xf32>,
    %add3A_3097 = arith.addf %add3A_3057, %sub3A_3092 : vector<16xf32>
    %iota3A_3098 = tpu.iota {dimensions = array<i32: 0>} : vector<16xi32>
    %xor3A_3099 = arith.constant 8 : i32
    %xor3A_3100 = vector.broadcast %xor3A_3099 : i32 to vector<16xi32>
    %xor3A_3101 = arith.xori %iota3A_3098, %xor3A_3100 : vector<16xi32>
    %broadcast_in_dim3A_3102 = vector.shape_cast %xor3A_3101 : vector<16xi32> to vector<16x1xi32>
    %gather3A_3103 = vector.shape_cast %broadcast_in_dim3A_3102 : vector<16x1xi32> to vector<16xi32>
    %gather3A_3104 = tpu.dynamic_gather %add3A_3077[%gather3A_3103] in [0] : vector<16xf32>, vector<16xi32> -> vector<16xf32>
    %add3A_3105 = arith.addf %add3A_3077, %gather3A_3104 : vector<16xf32>
    %xor3A_3106 = arith.constant 4 : i32
    %xor3A_3107 = vector.broadcast %xor3A_3106 : i32 to vector<16xi32>
    %xor3A_3108 = arith.xori %iota3A_3098, %xor3A_3107 : vector<16xi32>
    %broadcast_in_dim3A_3109 = vector.shape_cast %xor3A_3108 : vector<16xi32> to vector<16x1xi32>
    %gather3A_3110 = vector.shape_cast %broadcast_in_dim3A_3109 : vector<16x1xi32> to vector<16xi32>
    %gather3A_3111 = tpu.dynamic_gather %add3A_3105[%gather3A_3110] in [0] : vector<16xf32>, vector<16xi32> -> vector<16xf32>
    %add3A_3112 = arith.addf %add3A_3105, %gather3A_3111 : vector<16xf32>
    %xor3A_3113 = arith.constant 2 : i32
    %xor3A_3114 = vector.broadcast %xor3A_3113 : i32 to vector<16xi32>
    %xor3A_3115 = arith.xori %iota3A_3098, %xor3A_3114 : vector<16xi32>
    %broadcast_in_dim3A_3116 = vector.shape_cast %xor3A_3115 : vector<16xi32> to vector<16x1xi32>
    %gather3A_3117 = vector.shape_cast %broadcast_in_dim3A_3116 : vector<16x1xi32> to vector<16xi32>
    %gather3A_3118 = tpu.dynamic_gather %add3A_3112[%gather3A_3117] in [0] : vector<16xf32>, vector<16xi32> -> vector<16xf32>
    %add3A_3119 = arith.addf %add3A_3112, %gather3A_3118 : vector<16xf32>
    %xor3A_3120 = arith.constant 1 : i32
    %xor3A_3121 = vector.broadcast %xor3A_3120 : i32 to vector<16xi32>
    %xor3A_3122 = arith.xori %iota3A_3098, %xor3A_3121 : vector<16xi32>
    %broadcast_in_dim3A_3123 = vector.shape_cast %xor3A_3122 : vector<16xi32> to vector<16x1xi32>
    %gather3A_3124 = vector.shape_cast %broadcast_in_dim3A_3123 : vector<16x1xi32> to vector<16xi32>
    %gather3A_3125 = tpu.dynamic_gather %add3A_3119[%gather3A_3124] in [0] : vector<16xf32>, vector<16xi32> -> vector<16xf32>
    %add3A_3126 = arith.addf %add3A_3119, %gather3A_3125 : vector<16xf32>
    %mul3A_3127 = arith.mulf %mul3A_218, %add3A_3126 : vector<16xf32>
    %add3A_3128 = arith.addf %mul3A_3127, %sub3A_222 : vector<16xf32>
    %iota3A_3129 = tpu.iota {dimensions = array<i32: 0>} : vector<16xi32>
    %xor3A_3130 = arith.constant 8 : i32
    %xor3A_3131 = vector.broadcast %xor3A_3130 : i32 to vector<16xi32>
    %xor3A_3132 = arith.xori %iota3A_3129, %xor3A_3131 : vector<16xi32>
    %broadcast_in_dim3A_3133 = vector.shape_cast %xor3A_3132 : vector<16xi32> to vector<16x1xi32>
    %gather3A_3134 = vector.shape_cast %broadcast_in_dim3A_3133 : vector<16x1xi32> to vector<16xi32>
    %gather3A_3135 = tpu.dynamic_gather %add3A_3097[%gather3A_3134] in [0] : vector<16xf32>, vector<16xi32> -> vector<16xf32>
    %add3A_3136 = arith.addf %add3A_3097, %gather3A_3135 : vector<16xf32>
    %xor3A_3137 = arith.constant 4 : i32
    %xor3A_3138 = vector.broadcast %xor3A_3137 : i32 to vector<16xi32>
    %xor3A_3139 = arith.xori %iota3A_3129, %xor3A_3138 : vector<16xi32>
    %broadcast_in_dim3A_3140 = vector.shape_cast %xor3A_3139 : vector<16xi32> to vector<16x1xi32>
    %gather3A_3141 = vector.shape_cast %broadcast_in_dim3A_3140 : vector<16x1xi32> to vector<16xi32>
    %gather3A_3142 = tpu.dynamic_gather %add3A_3136[%gather3A_3141] in [0] : vector<16xf32>, vector<16xi32> -> vector<16xf32>
    %add3A_3143 = arith.addf %add3A_3136, %gather3A_3142 : vector<16xf32>
    %xor3A_3144 = arith.constant 2 : i32
    %xor3A_3145 = vector.broadcast %xor3A_3144 : i32 to vector<16xi32>
    %xor3A_3146 = arith.xori %iota3A_3129, %xor3A_3145 : vector<16xi32>
    %broadcast_in_dim3A_3147 = vector.shape_cast %xor3A_3146 : vector<16xi32> to vector<16x1xi32>
    %gather3A_3148 = vector.shape_cast %broadcast_in_dim3A_3147 : vector<16x1xi32> to vector<16xi32>
    %gather3A_3149 = tpu.dynamic_gather %add3A_3143[%gather3A_3148] in [0] : vector<16xf32>, vector<16xi32> -> vector<16xf32>
    %add3A_3150 = arith.addf %add3A_3143, %gather3A_3149 : vector<16xf32>
    %xor3A_3151 = arith.constant 1 : i32
    %xor3A_3152 = vector.broadcast %xor3A_3151 : i32 to vector<16xi32>
    %xor3A_3153 = arith.xori %iota3A_3129, %xor3A_3152 : vector<16xi32>
    %broadcast_in_dim3A_3154 = vector.shape_cast %xor3A_3153 : vector<16xi32> to vector<16x1xi32>
    %gather3A_3155 = vector.shape_cast %broadcast_in_dim3A_3154 : vector<16x1xi32> to vector<16xi32>
    %gather3A_3156 = tpu.dynamic_gather %add3A_3150[%gather3A_3155] in [0] : vector<16xf32>, vector<16xi32> -> vector<16xf32>
    %add3A_3157 = arith.addf %add3A_3150, %gather3A_3156 : vector<16xf32>
    %mul3A_3158 = arith.mulf %mul3A_218, %add3A_3157 : vector<16xf32>
    %add3A_3159 = arith.addf %mul3A_3158, %sub3A_222 : vector<16xf32>
    %get3A_3160 = arith.constant 896 : index
    %get3A_3161 = tpu.vector_load %arg7[%get3A_3160] {strides = array<i32>} : memref<2048xf32, #tpu.memory_space<vmem>>, vector<16xf32>,
    %get3A_3162 = vector.shape_cast %get3A_3161 : vector<16xf32> to vector<16xf32>
    %mul3A_3163 = arith.mulf %add3A_215, %get3A_3162 : vector<16xf32>
    %add3A_3164 = arith.addf %mul3A_3163, %add3A_3128 : vector<16xf32>
    %exp3A_3165 = math.exp %add3A_3164 : vector<16xf32>
    %add3A_3166 = arith.constant 5.000000e-01 : f32
    %add3A_3167 = vector.broadcast %add3A_3166 : f32 to vector<16xf32>
    %add3A_3168 = arith.addf %exp3A_3165, %add3A_3167 : vector<16xf32>
    %div3A_3169 = arith.constant 1.000000e+00 : f32
    %div3A_3170 = vector.broadcast %div3A_3169 : f32 to vector<16xf32>
    %div3A_3171 = arith.divf %div3A_3170, %add3A_3168 : vector<16xf32>
    %sub3A_3172 = arith.constant 1.000000e+00 : f32
    %sub3A_3173 = vector.broadcast %sub3A_3172 : f32 to vector<16xf32>
    %sub3A_3174 = arith.subf %sub3A_3173, %div3A_3171 : vector<16xf32>
    %swap3A_3175 = arith.constant 896 : index
    %swap3A_3176 = tpu.vector_load %arg8[%swap3A_3175] {strides = array<i32>} : memref<2048xf32, #tpu.memory_space<vmem>>, vector<16xf32>,
    %swap3A_3177 = vector.shape_cast %swap3A_3176 : vector<16xf32> to vector<16xf32>
    %swap3A_3178 = vector.shape_cast %sub3A_3174 : vector<16xf32> to vector<16xf32>
    tpu.vector_store %arg8[%swap3A_3175], %swap3A_3178 {strides = array<i32>} : memref<2048xf32, #tpu.memory_space<vmem>>, vector<16xf32>,
    %get3A_3179 = arith.constant 1920 : index
    %get3A_3180 = tpu.vector_load %arg7[%get3A_3179] {strides = array<i32>} : memref<2048xf32, #tpu.memory_space<vmem>>, vector<16xf32>,
    %get3A_3181 = vector.shape_cast %get3A_3180 : vector<16xf32> to vector<16xf32>
    %mul3A_3182 = arith.mulf %add3A_215, %get3A_3181 : vector<16xf32>
    %add3A_3183 = arith.addf %mul3A_3182, %add3A_3159 : vector<16xf32>
    %exp3A_3184 = math.exp %add3A_3183 : vector<16xf32>
    %add3A_3185 = arith.constant 5.000000e-01 : f32
    %add3A_3186 = vector.broadcast %add3A_3185 : f32 to vector<16xf32>
    %add3A_3187 = arith.addf %exp3A_3184, %add3A_3186 : vector<16xf32>
    %div3A_3188 = arith.constant 1.000000e+00 : f32
    %div3A_3189 = vector.broadcast %div3A_3188 : f32 to vector<16xf32>
    %div3A_3190 = arith.divf %div3A_3189, %add3A_3187 : vector<16xf32>
    %sub3A_3191 = arith.constant 1.000000e+00 : f32
    %sub3A_3192 = vector.broadcast %sub3A_3191 : f32 to vector<16xf32>
    %sub3A_3193 = arith.subf %sub3A_3192, %div3A_3190 : vector<16xf32>
    %swap3A_3194 = arith.constant 1920 : index
    %swap3A_3195 = tpu.vector_load %arg8[%swap3A_3194] {strides = array<i32>} : memref<2048xf32, #tpu.memory_space<vmem>>, vector<16xf32>,
    %swap3A_3196 = vector.shape_cast %swap3A_3195 : vector<16xf32> to vector<16xf32>
    %swap3A_3197 = vector.shape_cast %sub3A_3193 : vector<16xf32> to vector<16xf32>
    tpu.vector_store %arg8[%swap3A_3194], %swap3A_3197 {strides = array<i32>} : memref<2048xf32, #tpu.memory_space<vmem>>, vector<16xf32>,
    %get3A_3198 = arith.constant 912 : index
    %get3A_3199 = tpu.vector_load %arg7[%get3A_3198] {strides = array<i32>} : memref<2048xf32, #tpu.memory_space<vmem>>, vector<16xf32>,
    %get3A_3200 = vector.shape_cast %get3A_3199 : vector<16xf32> to vector<16xf32>
    %mul3A_3201 = arith.mulf %add3A_215, %get3A_3200 : vector<16xf32>
    %add3A_3202 = arith.addf %mul3A_3201, %add3A_3128 : vector<16xf32>
    %exp3A_3203 = math.exp %add3A_3202 : vector<16xf32>
    %add3A_3204 = arith.constant 5.000000e-01 : f32
    %add3A_3205 = vector.broadcast %add3A_3204 : f32 to vector<16xf32>
    %add3A_3206 = arith.addf %exp3A_3203, %add3A_3205 : vector<16xf32>
    %div3A_3207 = arith.constant 1.000000e+00 : f32
    %div3A_3208 = vector.broadcast %div3A_3207 : f32 to vector<16xf32>
    %div3A_3209 = arith.divf %div3A_3208, %add3A_3206 : vector<16xf32>
    %sub3A_3210 = arith.constant 1.000000e+00 : f32
    %sub3A_3211 = vector.broadcast %sub3A_3210 : f32 to vector<16xf32>
    %sub3A_3212 = arith.subf %sub3A_3211, %div3A_3209 : vector<16xf32>
    %swap3A_3213 = arith.constant 912 : index
    %swap3A_3214 = tpu.vector_load %arg8[%swap3A_3213] {strides = array<i32>} : memref<2048xf32, #tpu.memory_space<vmem>>, vector<16xf32>,
    %swap3A_3215 = vector.shape_cast %swap3A_3214 : vector<16xf32> to vector<16xf32>
    %swap3A_3216 = vector.shape_cast %sub3A_3212 : vector<16xf32> to vector<16xf32>
    tpu.vector_store %arg8[%swap3A_3213], %swap3A_3216 {strides = array<i32>} : memref<2048xf32, #tpu.memory_space<vmem>>, vector<16xf32>,
    %add3A_3217 = arith.addf %sub3A_3174, %sub3A_3212 : vector<16xf32>
    %get3A_3218 = arith.constant 1936 : index
    %get3A_3219 = tpu.vector_load %arg7[%get3A_3218] {strides = array<i32>} : memref<2048xf32, #tpu.memory_space<vmem>>, vector<16xf32>,
    %get3A_3220 = vector.shape_cast %get3A_3219 : vector<16xf32> to vector<16xf32>
    %mul3A_3221 = arith.mulf %add3A_215, %get3A_3220 : vector<16xf32>
    %add3A_3222 = arith.addf %mul3A_3221, %add3A_3159 : vector<16xf32>
    %exp3A_3223 = math.exp %add3A_3222 : vector<16xf32>
    %add3A_3224 = arith.constant 5.000000e-01 : f32
    %add3A_3225 = vector.broadcast %add3A_3224 : f32 to vector<16xf32>
    %add3A_3226 = arith.addf %exp3A_3223, %add3A_3225 : vector<16xf32>
    %div3A_3227 = arith.constant 1.000000e+00 : f32
    %div3A_3228 = vector.broadcast %div3A_3227 : f32 to vector<16xf32>
    %div3A_3229 = arith.divf %div3A_3228, %add3A_3226 : vector<16xf32>
    %sub3A_3230 = arith.constant 1.000000e+00 : f32
    %sub3A_3231 = vector.broadcast %sub3A_3230 : f32 to vector<16xf32>
    %sub3A_3232 = arith.subf %sub3A_3231, %div3A_3229 : vector<16xf32>
    %swap3A_3233 = arith.constant 1936 : index
    %swap3A_3234 = tpu.vector_load %arg8[%swap3A_3233] {strides = array<i32>} : memref<2048xf32, #tpu.memory_space<vmem>>, vector<16xf32>,
    %swap3A_3235 = vector.shape_cast %swap3A_3234 : vector<16xf32> to vector<16xf32>
    %swap3A_3236 = vector.shape_cast %sub3A_3232 : vector<16xf32> to vector<16xf32>
    tpu.vector_store %arg8[%swap3A_3233], %swap3A_3236 {strides = array<i32>} : memref<2048xf32, #tpu.memory_space<vmem>>, vector<16xf32>,
    %add3A_3237 = arith.addf %sub3A_3193, %sub3A_3232 : vector<16xf32>
    %get3A_3238 = arith.constant 928 : index
    %get3A_3239 = tpu.vector_load %arg7[%get3A_3238] {strides = array<i32>} : memref<2048xf32, #tpu.memory_space<vmem>>, vector<16xf32>,
    %get3A_3240 = vector.shape_cast %get3A_3239 : vector<16xf32> to vector<16xf32>
    %mul3A_3241 = arith.mulf %add3A_215, %get3A_3240 : vector<16xf32>
    %add3A_3242 = arith.addf %mul3A_3241, %add3A_3128 : vector<16xf32>
    %exp3A_3243 = math.exp %add3A_3242 : vector<16xf32>
    %add3A_3244 = arith.constant 5.000000e-01 : f32
    %add3A_3245 = vector.broadcast %add3A_3244 : f32 to vector<16xf32>
    %add3A_3246 = arith.addf %exp3A_3243, %add3A_3245 : vector<16xf32>
    %div3A_3247 = arith.constant 1.000000e+00 : f32
    %div3A_3248 = vector.broadcast %div3A_3247 : f32 to vector<16xf32>
    %div3A_3249 = arith.divf %div3A_3248, %add3A_3246 : vector<16xf32>
    %sub3A_3250 = arith.constant 1.000000e+00 : f32
    %sub3A_3251 = vector.broadcast %sub3A_3250 : f32 to vector<16xf32>
    %sub3A_3252 = arith.subf %sub3A_3251, %div3A_3249 : vector<16xf32>
    %swap3A_3253 = arith.constant 928 : index
    %swap3A_3254 = tpu.vector_load %arg8[%swap3A_3253] {strides = array<i32>} : memref<2048xf32, #tpu.memory_space<vmem>>, vector<16xf32>,
    %swap3A_3255 = vector.shape_cast %swap3A_3254 : vector<16xf32> to vector<16xf32>
    %swap3A_3256 = vector.shape_cast %sub3A_3252 : vector<16xf32> to vector<16xf32>
    tpu.vector_store %arg8[%swap3A_3253], %swap3A_3256 {strides = array<i32>} : memref<2048xf32, #tpu.memory_space<vmem>>, vector<16xf32>,
    %add3A_3257 = arith.addf %add3A_3217, %sub3A_3252 : vector<16xf32>
    %get3A_3258 = arith.constant 1952 : index
    %get3A_3259 = tpu.vector_load %arg7[%get3A_3258] {strides = array<i32>} : memref<2048xf32, #tpu.memory_space<vmem>>, vector<16xf32>,
    %get3A_3260 = vector.shape_cast %get3A_3259 : vector<16xf32> to vector<16xf32>
    %mul3A_3261 = arith.mulf %add3A_215, %get3A_3260 : vector<16xf32>
    %add3A_3262 = arith.addf %mul3A_3261, %add3A_3159 : vector<16xf32>
    %exp3A_3263 = math.exp %add3A_3262 : vector<16xf32>
    %add3A_3264 = arith.constant 5.000000e-01 : f32
    %add3A_3265 = vector.broadcast %add3A_3264 : f32 to vector<16xf32>
    %add3A_3266 = arith.addf %exp3A_3263, %add3A_3265 : vector<16xf32>
    %div3A_3267 = arith.constant 1.000000e+00 : f32
    %div3A_3268 = vector.broadcast %div3A_3267 : f32 to vector<16xf32>
    %div3A_3269 = arith.divf %div3A_3268, %add3A_3266 : vector<16xf32>
    %sub3A_3270 = arith.constant 1.000000e+00 : f32
    %sub3A_3271 = vector.broadcast %sub3A_3270 : f32 to vector<16xf32>
    %sub3A_3272 = arith.subf %sub3A_3271, %div3A_3269 : vector<16xf32>
    %swap3A_3273 = arith.constant 1952 : index
    %swap3A_3274 = tpu.vector_load %arg8[%swap3A_3273] {strides = array<i32>} : memref<2048xf32, #tpu.memory_space<vmem>>, vector<16xf32>,
    %swap3A_3275 = vector.shape_cast %swap3A_3274 : vector<16xf32> to vector<16xf32>
    %swap3A_3276 = vector.shape_cast %sub3A_3272 : vector<16xf32> to vector<16xf32>
    tpu.vector_store %arg8[%swap3A_3273], %swap3A_3276 {strides = array<i32>} : memref<2048xf32, #tpu.memory_space<vmem>>, vector<16xf32>,
    %add3A_3277 = arith.addf %add3A_3237, %sub3A_3272 : vector<16xf32>
    %get3A_3278 = arith.constant 944 : index
    %get3A_3279 = tpu.vector_load %arg7[%get3A_3278] {strides = array<i32>} : memref<2048xf32, #tpu.memory_space<vmem>>, vector<16xf32>,
    %get3A_3280 = vector.shape_cast %get3A_3279 : vector<16xf32> to vector<16xf32>
    %mul3A_3281 = arith.mulf %add3A_215, %get3A_3280 : vector<16xf32>
    %add3A_3282 = arith.addf %mul3A_3281, %add3A_3128 : vector<16xf32>
    %exp3A_3283 = math.exp %add3A_3282 : vector<16xf32>
    %add3A_3284 = arith.constant 5.000000e-01 : f32
    %add3A_3285 = vector.broadcast %add3A_3284 : f32 to vector<16xf32>
    %add3A_3286 = arith.addf %exp3A_3283, %add3A_3285 : vector<16xf32>
    %div3A_3287 = arith.constant 1.000000e+00 : f32
    %div3A_3288 = vector.broadcast %div3A_3287 : f32 to vector<16xf32>
    %div3A_3289 = arith.divf %div3A_3288, %add3A_3286 : vector<16xf32>
    %sub3A_3290 = arith.constant 1.000000e+00 : f32
    %sub3A_3291 = vector.broadcast %sub3A_3290 : f32 to vector<16xf32>
    %sub3A_3292 = arith.subf %sub3A_3291, %div3A_3289 : vector<16xf32>
    %swap3A_3293 = arith.constant 944 : index
    %swap3A_3294 = tpu.vector_load %arg8[%swap3A_3293] {strides = array<i32>} : memref<2048xf32, #tpu.memory_space<vmem>>, vector<16xf32>,
    %swap3A_3295 = vector.shape_cast %swap3A_3294 : vector<16xf32> to vector<16xf32>
    %swap3A_3296 = vector.shape_cast %sub3A_3292 : vector<16xf32> to vector<16xf32>
    tpu.vector_store %arg8[%swap3A_3293], %swap3A_3296 {strides = array<i32>} : memref<2048xf32, #tpu.memory_space<vmem>>, vector<16xf32>,
    %add3A_3297 = arith.addf %add3A_3257, %sub3A_3292 : vector<16xf32>
    %get3A_3298 = arith.constant 1968 : index
    %get3A_3299 = tpu.vector_load %arg7[%get3A_3298] {strides = array<i32>} : memref<2048xf32, #tpu.memory_space<vmem>>, vector<16xf32>,
    %get3A_3300 = vector.shape_cast %get3A_3299 : vector<16xf32> to vector<16xf32>
    %mul3A_3301 = arith.mulf %add3A_215, %get3A_3300 : vector<16xf32>
    %add3A_3302 = arith.addf %mul3A_3301, %add3A_3159 : vector<16xf32>
    %exp3A_3303 = math.exp %add3A_3302 : vector<16xf32>
    %add3A_3304 = arith.constant 5.000000e-01 : f32
    %add3A_3305 = vector.broadcast %add3A_3304 : f32 to vector<16xf32>
    %add3A_3306 = arith.addf %exp3A_3303, %add3A_3305 : vector<16xf32>
    %div3A_3307 = arith.constant 1.000000e+00 : f32
    %div3A_3308 = vector.broadcast %div3A_3307 : f32 to vector<16xf32>
    %div3A_3309 = arith.divf %div3A_3308, %add3A_3306 : vector<16xf32>
    %sub3A_3310 = arith.constant 1.000000e+00 : f32
    %sub3A_3311 = vector.broadcast %sub3A_3310 : f32 to vector<16xf32>
    %sub3A_3312 = arith.subf %sub3A_3311, %div3A_3309 : vector<16xf32>
    %swap3A_3313 = arith.constant 1968 : index
    %swap3A_3314 = tpu.vector_load %arg8[%swap3A_3313] {strides = array<i32>} : memref<2048xf32, #tpu.memory_space<vmem>>, vector<16xf32>,
    %swap3A_3315 = vector.shape_cast %swap3A_3314 : vector<16xf32> to vector<16xf32>
    %swap3A_3316 = vector.shape_cast %sub3A_3312 : vector<16xf32> to vector<16xf32>
    tpu.vector_store %arg8[%swap3A_3313], %swap3A_3316 {strides = array<i32>} : memref<2048xf32, #tpu.memory_space<vmem>>, vector<16xf32>,
    %add3A_3317 = arith.addf %add3A_3277, %sub3A_3312 : vector<16xf32>
    %iota3A_3318 = tpu.iota {dimensions = array<i32: 0>} : vector<16xi32>
    %xor3A_3319 = arith.constant 8 : i32
    %xor3A_3320 = vector.broadcast %xor3A_3319 : i32 to vector<16xi32>
    %xor3A_3321 = arith.xori %iota3A_3318, %xor3A_3320 : vector<16xi32>
    %broadcast_in_dim3A_3322 = vector.shape_cast %xor3A_3321 : vector<16xi32> to vector<16x1xi32>
    %gather3A_3323 = vector.shape_cast %broadcast_in_dim3A_3322 : vector<16x1xi32> to vector<16xi32>
    %gather3A_3324 = tpu.dynamic_gather %add3A_3297[%gather3A_3323] in [0] : vector<16xf32>, vector<16xi32> -> vector<16xf32>
    %add3A_3325 = arith.addf %add3A_3297, %gather3A_3324 : vector<16xf32>
    %xor3A_3326 = arith.constant 4 : i32
    %xor3A_3327 = vector.broadcast %xor3A_3326 : i32 to vector<16xi32>
    %xor3A_3328 = arith.xori %iota3A_3318, %xor3A_3327 : vector<16xi32>
    %broadcast_in_dim3A_3329 = vector.shape_cast %xor3A_3328 : vector<16xi32> to vector<16x1xi32>
    %gather3A_3330 = vector.shape_cast %broadcast_in_dim3A_3329 : vector<16x1xi32> to vector<16xi32>
    %gather3A_3331 = tpu.dynamic_gather %add3A_3325[%gather3A_3330] in [0] : vector<16xf32>, vector<16xi32> -> vector<16xf32>
    %add3A_3332 = arith.addf %add3A_3325, %gather3A_3331 : vector<16xf32>
    %xor3A_3333 = arith.constant 2 : i32
    %xor3A_3334 = vector.broadcast %xor3A_3333 : i32 to vector<16xi32>
    %xor3A_3335 = arith.xori %iota3A_3318, %xor3A_3334 : vector<16xi32>
    %broadcast_in_dim3A_3336 = vector.shape_cast %xor3A_3335 : vector<16xi32> to vector<16x1xi32>
    %gather3A_3337 = vector.shape_cast %broadcast_in_dim3A_3336 : vector<16x1xi32> to vector<16xi32>
    %gather3A_3338 = tpu.dynamic_gather %add3A_3332[%gather3A_3337] in [0] : vector<16xf32>, vector<16xi32> -> vector<16xf32>
    %add3A_3339 = arith.addf %add3A_3332, %gather3A_3338 : vector<16xf32>
    %xor3A_3340 = arith.constant 1 : i32
    %xor3A_3341 = vector.broadcast %xor3A_3340 : i32 to vector<16xi32>
    %xor3A_3342 = arith.xori %iota3A_3318, %xor3A_3341 : vector<16xi32>
    %broadcast_in_dim3A_3343 = vector.shape_cast %xor3A_3342 : vector<16xi32> to vector<16x1xi32>
    %gather3A_3344 = vector.shape_cast %broadcast_in_dim3A_3343 : vector<16x1xi32> to vector<16xi32>
    %gather3A_3345 = tpu.dynamic_gather %add3A_3339[%gather3A_3344] in [0] : vector<16xf32>, vector<16xi32> -> vector<16xf32>
    %add3A_3346 = arith.addf %add3A_3339, %gather3A_3345 : vector<16xf32>
    %mul3A_3347 = arith.mulf %mul3A_218, %add3A_3346 : vector<16xf32>
    %add3A_3348 = arith.addf %mul3A_3347, %sub3A_222 : vector<16xf32>
    %iota3A_3349 = tpu.iota {dimensions = array<i32: 0>} : vector<16xi32>
    %xor3A_3350 = arith.constant 8 : i32
    %xor3A_3351 = vector.broadcast %xor3A_3350 : i32 to vector<16xi32>
    %xor3A_3352 = arith.xori %iota3A_3349, %xor3A_3351 : vector<16xi32>
    %broadcast_in_dim3A_3353 = vector.shape_cast %xor3A_3352 : vector<16xi32> to vector<16x1xi32>
    %gather3A_3354 = vector.shape_cast %broadcast_in_dim3A_3353 : vector<16x1xi32> to vector<16xi32>
    %gather3A_3355 = tpu.dynamic_gather %add3A_3317[%gather3A_3354] in [0] : vector<16xf32>, vector<16xi32> -> vector<16xf32>
    %add3A_3356 = arith.addf %add3A_3317, %gather3A_3355 : vector<16xf32>
    %xor3A_3357 = arith.constant 4 : i32
    %xor3A_3358 = vector.broadcast %xor3A_3357 : i32 to vector<16xi32>
    %xor3A_3359 = arith.xori %iota3A_3349, %xor3A_3358 : vector<16xi32>
    %broadcast_in_dim3A_3360 = vector.shape_cast %xor3A_3359 : vector<16xi32> to vector<16x1xi32>
    %gather3A_3361 = vector.shape_cast %broadcast_in_dim3A_3360 : vector<16x1xi32> to vector<16xi32>
    %gather3A_3362 = tpu.dynamic_gather %add3A_3356[%gather3A_3361] in [0] : vector<16xf32>, vector<16xi32> -> vector<16xf32>
    %add3A_3363 = arith.addf %add3A_3356, %gather3A_3362 : vector<16xf32>
    %xor3A_3364 = arith.constant 2 : i32
    %xor3A_3365 = vector.broadcast %xor3A_3364 : i32 to vector<16xi32>
    %xor3A_3366 = arith.xori %iota3A_3349, %xor3A_3365 : vector<16xi32>
    %broadcast_in_dim3A_3367 = vector.shape_cast %xor3A_3366 : vector<16xi32> to vector<16x1xi32>
    %gather3A_3368 = vector.shape_cast %broadcast_in_dim3A_3367 : vector<16x1xi32> to vector<16xi32>
    %gather3A_3369 = tpu.dynamic_gather %add3A_3363[%gather3A_3368] in [0] : vector<16xf32>, vector<16xi32> -> vector<16xf32>
    %add3A_3370 = arith.addf %add3A_3363, %gather3A_3369 : vector<16xf32>
    %xor3A_3371 = arith.constant 1 : i32
    %xor3A_3372 = vector.broadcast %xor3A_3371 : i32 to vector<16xi32>
    %xor3A_3373 = arith.xori %iota3A_3349, %xor3A_3372 : vector<16xi32>
    %broadcast_in_dim3A_3374 = vector.shape_cast %xor3A_3373 : vector<16xi32> to vector<16x1xi32>
    %gather3A_3375 = vector.shape_cast %broadcast_in_dim3A_3374 : vector<16x1xi32> to vector<16xi32>
    %gather3A_3376 = tpu.dynamic_gather %add3A_3370[%gather3A_3375] in [0] : vector<16xf32>, vector<16xi32> -> vector<16xf32>
    %add3A_3377 = arith.addf %add3A_3370, %gather3A_3376 : vector<16xf32>
    %mul3A_3378 = arith.mulf %mul3A_218, %add3A_3377 : vector<16xf32>
    %add3A_3379 = arith.addf %mul3A_3378, %sub3A_222 : vector<16xf32>
    %get3A_3380 = arith.constant 960 : index
    %get3A_3381 = tpu.vector_load %arg7[%get3A_3380] {strides = array<i32>} : memref<2048xf32, #tpu.memory_space<vmem>>, vector<16xf32>,
    %get3A_3382 = vector.shape_cast %get3A_3381 : vector<16xf32> to vector<16xf32>
    %mul3A_3383 = arith.mulf %add3A_215, %get3A_3382 : vector<16xf32>
    %add3A_3384 = arith.addf %mul3A_3383, %add3A_3348 : vector<16xf32>
    %exp3A_3385 = math.exp %add3A_3384 : vector<16xf32>
    %add3A_3386 = arith.constant 5.000000e-01 : f32
    %add3A_3387 = vector.broadcast %add3A_3386 : f32 to vector<16xf32>
    %add3A_3388 = arith.addf %exp3A_3385, %add3A_3387 : vector<16xf32>
    %div3A_3389 = arith.constant 1.000000e+00 : f32
    %div3A_3390 = vector.broadcast %div3A_3389 : f32 to vector<16xf32>
    %div3A_3391 = arith.divf %div3A_3390, %add3A_3388 : vector<16xf32>
    %sub3A_3392 = arith.constant 1.000000e+00 : f32
    %sub3A_3393 = vector.broadcast %sub3A_3392 : f32 to vector<16xf32>
    %sub3A_3394 = arith.subf %sub3A_3393, %div3A_3391 : vector<16xf32>
    %swap3A_3395 = arith.constant 960 : index
    %swap3A_3396 = tpu.vector_load %arg8[%swap3A_3395] {strides = array<i32>} : memref<2048xf32, #tpu.memory_space<vmem>>, vector<16xf32>,
    %swap3A_3397 = vector.shape_cast %swap3A_3396 : vector<16xf32> to vector<16xf32>
    %swap3A_3398 = vector.shape_cast %sub3A_3394 : vector<16xf32> to vector<16xf32>
    tpu.vector_store %arg8[%swap3A_3395], %swap3A_3398 {strides = array<i32>} : memref<2048xf32, #tpu.memory_space<vmem>>, vector<16xf32>,
    %get3A_3399 = arith.constant 1984 : index
    %get3A_3400 = tpu.vector_load %arg7[%get3A_3399] {strides = array<i32>} : memref<2048xf32, #tpu.memory_space<vmem>>, vector<16xf32>,
    %get3A_3401 = vector.shape_cast %get3A_3400 : vector<16xf32> to vector<16xf32>
    %mul3A_3402 = arith.mulf %add3A_215, %get3A_3401 : vector<16xf32>
    %add3A_3403 = arith.addf %mul3A_3402, %add3A_3379 : vector<16xf32>
    %exp3A_3404 = math.exp %add3A_3403 : vector<16xf32>
    %add3A_3405 = arith.constant 5.000000e-01 : f32
    %add3A_3406 = vector.broadcast %add3A_3405 : f32 to vector<16xf32>
    %add3A_3407 = arith.addf %exp3A_3404, %add3A_3406 : vector<16xf32>
    %div3A_3408 = arith.constant 1.000000e+00 : f32
    %div3A_3409 = vector.broadcast %div3A_3408 : f32 to vector<16xf32>
    %div3A_3410 = arith.divf %div3A_3409, %add3A_3407 : vector<16xf32>
    %sub3A_3411 = arith.constant 1.000000e+00 : f32
    %sub3A_3412 = vector.broadcast %sub3A_3411 : f32 to vector<16xf32>
    %sub3A_3413 = arith.subf %sub3A_3412, %div3A_3410 : vector<16xf32>
    %swap3A_3414 = arith.constant 1984 : index
    %swap3A_3415 = tpu.vector_load %arg8[%swap3A_3414] {strides = array<i32>} : memref<2048xf32, #tpu.memory_space<vmem>>, vector<16xf32>,
    %swap3A_3416 = vector.shape_cast %swap3A_3415 : vector<16xf32> to vector<16xf32>
    %swap3A_3417 = vector.shape_cast %sub3A_3413 : vector<16xf32> to vector<16xf32>
    tpu.vector_store %arg8[%swap3A_3414], %swap3A_3417 {strides = array<i32>} : memref<2048xf32, #tpu.memory_space<vmem>>, vector<16xf32>,
    %get3A_3418 = arith.constant 976 : index
    %get3A_3419 = tpu.vector_load %arg7[%get3A_3418] {strides = array<i32>} : memref<2048xf32, #tpu.memory_space<vmem>>, vector<16xf32>,
    %get3A_3420 = vector.shape_cast %get3A_3419 : vector<16xf32> to vector<16xf32>
    %mul3A_3421 = arith.mulf %add3A_215, %get3A_3420 : vector<16xf32>
    %add3A_3422 = arith.addf %mul3A_3421, %add3A_3348 : vector<16xf32>
    %exp3A_3423 = math.exp %add3A_3422 : vector<16xf32>
    %add3A_3424 = arith.constant 5.000000e-01 : f32
    %add3A_3425 = vector.broadcast %add3A_3424 : f32 to vector<16xf32>
    %add3A_3426 = arith.addf %exp3A_3423, %add3A_3425 : vector<16xf32>
    %div3A_3427 = arith.constant 1.000000e+00 : f32
    %div3A_3428 = vector.broadcast %div3A_3427 : f32 to vector<16xf32>
    %div3A_3429 = arith.divf %div3A_3428, %add3A_3426 : vector<16xf32>
    %sub3A_3430 = arith.constant 1.000000e+00 : f32
    %sub3A_3431 = vector.broadcast %sub3A_3430 : f32 to vector<16xf32>
    %sub3A_3432 = arith.subf %sub3A_3431, %div3A_3429 : vector<16xf32>
    %swap3A_3433 = arith.constant 976 : index
    %swap3A_3434 = tpu.vector_load %arg8[%swap3A_3433] {strides = array<i32>} : memref<2048xf32, #tpu.memory_space<vmem>>, vector<16xf32>,
    %swap3A_3435 = vector.shape_cast %swap3A_3434 : vector<16xf32> to vector<16xf32>
    %swap3A_3436 = vector.shape_cast %sub3A_3432 : vector<16xf32> to vector<16xf32>
    tpu.vector_store %arg8[%swap3A_3433], %swap3A_3436 {strides = array<i32>} : memref<2048xf32, #tpu.memory_space<vmem>>, vector<16xf32>,
    %add3A_3437 = arith.addf %sub3A_3394, %sub3A_3432 : vector<16xf32>
    %get3A_3438 = arith.constant 2000 : index
    %get3A_3439 = tpu.vector_load %arg7[%get3A_3438] {strides = array<i32>} : memref<2048xf32, #tpu.memory_space<vmem>>, vector<16xf32>,
    %get3A_3440 = vector.shape_cast %get3A_3439 : vector<16xf32> to vector<16xf32>
    %mul3A_3441 = arith.mulf %add3A_215, %get3A_3440 : vector<16xf32>
    %add3A_3442 = arith.addf %mul3A_3441, %add3A_3379 : vector<16xf32>
    %exp3A_3443 = math.exp %add3A_3442 : vector<16xf32>
    %add3A_3444 = arith.constant 5.000000e-01 : f32
    %add3A_3445 = vector.broadcast %add3A_3444 : f32 to vector<16xf32>
    %add3A_3446 = arith.addf %exp3A_3443, %add3A_3445 : vector<16xf32>
    %div3A_3447 = arith.constant 1.000000e+00 : f32
    %div3A_3448 = vector.broadcast %div3A_3447 : f32 to vector<16xf32>
    %div3A_3449 = arith.divf %div3A_3448, %add3A_3446 : vector<16xf32>
    %sub3A_3450 = arith.constant 1.000000e+00 : f32
    %sub3A_3451 = vector.broadcast %sub3A_3450 : f32 to vector<16xf32>
    %sub3A_3452 = arith.subf %sub3A_3451, %div3A_3449 : vector<16xf32>
    %swap3A_3453 = arith.constant 2000 : index
    %swap3A_3454 = tpu.vector_load %arg8[%swap3A_3453] {strides = array<i32>} : memref<2048xf32, #tpu.memory_space<vmem>>, vector<16xf32>,
    %swap3A_3455 = vector.shape_cast %swap3A_3454 : vector<16xf32> to vector<16xf32>
    %swap3A_3456 = vector.shape_cast %sub3A_3452 : vector<16xf32> to vector<16xf32>
    tpu.vector_store %arg8[%swap3A_3453], %swap3A_3456 {strides = array<i32>} : memref<2048xf32, #tpu.memory_space<vmem>>, vector<16xf32>,
    %add3A_3457 = arith.addf %sub3A_3413, %sub3A_3452 : vector<16xf32>
    %get3A_3458 = arith.constant 992 : index
    %get3A_3459 = tpu.vector_load %arg7[%get3A_3458] {strides = array<i32>} : memref<2048xf32, #tpu.memory_space<vmem>>, vector<16xf32>,
    %get3A_3460 = vector.shape_cast %get3A_3459 : vector<16xf32> to vector<16xf32>
    %mul3A_3461 = arith.mulf %add3A_215, %get3A_3460 : vector<16xf32>
    %add3A_3462 = arith.addf %mul3A_3461, %add3A_3348 : vector<16xf32>
    %exp3A_3463 = math.exp %add3A_3462 : vector<16xf32>
    %add3A_3464 = arith.constant 5.000000e-01 : f32
    %add3A_3465 = vector.broadcast %add3A_3464 : f32 to vector<16xf32>
    %add3A_3466 = arith.addf %exp3A_3463, %add3A_3465 : vector<16xf32>
    %div3A_3467 = arith.constant 1.000000e+00 : f32
    %div3A_3468 = vector.broadcast %div3A_3467 : f32 to vector<16xf32>
    %div3A_3469 = arith.divf %div3A_3468, %add3A_3466 : vector<16xf32>
    %sub3A_3470 = arith.constant 1.000000e+00 : f32
    %sub3A_3471 = vector.broadcast %sub3A_3470 : f32 to vector<16xf32>
    %sub3A_3472 = arith.subf %sub3A_3471, %div3A_3469 : vector<16xf32>
    %swap3A_3473 = arith.constant 992 : index
    %swap3A_3474 = tpu.vector_load %arg8[%swap3A_3473] {strides = array<i32>} : memref<2048xf32, #tpu.memory_space<vmem>>, vector<16xf32>,
    %swap3A_3475 = vector.shape_cast %swap3A_3474 : vector<16xf32> to vector<16xf32>
    %swap3A_3476 = vector.shape_cast %sub3A_3472 : vector<16xf32> to vector<16xf32>
    tpu.vector_store %arg8[%swap3A_3473], %swap3A_3476 {strides = array<i32>} : memref<2048xf32, #tpu.memory_space<vmem>>, vector<16xf32>,
    %add3A_3477 = arith.addf %add3A_3437, %sub3A_3472 : vector<16xf32>
    %get3A_3478 = arith.constant 2016 : index
    %get3A_3479 = tpu.vector_load %arg7[%get3A_3478] {strides = array<i32>} : memref<2048xf32, #tpu.memory_space<vmem>>, vector<16xf32>,
    %get3A_3480 = vector.shape_cast %get3A_3479 : vector<16xf32> to vector<16xf32>
    %mul3A_3481 = arith.mulf %add3A_215, %get3A_3480 : vector<16xf32>
    %add3A_3482 = arith.addf %mul3A_3481, %add3A_3379 : vector<16xf32>
    %exp3A_3483 = math.exp %add3A_3482 : vector<16xf32>
    %add3A_3484 = arith.constant 5.000000e-01 : f32
    %add3A_3485 = vector.broadcast %add3A_3484 : f32 to vector<16xf32>
    %add3A_3486 = arith.addf %exp3A_3483, %add3A_3485 : vector<16xf32>
    %div3A_3487 = arith.constant 1.000000e+00 : f32
    %div3A_3488 = vector.broadcast %div3A_3487 : f32 to vector<16xf32>
    %div3A_3489 = arith.divf %div3A_3488, %add3A_3486 : vector<16xf32>
    %sub3A_3490 = arith.constant 1.000000e+00 : f32
    %sub3A_3491 = vector.broadcast %sub3A_3490 : f32 to vector<16xf32>
    %sub3A_3492 = arith.subf %sub3A_3491, %div3A_3489 : vector<16xf32>
    %swap3A_3493 = arith.constant 2016 : index
    %swap3A_3494 = tpu.vector_load %arg8[%swap3A_3493] {strides = array<i32>} : memref<2048xf32, #tpu.memory_space<vmem>>, vector<16xf32>,
    %swap3A_3495 = vector.shape_cast %swap3A_3494 : vector<16xf32> to vector<16xf32>
    %swap3A_3496 = vector.shape_cast %sub3A_3492 : vector<16xf32> to vector<16xf32>
    tpu.vector_store %arg8[%swap3A_3493], %swap3A_3496 {strides = array<i32>} : memref<2048xf32, #tpu.memory_space<vmem>>, vector<16xf32>,
    %add3A_3497 = arith.addf %add3A_3457, %sub3A_3492 : vector<16xf32>
    %get3A_3498 = arith.constant 1008 : index
    %get3A_3499 = tpu.vector_load %arg7[%get3A_3498] {strides = array<i32>} : memref<2048xf32, #tpu.memory_space<vmem>>, vector<16xf32>,
    %get3A_3500 = vector.shape_cast %get3A_3499 : vector<16xf32> to vector<16xf32>
    %mul3A_3501 = arith.mulf %add3A_215, %get3A_3500 : vector<16xf32>
    %add3A_3502 = arith.addf %mul3A_3501, %add3A_3348 : vector<16xf32>
    %exp3A_3503 = math.exp %add3A_3502 : vector<16xf32>
    %add3A_3504 = arith.constant 5.000000e-01 : f32
    %add3A_3505 = vector.broadcast %add3A_3504 : f32 to vector<16xf32>
    %add3A_3506 = arith.addf %exp3A_3503, %add3A_3505 : vector<16xf32>
    %div3A_3507 = arith.constant 1.000000e+00 : f32
    %div3A_3508 = vector.broadcast %div3A_3507 : f32 to vector<16xf32>
    %div3A_3509 = arith.divf %div3A_3508, %add3A_3506 : vector<16xf32>
    %sub3A_3510 = arith.constant 1.000000e+00 : f32
    %sub3A_3511 = vector.broadcast %sub3A_3510 : f32 to vector<16xf32>
    %sub3A_3512 = arith.subf %sub3A_3511, %div3A_3509 : vector<16xf32>
    %swap3A_3513 = arith.constant 1008 : index
    %swap3A_3514 = tpu.vector_load %arg8[%swap3A_3513] {strides = array<i32>} : memref<2048xf32, #tpu.memory_space<vmem>>, vector<16xf32>,
    %swap3A_3515 = vector.shape_cast %swap3A_3514 : vector<16xf32> to vector<16xf32>
    %swap3A_3516 = vector.shape_cast %sub3A_3512 : vector<16xf32> to vector<16xf32>
    tpu.vector_store %arg8[%swap3A_3513], %swap3A_3516 {strides = array<i32>} : memref<2048xf32, #tpu.memory_space<vmem>>, vector<16xf32>,
    %add3A_3517 = arith.addf %add3A_3477, %sub3A_3512 : vector<16xf32>
    %get3A_3518 = arith.constant 2032 : index
    %get3A_3519 = tpu.vector_load %arg7[%get3A_3518] {strides = array<i32>} : memref<2048xf32, #tpu.memory_space<vmem>>, vector<16xf32>,
    %get3A_3520 = vector.shape_cast %get3A_3519 : vector<16xf32> to vector<16xf32>
    %mul3A_3521 = arith.mulf %add3A_215, %get3A_3520 : vector<16xf32>
    %add3A_3522 = arith.addf %mul3A_3521, %add3A_3379 : vector<16xf32>
    %exp3A_3523 = math.exp %add3A_3522 : vector<16xf32>
    %add3A_3524 = arith.constant 5.000000e-01 : f32
    %add3A_3525 = vector.broadcast %add3A_3524 : f32 to vector<16xf32>
    %add3A_3526 = arith.addf %exp3A_3523, %add3A_3525 : vector<16xf32>
    %div3A_3527 = arith.constant 1.000000e+00 : f32
    %div3A_3528 = vector.broadcast %div3A_3527 : f32 to vector<16xf32>
    %div3A_3529 = arith.divf %div3A_3528, %add3A_3526 : vector<16xf32>
    %sub3A_3530 = arith.constant 1.000000e+00 : f32
    %sub3A_3531 = vector.broadcast %sub3A_3530 : f32 to vector<16xf32>
    %sub3A_3532 = arith.subf %sub3A_3531, %div3A_3529 : vector<16xf32>
    %swap3A_3533 = arith.constant 2032 : index
    %swap3A_3534 = tpu.vector_load %arg8[%swap3A_3533] {strides = array<i32>} : memref<2048xf32, #tpu.memory_space<vmem>>, vector<16xf32>,
    %swap3A_3535 = vector.shape_cast %swap3A_3534 : vector<16xf32> to vector<16xf32>
    %swap3A_3536 = vector.shape_cast %sub3A_3532 : vector<16xf32> to vector<16xf32>
    tpu.vector_store %arg8[%swap3A_3533], %swap3A_3536 {strides = array<i32>} : memref<2048xf32, #tpu.memory_space<vmem>>, vector<16xf32>,
    %add3A_3537 = arith.addf %add3A_3497, %sub3A_3532 : vector<16xf32>
    %add3A_3538 = arith.constant 512 : i32
    %add3A_3539 = arith.addi %mul3A_2, %add3A_3538 : i32
    %dma_start3A_3540 = arith.constant 512 : i32
    %dma_start3A_3541 = tpu.memref_slice %arg8[%dma_start3A_3540] : memref<2048xf32, #tpu.memory_space<vmem>> -> memref<512xf32, #tpu.memory_space<vmem>>
    %dma_start3A_3542 = tpu.memref_slice %arg6[%add3A_3539] : memref<65536xf32, #tpu.memory_space<hbm>> -> memref<512xf32, #tpu.memory_space<hbm>>
    %dma_start3A_3543 = tpu.memref_slice %arg6[%add3A_3539] : memref<65536xf32, #tpu.memory_space<hbm>> -> memref<512xf32, #tpu.memory_space<hbm>>
    %dma_start3A_3544 = arith.constant 512 : i32
    %dma_start3A_3545 = tpu.memref_slice %arg8[%dma_start3A_3544] : memref<2048xf32, #tpu.memory_space<vmem>> -> memref<512xf32, #tpu.memory_space<vmem>>
    tpu.enqueue_dma source(%dma_start3A_3545 : memref<512xf32, #tpu.memory_space<vmem>>) target(%dma_start3A_3543 : memref<512xf32, #tpu.memory_space<hbm>>) target_semaphore(%arg12 : memref<!tpu.dma_semaphore, #tpu.memory_space<semaphore_mem>>)
    %add3A_3546 = arith.constant 1536 : i32
    %add3A_3547 = arith.addi %mul3A_2, %add3A_3546 : i32
    %dma_start3A_3548 = arith.constant 1536 : i32
    %dma_start3A_3549 = tpu.memref_slice %arg8[%dma_start3A_3548] : memref<2048xf32, #tpu.memory_space<vmem>> -> memref<512xf32, #tpu.memory_space<vmem>>
    %dma_start3A_3550 = tpu.memref_slice %arg6[%add3A_3547] : memref<65536xf32, #tpu.memory_space<hbm>> -> memref<512xf32, #tpu.memory_space<hbm>>
    %dma_start3A_3551 = tpu.memref_slice %arg6[%add3A_3547] : memref<65536xf32, #tpu.memory_space<hbm>> -> memref<512xf32, #tpu.memory_space<hbm>>
    %dma_start3A_3552 = arith.constant 1536 : i32
    %dma_start3A_3553 = tpu.memref_slice %arg8[%dma_start3A_3552] : memref<2048xf32, #tpu.memory_space<vmem>> -> memref<512xf32, #tpu.memory_space<vmem>>
    tpu.enqueue_dma source(%dma_start3A_3553 : memref<512xf32, #tpu.memory_space<vmem>>) target(%dma_start3A_3551 : memref<512xf32, #tpu.memory_space<hbm>>) target_semaphore(%arg12 : memref<!tpu.dma_semaphore, #tpu.memory_space<semaphore_mem>>)
    %dma_wait3A_3554 = arith.constant 0 : i32
    %dma_wait3A_3555 = tpu.memref_slice %arg8[%dma_wait3A_3554] : memref<2048xf32, #tpu.memory_space<vmem>> -> memref<512xf32, #tpu.memory_space<vmem>>
    %dma_wait3A_3556 = tpu.memref_slice %arg6[%add3A_1763] : memref<65536xf32, #tpu.memory_space<hbm>> -> memref<512xf32, #tpu.memory_space<hbm>>
    %dma_wait3A_3557 = tpu.memref_slice %arg6[%add3A_1763] : memref<65536xf32, #tpu.memory_space<hbm>> -> memref<512xf32, #tpu.memory_space<hbm>>
    %dma_wait3A_3558 = arith.constant 0 : i32
    %dma_wait3A_3559 = tpu.memref_slice %arg8[%dma_wait3A_3558] : memref<2048xf32, #tpu.memory_space<vmem>> -> memref<512xf32, #tpu.memory_space<vmem>>
    tpu.wait_dma2 semaphore(%arg12 : memref<!tpu.dma_semaphore, #tpu.memory_space<semaphore_mem>>) src(%dma_wait3A_3559 : memref<512xf32, #tpu.memory_space<vmem>>) dst(%dma_wait3A_3557 : memref<512xf32, #tpu.memory_space<hbm>>)
    %dma_wait3A_3560 = arith.constant 1024 : i32
    %dma_wait3A_3561 = tpu.memref_slice %arg8[%dma_wait3A_3560] : memref<2048xf32, #tpu.memory_space<vmem>> -> memref<512xf32, #tpu.memory_space<vmem>>
    %dma_wait3A_3562 = tpu.memref_slice %arg6[%add3A_1771] : memref<65536xf32, #tpu.memory_space<hbm>> -> memref<512xf32, #tpu.memory_space<hbm>>
    %dma_wait3A_3563 = tpu.memref_slice %arg6[%add3A_1771] : memref<65536xf32, #tpu.memory_space<hbm>> -> memref<512xf32, #tpu.memory_space<hbm>>
    %dma_wait3A_3564 = arith.constant 1024 : i32
    %dma_wait3A_3565 = tpu.memref_slice %arg8[%dma_wait3A_3564] : memref<2048xf32, #tpu.memory_space<vmem>> -> memref<512xf32, #tpu.memory_space<vmem>>
    tpu.wait_dma2 semaphore(%arg12 : memref<!tpu.dma_semaphore, #tpu.memory_space<semaphore_mem>>) src(%dma_wait3A_3565 : memref<512xf32, #tpu.memory_space<vmem>>) dst(%dma_wait3A_3563 : memref<512xf32, #tpu.memory_space<hbm>>)
    %dma_wait3A_3566 = arith.constant 512 : i32
    %dma_wait3A_3567 = tpu.memref_slice %arg8[%dma_wait3A_3566] : memref<2048xf32, #tpu.memory_space<vmem>> -> memref<512xf32, #tpu.memory_space<vmem>>
    %dma_wait3A_3568 = tpu.memref_slice %arg6[%add3A_3539] : memref<65536xf32, #tpu.memory_space<hbm>> -> memref<512xf32, #tpu.memory_space<hbm>>
    %dma_wait3A_3569 = tpu.memref_slice %arg6[%add3A_3539] : memref<65536xf32, #tpu.memory_space<hbm>> -> memref<512xf32, #tpu.memory_space<hbm>>
    %dma_wait3A_3570 = arith.constant 512 : i32
    %dma_wait3A_3571 = tpu.memref_slice %arg8[%dma_wait3A_3570] : memref<2048xf32, #tpu.memory_space<vmem>> -> memref<512xf32, #tpu.memory_space<vmem>>
    tpu.wait_dma2 semaphore(%arg12 : memref<!tpu.dma_semaphore, #tpu.memory_space<semaphore_mem>>) src(%dma_wait3A_3571 : memref<512xf32, #tpu.memory_space<vmem>>) dst(%dma_wait3A_3569 : memref<512xf32, #tpu.memory_space<hbm>>)
    %dma_wait3A_3572 = arith.constant 1536 : i32
    %dma_wait3A_3573 = tpu.memref_slice %arg8[%dma_wait3A_3572] : memref<2048xf32, #tpu.memory_space<vmem>> -> memref<512xf32, #tpu.memory_space<vmem>>
    %dma_wait3A_3574 = tpu.memref_slice %arg6[%add3A_3547] : memref<65536xf32, #tpu.memory_space<hbm>> -> memref<512xf32, #tpu.memory_space<hbm>>
    %dma_wait3A_3575 = tpu.memref_slice %arg6[%add3A_3547] : memref<65536xf32, #tpu.memory_space<hbm>> -> memref<512xf32, #tpu.memory_space<hbm>>
    %dma_wait3A_3576 = arith.constant 1536 : i32
    %dma_wait3A_3577 = tpu.memref_slice %arg8[%dma_wait3A_3576] : memref<2048xf32, #tpu.memory_space<vmem>> -> memref<512xf32, #tpu.memory_space<vmem>>
    tpu.wait_dma2 semaphore(%arg12 : memref<!tpu.dma_semaphore, #tpu.memory_space<semaphore_mem>>) src(%dma_wait3A_3577 : memref<512xf32, #tpu.memory_space<vmem>>) dst(%dma_wait3A_3575 : memref<512xf32, #tpu.memory_space<hbm>>)
    return
  }
}

</mosaic_0001>

<sc_bundles>
// kernel: kernel.3.cloned.1.call-start
scs
__scs_entry_jumppad:
0x0: {  	(pc) =	sbr.rel $0x88, $3  }
0x1: {  	(tag) =	ssettag $0x0;
	lr =	simm.s32 $0x1  }
0x2: {  	[smem:$0x3F9D] =	sst lr;
	_ =	strace $0xD0000000  }
0x3: {  	_ = 	snop  }
0x4: {  	_ = 	snop  }
0x5: {  	_ = 	snop  }
0x6: {  	_ = 	snop  }
0x7: {  	_ = 	snop  }
__scs_overlays_trampoline_lowered:
0x8: {  	[smem:$0x3FAC] =	sst s0  }
0x9: {  	[smem:$0x3FAD] =	sst s1  }
0xa: {  	[smem:$0x3FAE] =	sst s2  }
0xb: {  	[smem:$0x3FAF] =	sst s3  }
0xc: {  	[smem:$0x3FB0] =	sst s4  }
0xd: {  	[smem:$0x3FB1] =	sst s5  }
0xe: {  	[smem:$0x3FB2] =	sst s6  }
0xf: {  	[smem:$0x3FB3] =	sst s7  }
0x10: {  	[smem:$0x3FB4] =	sst s8  }
0x11: {  	[smem:$0x3FB5] =	sst s9;
	s0 =	simm.s32 @!p0 $0x0  }
0x12: {  	s1 =	sld [smem:$0x3F9B];
	s0 =	simm.s32 @p0 $0x1  }
0x13: {  	[smem:$0x3FB6] =	sst s0;
	s0 =	simm.s32 @!p1 $0x0  }
0x14: {  	s2 =	sld [smem:$0x3F9A];
	s0 =	simm.s32 @p1 $0x1  }
0x15: {  	[smem:$0x3FB7] =	sst s0;
	s0 =	simm.s32 @!p2 $0x0  }
0x16: {  	s3 =	sld [smem:$0x3FDB];
	s0 =	simm.s32 @p2 $0x1  }
0x17: {  	s4 =	simm.s32 $0x1BF5;
	[smem:$0x3FB9] =	sst s0  }
0x18: {  	s0 =	sld [smem:$0x3F9C];
	_ =	swait.ge [sflag:s4], $0x0  }
0x19: {  	s7 =	sld [smem:$0x3F9D]  }
0x1a: {  	s8 =	sadd.s32 $0xFFFFE003, lr  }
0x1b: {  	s9 =	sadd.s32 $0xFFFFFEF7, lr;
	s5 =	simm.s32 $0xFFFFFFFF;
	p2 =	slt.u32 s8, $0xFFFFF086  }
0x1c: {  	p1 =	slt.u32 s9, $0xF7A;
	s5 =	simm.s32 @!p2 $0x0  }
0x1d: {  	s5 =	simm.s32 @p1 $0x1;
	p0 =	seq.s32 s7, s2  }
0x1e: {  	s7 =	smul.u32 @!p0 $0xF7A, s2;
	p2 =	seq.s32 @!p0 s5, $0x0  }
0x1f: {  	s9 =	smul.u32 $0xF7A, s1;
	s8 =	simm.s32 @!p0 $0x1BF5;
	p2 =	por !p2, p0  }
0x20: {  	[sflag:s8] =	ssyncset.s32 @!p0 $0xFFFFF086;
	s6 =	sadd.s32 @!p0 s3, s7;
	s7 =	simm.s32 @!p0 $0x108  }
0x21: {  	s3 =	sadd.s32 s3, s9;
	s6 =	sadd.s32 @!p0 $0x88, s6;
	s7 =	simm.s32 @p2 $0x1082  }
0x22: {  	[simem:s7], [sflag:s8] =	dma.local @!p0 [hbm:s6], $0xF7A  }
0x23: {  	s9 =	sor.u32 $0xD0000000, s2;
	s6 =	simm.s32 $0x108;
	_ =	swait.ge @!p0 [sflag:s8], $0x0  }
0x24: {  	s3 =	sadd.s32 $0x88, s3;
	s6 =	simm.s32 @!p1 $0x1082;
	[sflag:s4] =	ssyncset.s32 $0xFFFFF086  }
0x25: {  	[simem:s6], [sflag:s4] =	dma.local [hbm:s3], $0xF7A  }
0x26: {  	[smem:$0x3F9D] =	sst s1;
	(tag) =	ssettag s2;
	_ =	strace s9  }
0x27: {  	s1 =	sld [smem:$0x3FAD]  }
0x28: {  	s2 =	sld [smem:$0x3FAE]  }
0x29: {  	s4 =	sld [smem:$0x3FB0]  }
0x2a: {  	p0 =	seq.s32 s5, $0x0;
	s5 =	sld [smem:$0x3FB1]  }
0x2b: {  	s6 =	sld [smem:$0x3FB2]  }
0x2c: {  	s7 =	sld [smem:$0x3FB3]  }
0x2d: {  	s3 =	simm.s32 $0x108;
	s8 =	sld [smem:$0x3FB4]  }
0x2e: {  	s3 =	simm.s32 @!p0 $0x1082;
	s9 =	sld [smem:$0x3FB5]  }
0x2f: {  	lr =	sadd.s32 s0, s3;
	s0 =	sld [smem:$0x3FAC]  }
0x30: {  	s3 =	sld [smem:$0x3FAF]  }
0x31: {  	[smem:$0x3FB8] =	sst s10  }
0x32: {  	s10 =	sld [smem:$0x3FB6];
	_ =	sdelay $0x3  }
0x33: {  	p0 =	seq.s32 s10, $0x1;
	s10 =	sld [smem:$0x3FB8];
	_ =	sdelay $0x3  }
0x34: {  	[smem:$0x3FB8] =	sst s10  }
0x35: {  	s10 =	sld [smem:$0x3FB7];
	_ =	sdelay $0x3  }
0x36: {  	p1 =	seq.s32 s10, $0x1;
	s10 =	sld [smem:$0x3FB8];
	_ =	sdelay $0x3  }
0x37: {  	[smem:$0x3FB8] =	sst s10  }
0x38: {  	s10 =	sld [smem:$0x3FB9]  }
0x39: {  	_ = 	snop;
	(pc) =	sbr.ind lr, $3  }
0x3a: {  	_ = 	snop  }
0x3b: {  	_ = 	snop  }
0x3c: {  	p2 =	seq.s32 s10, $0x1;
	s10 =	sld [smem:$0x3FB8]  }
0x3d: {  	_ =	shalt  }
0x3e: {  	_ =	shalt  }
0x3f: {  	_ =	shalt  }
0x40: {  	_ =	shalt  }
0x41: {  	_ =	shalt  }
0x42: {  	_ =	shalt  }
0x43: {  	_ =	shalt  }
0x44: {  	_ =	shalt  }
0x45: {  	_ =	shalt  }
0x46: {  	_ =	shalt  }
0x47: {  	_ =	shalt  }
0x48: {  	_ =	shalt  }
0x49: {  	_ =	shalt  }
0x4a: {  	_ =	shalt  }
0x4b: {  	_ =	shalt  }
0x4c: {  	_ =	shalt  }
0x4d: {  	_ =	shalt  }
0x4e: {  	_ =	shalt  }
0x4f: {  	_ =	shalt  }
0x50: {  	_ =	shalt  }
0x51: {  	_ =	shalt  }
0x52: {  	_ =	shalt  }
0x53: {  	_ =	shalt  }
0x54: {  	_ =	shalt  }
0x55: {  	_ =	shalt  }
0x56: {  	_ =	shalt  }
0x57: {  	_ =	shalt  }
0x58: {  	_ =	shalt  }
0x59: {  	_ =	shalt  }
0x5a: {  	_ =	shalt  }
0x5b: {  	_ =	shalt  }
0x5c: {  	_ =	shalt  }
0x5d: {  	_ =	shalt  }
0x5e: {  	_ =	shalt  }
0x5f: {  	_ =	shalt  }
0x60: {  	_ =	shalt  }
0x61: {  	_ =	shalt  }
0x62: {  	_ =	shalt  }
0x63: {  	_ =	shalt  }
0x64: {  	_ =	shalt  }
0x65: {  	_ =	shalt  }
0x66: {  	_ =	shalt  }
0x67: {  	_ =	shalt  }
0x68: {  	_ =	shalt  }
0x69: {  	_ =	shalt  }
0x6a: {  	_ =	shalt  }
0x6b: {  	_ =	shalt  }
0x6c: {  	_ =	shalt  }
0x6d: {  	_ =	shalt  }
0x6e: {  	_ =	shalt  }
0x6f: {  	_ =	shalt  }
0x70: {  	_ =	shalt  }
0x71: {  	_ =	shalt  }
0x72: {  	_ =	shalt  }
0x73: {  	_ =	shalt  }
0x74: {  	_ =	shalt  }
0x75: {  	_ =	shalt  }
0x76: {  	_ =	shalt  }
0x77: {  	_ =	shalt  }
0x78: {  	_ =	shalt  }
0x79: {  	_ =	shalt  }
0x7a: {  	_ =	shalt  }
0x7b: {  	_ =	shalt  }
0x7c: {  	_ =	shalt  }
0x7d: {  	_ =	shalt  }
0x7e: {  	_ =	shalt  }
0x7f: {  	_ =	shalt  }
0x80: {  	_ =	shalt  }
0x81: {  	_ =	shalt  }
0x82: {  	_ =	shalt  }
0x83: {  	_ =	shalt  }
0x84: {  	_ =	shalt  }
0x85: {  	_ =	shalt  }
0x86: {  	_ =	shalt  }
0x87: {  	_ =	shalt  }
.Lfunc_end0:
.L_simem_size_0:
called_computation_lowered:
.L_overlay_start_0:
0x88: {  	s2 =	sld [smem:$0x3FD9]  }
0x89: {  	s3 =	sld [smem:$0x3FFE];
	_ =	sdelay $0x1  }
0x8a: {  	s1 =	srdreg.scid  }
0x8b: {  	s0 =	sand.u32 $0x1, s1  }
0x8c: {  	s18 =	sshll.u32 s0, $0xA;
	s2 =	sadd.s32 s3, s2  }
0x8d: {  	s2 =	sadd.s32 s2, s18  }
0x8e: {  	[smem:$0x3FC4] =	sst s2  }
0x8f: {  	_ = 	snop  }
0x90: {  	s2 =	sld [smem:$0x3FC9]  }
0x91: {  	s19 =	sld [smem:$0x3FC8]  }
0x92: {  	s4 =	sld [smem:$0x3FC7]  }
0x93: {  	s5 =	sld [smem:$0x3FC6]  }
0x94: {  	s6 =	sld [smem:$0x3FD0];
	(tm) =	ssettm $0x1  }
0x95: {  	s7 =	sld [smem:$0x3FFB];
	_ =	sdelay $0x3  }
0x96: {  	_ =	strace s7  }
0x97: {  	s7 =	sld [smem:$0x3FFC];
	_ =	sdelay $0x3  }
0x98: {  	_ =	strace s7  }
0x99: {  	s7 =	sld [smem:$0x3FFD];
	_ =	sdelay $0x3  }
0x9a: {  	_ =	strace s7  }
0x9b: {  	_ =	strace $0x8FFFFFFF  }
0x9c: {  	s20 =	sld [smem:$0x3FDB];
	_ =	sdelay $0x1  }
0x9d: {  	s8 =	simm.s32 $_scs_section_size  }
0x9e: {  	s9 =	simm.s32 $_size__tile_overlayer_lowered;
	s10 =	simm.s32 $_tile_overlayer_lowered  }
0x9f: {  	s23 =	simm.s32 $0x1BFF;
	s22 =	sshll.u32 s10, $0x1;
	s7 =	sadd.s32 s8, s20  }
0xa0: {  	s11 =	simm.s32 $0x0;
	s21 =	sshll.u32 s9, $0x1;
	s9 =	sadd.s32 s22, s7  }
0xa1: {  	[timem:s11], [sflag:s23] =	dma.local [hbm:s9], s21  }
0xa2: {  	_ =	swait.ge [sflag:s23], s21  }
0xa3: {  	s8 =	ssub.s32 $0x0, s21;
	[sflag:s23] =	ssyncset.done $0x0  }
0xa4: {  	[sflag:s23] =	ssyncadd.s32 s8;
	_ =	sdelay $0x1  }
0xa5: {  	s24 =	simm.s32 $0x1B8B  }
0xa6: {  	_ =	swait.ge [sflag:s24], $0x1  }
0xa7: {  	[sflag:s24] =	ssyncset.done $0x0  }
0xa8: {  	s25 =	simm.s32 $0x1B8E;
	[sflag:s24] =	ssyncadd.s32 $0xFFFFFFFF  }
0xa9: {  	s26 =	simm.s32 $execute0_lowered;
	[smem:$0x3FD2] =	sst s25  }
0xaa: {  	s8 =	sshll.u32 s26, $0x1;
	_ =	strace $0x80000046;
	[dreg:$0x1] =	wrdreg $0xFFFFFFFF  }
0xab: {  	s28 =	simm.s32 $_size_execute0_lowered;
	s7 =	sadd.s32 s7, s8;
	[dreg:$0x0] =	wrdreg $0x0  }
0xac: {  	s8 =	sshll.u32 s28, $0x1;
	[dreg:$0x2] =	wrdreg s7  }
0xad: {  	[dreg:$0x3] =	wrdreg s8  }
0xae: {  	[dreg:$0x4] =	wrdreg $0xC0  }
0xaf: {  	_ =	task [dreg:s11], $0x5FFFF  }
0xb0: {  	[dreg:$0x1] =	wrdreg $0xFFFFFFFF  }
0xb1: {  	[dreg:$0x0] =	wrdreg $0x60  }
0xb2: {  	[dreg:$0x2] =	wrdreg s2  }
0xb3: {  	[dreg:$0x3] =	wrdreg s5  }
0xb4: {  	[dreg:$0x4] =	wrdreg s19  }
0xb5: {  	[dreg:$0x5] =	wrdreg s4  }
0xb6: {  	[dreg:$0x6] =	wrdreg s6  }
0xb7: {  	[dreg:$0x7] =	wrdreg $0x9  }
0xb8: {  	_ =	task.clear_ibuf [dreg:s11], $0x8FFFF;
	_ =	strace $0x90000046  }
0xb9: {  	s29 =	simm.s32 $0x9;
	_ =	strace $0x80000048  }
0xba: {  	_ =	swait.ge [sflag:s29], $0x1  }
0xbb: {  	[sflag:s29] =	ssyncadd.s32 $0xFFFFFFFF  }
0xbc: {  	_ =	strace $0x90000048  }
0xbd: {  	_ =	sfence  }
0xbe: {  	s30 =	sld [smem:$0x0];
	_ =	sdelay $0x2  }
0xbf: {  	s31 =	sshll.u32 s1, $0xD;
	s1 =	sshrl.u32 s1, $0x2  }
0xc0: {  	s3 =	sand.u32 $0x4000, s31;
	s1 =	sadd.s32 s1, s30  }
0xc1: {  	s0 =	sor.u32 s3, s0;
	s1 =	sshll.u32 s1, $0x11  }
0xc2: {  	s0 =	sor.u32 s1, s0  }
0xc3: {  	s0 =	sadd.s32 $0x8F2B, s0  }
0xc4: {  	[sflag:s0] =	ssyncadd.remote.s32 $0x1  }
0xc5: {  	_ =	sfence.sel $0xFFFF  }
0xc6: {  	[dreg:$0x0] =	wrdreg $0xFFFFFFFF;
	(pc) =	sbr.abs _section_cstart, $3  }
0xc7: {  	[dreg:$0x1] =	wrdreg $0xFFFFFFFF  }
0xc8: {  	_ =	task.clear_ibuf [dreg:s11], $0x2FFFF;
	_ =	strace $0x9FFFFFFF  }
0xc9: {  	(tm) =	ssettm $0x7FFFFFFF  }
tec
execute0_lowered:
.L_overlay_start_1:
0x0: {  	(tag) =	ssettag $0x1  }
0x1: {  	s7 =	rddreg [dreg:$0x0]  }
0x2: {  	s0 =	rddreg [dreg:$0x1];
	v0 =	vimm.s32 $0xFEDCBA98;
	v1 =	vimm.s32 $0x76543210;
	v2 =	vimm.s32 $0xBA98FEDC  }
0x3: {  	s1 =	rddreg [dreg:$0x2];
	v3 =	vimm.s32 $0x32107654;
	v4 =	vimm.s32 $0xDCFE98BA;
	v5 =	vimm.s32 $0x54761032  }
0x4: {  	s2 =	rddreg [dreg:$0x3];
	v6 =	vimm.s32 $0xEFCDAB89;
	v7 =	vimm.s32 $0x67452301;
	v0 =	vunpack.c.l.s4.s8 v0  }
0x5: {  	s6 =	rddreg [dreg:$0x4];
	v1 =	vunpack.c.l.s4.s8 v1;
	v2 =	vunpack.c.l.s4.s8 v2;
	v3 =	vunpack.c.l.s4.s8 v3  }
0x6: {  	s5 =	srdreg.scid;
	s3 =	stileid.u32;
	v4 =	vunpack.c.l.s4.s8 v4;
	v5 =	vunpack.c.l.s4.s8 v5;
	v6 =	vunpack.c.l.s4.s8 v6  }
0x7: {  	s4 =	rddreg [dreg:$0x5];
	s12 =	simm.s32 $0x1000;
	s13 =	simm.s32 $0x1008;
	v7 =	vunpack.c.l.s4.s8 v7;
	v0 =	vunpack.c.0.s8.s32 v0;
	v2 =	vunpack.c.0.s8.s32 v2  }
0x8: {  	s14 =	simm.s32 $0x1010;
	s15 =	simm.s32 $0x1;
	s16 =	simm.s32 $0x2;
	v3 =	vunpack.c.0.s8.s32 v3;
	v4 =	vunpack.c.0.s8.s32 v4;
	v1 =	vunpack.c.0.s8.s32 v1  }
0x9: {  	s17 =	simm.s32 $0x800;
	s18 =	simm.s32 $0xC00;
	s19 =	simm.s32 $0xA00;
	v5 =	vunpack.c.0.s8.s32 v5;
	v6 =	vunpack.c.0.s8.s32 v6;
	v59 =	vand.u32 $0xF, v0  }
0xa: {  	s8 =	sand.u32 $0x1, s5;
	s9 =	sshll.u32 s3, $0x9;
	s5 =	simm.s32 $0x0;
	v7 =	vunpack.c.0.s8.s32 v7;
	v3 =	vcombine.low v3, v2;
	v0 =	vcombine.low v59, v1  }
0xb: {  	s10 =	ssub.s32 $0x2, s8;
	s8 =	sshll.u32 s8, $0x8;
	[smem:$0x7FF] =	sst s5;
	v4 =	vcombine.low v5, v4  }
0xc: {  	s20 =	simm.s32 $0xE00;
	s8 =	sor.u32 s8, s9;
	_ =	strace $0x80000047;
	v60 =	vcombine.low v7, v6;
	v61 =	vand.u32 $0xF, v3;
	[tilespmem:$0x1FFC0] =	vst v0  }
0xd: {  	s21 =	simm.s32 $0x3;
	s11 =	sshrl.u32 s10, $0x1;
	s6 =	sadd.s32 s6, s8;
	v62 =	vand.u32 $0xF, v4;
	[tilespmem:$0x1FFD0] =	vst v61  }
0xe: {  	s11 =	ssub.s32 s10, s11;
	s7 =	sadd.s32 s7, s8;
	s8 =	sadd.s32 $0x80, s6;
	v63 =	vand.u32 $0xF, v60;
	[tilespmem:$0x1FFE0] =	vst v62  }
0xf: {  	s9 =	sadd.s32 $0x40, s6;
	s10 =	sadd.s32 $0xC0, s6;
	s11 =	smax.u32 s11, $0x1;
	[tilespmem:$0x1FFF0] =	vst v63  }
.LBB2_1:
0x10: {  	[tilespmem:s5], [sflag:$0x1] =	stream.linear.gather [hbm4b:s7+s5], $0x800, $0x38;
	[tilespmem:$0x1080] =	vst v63  }
0x11: {  	_ = 	snop  }
0x12: {  	[tilespmem:s12], [sflag:$0x2] =	stream.linear.gather [hbm4b:s0+s5], $0x1, $0x38;
	[tilespmem:$0x1080] =	vst v63  }
0x13: {  	_ = 	snop  }
0x14: {  	[tilespmem:s13], [sflag:$0x2] =	stream.linear.gather [hbm4b:s1+s5], $0x1, $0x38;
	[tilespmem:$0x1080] =	vst v63  }
0x15: {  	_ = 	snop  }
0x16: {  	[tilespmem:s14], [sflag:$0x2] =	stream.linear.gather [hbm4b:s2+s5], $0x1, $0x38;
	[tilespmem:$0x1080] =	vst v63  }
0x17: {  	_ =	swait.ge [sflag:s15], $0x800  }
0x18: {  	[sflag:s15] =	ssyncset.done $0x0  }
0x19: {  	[sflag:s15] =	ssyncadd.s32 $0xFFFFF800  }
0x1a: {  	v1 =	vld [tilespmem:$0x0];
	_ =	sdelay $0x4  }
0x1b: {  	v1 =	vadd.f32 v1, v1;
	_ =	sdelay $0x1  }
0x1c: {  	v1 =	vadd.f32 $-6.931471820e-01, v1;
	_ =	sdelay $0x1  }
0x1d: {  	v1 =	vmul.f32 $1.442695020e+00, v1;
	_ =	sdelay $0x1  }
0x1e: {  	(erf) = vpow2.f32 v1;
	_ =	sdelay $0x1  }
0x1f: {  	v13 =	vld [tilespmem:$0x400];
	_ =	sdelay $0x4  }
0x20: {  	v1 =	vadd.f32 v13, v13;
	_ =	sdelay $0x1  }
0x21: {  	v1 =	vadd.f32 $-6.931471820e-01, v1;
	v6 =	vpop (erf)  }
0x22: {  	v6 =	vadd.f32 $5.000000000e-01, v6  }
0x23: {  	v1 =	vmul.f32 $1.442695020e+00, v1  }
0x24: {  	(erf) = vrcp.f32 v6  }
0x25: {  	(erf) = vpow2.f32 v1;
	_ =	sdelay $0x1  }
0x26: {  	v14 =	vld [tilespmem:$0x10];
	_ =	sdelay $0x4  }
0x27: {  	v1 =	vadd.f32 v14, v14  }
0x28: {  	v6 =	vpop (erf)  }
0x29: {  	v1 =	vadd.f32 $-6.931471820e-01, v1;
	v7 =	vpop (erf)  }
0x2a: {  	v7 =	vadd.f32 $5.000000000e-01, v7  }
0x2b: {  	v1 =	vmul.f32 $1.442695020e+00, v1  }
0x2c: {  	(erf) = vrcp.f32 v7  }
0x2d: {  	(erf) = vpow2.f32 v1;
	_ =	sdelay $0x1  }
0x2e: {  	v15 =	vld [tilespmem:$0x410];
	_ =	sdelay $0x4  }
0x2f: {  	v1 =	vadd.f32 v15, v15  }
0x30: {  	v7 =	vpop (erf)  }
0x31: {  	v1 =	vadd.f32 $-6.931471820e-01, v1;
	v8 =	vpop (erf)  }
0x32: {  	v8 =	vadd.f32 $5.000000000e-01, v8  }
0x33: {  	v1 =	vmul.f32 $1.442695020e+00, v1  }
0x34: {  	(erf) = vrcp.f32 v8  }
0x35: {  	(erf) = vpow2.f32 v1;
	_ =	sdelay $0x1  }
0x36: {  	v16 =	vld [tilespmem:$0x20];
	_ =	sdelay $0x4  }
0x37: {  	v1 =	vadd.f32 v16, v16  }
0x38: {  	v8 =	vpop (erf)  }
0x39: {  	v1 =	vadd.f32 $-6.931471820e-01, v1;
	v9 =	vpop (erf)  }
0x3a: {  	v9 =	vadd.f32 $5.000000000e-01, v9  }
0x3b: {  	v1 =	vmul.f32 $1.442695020e+00, v1  }
0x3c: {  	(erf) = vrcp.f32 v9  }
0x3d: {  	(erf) = vpow2.f32 v1;
	_ =	sdelay $0x1  }
0x3e: {  	v17 =	vld [tilespmem:$0x420];
	_ =	sdelay $0x4  }
0x3f: {  	v1 =	vadd.f32 v17, v17  }
0x40: {  	v9 =	vpop (erf)  }
0x41: {  	v1 =	vadd.f32 $-6.931471820e-01, v1;
	v10 =	vpop (erf)  }
0x42: {  	v10 =	vadd.f32 $5.000000000e-01, v10  }
0x43: {  	v1 =	vmul.f32 $1.442695020e+00, v1  }
0x44: {  	(erf) = vrcp.f32 v10  }
0x45: {  	(erf) = vpow2.f32 v1;
	_ =	sdelay $0x1  }
0x46: {  	v18 =	vld [tilespmem:$0x30];
	_ =	sdelay $0x4  }
0x47: {  	v1 =	vadd.f32 v18, v18  }
0x48: {  	v10 =	vpop (erf)  }
0x49: {  	v1 =	vadd.f32 $-6.931471820e-01, v1;
	v11 =	vpop (erf)  }
0x4a: {  	v11 =	vadd.f32 $5.000000000e-01, v11  }
0x4b: {  	v1 =	vmul.f32 $1.442695020e+00, v1  }
0x4c: {  	(erf) = vrcp.f32 v11  }
0x4d: {  	(erf) = vpow2.f32 v1;
	_ =	sdelay $0x1  }
0x4e: {  	v19 =	vld [tilespmem:$0x430];
	_ =	sdelay $0x4  }
0x4f: {  	v1 =	vadd.f32 v19, v19  }
0x50: {  	v11 =	vpop (erf)  }
0x51: {  	v1 =	vadd.f32 $-6.931471820e-01, v1;
	v12 =	vpop (erf)  }
0x52: {  	v12 =	vadd.f32 $5.000000000e-01, v12  }
0x53: {  	v1 =	vmul.f32 $1.442695020e+00, v1  }
0x54: {  	(erf) = vrcp.f32 v12  }
0x55: {  	(erf) = vpow2.f32 v1;
	_ =	sdelay $0x7  }
0x56: {  	v20 =	vpop (erf)  }
0x57: {  	v21 =	vpop (erf)  }
0x58: {  	v12 =	vadd.f32 $5.000000000e-01, v21;
	_ =	sdelay $0x1  }
0x59: {  	(erf) = vrcp.f32 v12;
	_ =	sdelay $0x2  }
0x5a: {  	v6 =	vsub.f32 $1.000000000e+00, v6  }
0x5b: {  	v7 =	vsub.f32 $1.000000000e+00, v7  }
0x5c: {  	[tilespmem:$0x800] =	vst v6;
	v8 =	vsub.f32 $1.000000000e+00, v8  }
0x5d: {  	[tilespmem:$0xC00] =	vst v7;
	v9 =	vsub.f32 $1.000000000e+00, v9  }
0x5e: {  	[tilespmem:$0x810] =	vst v8;
	v10 =	vsub.f32 $1.000000000e+00, v10  }
0x5f: {  	[tilespmem:$0xC10] =	vst v9;
	v11 =	vsub.f32 $1.000000000e+00, v11  }
0x60: {  	[tilespmem:$0x820] =	vst v10;
	v1 =	vsub.f32 $1.000000000e+00, v20;
	v12 =	vpop (erf)  }
0x61: {  	[tilespmem:$0xC20] =	vst v11;
	v22 =	vsub.f32 $1.000000000e+00, v12  }
0x62: {  	[tilespmem:$0x830] =	vst v1  }
0x63: {  	[tilespmem:$0xC30] =	vst v22  }
0x64: {  	_ =	swait.ge [sflag:s16], $0x1  }
0x65: {  	[sflag:s16] =	ssyncset.done $0x0  }
0x66: {  	[sflag:s16] =	ssyncadd.s32 $0xFFFFFFFF  }
0x67: {  	v6 =	vadd.f32 v8, v6;
	_ =	swait.ge [sflag:s16], $0x1  }
0x68: {  	v5 =	vld [tilespmem:$0x1FFC0]  }
0x69: {  	v6 =	vadd.f32 v10, v6;
	[sflag:s16] =	ssyncset.done $0x0  }
0x6a: {  	[sflag:s16] =	ssyncadd.s32 $0xFFFFFFFF  }
0x6b: {  	v1 =	vadd.f32 v1, v6;
	_ =	swait.ge [sflag:s16], $0x1  }
0x6c: {  	v2 =	vld [tilespmem:$0x1FFD0]  }
0x6d: {  	v6 =	vperm.xlane v1, v5;
	_ =	sdelay $0x1  }
0x6e: {  	v1 =	vadd.f32 v6, v1  }
0x6f: {  	v3 =	vld [tilespmem:$0x1FFE0]  }
0x70: {  	[sflag:s16] =	ssyncset.done $0x0;
	v6 =	vperm.xlane v1, v2  }
0x71: {  	v4 =	vld [tilespmem:$0x1FFF0];
	[sflag:s16] =	ssyncadd.s32 $0xFFFFFFFF  }
0x72: {  	v23 =	vld [tilespmem:$0x1000];
	v1 =	vadd.f32 v6, v1  }
0x73: {  	v24 =	vadd.f32 v9, v7;
	v25 =	vld [tilespmem:$0x1010]  }
0x74: {  	v26 =	vperm.xlane v1, v3  }
0x75: {  	v6 =	vadd.f32 v11, v24  }
0x76: {  	v0 =	vimm.s32 $0x8;
	v1 =	vadd.f32 v26, v1  }
0x77: {  	v28 =	vimm.s32 $0x0;
	v27 =	vperm.xlane v23, v0;
	v6 =	vadd.f32 v22, v6  }
0x78: {  	v29 =	vperm.xlane v25, v28;
	v30 =	vperm.xlane v1, v4  }
0x79: {  	v13 =	vld [tilespmem:$0x40];
	v10 =	vperm.xlane v23, v28;
	v31 =	vperm.xlane v6, v5  }
0x7a: {  	v0 =	vmul.f32 $3.125000000e-02, v27;
	v32 =	vadd.f32 v29, v29;
	v1 =	vadd.f32 v30, v1  }
0x7b: {  	v33 =	vadd.f32 v31, v6  }
0x7c: {  	v7 =	vadd.f32 $-6.931471820e-01, v32;
	v6 =	vadd.f32 v10, v10;
	v1 =	vmul.f32 v1, v0  }
0x7d: {  	v34 =	vperm.xlane v33, v2  }
0x7e: {  	v35 =	vmul.f32 v13, v6;
	v1 =	vadd.f32 v1, v7  }
0x7f: {  	v9 =	vadd.f32 v34, v33  }
0x80: {  	v36 =	vadd.f32 v35, v1  }
0x81: {  	v37 =	vperm.xlane v9, v3  }
0x82: {  	v10 =	vmul.f32 $1.442695020e+00, v36  }
0x83: {  	v9 =	vadd.f32 v37, v9  }
0x84: {  	(erf) = vpow2.f32 v10  }
0x85: {  	v38 =	vperm.xlane v9, v4  }
0x86: {  	v39 =	vld [tilespmem:$0x440]  }
0x87: {  	v9 =	vadd.f32 v38, v9;
	_ =	sdelay $0x1  }
0x88: {  	v9 =	vmul.f32 v9, v0;
	_ =	sdelay $0x1  }
0x89: {  	v40 =	vmul.f32 v39, v6;
	v9 =	vadd.f32 v9, v7;
	_ =	sdelay $0x1  }
0x8a: {  	v10 =	vadd.f32 v40, v9;
	v41 =	vpop (erf)  }
0x8b: {  	v11 =	vadd.f32 $5.000000000e-01, v41  }
0x8c: {  	v10 =	vmul.f32 $1.442695020e+00, v10  }
0x8d: {  	(erf) = vrcp.f32 v11  }
0x8e: {  	(erf) = vpow2.f32 v10;
	_ =	sdelay $0x1  }
0x8f: {  	v42 =	vld [tilespmem:$0x50];
	_ =	sdelay $0x4  }
0x90: {  	v10 =	vmul.f32 v42, v6  }
0x91: {  	v11 =	vpop (erf)  }
0x92: {  	v10 =	vadd.f32 v10, v1;
	v43 =	vpop (erf)  }
0x93: {  	v12 =	vadd.f32 $5.000000000e-01, v43  }
0x94: {  	v10 =	vmul.f32 $1.442695020e+00, v10  }
0x95: {  	(erf) = vrcp.f32 v12  }
0x96: {  	(erf) = vpow2.f32 v10;
	_ =	sdelay $0x1  }
0x97: {  	v44 =	vld [tilespmem:$0x450];
	_ =	sdelay $0x4  }
0x98: {  	v10 =	vmul.f32 v44, v6  }
0x99: {  	v45 =	vpop (erf)  }
0x9a: {  	v10 =	vadd.f32 v10, v9;
	v46 =	vpop (erf)  }
0x9b: {  	v12 =	vadd.f32 $5.000000000e-01, v46  }
0x9c: {  	v10 =	vmul.f32 $1.442695020e+00, v10  }
0x9d: {  	(erf) = vrcp.f32 v12  }
0x9e: {  	(erf) = vpow2.f32 v10;
	_ =	sdelay $0x1  }
0x9f: {  	v47 =	vld [tilespmem:$0x60];
	_ =	sdelay $0x4  }
0xa0: {  	v10 =	vmul.f32 v47, v6  }
0xa1: {  	v14 =	vpop (erf)  }
0xa2: {  	v10 =	vadd.f32 v10, v1;
	v48 =	vpop (erf)  }
0xa3: {  	v12 =	vadd.f32 $5.000000000e-01, v48  }
0xa4: {  	v10 =	vmul.f32 $1.442695020e+00, v10  }
0xa5: {  	(erf) = vrcp.f32 v12  }
0xa6: {  	(erf) = vpow2.f32 v10;
	_ =	sdelay $0x1  }
0xa7: {  	v49 =	vld [tilespmem:$0x460];
	_ =	sdelay $0x4  }
0xa8: {  	v10 =	vmul.f32 v49, v6  }
0xa9: {  	v15 =	vpop (erf)  }
0xaa: {  	v10 =	vadd.f32 v10, v9;
	v50 =	vpop (erf)  }
0xab: {  	v12 =	vadd.f32 $5.000000000e-01, v50  }
0xac: {  	v10 =	vmul.f32 $1.442695020e+00, v10  }
0xad: {  	(erf) = vrcp.f32 v12  }
0xae: {  	(erf) = vpow2.f32 v10;
	_ =	sdelay $0x1  }
0xaf: {  	v51 =	vld [tilespmem:$0x70];
	_ =	sdelay $0x4  }
0xb0: {  	v10 =	vmul.f32 v51, v6  }
0xb1: {  	v16 =	vpop (erf)  }
0xb2: {  	v1 =	vadd.f32 v10, v1;
	v52 =	vpop (erf)  }
0xb3: {  	v53 =	vadd.f32 $5.000000000e-01, v52  }
0xb4: {  	v1 =	vmul.f32 $1.442695020e+00, v1  }
0xb5: {  	(erf) = vrcp.f32 v53  }
0xb6: {  	(erf) = vpow2.f32 v1;
	_ =	sdelay $0x1  }
0xb7: {  	v54 =	vld [tilespmem:$0x470];
	_ =	sdelay $0x4  }
0xb8: {  	v1 =	vmul.f32 v54, v6  }
0xb9: {  	v17 =	vpop (erf)  }
0xba: {  	v1 =	vadd.f32 v1, v9;
	v55 =	vpop (erf)  }
0xbb: {  	v56 =	vadd.f32 $5.000000000e-01, v55  }
0xbc: {  	v1 =	vmul.f32 $1.442695020e+00, v1  }
0xbd: {  	(erf) = vrcp.f32 v56  }
0xbe: {  	(erf) = vpow2.f32 v1;
	_ =	sdelay $0x4  }
0xbf: {  	v12 =	vsub.f32 $1.000000000e+00, v11;
	v11 =	vsub.f32 $1.000000000e+00, v14;
	_ =	sdelay $0x1  }
0xc0: {  	v57 =	vadd.f32 v11, v12;
	v9 =	vsub.f32 $1.000000000e+00, v16  }
0xc1: {  	v58 =	vpop (erf)  }
0xc2: {  	v1 =	vadd.f32 v9, v57;
	v10 =	vsub.f32 $1.000000000e+00, v58;
	v59 =	vpop (erf)  }
0xc3: {  	v14 =	vadd.f32 $5.000000000e-01, v59  }
0xc4: {  	v1 =	vadd.f32 v10, v1  }
0xc5: {  	(erf) = vrcp.f32 v14  }
0xc6: {  	v60 =	vperm.xlane v1, v5;
	_ =	sdelay $0x1  }
0xc7: {  	v1 =	vadd.f32 v1, v60;
	_ =	sdelay $0x1  }
0xc8: {  	v18 =	vperm.xlane v1, v2  }
0xc9: {  	v16 =	vsub.f32 $1.000000000e+00, v45;
	v14 =	vsub.f32 $1.000000000e+00, v15  }
0xca: {  	v1 =	vadd.f32 v1, v18  }
0xcb: {  	v13 =	vsub.f32 $1.000000000e+00, v17;
	v15 =	vadd.f32 v14, v16  }
0xcc: {  	v61 =	vpop (erf);
	v18 =	vperm.xlane v1, v3  }
0xcd: {  	v19 =	vadd.f32 v13, v15;
	v15 =	vsub.f32 $1.000000000e+00, v61  }
0xce: {  	v1 =	vadd.f32 v1, v18  }
0xcf: {  	v17 =	vadd.f32 v15, v19  }
0xd0: {  	v18 =	vperm.xlane v1, v4  }
0xd1: {  	v20 =	vld [tilespmem:$0x80];
	v19 =	vperm.xlane v17, v5  }
0xd2: {  	v1 =	vadd.f32 v1, v18  }
0xd3: {  	v17 =	vadd.f32 v17, v19  }
0xd4: {  	v1 =	vmul.f32 v1, v0  }
0xd5: {  	v62 =	vperm.xlane v17, v2  }
0xd6: {  	v63 =	vmul.f32 v20, v6;
	v1 =	vadd.f32 v1, v7  }
0xd7: {  	v17 =	vadd.f32 v17, v62  }
0xd8: {  	v8 =	vadd.f32 v1, v63  }
0xd9: {  	v21 =	vperm.xlane v17, v3  }
0xda: {  	v18 =	vmul.f32 $1.442695020e+00, v8  }
0xdb: {  	v17 =	vadd.f32 v17, v21  }
0xdc: {  	(erf) = vpow2.f32 v18  }
0xdd: {  	v22 =	vperm.xlane v17, v4  }
0xde: {  	v23 =	vld [tilespmem:$0x480]  }
0xdf: {  	v17 =	vadd.f32 v17, v22;
	_ =	sdelay $0x1  }
0xe0: {  	v17 =	vmul.f32 v17, v0;
	_ =	sdelay $0x1  }
0xe1: {  	v24 =	vmul.f32 v23, v6;
	v17 =	vadd.f32 v17, v7;
	_ =	sdelay $0x1  }
0xe2: {  	v25 =	vpop (erf);
	v18 =	vadd.f32 v17, v24  }
0xe3: {  	v19 =	vadd.f32 $5.000000000e-01, v25  }
0xe4: {  	v18 =	vmul.f32 $1.442695020e+00, v18  }
0xe5: {  	(erf) = vrcp.f32 v19  }
0xe6: {  	(erf) = vpow2.f32 v18;
	_ =	sdelay $0x1  }
0xe7: {  	v26 =	vld [tilespmem:$0x90];
	_ =	sdelay $0x4  }
0xe8: {  	v18 =	vmul.f32 v26, v6  }
0xe9: {  	v19 =	vpop (erf)  }
0xea: {  	v18 =	vadd.f32 v18, v1;
	v27 =	vpop (erf)  }
0xeb: {  	v20 =	vadd.f32 $5.000000000e-01, v27  }
0xec: {  	v18 =	vmul.f32 $1.442695020e+00, v18  }
0xed: {  	(erf) = vrcp.f32 v20  }
0xee: {  	(erf) = vpow2.f32 v18;
	_ =	sdelay $0x1  }
0xef: {  	v28 =	vld [tilespmem:$0x490];
	_ =	sdelay $0x4  }
0xf0: {  	v18 =	vmul.f32 v28, v6  }
0xf1: {  	v21 =	vpop (erf)  }
0xf2: {  	v18 =	vadd.f32 v18, v17;
	v29 =	vpop (erf)  }
0xf3: {  	v20 =	vadd.f32 $5.000000000e-01, v29  }
0xf4: {  	v18 =	vmul.f32 $1.442695020e+00, v18  }
0xf5: {  	(erf) = vrcp.f32 v20  }
0xf6: {  	(erf) = vpow2.f32 v18;
	_ =	sdelay $0x1  }
0xf7: {  	v30 =	vld [tilespmem:$0xA0];
	_ =	sdelay $0x4  }
0xf8: {  	v18 =	vmul.f32 v30, v6  }
0xf9: {  	v22 =	vpop (erf)  }
0xfa: {  	v18 =	vadd.f32 v18, v1;
	v31 =	vpop (erf)  }
0xfb: {  	v20 =	vadd.f32 $5.000000000e-01, v31  }
0xfc: {  	v18 =	vmul.f32 $1.442695020e+00, v18  }
0xfd: {  	(erf) = vrcp.f32 v20  }
0xfe: {  	(erf) = vpow2.f32 v18;
	_ =	sdelay $0x1  }
0xff: {  	v32 =	vld [tilespmem:$0x4A0];
	_ =	sdelay $0x4  }
0x100: {  	v18 =	vmul.f32 v32, v6  }
0x101: {  	v23 =	vpop (erf)  }
0x102: {  	v18 =	vadd.f32 v18, v17;
	v33 =	vpop (erf)  }
0x103: {  	v20 =	vadd.f32 $5.000000000e-01, v33  }
0x104: {  	v18 =	vmul.f32 $1.442695020e+00, v18  }
0x105: {  	(erf) = vrcp.f32 v20  }
0x106: {  	(erf) = vpow2.f32 v18;
	_ =	sdelay $0x1  }
0x107: {  	v34 =	vld [tilespmem:$0xB0];
	_ =	sdelay $0x4  }
0x108: {  	v18 =	vmul.f32 v34, v6  }
0x109: {  	v24 =	vpop (erf)  }
0x10a: {  	v1 =	vadd.f32 v18, v1;
	v35 =	vpop (erf)  }
0x10b: {  	v36 =	vadd.f32 $5.000000000e-01, v35  }
0x10c: {  	v1 =	vmul.f32 $1.442695020e+00, v1  }
0x10d: {  	(erf) = vrcp.f32 v36  }
0x10e: {  	(erf) = vpow2.f32 v1;
	_ =	sdelay $0x1  }
0x10f: {  	v37 =	vld [tilespmem:$0x4B0];
	_ =	sdelay $0x4  }
0x110: {  	v1 =	vmul.f32 v37, v6  }
0x111: {  	v25 =	vpop (erf)  }
0x112: {  	v1 =	vadd.f32 v1, v17;
	v38 =	vpop (erf)  }
0x113: {  	v39 =	vadd.f32 $5.000000000e-01, v38  }
0x114: {  	v1 =	vmul.f32 $1.442695020e+00, v1  }
0x115: {  	(erf) = vrcp.f32 v39  }
0x116: {  	(erf) = vpow2.f32 v1;
	_ =	sdelay $0x4  }
0x117: {  	v20 =	vsub.f32 $1.000000000e+00, v19;
	v19 =	vsub.f32 $1.000000000e+00, v22;
	_ =	sdelay $0x1  }
0x118: {  	v40 =	vadd.f32 v19, v20;
	v18 =	vsub.f32 $1.000000000e+00, v24  }
0x119: {  	v17 =	vpop (erf)  }
0x11a: {  	v1 =	vadd.f32 v18, v40;
	v17 =	vsub.f32 $1.000000000e+00, v17;
	v41 =	vpop (erf)  }
0x11b: {  	v22 =	vadd.f32 $5.000000000e-01, v41  }
0x11c: {  	v1 =	vadd.f32 v17, v1  }
0x11d: {  	(erf) = vrcp.f32 v22  }
0x11e: {  	v42 =	vperm.xlane v1, v5;
	_ =	sdelay $0x1  }
0x11f: {  	v1 =	vadd.f32 v1, v42;
	_ =	sdelay $0x1  }
0x120: {  	v22 =	vperm.xlane v1, v2  }
0x121: {  	v23 =	vsub.f32 $1.000000000e+00, v23;
	v24 =	vsub.f32 $1.000000000e+00, v21  }
0x122: {  	v1 =	vadd.f32 v1, v22  }
0x123: {  	v21 =	vadd.f32 v23, v24;
	v22 =	vsub.f32 $1.000000000e+00, v25  }
0x124: {  	v43 =	vpop (erf);
	v26 =	vperm.xlane v1, v3  }
0x125: {  	v27 =	vadd.f32 v22, v21;
	v21 =	vsub.f32 $1.000000000e+00, v43  }
0x126: {  	v1 =	vadd.f32 v1, v26  }
0x127: {  	v25 =	vadd.f32 v21, v27  }
0x128: {  	v26 =	vperm.xlane v1, v4  }
0x129: {  	v28 =	vld [tilespmem:$0xC0];
	v27 =	vperm.xlane v25, v5  }
0x12a: {  	v1 =	vadd.f32 v1, v26  }
0x12b: {  	v25 =	vadd.f32 v25, v27  }
0x12c: {  	v1 =	vmul.f32 v1, v0  }
0x12d: {  	v44 =	vperm.xlane v25, v2  }
0x12e: {  	v45 =	vmul.f32 v28, v6;
	v1 =	vadd.f32 v1, v7  }
0x12f: {  	v25 =	vadd.f32 v25, v44  }
0x130: {  	v46 =	vadd.f32 v1, v45  }
0x131: {  	v47 =	vperm.xlane v25, v3  }
0x132: {  	v26 =	vmul.f32 $1.442695020e+00, v46  }
0x133: {  	v25 =	vadd.f32 v25, v47  }
0x134: {  	(erf) = vpow2.f32 v26  }
0x135: {  	v48 =	vperm.xlane v25, v4  }
0x136: {  	v49 =	vld [tilespmem:$0x4C0]  }
0x137: {  	v25 =	vadd.f32 v25, v48;
	_ =	sdelay $0x1  }
0x138: {  	v25 =	vmul.f32 v25, v0;
	_ =	sdelay $0x1  }
0x139: {  	v50 =	vmul.f32 v49, v6;
	v25 =	vadd.f32 v25, v7;
	_ =	sdelay $0x1  }
0x13a: {  	v51 =	vpop (erf);
	v26 =	vadd.f32 v25, v50  }
0x13b: {  	v27 =	vadd.f32 $5.000000000e-01, v51  }
0x13c: {  	v26 =	vmul.f32 $1.442695020e+00, v26  }
0x13d: {  	(erf) = vrcp.f32 v27  }
0x13e: {  	(erf) = vpow2.f32 v26;
	_ =	sdelay $0x1  }
0x13f: {  	v52 =	vld [tilespmem:$0xD0];
	_ =	sdelay $0x4  }
0x140: {  	v26 =	vmul.f32 v52, v6  }
0x141: {  	v27 =	vpop (erf)  }
0x142: {  	v26 =	vadd.f32 v26, v1;
	v53 =	vpop (erf)  }
0x143: {  	v28 =	vadd.f32 $5.000000000e-01, v53  }
0x144: {  	v26 =	vmul.f32 $1.442695020e+00, v26  }
0x145: {  	(erf) = vrcp.f32 v28  }
0x146: {  	(erf) = vpow2.f32 v26;
	_ =	sdelay $0x1  }
0x147: {  	v54 =	vld [tilespmem:$0x4D0];
	_ =	sdelay $0x4  }
0x148: {  	v26 =	vmul.f32 v54, v6  }
0x149: {  	v29 =	vpop (erf)  }
0x14a: {  	v26 =	vadd.f32 v26, v25;
	v55 =	vpop (erf)  }
0x14b: {  	v28 =	vadd.f32 $5.000000000e-01, v55  }
0x14c: {  	v26 =	vmul.f32 $1.442695020e+00, v26  }
0x14d: {  	(erf) = vrcp.f32 v28  }
0x14e: {  	(erf) = vpow2.f32 v26;
	_ =	sdelay $0x1  }
0x14f: {  	v56 =	vld [tilespmem:$0xE0];
	_ =	sdelay $0x4  }
0x150: {  	v26 =	vmul.f32 v56, v6  }
0x151: {  	v30 =	vpop (erf)  }
0x152: {  	v26 =	vadd.f32 v26, v1;
	v57 =	vpop (erf)  }
0x153: {  	v28 =	vadd.f32 $5.000000000e-01, v57  }
0x154: {  	v26 =	vmul.f32 $1.442695020e+00, v26  }
0x155: {  	(erf) = vrcp.f32 v28  }
0x156: {  	(erf) = vpow2.f32 v26;
	_ =	sdelay $0x1  }
0x157: {  	v58 =	vld [tilespmem:$0x4E0];
	_ =	sdelay $0x4  }
0x158: {  	v26 =	vmul.f32 v58, v6  }
0x159: {  	v32 =	vpop (erf)  }
0x15a: {  	v26 =	vadd.f32 v26, v25;
	v59 =	vpop (erf)  }
0x15b: {  	v28 =	vadd.f32 $5.000000000e-01, v59  }
0x15c: {  	v26 =	vmul.f32 $1.442695020e+00, v26  }
0x15d: {  	(erf) = vrcp.f32 v28  }
0x15e: {  	(erf) = vpow2.f32 v26;
	_ =	sdelay $0x1  }
0x15f: {  	v60 =	vld [tilespmem:$0xF0];
	_ =	sdelay $0x4  }
0x160: {  	v26 =	vmul.f32 v60, v6  }
0x161: {  	v31 =	vpop (erf)  }
0x162: {  	v1 =	vadd.f32 v26, v1;
	v61 =	vpop (erf)  }
0x163: {  	v62 =	vadd.f32 $5.000000000e-01, v61  }
0x164: {  	v1 =	vmul.f32 $1.442695020e+00, v1  }
0x165: {  	(erf) = vrcp.f32 v62  }
0x166: {  	(erf) = vpow2.f32 v1;
	_ =	sdelay $0x1  }
0x167: {  	v63 =	vld [tilespmem:$0x4F0];
	_ =	sdelay $0x4  }
0x168: {  	v1 =	vmul.f32 v63, v6  }
0x169: {  	v33 =	vpop (erf)  }
0x16a: {  	v1 =	vadd.f32 v1, v25;
	v8 =	vpop (erf)  }
0x16b: {  	v28 =	vadd.f32 $5.000000000e-01, v8  }
0x16c: {  	v1 =	vmul.f32 $1.442695020e+00, v1  }
0x16d: {  	(erf) = vrcp.f32 v28  }
0x16e: {  	(erf) = vpow2.f32 v1;
	_ =	sdelay $0x4  }
0x16f: {  	v25 =	vsub.f32 $1.000000000e+00, v30;
	v28 =	vsub.f32 $1.000000000e+00, v27;
	_ =	sdelay $0x1  }
0x170: {  	v26 =	vsub.f32 $1.000000000e+00, v31;
	v30 =	vadd.f32 v25, v28  }
0x171: {  	v31 =	vpop (erf)  }
0x172: {  	v1 =	vadd.f32 v26, v30;
	v27 =	vsub.f32 $1.000000000e+00, v31;
	v34 =	vpop (erf)  }
0x173: {  	v30 =	vadd.f32 $5.000000000e-01, v34  }
0x174: {  	v1 =	vadd.f32 v27, v1  }
0x175: {  	(erf) = vrcp.f32 v30  }
0x176: {  	v35 =	vperm.xlane v1, v5;
	_ =	sdelay $0x1  }
0x177: {  	v1 =	vadd.f32 v1, v35;
	_ =	sdelay $0x1  }
0x178: {  	v30 =	vperm.xlane v1, v2  }
0x179: {  	v31 =	vsub.f32 $1.000000000e+00, v29;
	v29 =	vsub.f32 $1.000000000e+00, v32  }
0x17a: {  	v1 =	vadd.f32 v1, v30  }
0x17b: {  	v32 =	vadd.f32 v29, v31;
	v30 =	vsub.f32 $1.000000000e+00, v33  }
0x17c: {  	v36 =	vpop (erf);
	v34 =	vperm.xlane v1, v3  }
0x17d: {  	v35 =	vadd.f32 v30, v32;
	v32 =	vsub.f32 $1.000000000e+00, v36  }
0x17e: {  	v1 =	vadd.f32 v1, v34  }
0x17f: {  	v33 =	vadd.f32 v32, v35  }
0x180: {  	v34 =	vperm.xlane v1, v4  }
0x181: {  	v36 =	vld [tilespmem:$0x100];
	v35 =	vperm.xlane v33, v5  }
0x182: {  	v1 =	vadd.f32 v1, v34  }
0x183: {  	v33 =	vadd.f32 v33, v35  }
0x184: {  	v1 =	vmul.f32 v1, v0  }
0x185: {  	v37 =	vperm.xlane v33, v2  }
0x186: {  	v38 =	vmul.f32 v36, v6;
	v1 =	vadd.f32 v1, v7  }
0x187: {  	v33 =	vadd.f32 v33, v37  }
0x188: {  	v39 =	vadd.f32 v1, v38  }
0x189: {  	v40 =	vperm.xlane v33, v3  }
0x18a: {  	v34 =	vmul.f32 $1.442695020e+00, v39  }
0x18b: {  	v33 =	vadd.f32 v33, v40  }
0x18c: {  	(erf) = vpow2.f32 v34  }
0x18d: {  	v41 =	vperm.xlane v33, v4  }
0x18e: {  	v42 =	vld [tilespmem:$0x500]  }
0x18f: {  	v33 =	vadd.f32 v33, v41;
	_ =	sdelay $0x1  }
0x190: {  	v33 =	vmul.f32 v33, v0;
	_ =	sdelay $0x1  }
0x191: {  	v43 =	vmul.f32 v42, v6;
	v33 =	vadd.f32 v33, v7;
	_ =	sdelay $0x1  }
0x192: {  	v44 =	vpop (erf);
	v34 =	vadd.f32 v33, v43  }
0x193: {  	v35 =	vadd.f32 $5.000000000e-01, v44  }
0x194: {  	v34 =	vmul.f32 $1.442695020e+00, v34  }
0x195: {  	(erf) = vrcp.f32 v35  }
0x196: {  	(erf) = vpow2.f32 v34;
	_ =	sdelay $0x1  }
0x197: {  	v45 =	vld [tilespmem:$0x110];
	_ =	sdelay $0x4  }
0x198: {  	v34 =	vmul.f32 v45, v6  }
0x199: {  	v35 =	vpop (erf)  }
0x19a: {  	v34 =	vadd.f32 v34, v1;
	v46 =	vpop (erf)  }
0x19b: {  	v36 =	vadd.f32 $5.000000000e-01, v46  }
0x19c: {  	v34 =	vmul.f32 $1.442695020e+00, v34  }
0x19d: {  	(erf) = vrcp.f32 v36  }
0x19e: {  	(erf) = vpow2.f32 v34;
	_ =	sdelay $0x1  }
0x19f: {  	v47 =	vld [tilespmem:$0x510];
	_ =	sdelay $0x4  }
0x1a0: {  	v34 =	vmul.f32 v47, v6  }
0x1a1: {  	v36 =	vpop (erf)  }
0x1a2: {  	v34 =	vadd.f32 v34, v33;
	v37 =	vpop (erf)  }
0x1a3: {  	v37 =	vadd.f32 $5.000000000e-01, v37  }
0x1a4: {  	v34 =	vmul.f32 $1.442695020e+00, v34  }
0x1a5: {  	(erf) = vrcp.f32 v37  }
0x1a6: {  	(erf) = vpow2.f32 v34;
	_ =	sdelay $0x1  }
0x1a7: {  	v48 =	vld [tilespmem:$0x120];
	_ =	sdelay $0x4  }
0x1a8: {  	v34 =	vmul.f32 v48, v6  }
0x1a9: {  	v37 =	vpop (erf)  }
0x1aa: {  	v34 =	vadd.f32 v34, v1;
	v38 =	vpop (erf)  }
0x1ab: {  	v38 =	vadd.f32 $5.000000000e-01, v38  }
0x1ac: {  	v34 =	vmul.f32 $1.442695020e+00, v34  }
0x1ad: {  	(erf) = vrcp.f32 v38  }
0x1ae: {  	(erf) = vpow2.f32 v34;
	_ =	sdelay $0x1  }
0x1af: {  	v49 =	vld [tilespmem:$0x520];
	_ =	sdelay $0x4  }
0x1b0: {  	v34 =	vmul.f32 v49, v6  }
0x1b1: {  	v38 =	vpop (erf)  }
0x1b2: {  	v34 =	vadd.f32 v34, v33;
	v39 =	vpop (erf)  }
0x1b3: {  	v39 =	vadd.f32 $5.000000000e-01, v39  }
0x1b4: {  	v34 =	vmul.f32 $1.442695020e+00, v34  }
0x1b5: {  	(erf) = vrcp.f32 v39  }
0x1b6: {  	(erf) = vpow2.f32 v34;
	_ =	sdelay $0x1  }
0x1b7: {  	v50 =	vld [tilespmem:$0x130];
	_ =	sdelay $0x4  }
0x1b8: {  	v34 =	vmul.f32 v50, v6  }
0x1b9: {  	v39 =	vpop (erf)  }
0x1ba: {  	v1 =	vadd.f32 v34, v1;
	v40 =	vpop (erf)  }
0x1bb: {  	v51 =	vadd.f32 $5.000000000e-01, v40  }
0x1bc: {  	v1 =	vmul.f32 $1.442695020e+00, v1  }
0x1bd: {  	(erf) = vrcp.f32 v51  }
0x1be: {  	(erf) = vpow2.f32 v1;
	_ =	sdelay $0x1  }
0x1bf: {  	v52 =	vld [tilespmem:$0x530];
	_ =	sdelay $0x4  }
0x1c0: {  	v1 =	vmul.f32 v52, v6  }
0x1c1: {  	v34 =	vpop (erf)  }
0x1c2: {  	v1 =	vadd.f32 v1, v33;
	v53 =	vpop (erf)  }
0x1c3: {  	v54 =	vadd.f32 $5.000000000e-01, v53  }
0x1c4: {  	v1 =	vmul.f32 $1.442695020e+00, v1  }
0x1c5: {  	(erf) = vrcp.f32 v54  }
0x1c6: {  	(erf) = vpow2.f32 v1;
	_ =	sdelay $0x4  }
0x1c7: {  	v33 =	vsub.f32 $1.000000000e+00, v37;
	v1 =	vsub.f32 $1.000000000e+00, v35;
	_ =	sdelay $0x1  }
0x1c8: {  	v37 =	vsub.f32 $1.000000000e+00, v39;
	v35 =	vadd.f32 v33, v1  }
0x1c9: {  	v55 =	vpop (erf)  }
0x1ca: {  	v35 =	vadd.f32 v37, v35;
	v39 =	vsub.f32 $1.000000000e+00, v55;
	v56 =	vpop (erf)  }
0x1cb: {  	v40 =	vadd.f32 $5.000000000e-01, v56  }
0x1cc: {  	v35 =	vadd.f32 v39, v35  }
0x1cd: {  	(erf) = vrcp.f32 v40  }
0x1ce: {  	v57 =	vperm.xlane v35, v5;
	_ =	sdelay $0x1  }
0x1cf: {  	v35 =	vadd.f32 v35, v57;
	_ =	sdelay $0x1  }
0x1d0: {  	v40 =	vperm.xlane v35, v2  }
0x1d1: {  	v36 =	vsub.f32 $1.000000000e+00, v36;
	v38 =	vsub.f32 $1.000000000e+00, v38  }
0x1d2: {  	v35 =	vadd.f32 v35, v40  }
0x1d3: {  	v58 =	vadd.f32 v38, v36;
	v34 =	vsub.f32 $1.000000000e+00, v34  }
0x1d4: {  	v41 =	vpop (erf);
	v42 =	vperm.xlane v35, v3  }
0x1d5: {  	v40 =	vadd.f32 v34, v58;
	v41 =	vsub.f32 $1.000000000e+00, v41  }
0x1d6: {  	v35 =	vadd.f32 v35, v42  }
0x1d7: {  	v40 =	vadd.f32 v41, v40  }
0x1d8: {  	v42 =	vperm.xlane v35, v4  }
0x1d9: {  	v44 =	vld [tilespmem:$0x140];
	v43 =	vperm.xlane v40, v5  }
0x1da: {  	v35 =	vadd.f32 v35, v42  }
0x1db: {  	v40 =	vadd.f32 v40, v43  }
0x1dc: {  	v35 =	vmul.f32 v35, v0  }
0x1dd: {  	v59 =	vperm.xlane v40, v2  }
0x1de: {  	v60 =	vmul.f32 v44, v6;
	v35 =	vadd.f32 v35, v7  }
0x1df: {  	v40 =	vadd.f32 v40, v59  }
0x1e0: {  	v61 =	vadd.f32 v35, v60  }
0x1e1: {  	v62 =	vperm.xlane v40, v3  }
0x1e2: {  	v42 =	vmul.f32 $1.442695020e+00, v61  }
0x1e3: {  	v40 =	vadd.f32 v40, v62  }
0x1e4: {  	(erf) = vpow2.f32 v42  }
0x1e5: {  	v63 =	vperm.xlane v40, v4  }
0x1e6: {  	v8 =	vld [tilespmem:$0x540]  }
0x1e7: {  	v40 =	vadd.f32 v40, v63;
	_ =	sdelay $0x1  }
0x1e8: {  	v40 =	vmul.f32 v40, v0;
	_ =	sdelay $0x1  }
0x1e9: {  	v45 =	vmul.f32 v8, v6;
	v40 =	vadd.f32 v40, v7;
	_ =	sdelay $0x1  }
0x1ea: {  	v46 =	vpop (erf);
	v42 =	vadd.f32 v40, v45  }
0x1eb: {  	v43 =	vadd.f32 $5.000000000e-01, v46  }
0x1ec: {  	v42 =	vmul.f32 $1.442695020e+00, v42  }
0x1ed: {  	(erf) = vrcp.f32 v43  }
0x1ee: {  	(erf) = vpow2.f32 v42;
	_ =	sdelay $0x1  }
0x1ef: {  	v47 =	vld [tilespmem:$0x150];
	_ =	sdelay $0x4  }
0x1f0: {  	v42 =	vmul.f32 v47, v6  }
0x1f1: {  	v43 =	vpop (erf)  }
0x1f2: {  	v42 =	vadd.f32 v42, v35;
	v48 =	vpop (erf)  }
0x1f3: {  	v44 =	vadd.f32 $5.000000000e-01, v48  }
0x1f4: {  	v42 =	vmul.f32 $1.442695020e+00, v42  }
0x1f5: {  	(erf) = vrcp.f32 v44  }
0x1f6: {  	(erf) = vpow2.f32 v42;
	_ =	sdelay $0x1  }
0x1f7: {  	v49 =	vld [tilespmem:$0x550];
	_ =	sdelay $0x4  }
0x1f8: {  	v42 =	vmul.f32 v49, v6  }
0x1f9: {  	v44 =	vpop (erf)  }
0x1fa: {  	v42 =	vadd.f32 v42, v40;
	v45 =	vpop (erf)  }
0x1fb: {  	v45 =	vadd.f32 $5.000000000e-01, v45  }
0x1fc: {  	v42 =	vmul.f32 $1.442695020e+00, v42  }
0x1fd: {  	(erf) = vrcp.f32 v45  }
0x1fe: {  	(erf) = vpow2.f32 v42;
	_ =	sdelay $0x1  }
0x1ff: {  	v50 =	vld [tilespmem:$0x160];
	_ =	sdelay $0x4  }
0x200: {  	v42 =	vmul.f32 v50, v6  }
0x201: {  	v45 =	vpop (erf)  }
0x202: {  	v42 =	vadd.f32 v42, v35;
	v46 =	vpop (erf)  }
0x203: {  	v46 =	vadd.f32 $5.000000000e-01, v46  }
0x204: {  	v42 =	vmul.f32 $1.442695020e+00, v42  }
0x205: {  	(erf) = vrcp.f32 v46  }
0x206: {  	(erf) = vpow2.f32 v42;
	_ =	sdelay $0x1  }
0x207: {  	v51 =	vld [tilespmem:$0x560];
	_ =	sdelay $0x4  }
0x208: {  	v42 =	vmul.f32 v51, v6  }
0x209: {  	v46 =	vpop (erf)  }
0x20a: {  	v42 =	vadd.f32 v42, v40;
	v52 =	vpop (erf)  }
0x20b: {  	[tilespmem:$0x840] =	vst v12;
	v12 =	vadd.f32 $5.000000000e-01, v52  }
0x20c: {  	v53 =	vmul.f32 $1.442695020e+00, v42  }
0x20d: {  	(erf) = vrcp.f32 v12  }
0x20e: {  	(erf) = vpow2.f32 v53;
	_ =	sdelay $0x1  }
0x20f: {  	v54 =	vld [tilespmem:$0x170];
	_ =	sdelay $0x4  }
0x210: {  	[tilespmem:$0x860] =	vst v9;
	v9 =	vmul.f32 v54, v6  }
0x211: {  	v55 =	vpop (erf)  }
0x212: {  	[tilespmem:$0x850] =	vst v11;
	v9 =	vadd.f32 v9, v35;
	v11 =	vpop (erf)  }
0x213: {  	v11 =	vadd.f32 $5.000000000e-01, v11  }
0x214: {  	v9 =	vmul.f32 $1.442695020e+00, v9  }
0x215: {  	(erf) = vrcp.f32 v11  }
0x216: {  	(erf) = vpow2.f32 v9;
	_ =	sdelay $0x7  }
0x217: {  	v56 =	vpop (erf)  }
0x218: {  	v9 =	vpop (erf)  }
0x219: {  	v62 =	vld [tilespmem:$0x570];
	v9 =	vadd.f32 $5.000000000e-01, v9;
	_ =	sdelay $0x1  }
0x21a: {  	[tilespmem:$0xC40] =	vst v16;
	(erf) = vrcp.f32 v9  }
0x21b: {  	[tilespmem:$0xC60] =	vst v13  }
0x21c: {  	[tilespmem:$0x870] =	vst v10  }
0x21d: {  	[tilespmem:$0xC70] =	vst v15;
	v15 =	vmul.f32 v62, v6  }
0x21e: {  	[tilespmem:$0xC50] =	vst v14  }
0x21f: {  	[tilespmem:$0xC90] =	vst v23;
	v15 =	vadd.f32 v15, v40  }
0x220: {  	[tilespmem:$0x880] =	vst v20  }
0x221: {  	[tilespmem:$0x890] =	vst v19;
	v15 =	vmul.f32 $1.442695020e+00, v15  }
0x222: {  	[tilespmem:$0xC80] =	vst v24  }
0x223: {  	[tilespmem:$0x8A0] =	vst v18;
	v61 =	vpop (erf);
	(erf) = vpow2.f32 v15  }
0x224: {  	[tilespmem:$0x8B0] =	vst v17  }
0x225: {  	[tilespmem:$0xCA0] =	vst v22  }
0x226: {  	[tilespmem:$0xCB0] =	vst v21  }
0x227: {  	[tilespmem:$0x8E0] =	vst v26  }
0x228: {  	[tilespmem:$0x8D0] =	vst v25;
	v57 =	vsub.f32 $1.000000000e+00, v43;
	v59 =	vsub.f32 $1.000000000e+00, v45  }
0x229: {  	[tilespmem:$0x8C0] =	vst v28  }
0x22a: {  	[tilespmem:$0xCC0] =	vst v31;
	v10 =	vsub.f32 $1.000000000e+00, v55;
	v9 =	vadd.f32 v59, v57  }
0x22b: {  	[tilespmem:$0xCD0] =	vst v29  }
0x22c: {  	[tilespmem:$0x960] =	vst v10;
	v10 =	vadd.f32 v10, v9;
	v9 =	vsub.f32 $1.000000000e+00, v61;
	v63 =	vpop (erf)  }
0x22d: {  	[tilespmem:$0x8F0] =	vst v27;
	v12 =	vadd.f32 $5.000000000e-01, v63  }
0x22e: {  	[tilespmem:$0xCE0] =	vst v30;
	v10 =	vadd.f32 v9, v10  }
0x22f: {  	[tilespmem:$0xCF0] =	vst v32;
	(erf) = vrcp.f32 v12  }
0x230: {  	[tilespmem:$0xD00] =	vst v36;
	v8 =	vperm.xlane v10, v5  }
0x231: {  	[tilespmem:$0xD10] =	vst v38  }
0x232: {  	[tilespmem:$0x910] =	vst v33;
	v10 =	vadd.f32 v10, v8  }
0x233: {  	[tilespmem:$0x920] =	vst v37  }
0x234: {  	[tilespmem:$0xD20] =	vst v34;
	v12 =	vperm.xlane v10, v2  }
0x235: {  	[tilespmem:$0x900] =	vst v1;
	v58 =	vsub.f32 $1.000000000e+00, v44;
	v60 =	vsub.f32 $1.000000000e+00, v46  }
0x236: {  	[tilespmem:$0x930] =	vst v39;
	v12 =	vadd.f32 v10, v12  }
0x237: {  	[tilespmem:$0xD30] =	vst v41;
	v16 =	vadd.f32 v60, v58;
	v1 =	vsub.f32 $1.000000000e+00, v56  }
0x238: {  	[tilespmem:$0x940] =	vst v57;
	v18 =	vperm.xlane v12, v3;
	v17 =	vpop (erf)  }
0x239: {  	[tilespmem:$0xD60] =	vst v1;
	v1 =	vadd.f32 v1, v16;
	v10 =	vsub.f32 $1.000000000e+00, v17  }
0x23a: {  	[tilespmem:$0xD40] =	vst v58;
	v19 =	vadd.f32 v12, v18  }
0x23b: {  	[tilespmem:$0x950] =	vst v59;
	v1 =	vadd.f32 v10, v1  }
0x23c: {  	[tilespmem:$0xD50] =	vst v60;
	v12 =	vperm.xlane v19, v4  }
0x23d: {  	v21 =	vld [tilespmem:$0x180];
	v20 =	vperm.xlane v1, v5  }
0x23e: {  	v11 =	vadd.f32 v19, v12  }
0x23f: {  	v1 =	vadd.f32 v1, v20  }
0x240: {  	v11 =	vmul.f32 v11, v0  }
0x241: {  	v22 =	vperm.xlane v1, v2  }
0x242: {  	v11 =	vadd.f32 v11, v7;
	v23 =	vmul.f32 v21, v6  }
0x243: {  	v1 =	vadd.f32 v1, v22  }
0x244: {  	v24 =	vadd.f32 v11, v23  }
0x245: {  	v25 =	vperm.xlane v1, v3  }
0x246: {  	v12 =	vmul.f32 $1.442695020e+00, v24  }
0x247: {  	v1 =	vadd.f32 v1, v25  }
0x248: {  	(erf) = vpow2.f32 v12  }
0x249: {  	v26 =	vperm.xlane v1, v4  }
0x24a: {  	v27 =	vld [tilespmem:$0x580]  }
0x24b: {  	v1 =	vadd.f32 v1, v26;
	_ =	sdelay $0x1  }
0x24c: {  	v1 =	vmul.f32 v1, v0;
	_ =	sdelay $0x1  }
0x24d: {  	v28 =	vmul.f32 v27, v6;
	v1 =	vadd.f32 v1, v7;
	_ =	sdelay $0x1  }
0x24e: {  	v29 =	vpop (erf);
	v12 =	vadd.f32 v1, v28  }
0x24f: {  	v13 =	vadd.f32 $5.000000000e-01, v29  }
0x250: {  	v12 =	vmul.f32 $1.442695020e+00, v12  }
0x251: {  	(erf) = vrcp.f32 v13  }
0x252: {  	(erf) = vpow2.f32 v12;
	_ =	sdelay $0x1  }
0x253: {  	v30 =	vld [tilespmem:$0x190];
	_ =	sdelay $0x4  }
0x254: {  	v12 =	vmul.f32 v30, v6  }
0x255: {  	v13 =	vpop (erf)  }
0x256: {  	v12 =	vadd.f32 v12, v11;
	v31 =	vpop (erf)  }
0x257: {  	v14 =	vadd.f32 $5.000000000e-01, v31  }
0x258: {  	v12 =	vmul.f32 $1.442695020e+00, v12  }
0x259: {  	(erf) = vrcp.f32 v14  }
0x25a: {  	(erf) = vpow2.f32 v12;
	_ =	sdelay $0x1  }
0x25b: {  	v32 =	vld [tilespmem:$0x590];
	_ =	sdelay $0x4  }
0x25c: {  	v12 =	vmul.f32 v32, v6  }
0x25d: {  	v14 =	vpop (erf)  }
0x25e: {  	v12 =	vadd.f32 v12, v1;
	v33 =	vpop (erf)  }
0x25f: {  	v15 =	vadd.f32 $5.000000000e-01, v33  }
0x260: {  	v12 =	vmul.f32 $1.442695020e+00, v12  }
0x261: {  	(erf) = vrcp.f32 v15  }
0x262: {  	(erf) = vpow2.f32 v12;
	_ =	sdelay $0x1  }
0x263: {  	v34 =	vld [tilespmem:$0x1A0];
	_ =	sdelay $0x4  }
0x264: {  	v12 =	vmul.f32 v34, v6  }
0x265: {  	v15 =	vpop (erf)  }
0x266: {  	v12 =	vadd.f32 v12, v11;
	v35 =	vpop (erf)  }
0x267: {  	v16 =	vadd.f32 $5.000000000e-01, v35  }
0x268: {  	v12 =	vmul.f32 $1.442695020e+00, v12  }
0x269: {  	(erf) = vrcp.f32 v16  }
0x26a: {  	(erf) = vpow2.f32 v12;
	_ =	sdelay $0x1  }
0x26b: {  	v36 =	vld [tilespmem:$0x5A0];
	_ =	sdelay $0x4  }
0x26c: {  	v12 =	vmul.f32 v36, v6  }
0x26d: {  	v16 =	vpop (erf)  }
0x26e: {  	v12 =	vadd.f32 v12, v1;
	v37 =	vpop (erf)  }
0x26f: {  	v17 =	vadd.f32 $5.000000000e-01, v37  }
0x270: {  	v12 =	vmul.f32 $1.442695020e+00, v12  }
0x271: {  	(erf) = vrcp.f32 v17  }
0x272: {  	(erf) = vpow2.f32 v12;
	_ =	sdelay $0x1  }
0x273: {  	v38 =	vld [tilespmem:$0x1B0];
	_ =	sdelay $0x4  }
0x274: {  	v12 =	vmul.f32 v38, v6  }
0x275: {  	v17 =	vpop (erf)  }
0x276: {  	v11 =	vadd.f32 v12, v11;
	v39 =	vpop (erf)  }
0x277: {  	v40 =	vadd.f32 $5.000000000e-01, v39  }
0x278: {  	v11 =	vmul.f32 $1.442695020e+00, v11  }
0x279: {  	(erf) = vrcp.f32 v40  }
0x27a: {  	(erf) = vpow2.f32 v11;
	_ =	sdelay $0x1  }
0x27b: {  	v41 =	vld [tilespmem:$0x5B0];
	_ =	sdelay $0x4  }
0x27c: {  	v11 =	vmul.f32 v41, v6  }
0x27d: {  	v12 =	vpop (erf)  }
0x27e: {  	v1 =	vadd.f32 v11, v1;
	v42 =	vpop (erf)  }
0x27f: {  	v43 =	vadd.f32 $5.000000000e-01, v42  }
0x280: {  	v1 =	vmul.f32 $1.442695020e+00, v1  }
0x281: {  	(erf) = vrcp.f32 v43  }
0x282: {  	(erf) = vpow2.f32 v1;
	_ =	sdelay $0x4  }
0x283: {  	v44 =	vsub.f32 $1.000000000e+00, v13;
	v45 =	vsub.f32 $1.000000000e+00, v15;
	_ =	sdelay $0x1  }
0x284: {  	v13 =	vadd.f32 v45, v44;
	v46 =	vsub.f32 $1.000000000e+00, v17  }
0x285: {  	v47 =	vpop (erf)  }
0x286: {  	v13 =	vadd.f32 v46, v13;
	v17 =	vsub.f32 $1.000000000e+00, v47;
	v48 =	vpop (erf)  }
0x287: {  	v18 =	vadd.f32 $5.000000000e-01, v48  }
0x288: {  	v13 =	vadd.f32 v17, v13  }
0x289: {  	(erf) = vrcp.f32 v18  }
0x28a: {  	v49 =	vperm.xlane v13, v5;
	_ =	sdelay $0x1  }
0x28b: {  	v13 =	vadd.f32 v13, v49;
	_ =	sdelay $0x1  }
0x28c: {  	v18 =	vperm.xlane v13, v2  }
0x28d: {  	v14 =	vsub.f32 $1.000000000e+00, v14;
	v16 =	vsub.f32 $1.000000000e+00, v16  }
0x28e: {  	v13 =	vadd.f32 v13, v18  }
0x28f: {  	v50 =	vadd.f32 v16, v14;
	v12 =	vsub.f32 $1.000000000e+00, v12  }
0x290: {  	v51 =	vpop (erf);
	v52 =	vperm.xlane v13, v3  }
0x291: {  	v18 =	vadd.f32 v12, v50;
	v19 =	vsub.f32 $1.000000000e+00, v51  }
0x292: {  	v13 =	vadd.f32 v13, v52  }
0x293: {  	v18 =	vadd.f32 v19, v18  }
0x294: {  	v20 =	vperm.xlane v13, v4  }
0x295: {  	v54 =	vld [tilespmem:$0x1C0];
	v53 =	vperm.xlane v18, v5  }
0x296: {  	v13 =	vadd.f32 v13, v20  }
0x297: {  	v18 =	vadd.f32 v18, v53  }
0x298: {  	v13 =	vmul.f32 v13, v0  }
0x299: {  	v55 =	vperm.xlane v18, v2  }
0x29a: {  	v56 =	vmul.f32 v54, v6;
	v13 =	vadd.f32 v13, v7  }
0x29b: {  	v18 =	vadd.f32 v18, v55  }
0x29c: {  	v57 =	vadd.f32 v13, v56  }
0x29d: {  	v58 =	vperm.xlane v18, v3  }
0x29e: {  	v20 =	vmul.f32 $1.442695020e+00, v57  }
0x29f: {  	v18 =	vadd.f32 v18, v58  }
0x2a0: {  	(erf) = vpow2.f32 v20  }
0x2a1: {  	v59 =	vperm.xlane v18, v4  }
0x2a2: {  	v60 =	vld [tilespmem:$0x5C0]  }
0x2a3: {  	v18 =	vadd.f32 v18, v59;
	_ =	sdelay $0x1  }
0x2a4: {  	v18 =	vmul.f32 v18, v0;
	_ =	sdelay $0x1  }
0x2a5: {  	v61 =	vmul.f32 v60, v6;
	v18 =	vadd.f32 v18, v7;
	_ =	sdelay $0x1  }
0x2a6: {  	v62 =	vpop (erf);
	v20 =	vadd.f32 v18, v61  }
0x2a7: {  	v21 =	vadd.f32 $5.000000000e-01, v62  }
0x2a8: {  	v20 =	vmul.f32 $1.442695020e+00, v20  }
0x2a9: {  	(erf) = vrcp.f32 v21  }
0x2aa: {  	(erf) = vpow2.f32 v20;
	_ =	sdelay $0x1  }
0x2ab: {  	v63 =	vld [tilespmem:$0x1D0];
	_ =	sdelay $0x4  }
0x2ac: {  	v20 =	vmul.f32 v63, v6  }
0x2ad: {  	v21 =	vpop (erf)  }
0x2ae: {  	v20 =	vadd.f32 v20, v13;
	v24 =	vpop (erf)  }
0x2af: {  	v22 =	vadd.f32 $5.000000000e-01, v24  }
0x2b0: {  	v20 =	vmul.f32 $1.442695020e+00, v20  }
0x2b1: {  	(erf) = vrcp.f32 v22  }
0x2b2: {  	(erf) = vpow2.f32 v20;
	_ =	sdelay $0x1  }
0x2b3: {  	v25 =	vld [tilespmem:$0x5D0];
	_ =	sdelay $0x4  }
0x2b4: {  	v20 =	vmul.f32 v25, v6  }
0x2b5: {  	v22 =	vpop (erf)  }
0x2b6: {  	v20 =	vadd.f32 v20, v18;
	v26 =	vpop (erf)  }
0x2b7: {  	v23 =	vadd.f32 $5.000000000e-01, v26  }
0x2b8: {  	v20 =	vmul.f32 $1.442695020e+00, v20  }
0x2b9: {  	(erf) = vrcp.f32 v23  }
0x2ba: {  	(erf) = vpow2.f32 v20;
	_ =	sdelay $0x1  }
0x2bb: {  	v28 =	vld [tilespmem:$0x1E0];
	_ =	sdelay $0x4  }
0x2bc: {  	v20 =	vmul.f32 v28, v6  }
0x2bd: {  	v23 =	vpop (erf)  }
0x2be: {  	v20 =	vadd.f32 v20, v13;
	v29 =	vpop (erf)  }
0x2bf: {  	v24 =	vadd.f32 $5.000000000e-01, v29  }
0x2c0: {  	v20 =	vmul.f32 $1.442695020e+00, v20  }
0x2c1: {  	(erf) = vrcp.f32 v24  }
0x2c2: {  	(erf) = vpow2.f32 v20;
	_ =	sdelay $0x1  }
0x2c3: {  	v30 =	vld [tilespmem:$0x5E0];
	_ =	sdelay $0x4  }
0x2c4: {  	v20 =	vmul.f32 v30, v6  }
0x2c5: {  	v24 =	vpop (erf)  }
0x2c6: {  	v20 =	vadd.f32 v20, v18;
	v31 =	vpop (erf)  }
0x2c7: {  	v25 =	vadd.f32 $5.000000000e-01, v31  }
0x2c8: {  	v20 =	vmul.f32 $1.442695020e+00, v20  }
0x2c9: {  	(erf) = vrcp.f32 v25  }
0x2ca: {  	(erf) = vpow2.f32 v20;
	_ =	sdelay $0x1  }
0x2cb: {  	v32 =	vld [tilespmem:$0x1F0];
	_ =	sdelay $0x4  }
0x2cc: {  	v20 =	vmul.f32 v32, v6  }
0x2cd: {  	v25 =	vpop (erf)  }
0x2ce: {  	v13 =	vadd.f32 v20, v13;
	v33 =	vpop (erf)  }
0x2cf: {  	v34 =	vadd.f32 $5.000000000e-01, v33  }
0x2d0: {  	v13 =	vmul.f32 $1.442695020e+00, v13  }
0x2d1: {  	(erf) = vrcp.f32 v34  }
0x2d2: {  	(erf) = vpow2.f32 v13;
	_ =	sdelay $0x1  }
0x2d3: {  	v35 =	vld [tilespmem:$0x5F0];
	_ =	sdelay $0x4  }
0x2d4: {  	v13 =	vmul.f32 v35, v6  }
0x2d5: {  	v20 =	vpop (erf)  }
0x2d6: {  	v13 =	vadd.f32 v13, v18;
	v36 =	vpop (erf)  }
0x2d7: {  	v37 =	vadd.f32 $5.000000000e-01, v36  }
0x2d8: {  	v13 =	vmul.f32 $1.442695020e+00, v13  }
0x2d9: {  	(erf) = vrcp.f32 v37  }
0x2da: {  	(erf) = vpow2.f32 v13;
	_ =	sdelay $0x6  }
0x2db: {  	[tilespmem:$0x970] =	vst v9;
	v38 =	vsub.f32 $1.000000000e+00, v21;
	v39 =	vsub.f32 $1.000000000e+00, v23  }
0x2dc: {  	[tilespmem:$0xD70] =	vst v10;
	v40 =	vpop (erf)  }
0x2dd: {  	[tilespmem:$0x980] =	vst v44;
	v41 =	vadd.f32 v39, v38;
	v42 =	vsub.f32 $1.000000000e+00, v25;
	v43 =	vpop (erf)  }
0x2de: {  	[tilespmem:$0xD80] =	vst v14;
	v44 =	vadd.f32 $5.000000000e-01, v43  }
0x2df: {  	[tilespmem:$0x990] =	vst v45;
	v1 =	vadd.f32 v42, v41;
	v10 =	vsub.f32 $1.000000000e+00, v40  }
0x2e0: {  	[tilespmem:$0xD90] =	vst v16;
	(erf) = vrcp.f32 v44  }
0x2e1: {  	[tilespmem:$0x9A0] =	vst v46;
	v1 =	vadd.f32 v10, v1  }
0x2e2: {  	[tilespmem:$0xDA0] =	vst v12  }
0x2e3: {  	[tilespmem:$0x9B0] =	vst v17;
	v45 =	vperm.xlane v1, v5  }
0x2e4: {  	[tilespmem:$0xDB0] =	vst v19;
	v46 =	vsub.f32 $1.000000000e+00, v22  }
0x2e5: {  	[tilespmem:$0x9C0] =	vst v38;
	v1 =	vadd.f32 v45, v1  }
0x2e6: {  	[tilespmem:$0xDC0] =	vst v46;
	v47 =	vsub.f32 $1.000000000e+00, v24  }
0x2e7: {  	[tilespmem:$0x9D0] =	vst v39;
	v11 =	vperm.xlane v1, v2  }
0x2e8: {  	[tilespmem:$0xDD0] =	vst v47;
	v48 =	vsub.f32 $1.000000000e+00, v20  }
0x2e9: {  	[tilespmem:$0x9E0] =	vst v42;
	v1 =	vadd.f32 v11, v1;
	v14 =	vpop (erf)  }
0x2ea: {  	v9 =	vadd.f32 v47, v46;
	[tilespmem:$0xDE0] =	vst v48;
	v49 =	vsub.f32 $1.000000000e+00, v14  }
0x2eb: {  	[tilespmem:$0x9F0] =	vst v10;
	v50 =	vperm.xlane v1, v3  }
0x2ec: {  	v9 =	vadd.f32 v48, v9;
	[tilespmem:$0xDF0] =	vst v49  }
0x2ed: {  	v1 =	vadd.f32 v50, v1;
	[hbm4b:s6+s5] =	stream.linear.scatter [tilespmem:s17], [sflag:$0x3], $0x200, $0x38;
	[tilespmem:$0x1080] =	vst v63  }
0x2ee: {  	v9 =	vadd.f32 v49, v9  }
0x2ef: {  	v10 =	vperm.xlane v1, v4;
	[hbm4b:s8+s5] =	stream.linear.scatter [tilespmem:s18], [sflag:$0x3], $0x200, $0x38;
	[tilespmem:$0x1080] =	vst v63  }
0x2f0: {  	v11 =	vperm.xlane v9, v5;
	v51 =	vld [tilespmem:$0x200]  }
0x2f1: {  	v1 =	vadd.f32 v10, v1  }
0x2f2: {  	v9 =	vadd.f32 v11, v9  }
0x2f3: {  	v1 =	vmul.f32 v1, v0  }
0x2f4: {  	v52 =	vperm.xlane v9, v2  }
0x2f5: {  	v1 =	vadd.f32 v1, v7;
	v53 =	vmul.f32 v51, v6  }
0x2f6: {  	v9 =	vadd.f32 v52, v9  }
0x2f7: {  	v54 =	vadd.f32 v53, v1  }
0x2f8: {  	v55 =	vperm.xlane v9, v3  }
0x2f9: {  	v10 =	vmul.f32 $1.442695020e+00, v54  }
0x2fa: {  	v9 =	vadd.f32 v55, v9  }
0x2fb: {  	(erf) = vpow2.f32 v10  }
0x2fc: {  	v56 =	vperm.xlane v9, v4  }
0x2fd: {  	v57 =	vld [tilespmem:$0x600]  }
0x2fe: {  	v9 =	vadd.f32 v56, v9;
	_ =	sdelay $0x1  }
0x2ff: {  	v9 =	vmul.f32 v9, v0;
	_ =	sdelay $0x1  }
0x300: {  	v58 =	vmul.f32 v57, v6;
	v9 =	vadd.f32 v9, v7;
	_ =	sdelay $0x1  }
0x301: {  	v10 =	vadd.f32 v58, v9;
	v59 =	vpop (erf)  }
0x302: {  	v11 =	vadd.f32 $5.000000000e-01, v59  }
0x303: {  	v10 =	vmul.f32 $1.442695020e+00, v10  }
0x304: {  	(erf) = vrcp.f32 v11  }
0x305: {  	(erf) = vpow2.f32 v10;
	_ =	sdelay $0x1  }
0x306: {  	v60 =	vld [tilespmem:$0x210];
	_ =	sdelay $0x4  }
0x307: {  	v10 =	vmul.f32 v60, v6  }
0x308: {  	v11 =	vpop (erf)  }
0x309: {  	v10 =	vadd.f32 v10, v1;
	v61 =	vpop (erf)  }
0x30a: {  	v12 =	vadd.f32 $5.000000000e-01, v61  }
0x30b: {  	v10 =	vmul.f32 $1.442695020e+00, v10  }
0x30c: {  	(erf) = vrcp.f32 v12  }
0x30d: {  	(erf) = vpow2.f32 v10;
	_ =	sdelay $0x1  }
0x30e: {  	v62 =	vld [tilespmem:$0x610];
	_ =	sdelay $0x4  }
0x30f: {  	v10 =	vmul.f32 v62, v6  }
0x310: {  	v63 =	vpop (erf)  }
0x311: {  	v10 =	vadd.f32 v10, v9;
	v20 =	vpop (erf)  }
0x312: {  	v12 =	vadd.f32 $5.000000000e-01, v20  }
0x313: {  	v10 =	vmul.f32 $1.442695020e+00, v10  }
0x314: {  	(erf) = vrcp.f32 v12  }
0x315: {  	(erf) = vpow2.f32 v10;
	_ =	sdelay $0x1  }
0x316: {  	v21 =	vld [tilespmem:$0x220];
	_ =	sdelay $0x4  }
0x317: {  	v10 =	vmul.f32 v21, v6  }
0x318: {  	v22 =	vpop (erf)  }
0x319: {  	v10 =	vadd.f32 v10, v1;
	v23 =	vpop (erf)  }
0x31a: {  	v12 =	vadd.f32 $5.000000000e-01, v23  }
0x31b: {  	v10 =	vmul.f32 $1.442695020e+00, v10  }
0x31c: {  	(erf) = vrcp.f32 v12  }
0x31d: {  	(erf) = vpow2.f32 v10;
	_ =	sdelay $0x1  }
0x31e: {  	v24 =	vld [tilespmem:$0x620];
	_ =	sdelay $0x4  }
0x31f: {  	v10 =	vmul.f32 v24, v6  }
0x320: {  	v25 =	vpop (erf)  }
0x321: {  	v10 =	vadd.f32 v10, v9;
	v26 =	vpop (erf)  }
0x322: {  	v12 =	vadd.f32 $5.000000000e-01, v26  }
0x323: {  	v10 =	vmul.f32 $1.442695020e+00, v10  }
0x324: {  	(erf) = vrcp.f32 v12  }
0x325: {  	(erf) = vpow2.f32 v10;
	_ =	sdelay $0x1  }
0x326: {  	v28 =	vld [tilespmem:$0x230];
	_ =	sdelay $0x4  }
0x327: {  	v10 =	vmul.f32 v28, v6  }
0x328: {  	v29 =	vpop (erf)  }
0x329: {  	v1 =	vadd.f32 v10, v1;
	v30 =	vpop (erf)  }
0x32a: {  	v31 =	vadd.f32 $5.000000000e-01, v30  }
0x32b: {  	v1 =	vmul.f32 $1.442695020e+00, v1  }
0x32c: {  	(erf) = vrcp.f32 v31  }
0x32d: {  	(erf) = vpow2.f32 v1;
	_ =	sdelay $0x1  }
0x32e: {  	v32 =	vld [tilespmem:$0x630];
	_ =	sdelay $0x4  }
0x32f: {  	v1 =	vmul.f32 v32, v6  }
0x330: {  	v33 =	vpop (erf)  }
0x331: {  	v1 =	vadd.f32 v1, v9;
	v34 =	vpop (erf)  }
0x332: {  	v35 =	vadd.f32 $5.000000000e-01, v34  }
0x333: {  	v1 =	vmul.f32 $1.442695020e+00, v1  }
0x334: {  	(erf) = vrcp.f32 v35  }
0x335: {  	(erf) = vpow2.f32 v1;
	_ =	sdelay $0x4  }
0x336: {  	v36 =	vsub.f32 $1.000000000e+00, v22;
	v12 =	vsub.f32 $1.000000000e+00, v11;
	_ =	sdelay $0x1  }
0x337: {  	v37 =	vsub.f32 $1.000000000e+00, v29;
	v1 =	vadd.f32 v36, v12  }
0x338: {  	v38 =	vpop (erf)  }
0x339: {  	v1 =	vadd.f32 v37, v1;
	v39 =	vsub.f32 $1.000000000e+00, v38;
	v40 =	vpop (erf)  }
0x33a: {  	v14 =	vadd.f32 $5.000000000e-01, v40  }
0x33b: {  	v1 =	vadd.f32 v39, v1  }
0x33c: {  	(erf) = vrcp.f32 v14  }
0x33d: {  	v41 =	vperm.xlane v1, v5;
	_ =	sdelay $0x1  }
0x33e: {  	v1 =	vadd.f32 v1, v41  }
0x33f: {  	v27 =	vmov v2  }
0x340: {  	v14 =	vperm.xlane v1, v27  }
0x341: {  	v15 =	vsub.f32 $1.000000000e+00, v63;
	v13 =	vsub.f32 $1.000000000e+00, v25  }
0x342: {  	v1 =	vadd.f32 v1, v14  }
0x343: {  	v16 =	vadd.f32 v13, v15;
	v14 =	vsub.f32 $1.000000000e+00, v33  }
0x344: {  	v42 =	vpop (erf);
	v43 =	vperm.xlane v1, v3  }
0x345: {  	v44 =	vadd.f32 v14, v16;
	v16 =	vsub.f32 $1.000000000e+00, v42  }
0x346: {  	v1 =	vadd.f32 v1, v43  }
0x347: {  	v17 =	vadd.f32 v16, v44  }
0x348: {  	v18 =	vperm.xlane v1, v4  }
0x349: {  	v45 =	vld [tilespmem:$0x240];
	v19 =	vperm.xlane v17, v5  }
0x34a: {  	v1 =	vadd.f32 v1, v18  }
0x34b: {  	v17 =	vadd.f32 v17, v19  }
0x34c: {  	v1 =	vmul.f32 v1, v0  }
0x34d: {  	v2 =	vmov v7;
	v46 =	vperm.xlane v17, v27  }
0x34e: {  	v47 =	vmul.f32 v45, v6;
	v1 =	vadd.f32 v1, v2  }
0x34f: {  	v17 =	vadd.f32 v17, v46  }
0x350: {  	v48 =	vadd.f32 v1, v47  }
0x351: {  	v49 =	vperm.xlane v17, v3  }
0x352: {  	v18 =	vmul.f32 $1.442695020e+00, v48  }
0x353: {  	v17 =	vadd.f32 v17, v49  }
0x354: {  	(erf) = vpow2.f32 v18  }
0x355: {  	v50 =	vperm.xlane v17, v4  }
0x356: {  	v51 =	vld [tilespmem:$0x640]  }
0x357: {  	v17 =	vadd.f32 v17, v50;
	_ =	sdelay $0x1  }
0x358: {  	v17 =	vmul.f32 v17, v0;
	_ =	sdelay $0x1  }
0x359: {  	v52 =	vmul.f32 v51, v6;
	v17 =	vadd.f32 v17, v2;
	_ =	sdelay $0x1  }
0x35a: {  	v53 =	vpop (erf);
	v18 =	vadd.f32 v17, v52  }
0x35b: {  	v19 =	vadd.f32 $5.000000000e-01, v53  }
0x35c: {  	v18 =	vmul.f32 $1.442695020e+00, v18  }
0x35d: {  	(erf) = vrcp.f32 v19  }
0x35e: {  	(erf) = vpow2.f32 v18;
	_ =	sdelay $0x1  }
0x35f: {  	v54 =	vld [tilespmem:$0x250];
	_ =	sdelay $0x4  }
0x360: {  	v18 =	vmul.f32 v54, v6  }
0x361: {  	v19 =	vpop (erf)  }
0x362: {  	v18 =	vadd.f32 v18, v1;
	v55 =	vpop (erf)  }
0x363: {  	v20 =	vadd.f32 $5.000000000e-01, v55  }
0x364: {  	v18 =	vmul.f32 $1.442695020e+00, v18  }
0x365: {  	(erf) = vrcp.f32 v20  }
0x366: {  	(erf) = vpow2.f32 v18;
	_ =	sdelay $0x1  }
0x367: {  	v56 =	vld [tilespmem:$0x650];
	_ =	sdelay $0x4  }
0x368: {  	v18 =	vmul.f32 v56, v6  }
0x369: {  	v57 =	vpop (erf)  }
0x36a: {  	v18 =	vadd.f32 v18, v17;
	v58 =	vpop (erf)  }
0x36b: {  	v20 =	vadd.f32 $5.000000000e-01, v58  }
0x36c: {  	v18 =	vmul.f32 $1.442695020e+00, v18  }
0x36d: {  	(erf) = vrcp.f32 v20  }
0x36e: {  	(erf) = vpow2.f32 v18;
	_ =	sdelay $0x1  }
0x36f: {  	v59 =	vld [tilespmem:$0x260];
	_ =	sdelay $0x4  }
0x370: {  	v18 =	vmul.f32 v59, v6  }
0x371: {  	v60 =	vpop (erf)  }
0x372: {  	v18 =	vadd.f32 v18, v1;
	v61 =	vpop (erf)  }
0x373: {  	v20 =	vadd.f32 $5.000000000e-01, v61  }
0x374: {  	v18 =	vmul.f32 $1.442695020e+00, v18  }
0x375: {  	(erf) = vrcp.f32 v20  }
0x376: {  	(erf) = vpow2.f32 v18;
	_ =	sdelay $0x1  }
0x377: {  	v62 =	vld [tilespmem:$0x660];
	_ =	sdelay $0x4  }
0x378: {  	v18 =	vmul.f32 v62, v6  }
0x379: {  	v63 =	vpop (erf)  }
0x37a: {  	v18 =	vadd.f32 v18, v17;
	v26 =	vpop (erf)  }
0x37b: {  	v20 =	vadd.f32 $5.000000000e-01, v26  }
0x37c: {  	v18 =	vmul.f32 $1.442695020e+00, v18  }
0x37d: {  	(erf) = vrcp.f32 v20  }
0x37e: {  	(erf) = vpow2.f32 v18;
	_ =	sdelay $0x1  }
0x37f: {  	v28 =	vld [tilespmem:$0x270];
	_ =	sdelay $0x4  }
0x380: {  	v18 =	vmul.f32 v28, v6  }
0x381: {  	v29 =	vpop (erf)  }
0x382: {  	v1 =	vadd.f32 v18, v1;
	v30 =	vpop (erf)  }
0x383: {  	v31 =	vadd.f32 $5.000000000e-01, v30  }
0x384: {  	v1 =	vmul.f32 $1.442695020e+00, v1  }
0x385: {  	(erf) = vrcp.f32 v31  }
0x386: {  	(erf) = vpow2.f32 v1;
	_ =	sdelay $0x1  }
0x387: {  	v32 =	vld [tilespmem:$0x670];
	_ =	sdelay $0x4  }
0x388: {  	v1 =	vmul.f32 v32, v6  }
0x389: {  	v33 =	vpop (erf)  }
0x38a: {  	v1 =	vadd.f32 v1, v17;
	v34 =	vpop (erf)  }
0x38b: {  	v35 =	vadd.f32 $5.000000000e-01, v34  }
0x38c: {  	v1 =	vmul.f32 $1.442695020e+00, v1  }
0x38d: {  	(erf) = vrcp.f32 v35  }
0x38e: {  	(erf) = vpow2.f32 v1;
	_ =	sdelay $0x4  }
0x38f: {  	v20 =	vsub.f32 $1.000000000e+00, v19;
	v19 =	vsub.f32 $1.000000000e+00, v60;
	_ =	sdelay $0x1  }
0x390: {  	[tilespmem:$0x1FF90] =	vst v36;
	v36 =	vadd.f32 v19, v20;
	v18 =	vsub.f32 $1.000000000e+00, v29  }
0x391: {  	v17 =	vpop (erf)  }
0x392: {  	[tilespmem:$0x1FFA0] =	vst v37;
	v1 =	vadd.f32 v18, v36;
	v17 =	vsub.f32 $1.000000000e+00, v17;
	v37 =	vpop (erf)  }
0x393: {  	v22 =	vadd.f32 $5.000000000e-01, v37  }
0x394: {  	v1 =	vadd.f32 v17, v1  }
0x395: {  	(erf) = vrcp.f32 v22  }
0x396: {  	v38 =	vperm.xlane v1, v5;
	_ =	sdelay $0x1  }
0x397: {  	v1 =	vadd.f32 v1, v38;
	_ =	sdelay $0x1  }
0x398: {  	[tilespmem:$0x1FFB0] =	vst v39;
	v39 =	vperm.xlane v1, v27  }
0x399: {  	v24 =	vsub.f32 $1.000000000e+00, v57;
	v22 =	vsub.f32 $1.000000000e+00, v63  }
0x39a: {  	v1 =	vadd.f32 v1, v39  }
0x39b: {  	v21 =	vsub.f32 $1.000000000e+00, v33;
	v23 =	vadd.f32 v22, v24  }
0x39c: {  	v40 =	vpop (erf);
	v26 =	vperm.xlane v1, v3  }
0x39d: {  	v41 =	vadd.f32 v21, v23;
	v23 =	vsub.f32 $1.000000000e+00, v40  }
0x39e: {  	v1 =	vadd.f32 v1, v26  }
0x39f: {  	v25 =	vadd.f32 v23, v41  }
0x3a0: {  	v26 =	vperm.xlane v1, v4  }
0x3a1: {  	v7 =	vmov v27;
	v42 =	vld [tilespmem:$0x280];
	v27 =	vperm.xlane v25, v5  }
0x3a2: {  	v1 =	vadd.f32 v1, v26  }
0x3a3: {  	v25 =	vadd.f32 v25, v27  }
0x3a4: {  	v1 =	vmul.f32 v1, v0  }
0x3a5: {  	v43 =	vperm.xlane v25, v7  }
0x3a6: {  	v44 =	vmul.f32 v42, v6;
	v1 =	vadd.f32 v1, v2  }
0x3a7: {  	v25 =	vadd.f32 v25, v43  }
0x3a8: {  	v45 =	vadd.f32 v1, v44  }
0x3a9: {  	v46 =	vperm.xlane v25, v3  }
0x3aa: {  	v26 =	vmul.f32 $1.442695020e+00, v45  }
0x3ab: {  	v25 =	vadd.f32 v25, v46  }
0x3ac: {  	(erf) = vpow2.f32 v26  }
0x3ad: {  	v47 =	vperm.xlane v25, v4  }
0x3ae: {  	v48 =	vld [tilespmem:$0x680]  }
0x3af: {  	v25 =	vadd.f32 v25, v47;
	_ =	sdelay $0x1  }
0x3b0: {  	v25 =	vmul.f32 v25, v0;
	_ =	sdelay $0x1  }
0x3b1: {  	v49 =	vmul.f32 v48, v6;
	v25 =	vadd.f32 v25, v2;
	_ =	sdelay $0x1  }
0x3b2: {  	v50 =	vpop (erf);
	v26 =	vadd.f32 v25, v49  }
0x3b3: {  	v27 =	vadd.f32 $5.000000000e-01, v50  }
0x3b4: {  	v26 =	vmul.f32 $1.442695020e+00, v26  }
0x3b5: {  	(erf) = vrcp.f32 v27  }
0x3b6: {  	(erf) = vpow2.f32 v26;
	_ =	sdelay $0x1  }
0x3b7: {  	v51 =	vld [tilespmem:$0x290];
	_ =	sdelay $0x4  }
0x3b8: {  	v26 =	vmul.f32 v51, v6  }
0x3b9: {  	v27 =	vpop (erf)  }
0x3ba: {  	v26 =	vadd.f32 v26, v1;
	v52 =	vpop (erf)  }
0x3bb: {  	v28 =	vadd.f32 $5.000000000e-01, v52  }
0x3bc: {  	v26 =	vmul.f32 $1.442695020e+00, v26  }
0x3bd: {  	(erf) = vrcp.f32 v28  }
0x3be: {  	(erf) = vpow2.f32 v26;
	_ =	sdelay $0x1  }
0x3bf: {  	v53 =	vld [tilespmem:$0x690];
	_ =	sdelay $0x4  }
0x3c0: {  	v26 =	vmul.f32 v53, v6  }
0x3c1: {  	v54 =	vpop (erf)  }
0x3c2: {  	v26 =	vadd.f32 v26, v25;
	v55 =	vpop (erf)  }
0x3c3: {  	v28 =	vadd.f32 $5.000000000e-01, v55  }
0x3c4: {  	v26 =	vmul.f32 $1.442695020e+00, v26  }
0x3c5: {  	(erf) = vrcp.f32 v28  }
0x3c6: {  	(erf) = vpow2.f32 v26;
	_ =	sdelay $0x1  }
0x3c7: {  	v56 =	vld [tilespmem:$0x2A0];
	_ =	sdelay $0x4  }
0x3c8: {  	v26 =	vmul.f32 v56, v6  }
0x3c9: {  	v57 =	vpop (erf)  }
0x3ca: {  	v26 =	vadd.f32 v26, v1;
	v58 =	vpop (erf)  }
0x3cb: {  	v28 =	vadd.f32 $5.000000000e-01, v58  }
0x3cc: {  	v26 =	vmul.f32 $1.442695020e+00, v26  }
0x3cd: {  	(erf) = vrcp.f32 v28  }
0x3ce: {  	(erf) = vpow2.f32 v26;
	_ =	sdelay $0x1  }
0x3cf: {  	v59 =	vld [tilespmem:$0x6A0];
	_ =	sdelay $0x4  }
0x3d0: {  	v26 =	vmul.f32 v59, v6  }
0x3d1: {  	v60 =	vpop (erf)  }
0x3d2: {  	v26 =	vadd.f32 v26, v25;
	v61 =	vpop (erf)  }
0x3d3: {  	v28 =	vadd.f32 $5.000000000e-01, v61  }
0x3d4: {  	v26 =	vmul.f32 $1.442695020e+00, v26  }
0x3d5: {  	(erf) = vrcp.f32 v28  }
0x3d6: {  	(erf) = vpow2.f32 v26;
	_ =	sdelay $0x1  }
0x3d7: {  	v62 =	vld [tilespmem:$0x2B0];
	_ =	sdelay $0x4  }
0x3d8: {  	v26 =	vmul.f32 v62, v6  }
0x3d9: {  	v63 =	vpop (erf)  }
0x3da: {  	v1 =	vadd.f32 v26, v1;
	v36 =	vpop (erf)  }
0x3db: {  	v37 =	vadd.f32 $5.000000000e-01, v36  }
0x3dc: {  	v1 =	vmul.f32 $1.442695020e+00, v1  }
0x3dd: {  	(erf) = vrcp.f32 v37  }
0x3de: {  	(erf) = vpow2.f32 v1;
	_ =	sdelay $0x1  }
0x3df: {  	v38 =	vld [tilespmem:$0x6B0];
	_ =	sdelay $0x4  }
0x3e0: {  	v1 =	vmul.f32 v38, v6  }
0x3e1: {  	v39 =	vpop (erf)  }
0x3e2: {  	v1 =	vadd.f32 v1, v25;
	v40 =	vpop (erf)  }
0x3e3: {  	v41 =	vadd.f32 $5.000000000e-01, v40  }
0x3e4: {  	v1 =	vmul.f32 $1.442695020e+00, v1  }
0x3e5: {  	(erf) = vrcp.f32 v41  }
0x3e6: {  	(erf) = vpow2.f32 v1;
	_ =	sdelay $0x4  }
0x3e7: {  	v28 =	vsub.f32 $1.000000000e+00, v27;
	v26 =	vsub.f32 $1.000000000e+00, v57;
	_ =	sdelay $0x1  }
0x3e8: {  	v42 =	vadd.f32 v26, v28;
	v27 =	vsub.f32 $1.000000000e+00, v63  }
0x3e9: {  	v25 =	vpop (erf)  }
0x3ea: {  	v1 =	vadd.f32 v27, v42;
	v25 =	vsub.f32 $1.000000000e+00, v25;
	v43 =	vpop (erf)  }
0x3eb: {  	v30 =	vadd.f32 $5.000000000e-01, v43  }
0x3ec: {  	v1 =	vadd.f32 v25, v1  }
0x3ed: {  	(erf) = vrcp.f32 v30  }
0x3ee: {  	v44 =	vperm.xlane v1, v5;
	_ =	sdelay $0x1  }
0x3ef: {  	v1 =	vadd.f32 v1, v44;
	_ =	sdelay $0x1  }
0x3f0: {  	v45 =	vperm.xlane v1, v7  }
0x3f1: {  	v32 =	vsub.f32 $1.000000000e+00, v54;
	v30 =	vsub.f32 $1.000000000e+00, v60  }
0x3f2: {  	v1 =	vadd.f32 v1, v45  }
0x3f3: {  	v31 =	vsub.f32 $1.000000000e+00, v39;
	v29 =	vadd.f32 v30, v32  }
0x3f4: {  	v46 =	vpop (erf);
	v34 =	vperm.xlane v1, v3  }
0x3f5: {  	v47 =	vadd.f32 v31, v29;
	v29 =	vsub.f32 $1.000000000e+00, v46  }
0x3f6: {  	v1 =	vadd.f32 v1, v34  }
0x3f7: {  	v33 =	vadd.f32 v29, v47  }
0x3f8: {  	v34 =	vperm.xlane v1, v4  }
0x3f9: {  	v48 =	vld [tilespmem:$0x2C0];
	v35 =	vperm.xlane v33, v5  }
0x3fa: {  	v1 =	vadd.f32 v1, v34  }
0x3fb: {  	v33 =	vadd.f32 v33, v35  }
0x3fc: {  	v1 =	vmul.f32 v1, v0  }
0x3fd: {  	v49 =	vperm.xlane v33, v7  }
0x3fe: {  	v50 =	vmul.f32 v48, v6;
	v1 =	vadd.f32 v1, v2  }
0x3ff: {  	v33 =	vadd.f32 v33, v49  }
0x400: {  	v51 =	vadd.f32 v1, v50  }
0x401: {  	v52 =	vperm.xlane v33, v3  }
0x402: {  	v34 =	vmul.f32 $1.442695020e+00, v51  }
0x403: {  	v33 =	vadd.f32 v33, v52  }
0x404: {  	(erf) = vpow2.f32 v34  }
0x405: {  	v53 =	vperm.xlane v33, v4  }
0x406: {  	v54 =	vld [tilespmem:$0x6C0]  }
0x407: {  	v33 =	vadd.f32 v33, v53;
	_ =	sdelay $0x1  }
0x408: {  	v33 =	vmul.f32 v33, v0;
	_ =	sdelay $0x1  }
0x409: {  	v55 =	vmul.f32 v54, v6;
	v33 =	vadd.f32 v33, v2;
	_ =	sdelay $0x1  }
0x40a: {  	v56 =	vpop (erf);
	v34 =	vadd.f32 v33, v55  }
0x40b: {  	v35 =	vadd.f32 $5.000000000e-01, v56  }
0x40c: {  	v34 =	vmul.f32 $1.442695020e+00, v34  }
0x40d: {  	(erf) = vrcp.f32 v35  }
0x40e: {  	(erf) = vpow2.f32 v34;
	_ =	sdelay $0x1  }
0x40f: {  	v57 =	vld [tilespmem:$0x2D0];
	_ =	sdelay $0x4  }
0x410: {  	v34 =	vmul.f32 v57, v6  }
0x411: {  	v35 =	vpop (erf)  }
0x412: {  	v34 =	vadd.f32 v34, v1;
	v58 =	vpop (erf)  }
0x413: {  	v36 =	vadd.f32 $5.000000000e-01, v58  }
0x414: {  	v34 =	vmul.f32 $1.442695020e+00, v34  }
0x415: {  	(erf) = vrcp.f32 v36  }
0x416: {  	(erf) = vpow2.f32 v34;
	_ =	sdelay $0x1  }
0x417: {  	v59 =	vld [tilespmem:$0x6D0];
	_ =	sdelay $0x4  }
0x418: {  	v34 =	vmul.f32 v59, v6  }
0x419: {  	v60 =	vpop (erf)  }
0x41a: {  	v34 =	vadd.f32 v34, v33;
	v61 =	vpop (erf)  }
0x41b: {  	v36 =	vadd.f32 $5.000000000e-01, v61  }
0x41c: {  	v34 =	vmul.f32 $1.442695020e+00, v34  }
0x41d: {  	(erf) = vrcp.f32 v36  }
0x41e: {  	(erf) = vpow2.f32 v34;
	_ =	sdelay $0x1  }
0x41f: {  	v62 =	vld [tilespmem:$0x2E0];
	_ =	sdelay $0x4  }
0x420: {  	v34 =	vmul.f32 v62, v6  }
0x421: {  	v63 =	vpop (erf)  }
0x422: {  	v34 =	vadd.f32 v34, v1;
	v43 =	vpop (erf)  }
0x423: {  	v36 =	vadd.f32 $5.000000000e-01, v43  }
0x424: {  	v34 =	vmul.f32 $1.442695020e+00, v34  }
0x425: {  	(erf) = vrcp.f32 v36  }
0x426: {  	(erf) = vpow2.f32 v34;
	_ =	sdelay $0x1  }
0x427: {  	v44 =	vld [tilespmem:$0x6E0];
	_ =	sdelay $0x4  }
0x428: {  	v34 =	vmul.f32 v44, v6  }
0x429: {  	v45 =	vpop (erf)  }
0x42a: {  	v34 =	vadd.f32 v34, v33;
	v46 =	vpop (erf)  }
0x42b: {  	v36 =	vadd.f32 $5.000000000e-01, v46  }
0x42c: {  	v34 =	vmul.f32 $1.442695020e+00, v34  }
0x42d: {  	(erf) = vrcp.f32 v36  }
0x42e: {  	(erf) = vpow2.f32 v34;
	_ =	sdelay $0x1  }
0x42f: {  	v47 =	vld [tilespmem:$0x2F0];
	_ =	sdelay $0x4  }
0x430: {  	v34 =	vmul.f32 v47, v6  }
0x431: {  	v48 =	vpop (erf)  }
0x432: {  	v1 =	vadd.f32 v34, v1;
	v49 =	vpop (erf)  }
0x433: {  	v50 =	vadd.f32 $5.000000000e-01, v49  }
0x434: {  	v1 =	vmul.f32 $1.442695020e+00, v1  }
0x435: {  	(erf) = vrcp.f32 v50  }
0x436: {  	(erf) = vpow2.f32 v1;
	_ =	sdelay $0x1  }
0x437: {  	v51 =	vld [tilespmem:$0x6F0];
	_ =	sdelay $0x4  }
0x438: {  	v1 =	vmul.f32 v51, v6  }
0x439: {  	v52 =	vpop (erf)  }
0x43a: {  	v1 =	vadd.f32 v1, v33;
	v53 =	vpop (erf)  }
0x43b: {  	v54 =	vadd.f32 $5.000000000e-01, v53  }
0x43c: {  	v1 =	vmul.f32 $1.442695020e+00, v1  }
0x43d: {  	(erf) = vrcp.f32 v54  }
0x43e: {  	(erf) = vpow2.f32 v1;
	_ =	sdelay $0x4  }
0x43f: {  	v36 =	vsub.f32 $1.000000000e+00, v35;
	v35 =	vsub.f32 $1.000000000e+00, v63;
	_ =	sdelay $0x1  }
0x440: {  	v55 =	vadd.f32 v35, v36;
	v33 =	vsub.f32 $1.000000000e+00, v48  }
0x441: {  	v56 =	vpop (erf)  }
0x442: {  	v1 =	vadd.f32 v33, v55;
	v34 =	vsub.f32 $1.000000000e+00, v56;
	v57 =	vpop (erf)  }
0x443: {  	v38 =	vadd.f32 $5.000000000e-01, v57  }
0x444: {  	v1 =	vadd.f32 v34, v1  }
0x445: {  	(erf) = vrcp.f32 v38  }
0x446: {  	v58 =	vperm.xlane v1, v5;
	_ =	sdelay $0x1  }
0x447: {  	v1 =	vadd.f32 v1, v58;
	_ =	sdelay $0x1  }
0x448: {  	v38 =	vperm.xlane v1, v7  }
0x449: {  	v40 =	vsub.f32 $1.000000000e+00, v60;
	v37 =	vsub.f32 $1.000000000e+00, v45  }
0x44a: {  	v1 =	vadd.f32 v1, v38  }
0x44b: {  	v39 =	vadd.f32 v37, v40;
	v38 =	vsub.f32 $1.000000000e+00, v52  }
0x44c: {  	v59 =	vpop (erf);
	v60 =	vperm.xlane v1, v3  }
0x44d: {  	v61 =	vadd.f32 v38, v39;
	v39 =	vsub.f32 $1.000000000e+00, v59  }
0x44e: {  	v1 =	vadd.f32 v1, v60  }
0x44f: {  	v41 =	vadd.f32 v39, v61  }
0x450: {  	v42 =	vperm.xlane v1, v4  }
0x451: {  	v62 =	vld [tilespmem:$0x300];
	v43 =	vperm.xlane v41, v5  }
0x452: {  	v1 =	vadd.f32 v1, v42  }
0x453: {  	v41 =	vadd.f32 v41, v43  }
0x454: {  	v1 =	vmul.f32 v1, v0  }
0x455: {  	v63 =	vperm.xlane v41, v7  }
0x456: {  	v45 =	vmul.f32 v62, v6;
	v1 =	vadd.f32 v1, v2  }
0x457: {  	v41 =	vadd.f32 v41, v63  }
0x458: {  	v46 =	vadd.f32 v1, v45  }
0x459: {  	v47 =	vperm.xlane v41, v3  }
0x45a: {  	v42 =	vmul.f32 $1.442695020e+00, v46  }
0x45b: {  	v41 =	vadd.f32 v41, v47  }
0x45c: {  	(erf) = vpow2.f32 v42  }
0x45d: {  	v48 =	vperm.xlane v41, v4  }
0x45e: {  	v49 =	vld [tilespmem:$0x700]  }
0x45f: {  	v41 =	vadd.f32 v41, v48;
	_ =	sdelay $0x1  }
0x460: {  	v41 =	vmul.f32 v41, v0;
	_ =	sdelay $0x1  }
0x461: {  	v50 =	vmul.f32 v49, v6;
	v41 =	vadd.f32 v41, v2;
	_ =	sdelay $0x1  }
0x462: {  	v51 =	vpop (erf);
	v42 =	vadd.f32 v41, v50  }
0x463: {  	v43 =	vadd.f32 $5.000000000e-01, v51  }
0x464: {  	v42 =	vmul.f32 $1.442695020e+00, v42  }
0x465: {  	(erf) = vrcp.f32 v43  }
0x466: {  	(erf) = vpow2.f32 v42;
	_ =	sdelay $0x1  }
0x467: {  	v52 =	vld [tilespmem:$0x310];
	_ =	sdelay $0x4  }
0x468: {  	v42 =	vmul.f32 v52, v6  }
0x469: {  	v43 =	vpop (erf)  }
0x46a: {  	v42 =	vadd.f32 v42, v1;
	v53 =	vpop (erf)  }
0x46b: {  	v44 =	vadd.f32 $5.000000000e-01, v53  }
0x46c: {  	v42 =	vmul.f32 $1.442695020e+00, v42  }
0x46d: {  	(erf) = vrcp.f32 v44  }
0x46e: {  	(erf) = vpow2.f32 v42;
	_ =	sdelay $0x1  }
0x46f: {  	v54 =	vld [tilespmem:$0x710];
	_ =	sdelay $0x4  }
0x470: {  	v42 =	vmul.f32 v54, v6  }
0x471: {  	v45 =	vpop (erf)  }
0x472: {  	v42 =	vadd.f32 v42, v41;
	v55 =	vpop (erf)  }
0x473: {  	v44 =	vadd.f32 $5.000000000e-01, v55  }
0x474: {  	v42 =	vmul.f32 $1.442695020e+00, v42  }
0x475: {  	(erf) = vrcp.f32 v44  }
0x476: {  	(erf) = vpow2.f32 v42;
	_ =	sdelay $0x1  }
0x477: {  	v56 =	vld [tilespmem:$0x320];
	_ =	sdelay $0x4  }
0x478: {  	v42 =	vmul.f32 v56, v6  }
0x479: {  	v57 =	vpop (erf)  }
0x47a: {  	v42 =	vadd.f32 v42, v1;
	v58 =	vpop (erf)  }
0x47b: {  	v44 =	vadd.f32 $5.000000000e-01, v58  }
0x47c: {  	v42 =	vmul.f32 $1.442695020e+00, v42  }
0x47d: {  	(erf) = vrcp.f32 v44  }
0x47e: {  	(erf) = vpow2.f32 v42;
	_ =	sdelay $0x1  }
0x47f: {  	v59 =	vld [tilespmem:$0x720];
	_ =	sdelay $0x4  }
0x480: {  	v42 =	vmul.f32 v59, v6  }
0x481: {  	v47 =	vpop (erf)  }
0x482: {  	v42 =	vadd.f32 v42, v41;
	v60 =	vpop (erf)  }
0x483: {  	v44 =	vadd.f32 $5.000000000e-01, v60  }
0x484: {  	v42 =	vmul.f32 $1.442695020e+00, v42  }
0x485: {  	(erf) = vrcp.f32 v44  }
0x486: {  	(erf) = vpow2.f32 v42;
	_ =	sdelay $0x1  }
0x487: {  	v61 =	vld [tilespmem:$0x330];
	_ =	sdelay $0x4  }
0x488: {  	v42 =	vmul.f32 v61, v6  }
0x489: {  	v48 =	vpop (erf)  }
0x48a: {  	v1 =	vadd.f32 v42, v1;
	v62 =	vpop (erf)  }
0x48b: {  	v63 =	vadd.f32 $5.000000000e-01, v62  }
0x48c: {  	v1 =	vmul.f32 $1.442695020e+00, v1  }
0x48d: {  	(erf) = vrcp.f32 v63  }
0x48e: {  	(erf) = vpow2.f32 v1;
	_ =	sdelay $0x1  }
0x48f: {  	v49 =	vld [tilespmem:$0x730];
	_ =	sdelay $0x4  }
0x490: {  	v1 =	vmul.f32 v49, v6  }
0x491: {  	v49 =	vpop (erf)  }
0x492: {  	v1 =	vadd.f32 v1, v41;
	v50 =	vpop (erf)  }
0x493: {  	v51 =	vadd.f32 $5.000000000e-01, v50  }
0x494: {  	v1 =	vmul.f32 $1.442695020e+00, v1  }
0x495: {  	(erf) = vrcp.f32 v51  }
0x496: {  	(erf) = vpow2.f32 v1;
	_ =	sdelay $0x4  }
0x497: {  	v44 =	vsub.f32 $1.000000000e+00, v43;
	v43 =	vsub.f32 $1.000000000e+00, v57;
	_ =	sdelay $0x1  }
0x498: {  	v52 =	vadd.f32 v43, v44;
	v42 =	vsub.f32 $1.000000000e+00, v48  }
0x499: {  	v41 =	vpop (erf)  }
0x49a: {  	v1 =	vadd.f32 v42, v52;
	v41 =	vsub.f32 $1.000000000e+00, v41;
	v53 =	vpop (erf)  }
0x49b: {  	v46 =	vadd.f32 $5.000000000e-01, v53  }
0x49c: {  	v1 =	vadd.f32 v41, v1  }
0x49d: {  	(erf) = vrcp.f32 v46  }
0x49e: {  	v54 =	vperm.xlane v1, v5;
	_ =	sdelay $0x1  }
0x49f: {  	v1 =	vadd.f32 v1, v54;
	_ =	sdelay $0x1  }
0x4a0: {  	v46 =	vperm.xlane v1, v7  }
0x4a1: {  	v47 =	vsub.f32 $1.000000000e+00, v47;
	v48 =	vsub.f32 $1.000000000e+00, v45  }
0x4a2: {  	v1 =	vadd.f32 v1, v46  }
0x4a3: {  	v55 =	vadd.f32 v47, v48;
	v45 =	vsub.f32 $1.000000000e+00, v49  }
0x4a4: {  	v56 =	vpop (erf);
	v50 =	vperm.xlane v1, v3  }
0x4a5: {  	v51 =	vadd.f32 v45, v55;
	v46 =	vsub.f32 $1.000000000e+00, v56  }
0x4a6: {  	v1 =	vadd.f32 v1, v50  }
0x4a7: {  	v49 =	vadd.f32 v46, v51  }
0x4a8: {  	v50 =	vperm.xlane v1, v4  }
0x4a9: {  	v52 =	vld [tilespmem:$0x340];
	v51 =	vperm.xlane v49, v5  }
0x4aa: {  	v1 =	vadd.f32 v1, v50  }
0x4ab: {  	v49 =	vadd.f32 v49, v51  }
0x4ac: {  	v1 =	vmul.f32 v1, v0  }
0x4ad: {  	v57 =	vperm.xlane v49, v7  }
0x4ae: {  	v58 =	vmul.f32 v52, v6;
	v1 =	vadd.f32 v1, v2  }
0x4af: {  	v49 =	vadd.f32 v49, v57  }
0x4b0: {  	v59 =	vadd.f32 v1, v58  }
0x4b1: {  	v60 =	vperm.xlane v49, v3  }
0x4b2: {  	v50 =	vmul.f32 $1.442695020e+00, v59  }
0x4b3: {  	v49 =	vadd.f32 v49, v60  }
0x4b4: {  	(erf) = vpow2.f32 v50  }
0x4b5: {  	v61 =	vperm.xlane v49, v4  }
0x4b6: {  	v62 =	vld [tilespmem:$0x740]  }
0x4b7: {  	v49 =	vadd.f32 v49, v61;
	_ =	sdelay $0x1  }
0x4b8: {  	v49 =	vmul.f32 v49, v0;
	_ =	sdelay $0x1  }
0x4b9: {  	v63 =	vmul.f32 v62, v6;
	v49 =	vadd.f32 v49, v2;
	_ =	sdelay $0x1  }
0x4ba: {  	v54 =	vpop (erf);
	v50 =	vadd.f32 v49, v63  }
0x4bb: {  	v51 =	vadd.f32 $5.000000000e-01, v54  }
0x4bc: {  	v50 =	vmul.f32 $1.442695020e+00, v50  }
0x4bd: {  	(erf) = vrcp.f32 v51  }
0x4be: {  	(erf) = vpow2.f32 v50;
	_ =	sdelay $0x1  }
0x4bf: {  	v55 =	vld [tilespmem:$0x350];
	_ =	sdelay $0x4  }
0x4c0: {  	v50 =	vmul.f32 v55, v6  }
0x4c1: {  	v51 =	vpop (erf)  }
0x4c2: {  	v50 =	vadd.f32 v50, v1;
	v56 =	vpop (erf)  }
0x4c3: {  	v52 =	vadd.f32 $5.000000000e-01, v56  }
0x4c4: {  	v50 =	vmul.f32 $1.442695020e+00, v50  }
0x4c5: {  	(erf) = vrcp.f32 v52  }
0x4c6: {  	(erf) = vpow2.f32 v50;
	_ =	sdelay $0x1  }
0x4c7: {  	v57 =	vld [tilespmem:$0x750];
	_ =	sdelay $0x4  }
0x4c8: {  	v50 =	vmul.f32 v57, v6  }
0x4c9: {  	v53 =	vpop (erf)  }
0x4ca: {  	v50 =	vadd.f32 v50, v49;
	v58 =	vpop (erf)  }
0x4cb: {  	v52 =	vadd.f32 $5.000000000e-01, v58  }
0x4cc: {  	v50 =	vmul.f32 $1.442695020e+00, v50  }
0x4cd: {  	(erf) = vrcp.f32 v52  }
0x4ce: {  	(erf) = vpow2.f32 v50;
	_ =	sdelay $0x1  }
0x4cf: {  	v59 =	vld [tilespmem:$0x360];
	_ =	sdelay $0x4  }
0x4d0: {  	v50 =	vmul.f32 v59, v6  }
0x4d1: {  	v52 =	vpop (erf)  }
0x4d2: {  	v50 =	vadd.f32 v50, v1;
	v54 =	vpop (erf)  }
0x4d3: {  	v54 =	vadd.f32 $5.000000000e-01, v54  }
0x4d4: {  	v50 =	vmul.f32 $1.442695020e+00, v50  }
0x4d5: {  	(erf) = vrcp.f32 v54  }
0x4d6: {  	(erf) = vpow2.f32 v50;
	_ =	sdelay $0x1  }
0x4d7: {  	v60 =	vld [tilespmem:$0x760];
	_ =	sdelay $0x4  }
0x4d8: {  	v50 =	vmul.f32 v60, v6  }
0x4d9: {  	v55 =	vpop (erf)  }
0x4da: {  	v50 =	vadd.f32 v50, v49;
	v61 =	vpop (erf)  }
0x4db: {  	v54 =	vadd.f32 $5.000000000e-01, v61  }
0x4dc: {  	v50 =	vmul.f32 $1.442695020e+00, v50  }
0x4dd: {  	(erf) = vrcp.f32 v54  }
0x4de: {  	(erf) = vpow2.f32 v50;
	_ =	sdelay $0x1  }
0x4df: {  	v62 =	vld [tilespmem:$0x370];
	_ =	sdelay $0x4  }
0x4e0: {  	v50 =	vmul.f32 v62, v6  }
0x4e1: {  	v54 =	vpop (erf)  }
0x4e2: {  	v1 =	vadd.f32 v50, v1;
	v56 =	vpop (erf)  }
0x4e3: {  	v63 =	vadd.f32 $5.000000000e-01, v56  }
0x4e4: {  	v1 =	vmul.f32 $1.442695020e+00, v1  }
0x4e5: {  	(erf) = vrcp.f32 v63  }
0x4e6: {  	(erf) = vpow2.f32 v1;
	_ =	sdelay $0x1  }
0x4e7: {  	v56 =	vld [tilespmem:$0x770];
	_ =	sdelay $0x4  }
0x4e8: {  	v1 =	vmul.f32 v56, v6  }
0x4e9: {  	v56 =	vpop (erf)  }
0x4ea: {  	v1 =	vadd.f32 v1, v49;
	v57 =	vpop (erf)  }
0x4eb: {  	v58 =	vadd.f32 $5.000000000e-01, v57  }
0x4ec: {  	v1 =	vmul.f32 $1.442695020e+00, v1  }
0x4ed: {  	(erf) = vrcp.f32 v58  }
0x4ee: {  	(erf) = vpow2.f32 v1;
	_ =	sdelay $0x4  }
0x4ef: {  	v51 =	vsub.f32 $1.000000000e+00, v51;
	v49 =	vsub.f32 $1.000000000e+00, v52;
	_ =	sdelay $0x1  }
0x4f0: {  	v50 =	vsub.f32 $1.000000000e+00, v54;
	v59 =	vadd.f32 v49, v51  }
0x4f1: {  	v60 =	vpop (erf)  }
0x4f2: {  	v1 =	vadd.f32 v50, v59;
	v52 =	vsub.f32 $1.000000000e+00, v60;
	v61 =	vpop (erf)  }
0x4f3: {  	v54 =	vadd.f32 $5.000000000e-01, v61  }
0x4f4: {  	v1 =	vadd.f32 v52, v1  }
0x4f5: {  	(erf) = vrcp.f32 v54  }
0x4f6: {  	v62 =	vperm.xlane v1, v5;
	_ =	sdelay $0x1  }
0x4f7: {  	v1 =	vadd.f32 v1, v62;
	_ =	sdelay $0x1  }
0x4f8: {  	v57 =	vperm.xlane v1, v7  }
0x4f9: {  	v54 =	vsub.f32 $1.000000000e+00, v53;
	v53 =	vsub.f32 $1.000000000e+00, v55  }
0x4fa: {  	v1 =	vadd.f32 v1, v57  }
0x4fb: {  	v55 =	vsub.f32 $1.000000000e+00, v56;
	v63 =	vadd.f32 v53, v54  }
0x4fc: {  	v60 =	vpop (erf);
	v58 =	vperm.xlane v1, v3  }
0x4fd: {  	v57 =	vadd.f32 v55, v63;
	v56 =	vsub.f32 $1.000000000e+00, v60  }
0x4fe: {  	v1 =	vadd.f32 v1, v58  }
0x4ff: {  	v57 =	vadd.f32 v56, v57  }
0x500: {  	v58 =	vperm.xlane v1, v4  }
0x501: {  	v60 =	vld [tilespmem:$0x380];
	v59 =	vperm.xlane v57, v5  }
0x502: {  	v1 =	vadd.f32 v1, v58  }
0x503: {  	v57 =	vadd.f32 v57, v59  }
0x504: {  	v1 =	vmul.f32 v1, v0  }
0x505: {  	v61 =	vperm.xlane v57, v7  }
0x506: {  	v62 =	vmul.f32 v60, v6;
	v1 =	vadd.f32 v1, v2  }
0x507: {  	v57 =	vadd.f32 v57, v61  }
0x508: {  	v63 =	vadd.f32 v1, v62  }
0x509: {  	v60 =	vperm.xlane v57, v3  }
0x50a: {  	v58 =	vmul.f32 $1.442695020e+00, v63  }
0x50b: {  	v57 =	vadd.f32 v57, v60  }
0x50c: {  	(erf) = vpow2.f32 v58  }
0x50d: {  	v61 =	vperm.xlane v57, v4  }
0x50e: {  	v62 =	vld [tilespmem:$0x780]  }
0x50f: {  	v57 =	vadd.f32 v57, v61;
	_ =	sdelay $0x1  }
0x510: {  	v57 =	vmul.f32 v57, v0;
	_ =	sdelay $0x1  }
0x511: {  	v63 =	vmul.f32 v62, v6;
	v57 =	vadd.f32 v57, v2;
	_ =	sdelay $0x1  }
0x512: {  	v9 =	vmov v0;
	v0 =	vpop (erf);
	v58 =	vadd.f32 v57, v63  }
0x513: {  	v59 =	vadd.f32 $5.000000000e-01, v0  }
0x514: {  	v58 =	vmul.f32 $1.442695020e+00, v58  }
0x515: {  	(erf) = vrcp.f32 v59  }
0x516: {  	(erf) = vpow2.f32 v58;
	_ =	sdelay $0x1  }
0x517: {  	v11 =	vmov v2;
	v2 =	vld [tilespmem:$0x390];
	_ =	sdelay $0x4  }
0x518: {  	v58 =	vmul.f32 v2, v6  }
0x519: {  	v59 =	vpop (erf)  }
0x51a: {  	v10 =	vmov v4;
	v58 =	vadd.f32 v58, v1;
	v4 =	vpop (erf)  }
0x51b: {  	v60 =	vadd.f32 $5.000000000e-01, v4  }
0x51c: {  	v58 =	vmul.f32 $1.442695020e+00, v58  }
0x51d: {  	(erf) = vrcp.f32 v60  }
0x51e: {  	(erf) = vpow2.f32 v58;
	_ =	sdelay $0x1  }
0x51f: {  	v63 =	vld [tilespmem:$0x790];
	_ =	sdelay $0x4  }
0x520: {  	v58 =	vmul.f32 v63, v6  }
0x521: {  	v61 =	vpop (erf)  }
0x522: {  	v58 =	vadd.f32 v58, v57;
	v0 =	vpop (erf)  }
0x523: {  	v60 =	vadd.f32 $5.000000000e-01, v0  }
0x524: {  	v58 =	vmul.f32 $1.442695020e+00, v58  }
0x525: {  	(erf) = vrcp.f32 v60  }
0x526: {  	(erf) = vpow2.f32 v58;
	_ =	sdelay $0x1  }
0x527: {  	v2 =	vld [tilespmem:$0x3A0];
	_ =	sdelay $0x4  }
0x528: {  	v58 =	vmul.f32 v2, v6  }
0x529: {  	v62 =	vpop (erf)  }
0x52a: {  	v58 =	vadd.f32 v58, v1;
	v4 =	vpop (erf)  }
0x52b: {  	v60 =	vadd.f32 $5.000000000e-01, v4  }
0x52c: {  	v58 =	vmul.f32 $1.442695020e+00, v58  }
0x52d: {  	(erf) = vrcp.f32 v60  }
0x52e: {  	(erf) = vpow2.f32 v58;
	_ =	sdelay $0x1  }
0x52f: {  	v63 =	vld [tilespmem:$0x7A0];
	_ =	sdelay $0x4  }
0x530: {  	v58 =	vmul.f32 v63, v6  }
0x531: {  	v63 =	vpop (erf)  }
0x532: {  	v58 =	vadd.f32 v58, v57;
	v0 =	vpop (erf)  }
0x533: {  	v60 =	vadd.f32 $5.000000000e-01, v0  }
0x534: {  	v58 =	vmul.f32 $1.442695020e+00, v58  }
0x535: {  	(erf) = vrcp.f32 v60  }
0x536: {  	(erf) = vpow2.f32 v58;
	_ =	sdelay $0x1  }
0x537: {  	v2 =	vld [tilespmem:$0x3B0];
	_ =	sdelay $0x4  }
0x538: {  	v58 =	vmul.f32 v2, v6  }
0x539: {  	v0 =	vpop (erf)  }
0x53a: {  	v1 =	vadd.f32 v58, v1;
	v4 =	vpop (erf)  }
0x53b: {  	v4 =	vadd.f32 $5.000000000e-01, v4  }
0x53c: {  	v1 =	vmul.f32 $1.442695020e+00, v1  }
0x53d: {  	(erf) = vrcp.f32 v4  }
0x53e: {  	(erf) = vpow2.f32 v1;
	_ =	sdelay $0x1  }
0x53f: {  	v60 =	vld [tilespmem:$0x7B0];
	_ =	sdelay $0x4  }
0x540: {  	v1 =	vmul.f32 v60, v6  }
0x541: {  	v2 =	vpop (erf)  }
0x542: {  	v1 =	vadd.f32 v1, v57;
	v4 =	vpop (erf)  }
0x543: {  	v60 =	vadd.f32 $5.000000000e-01, v4  }
0x544: {  	v1 =	vmul.f32 $1.442695020e+00, v1  }
0x545: {  	(erf) = vrcp.f32 v60  }
0x546: {  	(erf) = vpow2.f32 v1;
	_ =	sdelay $0x2  }
0x547: {  	v58 =	vsub.f32 $1.000000000e+00, v62;
	v60 =	vsub.f32 $1.000000000e+00, v59;
	_ =	sdelay $0x1  }
0x548: {  	v4 =	vadd.f32 v58, v60;
	_ =	sdelay $0x1  }
0x549: {  	v57 =	vsub.f32 $1.000000000e+00, v0  }
0x54a: {  	v62 =	vpop (erf)  }
0x54b: {  	v1 =	vadd.f32 v57, v4;
	v59 =	vsub.f32 $1.000000000e+00, v62;
	v4 =	vpop (erf)  }
0x54c: {  	v0 =	vadd.f32 $5.000000000e-01, v4  }
0x54d: {  	v1 =	vadd.f32 v59, v1  }
0x54e: {  	(erf) = vrcp.f32 v0  }
0x54f: {  	v62 =	vperm.xlane v1, v5;
	_ =	sdelay $0x1  }
0x550: {  	v0 =	vadd.f32 v1, v62;
	_ =	sdelay $0x1  }
0x551: {  	v4 =	vperm.xlane v0, v7  }
0x552: {  	v1 =	vsub.f32 $1.000000000e+00, v61;
	v61 =	vsub.f32 $1.000000000e+00, v63  }
0x553: {  	v0 =	vadd.f32 v0, v4  }
0x554: {  	v62 =	vsub.f32 $1.000000000e+00, v2;
	v63 =	vadd.f32 v61, v1  }
0x555: {  	v8 =	vmov v3;
	v2 =	vpop (erf);
	v3 =	vperm.xlane v0, v3  }
0x556: {  	v4 =	vadd.f32 v62, v63;
	v63 =	vsub.f32 $1.000000000e+00, v2  }
0x557: {  	v0 =	vadd.f32 v0, v3  }
0x558: {  	v2 =	vadd.f32 v63, v4  }
0x559: {  	v3 =	vperm.xlane v0, v10  }
0x55a: {  	v4 =	vperm.xlane v2, v5;
	v5 =	vld [tilespmem:$0x3C0]  }
0x55b: {  	v0 =	vadd.f32 v0, v3  }
0x55c: {  	v2 =	vadd.f32 v2, v4  }
0x55d: {  	v0 =	vmul.f32 v0, v9  }
0x55e: {  	v3 =	vperm.xlane v2, v7  }
0x55f: {  	v0 =	vadd.f32 v0, v11;
	v4 =	vmul.f32 v5, v6  }
0x560: {  	v2 =	vadd.f32 v2, v3  }
0x561: {  	v3 =	vadd.f32 v0, v4  }
0x562: {  	v8 =	vperm.xlane v2, v8  }
0x563: {  	v3 =	vmul.f32 $1.442695020e+00, v3  }
0x564: {  	v2 =	vadd.f32 v2, v8  }
0x565: {  	(erf) = vpow2.f32 v3  }
0x566: {  	v8 =	vperm.xlane v2, v10  }
0x567: {  	v10 =	vld [tilespmem:$0x7C0]  }
0x568: {  	v2 =	vadd.f32 v2, v8;
	_ =	sdelay $0x1  }
0x569: {  	v2 =	vmul.f32 v2, v9;
	_ =	sdelay $0x1  }
0x56a: {  	v8 =	vmul.f32 v10, v6;
	v2 =	vadd.f32 v2, v11;
	_ =	sdelay $0x1  }
0x56b: {  	v9 =	vpop (erf);
	v3 =	vadd.f32 v2, v8  }
0x56c: {  	v4 =	vadd.f32 $5.000000000e-01, v9  }
0x56d: {  	v3 =	vmul.f32 $1.442695020e+00, v3  }
0x56e: {  	(erf) = vrcp.f32 v4  }
0x56f: {  	(erf) = vpow2.f32 v3;
	_ =	sdelay $0x1  }
0x570: {  	v10 =	vld [tilespmem:$0x3D0];
	_ =	sdelay $0x4  }
0x571: {  	v3 =	vmul.f32 v10, v6  }
0x572: {  	v4 =	vpop (erf)  }
0x573: {  	v3 =	vadd.f32 v3, v0;
	v11 =	vpop (erf)  }
0x574: {  	v5 =	vadd.f32 $5.000000000e-01, v11  }
0x575: {  	v3 =	vmul.f32 $1.442695020e+00, v3  }
0x576: {  	(erf) = vrcp.f32 v5  }
0x577: {  	(erf) = vpow2.f32 v3;
	_ =	sdelay $0x1  }
0x578: {  	v8 =	vld [tilespmem:$0x7D0];
	_ =	sdelay $0x4  }
0x579: {  	v3 =	vmul.f32 v8, v6  }
0x57a: {  	v5 =	vpop (erf)  }
0x57b: {  	v3 =	vadd.f32 v3, v2;
	v9 =	vpop (erf)  }
0x57c: {  	v7 =	vadd.f32 $5.000000000e-01, v9  }
0x57d: {  	v3 =	vmul.f32 $1.442695020e+00, v3  }
0x57e: {  	(erf) = vrcp.f32 v7  }
0x57f: {  	(erf) = vpow2.f32 v3;
	_ =	sdelay $0x1  }
0x580: {  	v10 =	vld [tilespmem:$0x3E0];
	_ =	sdelay $0x4  }
0x581: {  	v3 =	vmul.f32 v10, v6  }
0x582: {  	v7 =	vpop (erf)  }
0x583: {  	v3 =	vadd.f32 v3, v0;
	v8 =	vpop (erf)  }
0x584: {  	v8 =	vadd.f32 $5.000000000e-01, v8  }
0x585: {  	[tilespmem:$0xE10] =	vst v13;
	v13 =	vld [tilespmem:$0x1FFA0];
	v3 =	vmul.f32 $1.442695020e+00, v3  }
0x586: {  	[tilespmem:$0xE00] =	vst v15;
	v15 =	vld [tilespmem:$0x1FFB0];
	(erf) = vrcp.f32 v8  }
0x587: {  	(erf) = vpow2.f32 v3;
	_ =	sdelay $0x1  }
0x588: {  	[tilespmem:$0xA00] =	vst v12;
	v12 =	vld [tilespmem:$0x7E0]  }
0x589: {  	[tilespmem:$0xA20] =	vst v13  }
0x58a: {  	[tilespmem:$0xA30] =	vst v15  }
0x58b: {  	[tilespmem:$0xE20] =	vst v14  }
0x58c: {  	[tilespmem:$0xE30] =	vst v16  }
0x58d: {  	[tilespmem:$0xE40] =	vst v24;
	v3 =	vmul.f32 v12, v6  }
0x58e: {  	[tilespmem:$0xA40] =	vst v20;
	v16 =	vpop (erf)  }
0x58f: {  	[tilespmem:$0xA50] =	vst v19;
	v3 =	vadd.f32 v3, v2;
	v20 =	vpop (erf)  }
0x590: {  	[tilespmem:$0xA60] =	vst v18;
	v9 =	vadd.f32 $5.000000000e-01, v20  }
0x591: {  	[tilespmem:$0xE60] =	vst v21;
	v3 =	vmul.f32 $1.442695020e+00, v3  }
0x592: {  	[tilespmem:$0xA70] =	vst v17;
	(erf) = vrcp.f32 v9  }
0x593: {  	[tilespmem:$0xE50] =	vst v22;
	(erf) = vpow2.f32 v3  }
0x594: {  	[tilespmem:$0xE70] =	vst v23  }
0x595: {  	v24 =	vld [tilespmem:$0x3F0];
	[tilespmem:$0xE80] =	vst v32  }
0x596: {  	[tilespmem:$0xA80] =	vst v28  }
0x597: {  	[tilespmem:$0xA90] =	vst v26  }
0x598: {  	[tilespmem:$0xAA0] =	vst v27  }
0x599: {  	[tilespmem:$0xEA0] =	vst v31  }
0x59a: {  	[tilespmem:$0xAB0] =	vst v25;
	v3 =	vmul.f32 v24, v6  }
0x59b: {  	[tilespmem:$0xE90] =	vst v30;
	v9 =	vpop (erf)  }
0x59c: {  	[tilespmem:$0xEB0] =	vst v29;
	v0 =	vadd.f32 v3, v0;
	v32 =	vpop (erf)  }
0x59d: {  	[tilespmem:$0xEC0] =	vst v40;
	v3 =	vadd.f32 $5.000000000e-01, v32  }
0x59e: {  	[tilespmem:$0xED0] =	vst v37;
	v0 =	vmul.f32 $1.442695020e+00, v0  }
0x59f: {  	[tilespmem:$0xAC0] =	vst v36;
	(erf) = vrcp.f32 v3  }
0x5a0: {  	[tilespmem:$0xAD0] =	vst v35;
	(erf) = vpow2.f32 v0  }
0x5a1: {  	[tilespmem:$0xAE0] =	vst v33  }
0x5a2: {  	v40 =	vld [tilespmem:$0x7F0];
	[tilespmem:$0xAF0] =	vst v34  }
0x5a3: {  	[tilespmem:$0xEE0] =	vst v38  }
0x5a4: {  	[tilespmem:$0xEF0] =	vst v39  }
0x5a5: {  	[tilespmem:$0xF10] =	vst v47  }
0x5a6: {  	[tilespmem:$0xB00] =	vst v44  }
0x5a7: {  	[tilespmem:$0xB10] =	vst v43;
	v0 =	vmul.f32 v40, v6  }
0x5a8: {  	[tilespmem:$0xF00] =	vst v48;
	v3 =	vpop (erf)  }
0x5a9: {  	[tilespmem:$0xB20] =	vst v42;
	v0 =	vadd.f32 v0, v2;
	v48 =	vpop (erf)  }
0x5aa: {  	[tilespmem:$0xF20] =	vst v45;
	v2 =	vadd.f32 $5.000000000e-01, v48  }
0x5ab: {  	[tilespmem:$0xB30] =	vst v41;
	v0 =	vmul.f32 $1.442695020e+00, v0  }
0x5ac: {  	[tilespmem:$0xF30] =	vst v46;
	(erf) = vrcp.f32 v2  }
0x5ad: {  	[tilespmem:$0xB40] =	vst v51;
	(erf) = vpow2.f32 v0  }
0x5ae: {  	[tilespmem:$0xB60] =	vst v50  }
0x5af: {  	[tilespmem:$0xB50] =	vst v49  }
0x5b0: {  	[tilespmem:$0xB70] =	vst v52  }
0x5b1: {  	[tilespmem:$0xF40] =	vst v54  }
0x5b2: {  	[tilespmem:$0xF50] =	vst v53  }
0x5b3: {  	[tilespmem:$0xF60] =	vst v55  }
0x5b4: {  	[tilespmem:$0xF70] =	vst v56  }
0x5b5: {  	[tilespmem:$0xB90] =	vst v58;
	v54 =	vpop (erf)  }
0x5b6: {  	[tilespmem:$0xBA0] =	vst v57;
	v55 =	vpop (erf)  }
0x5b7: {  	[tilespmem:$0xB80] =	vst v60;
	v56 =	vadd.f32 $5.000000000e-01, v55  }
0x5b8: {  	[tilespmem:$0xBB0] =	vst v59  }
0x5b9: {  	[tilespmem:$0xF80] =	vst v1;
	v11 =	vld [tilespmem:$0x1FF90];
	(erf) = vrcp.f32 v56  }
0x5ba: {  	[tilespmem:$0xF90] =	vst v61  }
0x5bb: {  	[tilespmem:$0xFA0] =	vst v62;
	v57 =	vsub.f32 $1.000000000e+00, v4  }
0x5bc: {  	[tilespmem:$0xFB0] =	vst v63  }
0x5bd: {  	[tilespmem:$0xBC0] =	vst v57;
	v58 =	vsub.f32 $1.000000000e+00, v5  }
0x5be: {  	[tilespmem:$0xA10] =	vst v11;
	v59 =	vsub.f32 $1.000000000e+00, v7  }
0x5bf: {  	[tilespmem:$0xFC0] =	vst v58;
	v60 =	vsub.f32 $1.000000000e+00, v16  }
0x5c0: {  	[tilespmem:$0xBD0] =	vst v59;
	v61 =	vsub.f32 $1.000000000e+00, v9  }
0x5c1: {  	[tilespmem:$0xFD0] =	vst v60;
	v62 =	vsub.f32 $1.000000000e+00, v3  }
0x5c2: {  	[tilespmem:$0xBE0] =	vst v61;
	v0 =	vsub.f32 $1.000000000e+00, v54;
	v63 =	vpop (erf)  }
0x5c3: {  	[tilespmem:$0xFE0] =	vst v62;
	v1 =	vsub.f32 $1.000000000e+00, v63  }
0x5c4: {  	[tilespmem:$0xBF0] =	vst v0  }
0x5c5: {  	[tilespmem:$0xFF0] =	vst v1  }
0x5c6: {  	[hbm4b:s9+s5] =	stream.linear.scatter [tilespmem:s19], [sflag:$0x3], $0x200, $0x38;
	[tilespmem:$0x1080] =	vst v63  }
0x5c7: {  	_ = 	snop  }
0x5c8: {  	[hbm4b:s10+s5] =	stream.linear.scatter [tilespmem:s20], [sflag:$0x3], $0x200, $0x38;
	[tilespmem:$0x1080] =	vst v63  }
0x5c9: {  	_ =	swait.ge [sflag:s21], $0x200  }
0x5ca: {  	[sflag:s21] =	ssyncset.done $0x0  }
0x5cb: {  	[sflag:s21] =	ssyncadd.s32 $0xFFFFFE00  }
0x5cc: {  	_ =	swait.ge [sflag:s21], $0x200  }
0x5cd: {  	[sflag:s21] =	ssyncset.done $0x0  }
0x5ce: {  	[sflag:s21] =	ssyncadd.s32 $0xFFFFFE00  }
0x5cf: {  	p0 =	sne.s32 s11, $0x1;
	_ =	swait.ge [sflag:s21], $0x200  }
.Ltmp0:
0x5d0: {  	[sflag:s21] =	ssyncset.done $0x0;
	(pc) =	sbr.rel @p0 .LBB2_1-.Ltmp0, $4  }
0x5d1: {  	[sflag:s21] =	ssyncadd.s32 $0xFFFFFE00  }
0x5d2: {  	_ =	swait.ge [sflag:s21], $0x200  }
0x5d3: {  	[sflag:s21] =	ssyncset.done $0x0  }
0x5d4: {  	s11 =	sadd.s32 $0xFFFFFFFF, s11;
	[sflag:s21] =	ssyncadd.s32 $0xFFFFFE00  }
0x5d5: {  	_ =	sfence.sel $0x180000  }
0x5d6: {  	[bflag:$0x0] =	sbarrier.arrive $0xFFFF  }
0x5d7: {  	p0 =	sne.s32 s3, $0x0;
	_ =	strace $0x90000047  }
0x5d8: {  	s0 =	sadd.s32 @!p0 $0x100000, s4;
	[bflag:$0x2] =	sbarrier.arrive $0xFFFF  }
0x5d9: {  	[sflag:s0] =	ssyncadd.tile.s32 @!p0 $0x1;
	_ =	shalt  }
.Lfunc_end2:
_tile_overlayer_lowered:
.L_overlay_start_2:
0x5da: {  	(tag) =	ssettag $0x2  }
0x5db: {  	s0 =	rddreg [dreg:$0x0];
	s2 =	stileid.u32  }
0x5dc: {  	s1 =	rddreg [dreg:$0x1];
	p0 =	sne.s32 s2, $0x0  }
0x5dd: {  	s3 =	rddreg [dreg:$0x2];
	[bflag:$0x3] =	sbarrier.arrive $0xFFFF;
	s2 =	simm.s32 @!p0 $0x1C04  }
0x5de: {  	[timem:s3], [sflag:s2] =	dma.local @!p0 [hbm:s0], s1  }
0x5df: {  	s0 =	simm.s32 @!p0 $0x4  }
0x5e0: {  	_ =	swait.ge @!p0 [sflag:s0], s1  }
0x5e1: {  	s1 =	ssub.s32 @!p0 $0x0, s1;
	[sflag:s0] =	ssyncset.done @!p0 $0x0  }
0x5e2: {  	[sflag:s0] =	ssyncadd.s32 @!p0 s1  }
0x5e3: {  	[bflag:$0x3] =	sbarrier.arrive $0xFFFF  }
0x5e4: {  	_ =	shalt  }

</sc_bundles>
